<compile_context>
chip_gen: v7x
topology: tpu7x:2x2x1
jax: 0.10.2.dev20260603
libtpu: 0.0.44.dev20260713+nightly
codegen_flags: <defaults>
</compile_context>

<pallas_src>
import functools

import jax
import jax.numpy as jnp
from jax import lax
from jax.experimental import pallas as pl
from jax.experimental.pallas import tpu as pltpu
from jax.experimental.pallas import tpu_sc as plsc

_N, _E, _D, _DE = 10000, 320000, 128, 16
_LAYERS, _DELTA, _HID = 4, 2.0, 512
_F32 = jnp.float32

_NC, _NS = 2, 16
_NW = _NC * _NS
_EPW = _E // _NS
_CH = 80
_NCHUNK = _EPW // _CH
_EP = 321536
_EPS = _EP // _NS
_CHS = 64
_NCHS = _EPS // _CHS
_HER = _EP * _DE // 128
_HRPC = _CHS * _DE // 128
_HEPT = _EPS * _DE // 128
_NP = 10112
_HALF = _NP // 2
_ACC = 5120
_ART = _ACC // _NS
_ZR = 80
_NBUF = 2
_ORT = 320
_OLAST = _HALF - (_NS - 1) * _ORT


def _mesh():
    return plsc.VectorSubcoreMesh(core_axis_name="c", subcore_axis_name="s",
                                  num_cores=_NC, num_subcores=_NS)


def _fill(buf, value):
    rows, cols = buf.shape

    @pl.loop(0, rows)
    def _(i):
        @pl.loop(0, cols // 16)
        def _(j):
            buf[i, pl.ds(j * 16, 16)] = jnp.full((16,), value, _F32)


def _remap_dst(dst_seg, sidx_v, t, lo, ch):

    @pl.loop(0, ch // 16)
    def _(j):
        v = dst_seg[pl.ds(t * ch + j * 16, 16)] - lo
        ok = (v >= 0) & (v < _HALF)
        sidx_v[pl.ds(j * 16, 16)] = jnp.where(ok, v, _HALF)


def _zero_acc(acc, zer_v, s):
    _fill(zer_v, 0.0)

    @pl.loop(0, _ART // _ZR)
    def _(t):
        pltpu.sync_copy(zer_v, acc.at[pl.ds(s * _ART + t * _ZR, _ZR)])


def _copy_out(acc, out_hbm, s, lo):
    @pl.when(s < _NS - 1)
    def _():
        pltpu.sync_copy(acc.at[pl.ds(s * _ORT, _ORT)],
                        out_hbm.at[pl.ds(lo + s * _ORT, _ORT)])

    @pl.when(s == _NS - 1)
    def _():
        base = (_NS - 1) * _ORT
        pltpu.sync_copy(acc.at[pl.ds(base, _OLAST)],
                        out_hbm.at[pl.ds(lo + base, _OLAST)])




def _sc_edge_stats(he128, dst1):

    @functools.partial(
        pl.kernel,
        mesh=_mesh(),
        out_type=jax.ShapeDtypeStruct((_NP, _D), _F32),
        scratch_types=[
            pltpu.VMEM((_EPS,), jnp.int32),
            [pltpu.VMEM((_CHS,), jnp.int32) for _ in range(2)],
            [pltpu.VMEM((_HRPC, _D), _F32) for _ in range(2)],
            [pltpu.VMEM((_CHS, _D), _F32) for _ in range(2)],
            pltpu.VMEM((_ZR, _D), _F32),
            pltpu.VMEM_SHARED((_ACC, _D), _F32),
            pltpu.SemaphoreType.DMA,
            pltpu.SemaphoreType.DMA,
        ],
    )
    def k(he_hbm, dst_hbm, out_hbm, dst_seg, sidxs, he_bufs, row_bufs,
          zer_v, acc, hsem, ssem):
        c = lax.axis_index("c")
        s = lax.axis_index("s")
        lo = c * _HALF
        _zero_acc(acc, zer_v, s)
        one0 = jnp.where(lax.iota(jnp.int32, 16) == 0, 1.0, 0.0)
        for b in range(2):
            _fill(row_bufs[b], 0.0)

            @pl.loop(0, _CHS)
            def _(e):
                row_bufs[b][e, pl.ds(_DE, 16)] = one0

        pltpu.sync_copy(dst_hbm.at[pl.ds(s * _EPS, _EPS)], dst_seg)
        plsc.subcore_barrier()

        @pl.loop(0, _NCHS, step=2)
        def _(t0):
            lds = []
            for b in range(2):
                base = s * _HEPT + (t0 + b) * _HRPC
                lds.append(pltpu.async_copy(
                    he_hbm.at[pl.ds(base, _HRPC)], he_bufs[b], hsem))
            scat = []
            for b in range(2):
                lds[b].wait()
                for e in range(_CHS):
                    row_bufs[b][e, pl.ds(0, _DE)] = \
                        he_bufs[b][e // 8, pl.ds((e % 8) * _DE, _DE)]
                _remap_dst(dst_seg, sidxs[b], t0 + b, lo, _CHS)
                scat.append(pltpu.async_copy(
                    row_bufs[b], acc.at[sidxs[b]], ssem, add=True))
            for b in range(2):
                scat[b].wait()

        plsc.subcore_barrier()
        _copy_out(acc, out_hbm, s, lo)

    return k(he128, dst1)


def _sc_segsum(h, src1, dst1):

    @functools.partial(
        pl.kernel,
        mesh=_mesh(),
        out_type=jax.ShapeDtypeStruct((_NP, _D), _F32),
        scratch_types=[
            pltpu.VMEM((_EPW,), jnp.int32),
            pltpu.VMEM((_EPW,), jnp.int32),
            [pltpu.VMEM((_CH,), jnp.int32) for _ in range(_NBUF)],
            [pltpu.VMEM((_CH, _D), _F32) for _ in range(_NBUF)],
            pltpu.VMEM((_ZR, _D), _F32),
            pltpu.VMEM_SHARED((_ACC, _D), _F32),
            pltpu.SemaphoreType.DMA,
            pltpu.SemaphoreType.DMA,
        ],
    )
    def k(h_hbm, src_hbm, dst_hbm, out_hbm, src_seg, dst_seg, sidxs,
          bufs, zer_v, acc, gsem, ssem):
        c = lax.axis_index("c")
        s = lax.axis_index("s")
        lo = c * _HALF
        _zero_acc(acc, zer_v, s)
        pltpu.sync_copy(src_hbm.at[pl.ds(s * _EPW, _EPW)], src_seg)
        pltpu.sync_copy(dst_hbm.at[pl.ds(s * _EPW, _EPW)], dst_seg)
        plsc.subcore_barrier()

        @pl.loop(0, _NCHUNK, step=_NBUF)
        def _(t0):
            gath = []
            for b in range(_NBUF):
                gath.append(pltpu.async_copy(
                    h_hbm.at[src_seg.at[pl.ds((t0 + b) * _CH, _CH)]],
                    bufs[b], gsem))
            scat = []
            for b in range(_NBUF):
                _remap_dst(dst_seg, sidxs[b], t0 + b, lo, _CH)
                gath[b].wait()
                scat.append(pltpu.async_copy(bufs[b], acc.at[sidxs[b]],
                                             ssem, add=True))
            for b in range(_NBUF):
                scat[b].wait()

        plsc.subcore_barrier()
        _copy_out(acc, out_hbm, s, lo)

    return k(h, src1, dst1)



_BN = 1000
_NB = _N // _BN


def _ln(x, g, b):
    m = jnp.mean(x, axis=-1, keepdims=True)
    v = jnp.mean((x - m) * (x - m), axis=-1, keepdims=True)
    return (x - m) / jnp.sqrt(v + 1e-5) * g + b


def _layer_body(h_r, sp_r, st_r, ws_r, we_r, bm_r, g1_r, b1_r,
                g2_r, b2_r, w1_r, c1_r, w2_r, c2_r, out_r):
    seg = sp_r[...]
    hes = st_r[:, 0:_DE]
    deg = st_r[:, _DE:_DE + 1]
    extra = jnp.dot(hes, we_r[...], preferred_element_type=_F32)
    extra = extra + deg * bm_r[...]
    agg = jnp.dot(seg, ws_r[...], preferred_element_type=_F32) + extra
    agg = agg / jnp.maximum(deg, _DELTA)
    h1 = h_r[...] + _ln(agg, g1_r[...], b1_r[...])
    y = _ln(h1, g2_r[...], b2_r[...])
    z = jax.nn.gelu(jnp.dot(y, w1_r[...], preferred_element_type=_F32)
                    + c1_r[...])
    out_r[...] = h1 + jnp.dot(z, w2_r[...], preferred_element_type=_F32) \
        + c2_r[...]


def _tc_layer(h, sp, stats, p):
    full = lambda shape: pl.BlockSpec(shape, lambda i: tuple(0 for _ in shape))
    call = pl.pallas_call(
        _layer_body,
        grid=(_NB,),
        in_specs=[
            pl.BlockSpec((_BN, _D), lambda i: (i, 0)),
            pl.BlockSpec((_BN, _D), lambda i: (i, 0)),
            pl.BlockSpec((_BN, _D), lambda i: (i, 0)),
            full((_D, _D)),
            full((_DE, _D)),
            full((1, _D)),
            full((1, _D)),
            full((1, _D)),
            full((1, _D)),
            full((1, _D)),
            full((_D, _HID)),
            full((1, _HID)),
            full((_HID, _D)),
            full((1, _D)),
        ],
        out_specs=pl.BlockSpec((_BN, _D), lambda i: (i, 0)),
        out_shape=jax.ShapeDtypeStruct((_N, _D), _F32),
    )
    row = lambda v: v.reshape(1, -1)
    return call(h, sp, stats, p["Ws"], p["We"], row(p["bm"]),
                row(p["ln1_g"]), row(p["ln1_b"]), row(p["ln2_g"]),
                row(p["ln2_b"]), p["W1"], row(p["b1"]), p["W2"],
                row(p["b2"]))


def _head_body(h_r, png_r, pnb_r, lw_r, lb_r, lng_r, lnb_r, local_r, g_r,
               acc_r):
    i = pl.program_id(0)
    local = _ln(h_r[...], png_r[...], pnb_r[...])
    local_r[...] = local

    @pl.when(i == 0)
    def _():
        acc_r[...] = jnp.zeros_like(acc_r)

    acc_r[...] += jnp.sum(local, axis=0, keepdims=True)

    @pl.when(i == _NB - 1)
    def _():
        pooled = acc_r[...] * (1.0 / _N)
        gg = jnp.dot(pooled, lw_r[...], preferred_element_type=_F32) \
            + lb_r[...]
        g_r[...] = _ln(gg, lng_r[...], lnb_r[...])


def _tc_head(h, params):
    full = lambda shape: pl.BlockSpec(shape, lambda i: tuple(0 for _ in shape))
    call = pl.pallas_call(
        _head_body,
        grid=(_NB,),
        in_specs=[
            pl.BlockSpec((_BN, _D), lambda i: (i, 0)),
            full((1, _D)),
            full((1, _D)),
            full((_D, _D)),
            full((1, _D)),
            full((1, _D)),
            full((1, _D)),
        ],
        out_specs=[
            pl.BlockSpec((_BN, _D), lambda i: (i, 0)),
            pl.BlockSpec((1, _D), lambda i: (0, 0)),
        ],
        out_shape=[
            jax.ShapeDtypeStruct((_N, _D), _F32),
            jax.ShapeDtypeStruct((1, _D), _F32),
        ],
        scratch_shapes=[pltpu.VMEM((1, _D), _F32)],
    )
    row = lambda v: v.reshape(1, -1)
    return call(h, row(params["pn_g"]), row(params["pn_b"]),
                params["lin_W"], row(params["lin_b"]),
                row(params["lin_ln_g"]), row(params["lin_ln_b"]))




def kernel(h, edge_index, he, params):
    src1 = edge_index[0]
    dst1 = edge_index[1]
    pad = _EP - _E
    he128 = jnp.pad(he, ((0, pad), (0, 0))).reshape(_HER, 128)
    dst_p = jnp.pad(dst1, (0, pad), constant_values=_N)
    stats = _sc_edge_stats(he128, dst_p)
    for i in range(_LAYERS):
        p = params["layer0"] if i == 0 else params["layer1"]
        sp = _sc_segsum(h, src1, dst1)
        h = _tc_layer(h, sp, stats, p)
    return _tc_head(h, params)

# --- scband reference (transcript-rebuilt; emitter-appended) ---
"""Pipeline reference for scband-aagnet-graph-encoder-v2-3040836846103 (READ-ONLY COPY).

The authoritative reference and input builder live on the scoring server;
editing this copy changes nothing except your own understanding.
"""

import jax, jax.numpy as jnp
import numpy as np

N = 10000
E = 320000
D = 128
DE = 16
NUM_LAYERS = 4
DELTA = 2.0
HID = D * 4


def _ln(x, g, b):
    m = jnp.mean(x, axis=-1, keepdims=True)
    v = jnp.var(x, axis=-1, keepdims=True)
    return (x - m) / jnp.sqrt(v + 1e-5) * g + b


def _layer_params(key):
    ks = jax.random.split(key, 4)
    return {
        "Ws": jax.random.normal(ks[0], (D, D), jnp.float32) * 0.02,
        "We": jax.random.normal(ks[1], (DE, D), jnp.float32) * 0.02,
        "bm": jnp.zeros((D,), jnp.float32),
        "ln1_g": jnp.ones((D,), jnp.float32),
        "ln1_b": jnp.zeros((D,), jnp.float32),
        "ln2_g": jnp.ones((D,), jnp.float32),
        "ln2_b": jnp.zeros((D,), jnp.float32),
        "W1": jax.random.normal(ks[2], (D, HID), jnp.float32) * 0.02,
        "b1": jnp.zeros((HID,), jnp.float32),
        "W2": jax.random.normal(ks[3], (HID, D), jnp.float32) * 0.02,
        "b2": jnp.zeros((D,), jnp.float32),
    }


def setup_inputs(seed: int = 0):
    key = jax.random.key(seed)
    k = jax.random.split(key, 8)
    h = jax.random.normal(k[0], (N, D), jnp.float32)
    edge_index = jax.random.randint(k[1], (2, E), 0, N, jnp.int32)
    he = jax.random.normal(k[2], (E, DE), jnp.float32)
    params = {
        "layer0": _layer_params(k[3]),
        "layer1": _layer_params(k[4]),
        "pn_g": jnp.ones((D,), jnp.float32),
        "pn_b": jnp.zeros((D,), jnp.float32),
        "lin_W": jax.random.normal(k[5], (D, D), jnp.float32) * 0.02,
        "lin_b": jnp.zeros((D,), jnp.float32),
        "lin_ln_g": jnp.ones((D,), jnp.float32),
        "lin_ln_b": jnp.zeros((D,), jnp.float32),
    }
    return {"h": h, "edge_index": edge_index, "he": he, "params": params}


def _mpnn(h, he, src, dst, p):
    # edge-conditioned message: linear(h_src) + linear(edge_feat)
    msg = h[src] @ p["Ws"] + he @ p["We"] + p["bm"]
    agg = jax.ops.segment_sum(msg, dst, num_segments=N)
    deg = jax.ops.segment_sum(jnp.ones((dst.shape[0], 1), h.dtype), dst, num_segments=N)
    agg = agg / jnp.maximum(deg, DELTA)
    h = h + _ln(agg, p["ln1_g"], p["ln1_b"])
    y = _ln(h, p["ln2_g"], p["ln2_b"])
    y = jax.nn.gelu(y @ p["W1"] + p["b1"]) @ p["W2"] + p["b2"]
    return h + y


def reference(h, edge_index, he, params):
    src = edge_index[0]
    dst = edge_index[1]
    h = _mpnn(h, he, src, dst, params["layer0"])
    for _ in range(NUM_LAYERS - 1):
        h = _mpnn(h, he, src, dst, params["layer1"])
    local = _ln(h, params["pn_g"], params["pn_b"])
    pooled = jnp.mean(local, axis=0, keepdims=True)
    g = pooled @ params["lin_W"] + params["lin_b"]
    g = _ln(g, params["lin_ln_g"], params["lin_ln_b"])
    return (local, g)

if __name__ == "__main__":
    import jax
    _d = setup_inputs()
    print(jax.jit(kernel)(*tuple(_d.values())))

</pallas_src>

<mosaic_0001>
#map = affine_map<(d0, d1) -> (0, 0)>
#map1 = affine_map<(d0, d1) -> (0)>
module attributes {stable_mosaic.version = 14 : i64} {
  func.func @k(%arg0: i32, %arg1: i32, %arg2: memref<10000x128xf32, #tpu.memory_space<hbm>>, %arg3: memref<320000xi32, #tpu.memory_space<hbm>>, %arg4: memref<320000xi32, #tpu.memory_space<hbm>>, %arg5: memref<10112x128xf32, #tpu.memory_space<hbm>>, %arg6: memref<20000xi32, #tpu.memory_space<vmem>>, %arg7: memref<20000xi32, #tpu.memory_space<vmem>>, %arg8: memref<80xi32, #tpu.memory_space<vmem>>, %arg9: memref<80xi32, #tpu.memory_space<vmem>>, %arg10: memref<80x128xf32, #tpu.memory_space<vmem>>, %arg11: memref<80x128xf32, #tpu.memory_space<vmem>>, %arg12: memref<80x128xf32, #tpu.memory_space<vmem>>, %arg13: memref<5120x128xf32, #tpu.memory_space<vmem_shared>>, %arg14: memref<!tpu.dma_semaphore, #tpu.memory_space<semaphore_mem>>, %arg15: memref<!tpu.dma_semaphore, #tpu.memory_space<semaphore_mem>>) attributes {dimension_semantics = [#tpu.dimension_semantics<core_parallel>, #tpu.dimension_semantics<subcore_parallel>], iteration_bounds = array<i64: 2, 16>, scalar_prefetch = 0 : i64, scratch_operands = 10 : i64, tpu.core_type = #tpu.core_type<sc_vector_subcore>, window_params = [{transform_indices = #map}, {transform_indices = #map1}, {transform_indices = #map1}, {transform_indices = #map}]} {
    %mul3A = arith.constant 5056 : i32
    %mul3A_0 = arith.muli %arg0, %mul3A : i32
    %scan3A = arith.constant 0 : i32
    %scan3A_1 = arith.constant 80 : i32
    %scan3A_2 = arith.addi %scan3A, %scan3A_1 : i32
    %scan3A_3 = arith.constant 1 : i32
    scf.for %scan3A_26 = %scan3A to %scan3A_2 step %scan3A_3  : i32 {
      %mul3A_27 = arith.constant 1 : i32
      %mul3A_28 = arith.muli %scan3A_26, %mul3A_27 : i32
      %add3A = arith.constant 0 : i32
      %add3A_29 = arith.addi %add3A, %mul3A_28 : i32
      %scan3A_30 = arith.constant 0 : i32
      %scan3A_31 = arith.constant 8 : i32
      %scan3A_32 = arith.addi %scan3A_30, %scan3A_31 : i32
      %scan3A_33 = arith.constant 1 : i32
      scf.for %scan3A_35 = %scan3A_30 to %scan3A_32 step %scan3A_33  : i32 {
        %mul3A_36 = arith.constant 1 : i32
        %mul3A_37 = arith.muli %scan3A_35, %mul3A_36 : i32
        %add3A_38 = arith.constant 0 : i32
        %add3A_39 = arith.addi %add3A_38, %mul3A_37 : i32
        %broadcast_in_dim3A = arith.constant 0.000000e+00 : f32
        %broadcast_in_dim3A_40 = vector.broadcast %broadcast_in_dim3A : f32 to vector<16xf32>
        %mul3A_41 = arith.constant 16 : i32
        %mul3A_42 = arith.muli %add3A_39, %mul3A_41 : i32
        %swap3A = arith.index_cast %add3A_29 : i32 to index
        %swap3A_43 = arith.index_cast %mul3A_42 : i32 to index
        %swap3A_44 = tpu.vector_load %arg12[%swap3A, %swap3A_43] {strides = array<i32>} : memref<80x128xf32, #tpu.memory_space<vmem>>, vector<1x16xf32>,
        %swap3A_45 = vector.shape_cast %swap3A_44 : vector<1x16xf32> to vector<16xf32>
        %swap3A_46 = vector.shape_cast %broadcast_in_dim3A_40 : vector<16xf32> to vector<1x16xf32>
        tpu.vector_store %arg12[%swap3A, %swap3A_43], %swap3A_46 {strides = array<i32>} : memref<80x128xf32, #tpu.memory_space<vmem>>, vector<1x16xf32>,
      }
      %scan3A_34 = arith.constant 8 : i32
    }
    %scan3A_4 = arith.constant 80 : i32
    %scan3A_5 = arith.constant 0 : i32
    %scan3A_6 = arith.constant 4 : i32
    %scan3A_7 = arith.addi %scan3A_5, %scan3A_6 : i32
    %scan3A_8 = arith.constant 1 : i32
    scf.for %scan3A_26 = %scan3A_5 to %scan3A_7 step %scan3A_8  : i32 {
      %mul3A_27 = arith.constant 1 : i32
      %mul3A_28 = arith.muli %scan3A_26, %mul3A_27 : i32
      %add3A = arith.constant 0 : i32
      %add3A_29 = arith.addi %add3A, %mul3A_28 : i32
      %mul3A_30 = arith.constant 320 : i32
      %mul3A_31 = arith.muli %arg1, %mul3A_30 : i32
      %mul3A_32 = arith.constant 80 : i32
      %mul3A_33 = arith.muli %add3A_29, %mul3A_32 : i32
      %add3A_34 = arith.addi %mul3A_31, %mul3A_33 : i32
      "tpu.region"() ({
        %run_scoped3A = tpu.sem_alloc : memref<!tpu.dma_semaphore, #tpu.memory_space<semaphore_mem>>
        %dma_start3A = arith.constant 0 : i32
        %dma_start3A_35 = tpu.memref_slice %arg13[%add3A_34, %dma_start3A] : memref<5120x128xf32, #tpu.memory_space<vmem_shared>> -> memref<80x128xf32, #tpu.memory_space<vmem_shared>>
        %dma_start3A_36 = arith.constant 0 : i32
        %dma_start3A_37 = tpu.memref_slice %arg13[%add3A_34, %dma_start3A_36] : memref<5120x128xf32, #tpu.memory_space<vmem_shared>> -> memref<80x128xf32, #tpu.memory_space<vmem_shared>>
        tpu.enqueue_dma source(%arg12 : memref<80x128xf32, #tpu.memory_space<vmem>>) target(%dma_start3A_37 : memref<80x128xf32, #tpu.memory_space<vmem_shared>>) target_semaphore(%run_scoped3A : memref<!tpu.dma_semaphore, #tpu.memory_space<semaphore_mem>>)
        %dma_wait3A = arith.constant 0 : i32
        %dma_wait3A_38 = tpu.memref_slice %arg13[%add3A_34, %dma_wait3A] : memref<5120x128xf32, #tpu.memory_space<vmem_shared>> -> memref<80x128xf32, #tpu.memory_space<vmem_shared>>
        %dma_wait3A_39 = arith.constant 0 : i32
        %dma_wait3A_40 = tpu.memref_slice %arg13[%add3A_34, %dma_wait3A_39] : memref<5120x128xf32, #tpu.memory_space<vmem_shared>> -> memref<80x128xf32, #tpu.memory_space<vmem_shared>>
        tpu.wait_dma2 semaphore(%run_scoped3A : memref<!tpu.dma_semaphore, #tpu.memory_space<semaphore_mem>>) src(%arg12 : memref<80x128xf32, #tpu.memory_space<vmem>>) dst(%dma_wait3A_40 : memref<80x128xf32, #tpu.memory_space<vmem_shared>>)
        tpu.yield
      }) : () -> ()
    }
    %scan3A_9 = arith.constant 4 : i32
    %mul3A_10 = arith.constant 20000 : i32
    %mul3A_11 = arith.muli %arg1, %mul3A_10 : i32
    "tpu.region"() ({
      %run_scoped3A = tpu.sem_alloc : memref<!tpu.dma_semaphore, #tpu.memory_space<semaphore_mem>>
      %dma_start3A = tpu.memref_slice %arg3[%mul3A_11] : memref<320000xi32, #tpu.memory_space<hbm>> -> memref<20000xi32, #tpu.memory_space<hbm>>
      %dma_start3A_26 = tpu.memref_slice %arg3[%mul3A_11] : memref<320000xi32, #tpu.memory_space<hbm>> -> memref<20000xi32, #tpu.memory_space<hbm>>
      tpu.enqueue_dma source(%dma_start3A_26 : memref<20000xi32, #tpu.memory_space<hbm>>) target(%arg6 : memref<20000xi32, #tpu.memory_space<vmem>>) target_semaphore(%run_scoped3A : memref<!tpu.dma_semaphore, #tpu.memory_space<semaphore_mem>>)
      %dma_wait3A = tpu.memref_slice %arg3[%mul3A_11] : memref<320000xi32, #tpu.memory_space<hbm>> -> memref<20000xi32, #tpu.memory_space<hbm>>
      %dma_wait3A_27 = tpu.memref_slice %arg3[%mul3A_11] : memref<320000xi32, #tpu.memory_space<hbm>> -> memref<20000xi32, #tpu.memory_space<hbm>>
      tpu.wait_dma2 semaphore(%run_scoped3A : memref<!tpu.dma_semaphore, #tpu.memory_space<semaphore_mem>>) src(%dma_wait3A_27 : memref<20000xi32, #tpu.memory_space<hbm>>) dst(%arg6 : memref<20000xi32, #tpu.memory_space<vmem>>)
      tpu.yield
    }) : () -> ()
    %mul3A_12 = arith.constant 20000 : i32
    %mul3A_13 = arith.muli %arg1, %mul3A_12 : i32
    "tpu.region"() ({
      %run_scoped3A = tpu.sem_alloc : memref<!tpu.dma_semaphore, #tpu.memory_space<semaphore_mem>>
      %dma_start3A = tpu.memref_slice %arg4[%mul3A_13] : memref<320000xi32, #tpu.memory_space<hbm>> -> memref<20000xi32, #tpu.memory_space<hbm>>
      %dma_start3A_26 = tpu.memref_slice %arg4[%mul3A_13] : memref<320000xi32, #tpu.memory_space<hbm>> -> memref<20000xi32, #tpu.memory_space<hbm>>
      tpu.enqueue_dma source(%dma_start3A_26 : memref<20000xi32, #tpu.memory_space<hbm>>) target(%arg7 : memref<20000xi32, #tpu.memory_space<vmem>>) target_semaphore(%run_scoped3A : memref<!tpu.dma_semaphore, #tpu.memory_space<semaphore_mem>>)
      %dma_wait3A = tpu.memref_slice %arg4[%mul3A_13] : memref<320000xi32, #tpu.memory_space<hbm>> -> memref<20000xi32, #tpu.memory_space<hbm>>
      %dma_wait3A_27 = tpu.memref_slice %arg4[%mul3A_13] : memref<320000xi32, #tpu.memory_space<hbm>> -> memref<20000xi32, #tpu.memory_space<hbm>>
      tpu.wait_dma2 semaphore(%run_scoped3A : memref<!tpu.dma_semaphore, #tpu.memory_space<semaphore_mem>>) src(%dma_wait3A_27 : memref<20000xi32, #tpu.memory_space<hbm>>) dst(%arg7 : memref<20000xi32, #tpu.memory_space<vmem>>)
      tpu.yield
    }) : () -> ()
    %barrier3A = arith.constant 0 : index
    tpu.barrier barrier_id(%barrier3A)
    %scan3A_14 = arith.constant 0 : i32
    %scan3A_15 = arith.constant 125 : i32
    %scan3A_16 = arith.addi %scan3A_14, %scan3A_15 : i32
    %scan3A_17 = arith.constant 1 : i32
    scf.for %scan3A_26 = %scan3A_14 to %scan3A_16 step %scan3A_17  : i32 {
      %mul3A_27 = arith.constant 2 : i32
      %mul3A_28 = arith.muli %scan3A_26, %mul3A_27 : i32
      %add3A = arith.constant 0 : i32
      %add3A_29 = arith.addi %add3A, %mul3A_28 : i32
      %add3A_30 = arith.constant 0 : i32
      %add3A_31 = arith.addi %add3A_29, %add3A_30 : i32
      %mul3A_32 = arith.constant 80 : i32
      %mul3A_33 = arith.muli %add3A_31, %mul3A_32 : i32
      %dma_start3A = tpu.memref_slice %arg6[%mul3A_33] : memref<20000xi32, #tpu.memory_space<vmem>> -> memref<80xi32, #tpu.memory_space<vmem>>
      %dma_start3A_34 = arith.constant 0 : i32
      %dma_start3A_35 = arith.constant 0 : i32
      %dma_start3A_36 = tpu.memref_slice %arg2[%dma_start3A_34, %dma_start3A_35] : memref<10000x128xf32, #tpu.memory_space<hbm>> -> memref<10000x128xf32, #tpu.memory_space<hbm>>
      tpu.enqueue_indirect_dma source(%dma_start3A_36 : memref<10000x128xf32, #tpu.memory_space<hbm>>) target(%arg10 : memref<80x128xf32, #tpu.memory_space<vmem>>) offsets(%dma_start3A : memref<80xi32, #tpu.memory_space<vmem>>) semaphore(%arg14 : memref<!tpu.dma_semaphore, #tpu.memory_space<semaphore_mem>>)
      %add3A_37 = arith.constant 1 : i32
      %add3A_38 = arith.addi %add3A_29, %add3A_37 : i32
      %mul3A_39 = arith.constant 80 : i32
      %mul3A_40 = arith.muli %add3A_38, %mul3A_39 : i32
      %dma_start3A_41 = tpu.memref_slice %arg6[%mul3A_40] : memref<20000xi32, #tpu.memory_space<vmem>> -> memref<80xi32, #tpu.memory_space<vmem>>
      %dma_start3A_42 = arith.constant 0 : i32
      %dma_start3A_43 = arith.constant 0 : i32
      %dma_start3A_44 = tpu.memref_slice %arg2[%dma_start3A_42, %dma_start3A_43] : memref<10000x128xf32, #tpu.memory_space<hbm>> -> memref<10000x128xf32, #tpu.memory_space<hbm>>
      tpu.enqueue_indirect_dma source(%dma_start3A_44 : memref<10000x128xf32, #tpu.memory_space<hbm>>) target(%arg11 : memref<80x128xf32, #tpu.memory_space<vmem>>) offsets(%dma_start3A_41 : memref<80xi32, #tpu.memory_space<vmem>>) semaphore(%arg14 : memref<!tpu.dma_semaphore, #tpu.memory_space<semaphore_mem>>)
      %add3A_45 = arith.constant 0 : i32
      %add3A_46 = arith.addi %add3A_29, %add3A_45 : i32
      %scan3A_47 = arith.constant 0 : i32
      %scan3A_48 = arith.constant 5 : i32
      %scan3A_49 = arith.addi %scan3A_47, %scan3A_48 : i32
      %scan3A_50 = arith.constant 1 : i32
      scf.for %scan3A_78 = %scan3A_47 to %scan3A_49 step %scan3A_50  : i32 {
        %mul3A_79 = arith.constant 1 : i32
        %mul3A_80 = arith.muli %scan3A_78, %mul3A_79 : i32
        %add3A_81 = arith.constant 0 : i32
        %add3A_82 = arith.addi %add3A_81, %mul3A_80 : i32
        %mul3A_83 = arith.constant 80 : i32
        %mul3A_84 = arith.muli %add3A_46, %mul3A_83 : i32
        %mul3A_85 = arith.constant 16 : i32
        %mul3A_86 = arith.muli %add3A_82, %mul3A_85 : i32
        %add3A_87 = arith.addi %mul3A_84, %mul3A_86 : i32
        %get3A = arith.index_cast %add3A_87 : i32 to index
        %get3A_88 = tpu.vector_load %arg7[%get3A] {strides = array<i32>} : memref<20000xi32, #tpu.memory_space<vmem>>, vector<16xi32>,
        %get3A_89 = vector.shape_cast %get3A_88 : vector<16xi32> to vector<16xi32>
        %sub3A = vector.broadcast %mul3A_0 : i32 to vector<16xi32>
        %sub3A_90 = arith.subi %get3A_89, %sub3A : vector<16xi32>
        %ge3A = arith.constant 0 : i32
        %ge3A_91 = vector.broadcast %ge3A : i32 to vector<16xi32>
        %ge3A_92 = arith.cmpi sge, %sub3A_90, %ge3A_91 : vector<16xi32>
        %lt3A_93 = arith.constant 5056 : i32
        %lt3A_94 = vector.broadcast %lt3A_93 : i32 to vector<16xi32>
        %lt3A_95 = arith.cmpi slt, %sub3A_90, %lt3A_94 : vector<16xi32>
        %and3A = arith.andi %ge3A_92, %lt3A_95 : vector<16xi1>
        %jit3A = arith.constant 5056 : i32
        %broadcast_in_dim3A = vector.broadcast %jit3A : i32 to vector<16xi32>
        %select_n3A = arith.select %and3A, %sub3A_90, %broadcast_in_dim3A : vector<16xi1>, vector<16xi32>
        %mul3A_96 = arith.constant 16 : i32
        %mul3A_97 = arith.muli %add3A_82, %mul3A_96 : i32
        %swap3A = arith.index_cast %mul3A_97 : i32 to index
        %swap3A_98 = tpu.vector_load %arg8[%swap3A] {strides = array<i32>} : memref<80xi32, #tpu.memory_space<vmem>>, vector<16xi32>,
        %swap3A_99 = vector.shape_cast %swap3A_98 : vector<16xi32> to vector<16xi32>
        %swap3A_100 = vector.shape_cast %select_n3A : vector<16xi32> to vector<16xi32>
        tpu.vector_store %arg8[%swap3A], %swap3A_100 {strides = array<i32>} : memref<80xi32, #tpu.memory_space<vmem>>, vector<16xi32>,
      }
      %scan3A_51 = arith.constant 5 : i32
      %dma_wait3A = tpu.memref_slice %arg6[%mul3A_33] : memref<20000xi32, #tpu.memory_space<vmem>> -> memref<80xi32, #tpu.memory_space<vmem>>
      %dma_wait3A_52 = arith.constant 0 : i32
      %dma_wait3A_53 = arith.constant 0 : i32
      %dma_wait3A_54 = tpu.memref_slice %arg2[%dma_wait3A_52, %dma_wait3A_53] : memref<10000x128xf32, #tpu.memory_space<hbm>> -> memref<10000x128xf32, #tpu.memory_space<hbm>>
      tpu.wait_indirect_dma semaphore(%arg14 : memref<!tpu.dma_semaphore, #tpu.memory_space<semaphore_mem>>) src(%dma_wait3A_54 : memref<10000x128xf32, #tpu.memory_space<hbm>>) dst(%arg10 : memref<80x128xf32, #tpu.memory_space<vmem>>)
      %dma_start3A_55 = arith.constant 0 : i32
      %dma_start3A_56 = arith.constant 0 : i32
      %dma_start3A_57 = tpu.memref_slice %arg13[%dma_start3A_55, %dma_start3A_56] : memref<5120x128xf32, #tpu.memory_space<vmem_shared>> -> memref<5120x128xf32, #tpu.memory_space<vmem_shared>>
      tpu.enqueue_indirect_dma source(%arg10 : memref<80x128xf32, #tpu.memory_space<vmem>>) target(%dma_start3A_57 : memref<5120x128xf32, #tpu.memory_space<vmem_shared>>) offsets(%arg8 : memref<80xi32, #tpu.memory_space<vmem>>) semaphore(%arg15 : memref<!tpu.dma_semaphore, #tpu.memory_space<semaphore_mem>>) {add = true}
      %add3A_58 = arith.constant 1 : i32
      %add3A_59 = arith.addi %add3A_29, %add3A_58 : i32
      %scan3A_60 = arith.constant 0 : i32
      %scan3A_61 = arith.constant 5 : i32
      %scan3A_62 = arith.addi %scan3A_60, %scan3A_61 : i32
      %scan3A_63 = arith.constant 1 : i32
      scf.for %scan3A_78 = %scan3A_60 to %scan3A_62 step %scan3A_63  : i32 {
        %mul3A_79 = arith.constant 1 : i32
        %mul3A_80 = arith.muli %scan3A_78, %mul3A_79 : i32
        %add3A_81 = arith.constant 0 : i32
        %add3A_82 = arith.addi %add3A_81, %mul3A_80 : i32
        %mul3A_83 = arith.constant 80 : i32
        %mul3A_84 = arith.muli %add3A_59, %mul3A_83 : i32
        %mul3A_85 = arith.constant 16 : i32
        %mul3A_86 = arith.muli %add3A_82, %mul3A_85 : i32
        %add3A_87 = arith.addi %mul3A_84, %mul3A_86 : i32
        %get3A = arith.index_cast %add3A_87 : i32 to index
        %get3A_88 = tpu.vector_load %arg7[%get3A] {strides = array<i32>} : memref<20000xi32, #tpu.memory_space<vmem>>, vector<16xi32>,
        %get3A_89 = vector.shape_cast %get3A_88 : vector<16xi32> to vector<16xi32>
        %sub3A = vector.broadcast %mul3A_0 : i32 to vector<16xi32>
        %sub3A_90 = arith.subi %get3A_89, %sub3A : vector<16xi32>
        %ge3A = arith.constant 0 : i32
        %ge3A_91 = vector.broadcast %ge3A : i32 to vector<16xi32>
        %ge3A_92 = arith.cmpi sge, %sub3A_90, %ge3A_91 : vector<16xi32>
        %lt3A_93 = arith.constant 5056 : i32
        %lt3A_94 = vector.broadcast %lt3A_93 : i32 to vector<16xi32>
        %lt3A_95 = arith.cmpi slt, %sub3A_90, %lt3A_94 : vector<16xi32>
        %and3A = arith.andi %ge3A_92, %lt3A_95 : vector<16xi1>
        %jit3A = arith.constant 5056 : i32
        %broadcast_in_dim3A = vector.broadcast %jit3A : i32 to vector<16xi32>
        %select_n3A = arith.select %and3A, %sub3A_90, %broadcast_in_dim3A : vector<16xi1>, vector<16xi32>
        %mul3A_96 = arith.constant 16 : i32
        %mul3A_97 = arith.muli %add3A_82, %mul3A_96 : i32
        %swap3A = arith.index_cast %mul3A_97 : i32 to index
        %swap3A_98 = tpu.vector_load %arg9[%swap3A] {strides = array<i32>} : memref<80xi32, #tpu.memory_space<vmem>>, vector<16xi32>,
        %swap3A_99 = vector.shape_cast %swap3A_98 : vector<16xi32> to vector<16xi32>
        %swap3A_100 = vector.shape_cast %select_n3A : vector<16xi32> to vector<16xi32>
        tpu.vector_store %arg9[%swap3A], %swap3A_100 {strides = array<i32>} : memref<80xi32, #tpu.memory_space<vmem>>, vector<16xi32>,
      }
      %scan3A_64 = arith.constant 5 : i32
      %dma_wait3A_65 = tpu.memref_slice %arg6[%mul3A_40] : memref<20000xi32, #tpu.memory_space<vmem>> -> memref<80xi32, #tpu.memory_space<vmem>>
      %dma_wait3A_66 = arith.constant 0 : i32
      %dma_wait3A_67 = arith.constant 0 : i32
      %dma_wait3A_68 = tpu.memref_slice %arg2[%dma_wait3A_66, %dma_wait3A_67] : memref<10000x128xf32, #tpu.memory_space<hbm>> -> memref<10000x128xf32, #tpu.memory_space<hbm>>
      tpu.wait_indirect_dma semaphore(%arg14 : memref<!tpu.dma_semaphore, #tpu.memory_space<semaphore_mem>>) src(%dma_wait3A_68 : memref<10000x128xf32, #tpu.memory_space<hbm>>) dst(%arg11 : memref<80x128xf32, #tpu.memory_space<vmem>>)
      %dma_start3A_69 = arith.constant 0 : i32
      %dma_start3A_70 = arith.constant 0 : i32
      %dma_start3A_71 = tpu.memref_slice %arg13[%dma_start3A_69, %dma_start3A_70] : memref<5120x128xf32, #tpu.memory_space<vmem_shared>> -> memref<5120x128xf32, #tpu.memory_space<vmem_shared>>
      tpu.enqueue_indirect_dma source(%arg11 : memref<80x128xf32, #tpu.memory_space<vmem>>) target(%dma_start3A_71 : memref<5120x128xf32, #tpu.memory_space<vmem_shared>>) offsets(%arg9 : memref<80xi32, #tpu.memory_space<vmem>>) semaphore(%arg15 : memref<!tpu.dma_semaphore, #tpu.memory_space<semaphore_mem>>) {add = true}
      %dma_wait3A_72 = arith.constant 0 : i32
      %dma_wait3A_73 = arith.constant 0 : i32
      %dma_wait3A_74 = tpu.memref_slice %arg13[%dma_wait3A_72, %dma_wait3A_73] : memref<5120x128xf32, #tpu.memory_space<vmem_shared>> -> memref<5120x128xf32, #tpu.memory_space<vmem_shared>>
      tpu.wait_indirect_dma semaphore(%arg15 : memref<!tpu.dma_semaphore, #tpu.memory_space<semaphore_mem>>) src(%arg10 : memref<80x128xf32, #tpu.memory_space<vmem>>) dst(%dma_wait3A_74 : memref<5120x128xf32, #tpu.memory_space<vmem_shared>>)
      %dma_wait3A_75 = arith.constant 0 : i32
      %dma_wait3A_76 = arith.constant 0 : i32
      %dma_wait3A_77 = tpu.memref_slice %arg13[%dma_wait3A_75, %dma_wait3A_76] : memref<5120x128xf32, #tpu.memory_space<vmem_shared>> -> memref<5120x128xf32, #tpu.memory_space<vmem_shared>>
      tpu.wait_indirect_dma semaphore(%arg15 : memref<!tpu.dma_semaphore, #tpu.memory_space<semaphore_mem>>) src(%arg11 : memref<80x128xf32, #tpu.memory_space<vmem>>) dst(%dma_wait3A_77 : memref<5120x128xf32, #tpu.memory_space<vmem_shared>>)
    }
    %scan3A_18 = arith.constant 125 : i32
    %barrier3A_19 = arith.constant 0 : index
    tpu.barrier barrier_id(%barrier3A_19)
    %lt3A = arith.constant 15 : i32
    %lt3A_20 = arith.cmpi slt, %arg1, %lt3A : i32
    %convert_element_type3A = arith.extui %lt3A_20 : i1 to i32
    %cond3A = arith.constant 0 : i32
    %cond3A_21 = arith.cmpi ne, %convert_element_type3A, %cond3A : i32
    scf.if %cond3A_21 {
      %mul3A_26 = arith.constant 320 : i32
      %mul3A_27 = arith.muli %arg1, %mul3A_26 : i32
      %mul3A_28 = arith.constant 320 : i32
      %mul3A_29 = arith.muli %arg1, %mul3A_28 : i32
      %add3A = arith.addi %mul3A_0, %mul3A_29 : i32
      "tpu.region"() ({
        %run_scoped3A = tpu.sem_alloc : memref<!tpu.dma_semaphore, #tpu.memory_space<semaphore_mem>>
        %dma_start3A = arith.constant 0 : i32
        %dma_start3A_30 = tpu.memref_slice %arg5[%add3A, %dma_start3A] : memref<10112x128xf32, #tpu.memory_space<hbm>> -> memref<320x128xf32, #tpu.memory_space<hbm>>
        %dma_start3A_31 = arith.constant 0 : i32
        %dma_start3A_32 = tpu.memref_slice %arg13[%mul3A_27, %dma_start3A_31] : memref<5120x128xf32, #tpu.memory_space<vmem_shared>> -> memref<320x128xf32, #tpu.memory_space<vmem_shared>>
        tpu.enqueue_dma source(%dma_start3A_32 : memref<320x128xf32, #tpu.memory_space<vmem_shared>>) target(%dma_start3A_30 : memref<320x128xf32, #tpu.memory_space<hbm>>) target_semaphore(%run_scoped3A : memref<!tpu.dma_semaphore, #tpu.memory_space<semaphore_mem>>)
        %dma_wait3A = arith.constant 0 : i32
        %dma_wait3A_33 = tpu.memref_slice %arg5[%add3A, %dma_wait3A] : memref<10112x128xf32, #tpu.memory_space<hbm>> -> memref<320x128xf32, #tpu.memory_space<hbm>>
        %dma_wait3A_34 = arith.constant 0 : i32
        %dma_wait3A_35 = tpu.memref_slice %arg13[%mul3A_27, %dma_wait3A_34] : memref<5120x128xf32, #tpu.memory_space<vmem_shared>> -> memref<320x128xf32, #tpu.memory_space<vmem_shared>>
        tpu.wait_dma2 semaphore(%run_scoped3A : memref<!tpu.dma_semaphore, #tpu.memory_space<semaphore_mem>>) src(%dma_wait3A_35 : memref<320x128xf32, #tpu.memory_space<vmem_shared>>) dst(%dma_wait3A_33 : memref<320x128xf32, #tpu.memory_space<hbm>>)
        tpu.yield
      }) : () -> ()
    } else {
    }
    %eq3A = arith.constant 15 : i32
    %eq3A_22 = arith.cmpi eq, %arg1, %eq3A : i32
    %convert_element_type3A_23 = arith.extui %eq3A_22 : i1 to i32
    %cond3A_24 = arith.constant 0 : i32
    %cond3A_25 = arith.cmpi ne, %convert_element_type3A_23, %cond3A_24 : i32
    scf.if %cond3A_25 {
      %add3A = arith.constant 4800 : i32
      %add3A_26 = arith.addi %mul3A_0, %add3A : i32
      "tpu.region"() ({
        %run_scoped3A = tpu.sem_alloc : memref<!tpu.dma_semaphore, #tpu.memory_space<semaphore_mem>>
        %dma_start3A = arith.constant 0 : i32
        %dma_start3A_27 = tpu.memref_slice %arg5[%add3A_26, %dma_start3A] : memref<10112x128xf32, #tpu.memory_space<hbm>> -> memref<256x128xf32, #tpu.memory_space<hbm>>
        %dma_start3A_28 = arith.constant 4800 : i32
        %dma_start3A_29 = arith.constant 0 : i32
        %dma_start3A_30 = tpu.memref_slice %arg13[%dma_start3A_28, %dma_start3A_29] : memref<5120x128xf32, #tpu.memory_space<vmem_shared>> -> memref<256x128xf32, #tpu.memory_space<vmem_shared>>
        tpu.enqueue_dma source(%dma_start3A_30 : memref<256x128xf32, #tpu.memory_space<vmem_shared>>) target(%dma_start3A_27 : memref<256x128xf32, #tpu.memory_space<hbm>>) target_semaphore(%run_scoped3A : memref<!tpu.dma_semaphore, #tpu.memory_space<semaphore_mem>>)
        %dma_wait3A = arith.constant 0 : i32
        %dma_wait3A_31 = tpu.memref_slice %arg5[%add3A_26, %dma_wait3A] : memref<10112x128xf32, #tpu.memory_space<hbm>> -> memref<256x128xf32, #tpu.memory_space<hbm>>
        %dma_wait3A_32 = arith.constant 4800 : i32
        %dma_wait3A_33 = arith.constant 0 : i32
        %dma_wait3A_34 = tpu.memref_slice %arg13[%dma_wait3A_32, %dma_wait3A_33] : memref<5120x128xf32, #tpu.memory_space<vmem_shared>> -> memref<256x128xf32, #tpu.memory_space<vmem_shared>>
        tpu.wait_dma2 semaphore(%run_scoped3A : memref<!tpu.dma_semaphore, #tpu.memory_space<semaphore_mem>>) src(%dma_wait3A_34 : memref<256x128xf32, #tpu.memory_space<vmem_shared>>) dst(%dma_wait3A_31 : memref<256x128xf32, #tpu.memory_space<hbm>>)
        tpu.yield
      }) : () -> ()
    } else {
    }
    return
  }
}

#map = affine_map<(d0, d1) -> (0, 0)>
#map1 = affine_map<(d0, d1) -> (0)>
module attributes {stable_mosaic.version = 14 : i64} {
  func.func @k(%arg0: i32, %arg1: i32, %arg2: memref<10000x128xf32, #tpu.memory_space<hbm>>, %arg3: memref<320000xi32, #tpu.memory_space<hbm>>, %arg4: memref<320000xi32, #tpu.memory_space<hbm>>, %arg5: memref<10112x128xf32, #tpu.memory_space<hbm>>, %arg6: memref<20000xi32, #tpu.memory_space<vmem>>, %arg7: memref<20000xi32, #tpu.memory_space<vmem>>, %arg8: memref<80xi32, #tpu.memory_space<vmem>>, %arg9: memref<80xi32, #tpu.memory_space<vmem>>, %arg10: memref<80x128xf32, #tpu.memory_space<vmem>>, %arg11: memref<80x128xf32, #tpu.memory_space<vmem>>, %arg12: memref<80x128xf32, #tpu.memory_space<vmem>>, %arg13: memref<5120x128xf32, #tpu.memory_space<vmem_shared>>, %arg14: memref<!tpu.dma_semaphore, #tpu.memory_space<semaphore_mem>>, %arg15: memref<!tpu.dma_semaphore, #tpu.memory_space<semaphore_mem>>) attributes {dimension_semantics = [#tpu.dimension_semantics<core_parallel>, #tpu.dimension_semantics<subcore_parallel>], iteration_bounds = array<i64: 2, 16>, scalar_prefetch = 0 : i64, scratch_operands = 10 : i64, tpu.core_type = #tpu.core_type<sc_vector_subcore>, window_params = [{transform_indices = #map}, {transform_indices = #map1}, {transform_indices = #map1}, {transform_indices = #map}]} {
    %mul3A = arith.constant 5056 : i32
    %mul3A_0 = arith.muli %arg0, %mul3A : i32
    %scan3A = arith.constant 0 : i32
    %scan3A_1 = arith.constant 80 : i32
    %scan3A_2 = arith.addi %scan3A, %scan3A_1 : i32
    %scan3A_3 = arith.constant 1 : i32
    scf.for %scan3A_26 = %scan3A to %scan3A_2 step %scan3A_3  : i32 {
      %mul3A_27 = arith.constant 1 : i32
      %mul3A_28 = arith.muli %scan3A_26, %mul3A_27 : i32
      %add3A = arith.constant 0 : i32
      %add3A_29 = arith.addi %add3A, %mul3A_28 : i32
      %scan3A_30 = arith.constant 0 : i32
      %scan3A_31 = arith.constant 8 : i32
      %scan3A_32 = arith.addi %scan3A_30, %scan3A_31 : i32
      %scan3A_33 = arith.constant 1 : i32
      scf.for %scan3A_35 = %scan3A_30 to %scan3A_32 step %scan3A_33  : i32 {
        %mul3A_36 = arith.constant 1 : i32
        %mul3A_37 = arith.muli %scan3A_35, %mul3A_36 : i32
        %add3A_38 = arith.constant 0 : i32
        %add3A_39 = arith.addi %add3A_38, %mul3A_37 : i32
        %broadcast_in_dim3A = arith.constant 0.000000e+00 : f32
        %broadcast_in_dim3A_40 = vector.broadcast %broadcast_in_dim3A : f32 to vector<16xf32>
        %mul3A_41 = arith.constant 16 : i32
        %mul3A_42 = arith.muli %add3A_39, %mul3A_41 : i32
        %swap3A = arith.index_cast %add3A_29 : i32 to index
        %swap3A_43 = arith.index_cast %mul3A_42 : i32 to index
        %swap3A_44 = tpu.vector_load %arg12[%swap3A, %swap3A_43] {strides = array<i32>} : memref<80x128xf32, #tpu.memory_space<vmem>>, vector<1x16xf32>,
        %swap3A_45 = vector.shape_cast %swap3A_44 : vector<1x16xf32> to vector<16xf32>
        %swap3A_46 = vector.shape_cast %broadcast_in_dim3A_40 : vector<16xf32> to vector<1x16xf32>
        tpu.vector_store %arg12[%swap3A, %swap3A_43], %swap3A_46 {strides = array<i32>} : memref<80x128xf32, #tpu.memory_space<vmem>>, vector<1x16xf32>,
      }
      %scan3A_34 = arith.constant 8 : i32
    }
    %scan3A_4 = arith.constant 80 : i32
    %scan3A_5 = arith.constant 0 : i32
    %scan3A_6 = arith.constant 4 : i32
    %scan3A_7 = arith.addi %scan3A_5, %scan3A_6 : i32
    %scan3A_8 = arith.constant 1 : i32
    scf.for %scan3A_26 = %scan3A_5 to %scan3A_7 step %scan3A_8  : i32 {
      %mul3A_27 = arith.constant 1 : i32
      %mul3A_28 = arith.muli %scan3A_26, %mul3A_27 : i32
      %add3A = arith.constant 0 : i32
      %add3A_29 = arith.addi %add3A, %mul3A_28 : i32
      %mul3A_30 = arith.constant 320 : i32
      %mul3A_31 = arith.muli %arg1, %mul3A_30 : i32
      %mul3A_32 = arith.constant 80 : i32
      %mul3A_33 = arith.muli %add3A_29, %mul3A_32 : i32
      %add3A_34 = arith.addi %mul3A_31, %mul3A_33 : i32
      "tpu.region"() ({
        %run_scoped3A = tpu.sem_alloc : memref<!tpu.dma_semaphore, #tpu.memory_space<semaphore_mem>>
        %dma_start3A = arith.constant 0 : i32
        %dma_start3A_35 = tpu.memref_slice %arg13[%add3A_34, %dma_start3A] : memref<5120x128xf32, #tpu.memory_space<vmem_shared>> -> memref<80x128xf32, #tpu.memory_space<vmem_shared>>
        %dma_start3A_36 = arith.constant 0 : i32
        %dma_start3A_37 = tpu.memref_slice %arg13[%add3A_34, %dma_start3A_36] : memref<5120x128xf32, #tpu.memory_space<vmem_shared>> -> memref<80x128xf32, #tpu.memory_space<vmem_shared>>
        tpu.enqueue_dma source(%arg12 : memref<80x128xf32, #tpu.memory_space<vmem>>) target(%dma_start3A_37 : memref<80x128xf32, #tpu.memory_space<vmem_shared>>) target_semaphore(%run_scoped3A : memref<!tpu.dma_semaphore, #tpu.memory_space<semaphore_mem>>)
        %dma_wait3A = arith.constant 0 : i32
        %dma_wait3A_38 = tpu.memref_slice %arg13[%add3A_34, %dma_wait3A] : memref<5120x128xf32, #tpu.memory_space<vmem_shared>> -> memref<80x128xf32, #tpu.memory_space<vmem_shared>>
        %dma_wait3A_39 = arith.constant 0 : i32
        %dma_wait3A_40 = tpu.memref_slice %arg13[%add3A_34, %dma_wait3A_39] : memref<5120x128xf32, #tpu.memory_space<vmem_shared>> -> memref<80x128xf32, #tpu.memory_space<vmem_shared>>
        tpu.wait_dma2 semaphore(%run_scoped3A : memref<!tpu.dma_semaphore, #tpu.memory_space<semaphore_mem>>) src(%arg12 : memref<80x128xf32, #tpu.memory_space<vmem>>) dst(%dma_wait3A_40 : memref<80x128xf32, #tpu.memory_space<vmem_shared>>)
        tpu.yield
      }) : () -> ()
    }
    %scan3A_9 = arith.constant 4 : i32
    %mul3A_10 = arith.constant 20000 : i32
    %mul3A_11 = arith.muli %arg1, %mul3A_10 : i32
    "tpu.region"() ({
      %run_scoped3A = tpu.sem_alloc : memref<!tpu.dma_semaphore, #tpu.memory_space<semaphore_mem>>
      %dma_start3A = tpu.memref_slice %arg3[%mul3A_11] : memref<320000xi32, #tpu.memory_space<hbm>> -> memref<20000xi32, #tpu.memory_space<hbm>>
      %dma_start3A_26 = tpu.memref_slice %arg3[%mul3A_11] : memref<320000xi32, #tpu.memory_space<hbm>> -> memref<20000xi32, #tpu.memory_space<hbm>>
      tpu.enqueue_dma source(%dma_start3A_26 : memref<20000xi32, #tpu.memory_space<hbm>>) target(%arg6 : memref<20000xi32, #tpu.memory_space<vmem>>) target_semaphore(%run_scoped3A : memref<!tpu.dma_semaphore, #tpu.memory_space<semaphore_mem>>)
      %dma_wait3A = tpu.memref_slice %arg3[%mul3A_11] : memref<320000xi32, #tpu.memory_space<hbm>> -> memref<20000xi32, #tpu.memory_space<hbm>>
      %dma_wait3A_27 = tpu.memref_slice %arg3[%mul3A_11] : memref<320000xi32, #tpu.memory_space<hbm>> -> memref<20000xi32, #tpu.memory_space<hbm>>
      tpu.wait_dma2 semaphore(%run_scoped3A : memref<!tpu.dma_semaphore, #tpu.memory_space<semaphore_mem>>) src(%dma_wait3A_27 : memref<20000xi32, #tpu.memory_space<hbm>>) dst(%arg6 : memref<20000xi32, #tpu.memory_space<vmem>>)
      tpu.yield
    }) : () -> ()
    %mul3A_12 = arith.constant 20000 : i32
    %mul3A_13 = arith.muli %arg1, %mul3A_12 : i32
    "tpu.region"() ({
      %run_scoped3A = tpu.sem_alloc : memref<!tpu.dma_semaphore, #tpu.memory_space<semaphore_mem>>
      %dma_start3A = tpu.memref_slice %arg4[%mul3A_13] : memref<320000xi32, #tpu.memory_space<hbm>> -> memref<20000xi32, #tpu.memory_space<hbm>>
      %dma_start3A_26 = tpu.memref_slice %arg4[%mul3A_13] : memref<320000xi32, #tpu.memory_space<hbm>> -> memref<20000xi32, #tpu.memory_space<hbm>>
      tpu.enqueue_dma source(%dma_start3A_26 : memref<20000xi32, #tpu.memory_space<hbm>>) target(%arg7 : memref<20000xi32, #tpu.memory_space<vmem>>) target_semaphore(%run_scoped3A : memref<!tpu.dma_semaphore, #tpu.memory_space<semaphore_mem>>)
      %dma_wait3A = tpu.memref_slice %arg4[%mul3A_13] : memref<320000xi32, #tpu.memory_space<hbm>> -> memref<20000xi32, #tpu.memory_space<hbm>>
      %dma_wait3A_27 = tpu.memref_slice %arg4[%mul3A_13] : memref<320000xi32, #tpu.memory_space<hbm>> -> memref<20000xi32, #tpu.memory_space<hbm>>
      tpu.wait_dma2 semaphore(%run_scoped3A : memref<!tpu.dma_semaphore, #tpu.memory_space<semaphore_mem>>) src(%dma_wait3A_27 : memref<20000xi32, #tpu.memory_space<hbm>>) dst(%arg7 : memref<20000xi32, #tpu.memory_space<vmem>>)
      tpu.yield
    }) : () -> ()
    %barrier3A = arith.constant 0 : index
    tpu.barrier barrier_id(%barrier3A)
    %scan3A_14 = arith.constant 0 : i32
    %scan3A_15 = arith.constant 125 : i32
    %scan3A_16 = arith.addi %scan3A_14, %scan3A_15 : i32
    %scan3A_17 = arith.constant 1 : i32
    scf.for %scan3A_26 = %scan3A_14 to %scan3A_16 step %scan3A_17  : i32 {
      %mul3A_27 = arith.constant 2 : i32
      %mul3A_28 = arith.muli %scan3A_26, %mul3A_27 : i32
      %add3A = arith.constant 0 : i32
      %add3A_29 = arith.addi %add3A, %mul3A_28 : i32
      %add3A_30 = arith.constant 0 : i32
      %add3A_31 = arith.addi %add3A_29, %add3A_30 : i32
      %mul3A_32 = arith.constant 80 : i32
      %mul3A_33 = arith.muli %add3A_31, %mul3A_32 : i32
      %dma_start3A = tpu.memref_slice %arg6[%mul3A_33] : memref<20000xi32, #tpu.memory_space<vmem>> -> memref<80xi32, #tpu.memory_space<vmem>>
      %dma_start3A_34 = arith.constant 0 : i32
      %dma_start3A_35 = arith.constant 0 : i32
      %dma_start3A_36 = tpu.memref_slice %arg2[%dma_start3A_34, %dma_start3A_35] : memref<10000x128xf32, #tpu.memory_space<hbm>> -> memref<10000x128xf32, #tpu.memory_space<hbm>>
      tpu.enqueue_indirect_dma source(%dma_start3A_36 : memref<10000x128xf32, #tpu.memory_space<hbm>>) target(%arg10 : memref<80x128xf32, #tpu.memory_space<vmem>>) offsets(%dma_start3A : memref<80xi32, #tpu.memory_space<vmem>>) semaphore(%arg14 : memref<!tpu.dma_semaphore, #tpu.memory_space<semaphore_mem>>)
      %add3A_37 = arith.constant 1 : i32
      %add3A_38 = arith.addi %add3A_29, %add3A_37 : i32
      %mul3A_39 = arith.constant 80 : i32
      %mul3A_40 = arith.muli %add3A_38, %mul3A_39 : i32
      %dma_start3A_41 = tpu.memref_slice %arg6[%mul3A_40] : memref<20000xi32, #tpu.memory_space<vmem>> -> memref<80xi32, #tpu.memory_space<vmem>>
      %dma_start3A_42 = arith.constant 0 : i32
      %dma_start3A_43 = arith.constant 0 : i32
      %dma_start3A_44 = tpu.memref_slice %arg2[%dma_start3A_42, %dma_start3A_43] : memref<10000x128xf32, #tpu.memory_space<hbm>> -> memref<10000x128xf32, #tpu.memory_space<hbm>>
      tpu.enqueue_indirect_dma source(%dma_start3A_44 : memref<10000x128xf32, #tpu.memory_space<hbm>>) target(%arg11 : memref<80x128xf32, #tpu.memory_space<vmem>>) offsets(%dma_start3A_41 : memref<80xi32, #tpu.memory_space<vmem>>) semaphore(%arg14 : memref<!tpu.dma_semaphore, #tpu.memory_space<semaphore_mem>>)
      %add3A_45 = arith.constant 0 : i32
      %add3A_46 = arith.addi %add3A_29, %add3A_45 : i32
      %scan3A_47 = arith.constant 0 : i32
      %scan3A_48 = arith.constant 5 : i32
      %scan3A_49 = arith.addi %scan3A_47, %scan3A_48 : i32
      %scan3A_50 = arith.constant 1 : i32
      scf.for %scan3A_78 = %scan3A_47 to %scan3A_49 step %scan3A_50  : i32 {
        %mul3A_79 = arith.constant 1 : i32
        %mul3A_80 = arith.muli %scan3A_78, %mul3A_79 : i32
        %add3A_81 = arith.constant 0 : i32
        %add3A_82 = arith.addi %add3A_81, %mul3A_80 : i32
        %mul3A_83 = arith.constant 80 : i32
        %mul3A_84 = arith.muli %add3A_46, %mul3A_83 : i32
        %mul3A_85 = arith.constant 16 : i32
        %mul3A_86 = arith.muli %add3A_82, %mul3A_85 : i32
        %add3A_87 = arith.addi %mul3A_84, %mul3A_86 : i32
        %get3A = arith.index_cast %add3A_87 : i32 to index
        %get3A_88 = tpu.vector_load %arg7[%get3A] {strides = array<i32>} : memref<20000xi32, #tpu.memory_space<vmem>>, vector<16xi32>,
        %get3A_89 = vector.shape_cast %get3A_88 : vector<16xi32> to vector<16xi32>
        %sub3A = vector.broadcast %mul3A_0 : i32 to vector<16xi32>
        %sub3A_90 = arith.subi %get3A_89, %sub3A : vector<16xi32>
        %ge3A = arith.constant 0 : i32
        %ge3A_91 = vector.broadcast %ge3A : i32 to vector<16xi32>
        %ge3A_92 = arith.cmpi sge, %sub3A_90, %ge3A_91 : vector<16xi32>
        %lt3A_93 = arith.constant 5056 : i32
        %lt3A_94 = vector.broadcast %lt3A_93 : i32 to vector<16xi32>
        %lt3A_95 = arith.cmpi slt, %sub3A_90, %lt3A_94 : vector<16xi32>
        %and3A = arith.andi %ge3A_92, %lt3A_95 : vector<16xi1>
        %jit3A = arith.constant 5056 : i32
        %broadcast_in_dim3A = vector.broadcast %jit3A : i32 to vector<16xi32>
        %select_n3A = arith.select %and3A, %sub3A_90, %broadcast_in_dim3A : vector<16xi1>, vector<16xi32>
        %mul3A_96 = arith.constant 16 : i32
        %mul3A_97 = arith.muli %add3A_82, %mul3A_96 : i32
        %swap3A = arith.index_cast %mul3A_97 : i32 to index
        %swap3A_98 = tpu.vector_load %arg8[%swap3A] {strides = array<i32>} : memref<80xi32, #tpu.memory_space<vmem>>, vector<16xi32>,
        %swap3A_99 = vector.shape_cast %swap3A_98 : vector<16xi32> to vector<16xi32>
        %swap3A_100 = vector.shape_cast %select_n3A : vector<16xi32> to vector<16xi32>
        tpu.vector_store %arg8[%swap3A], %swap3A_100 {strides = array<i32>} : memref<80xi32, #tpu.memory_space<vmem>>, vector<16xi32>,
      }
      %scan3A_51 = arith.constant 5 : i32
      %dma_wait3A = tpu.memref_slice %arg6[%mul3A_33] : memref<20000xi32, #tpu.memory_space<vmem>> -> memref<80xi32, #tpu.memory_space<vmem>>
      %dma_wait3A_52 = arith.constant 0 : i32
      %dma_wait3A_53 = arith.constant 0 : i32
      %dma_wait3A_54 = tpu.memref_slice %arg2[%dma_wait3A_52, %dma_wait3A_53] : memref<10000x128xf32, #tpu.memory_space<hbm>> -> memref<10000x128xf32, #tpu.memory_space<hbm>>
      tpu.wait_indirect_dma semaphore(%arg14 : memref<!tpu.dma_semaphore, #tpu.memory_space<semaphore_mem>>) src(%dma_wait3A_54 : memref<10000x128xf32, #tpu.memory_space<hbm>>) dst(%arg10 : memref<80x128xf32, #tpu.memory_space<vmem>>)
      %dma_start3A_55 = arith.constant 0 : i32
      %dma_start3A_56 = arith.constant 0 : i32
      %dma_start3A_57 = tpu.memref_slice %arg13[%dma_start3A_55, %dma_start3A_56] : memref<5120x128xf32, #tpu.memory_space<vmem_shared>> -> memref<5120x128xf32, #tpu.memory_space<vmem_shared>>
      tpu.enqueue_indirect_dma source(%arg10 : memref<80x128xf32, #tpu.memory_space<vmem>>) target(%dma_start3A_57 : memref<5120x128xf32, #tpu.memory_space<vmem_shared>>) offsets(%arg8 : memref<80xi32, #tpu.memory_space<vmem>>) semaphore(%arg15 : memref<!tpu.dma_semaphore, #tpu.memory_space<semaphore_mem>>) {add = true}
      %add3A_58 = arith.constant 1 : i32
      %add3A_59 = arith.addi %add3A_29, %add3A_58 : i32
      %scan3A_60 = arith.constant 0 : i32
      %scan3A_61 = arith.constant 5 : i32
      %scan3A_62 = arith.addi %scan3A_60, %scan3A_61 : i32
      %scan3A_63 = arith.constant 1 : i32
      scf.for %scan3A_78 = %scan3A_60 to %scan3A_62 step %scan3A_63  : i32 {
        %mul3A_79 = arith.constant 1 : i32
        %mul3A_80 = arith.muli %scan3A_78, %mul3A_79 : i32
        %add3A_81 = arith.constant 0 : i32
        %add3A_82 = arith.addi %add3A_81, %mul3A_80 : i32
        %mul3A_83 = arith.constant 80 : i32
        %mul3A_84 = arith.muli %add3A_59, %mul3A_83 : i32
        %mul3A_85 = arith.constant 16 : i32
        %mul3A_86 = arith.muli %add3A_82, %mul3A_85 : i32
        %add3A_87 = arith.addi %mul3A_84, %mul3A_86 : i32
        %get3A = arith.index_cast %add3A_87 : i32 to index
        %get3A_88 = tpu.vector_load %arg7[%get3A] {strides = array<i32>} : memref<20000xi32, #tpu.memory_space<vmem>>, vector<16xi32>,
        %get3A_89 = vector.shape_cast %get3A_88 : vector<16xi32> to vector<16xi32>
        %sub3A = vector.broadcast %mul3A_0 : i32 to vector<16xi32>
        %sub3A_90 = arith.subi %get3A_89, %sub3A : vector<16xi32>
        %ge3A = arith.constant 0 : i32
        %ge3A_91 = vector.broadcast %ge3A : i32 to vector<16xi32>
        %ge3A_92 = arith.cmpi sge, %sub3A_90, %ge3A_91 : vector<16xi32>
        %lt3A_93 = arith.constant 5056 : i32
        %lt3A_94 = vector.broadcast %lt3A_93 : i32 to vector<16xi32>
        %lt3A_95 = arith.cmpi slt, %sub3A_90, %lt3A_94 : vector<16xi32>
        %and3A = arith.andi %ge3A_92, %lt3A_95 : vector<16xi1>
        %jit3A = arith.constant 5056 : i32
        %broadcast_in_dim3A = vector.broadcast %jit3A : i32 to vector<16xi32>
        %select_n3A = arith.select %and3A, %sub3A_90, %broadcast_in_dim3A : vector<16xi1>, vector<16xi32>
        %mul3A_96 = arith.constant 16 : i32
        %mul3A_97 = arith.muli %add3A_82, %mul3A_96 : i32
        %swap3A = arith.index_cast %mul3A_97 : i32 to index
        %swap3A_98 = tpu.vector_load %arg9[%swap3A] {strides = array<i32>} : memref<80xi32, #tpu.memory_space<vmem>>, vector<16xi32>,
        %swap3A_99 = vector.shape_cast %swap3A_98 : vector<16xi32> to vector<16xi32>
        %swap3A_100 = vector.shape_cast %select_n3A : vector<16xi32> to vector<16xi32>
        tpu.vector_store %arg9[%swap3A], %swap3A_100 {strides = array<i32>} : memref<80xi32, #tpu.memory_space<vmem>>, vector<16xi32>,
      }
      %scan3A_64 = arith.constant 5 : i32
      %dma_wait3A_65 = tpu.memref_slice %arg6[%mul3A_40] : memref<20000xi32, #tpu.memory_space<vmem>> -> memref<80xi32, #tpu.memory_space<vmem>>
      %dma_wait3A_66 = arith.constant 0 : i32
      %dma_wait3A_67 = arith.constant 0 : i32
      %dma_wait3A_68 = tpu.memref_slice %arg2[%dma_wait3A_66, %dma_wait3A_67] : memref<10000x128xf32, #tpu.memory_space<hbm>> -> memref<10000x128xf32, #tpu.memory_space<hbm>>
      tpu.wait_indirect_dma semaphore(%arg14 : memref<!tpu.dma_semaphore, #tpu.memory_space<semaphore_mem>>) src(%dma_wait3A_68 : memref<10000x128xf32, #tpu.memory_space<hbm>>) dst(%arg11 : memref<80x128xf32, #tpu.memory_space<vmem>>)
      %dma_start3A_69 = arith.constant 0 : i32
      %dma_start3A_70 = arith.constant 0 : i32
      %dma_start3A_71 = tpu.memref_slice %arg13[%dma_start3A_69, %dma_start3A_70] : memref<5120x128xf32, #tpu.memory_space<vmem_shared>> -> memref<5120x128xf32, #tpu.memory_space<vmem_shared>>
      tpu.enqueue_indirect_dma source(%arg11 : memref<80x128xf32, #tpu.memory_space<vmem>>) target(%dma_start3A_71 : memref<5120x128xf32, #tpu.memory_space<vmem_shared>>) offsets(%arg9 : memref<80xi32, #tpu.memory_space<vmem>>) semaphore(%arg15 : memref<!tpu.dma_semaphore, #tpu.memory_space<semaphore_mem>>) {add = true}
      %dma_wait3A_72 = arith.constant 0 : i32
      %dma_wait3A_73 = arith.constant 0 : i32
      %dma_wait3A_74 = tpu.memref_slice %arg13[%dma_wait3A_72, %dma_wait3A_73] : memref<5120x128xf32, #tpu.memory_space<vmem_shared>> -> memref<5120x128xf32, #tpu.memory_space<vmem_shared>>
      tpu.wait_indirect_dma semaphore(%arg15 : memref<!tpu.dma_semaphore, #tpu.memory_space<semaphore_mem>>) src(%arg10 : memref<80x128xf32, #tpu.memory_space<vmem>>) dst(%dma_wait3A_74 : memref<5120x128xf32, #tpu.memory_space<vmem_shared>>)
      %dma_wait3A_75 = arith.constant 0 : i32
      %dma_wait3A_76 = arith.constant 0 : i32
      %dma_wait3A_77 = tpu.memref_slice %arg13[%dma_wait3A_75, %dma_wait3A_76] : memref<5120x128xf32, #tpu.memory_space<vmem_shared>> -> memref<5120x128xf32, #tpu.memory_space<vmem_shared>>
      tpu.wait_indirect_dma semaphore(%arg15 : memref<!tpu.dma_semaphore, #tpu.memory_space<semaphore_mem>>) src(%arg11 : memref<80x128xf32, #tpu.memory_space<vmem>>) dst(%dma_wait3A_77 : memref<5120x128xf32, #tpu.memory_space<vmem_shared>>)
    }
    %scan3A_18 = arith.constant 125 : i32
    %barrier3A_19 = arith.constant 0 : index
    tpu.barrier barrier_id(%barrier3A_19)
    %lt3A = arith.constant 15 : i32
    %lt3A_20 = arith.cmpi slt, %arg1, %lt3A : i32
    %convert_element_type3A = arith.extui %lt3A_20 : i1 to i32
    %cond3A = arith.constant 0 : i32
    %cond3A_21 = arith.cmpi ne, %convert_element_type3A, %cond3A : i32
    scf.if %cond3A_21 {
      %mul3A_26 = arith.constant 320 : i32
      %mul3A_27 = arith.muli %arg1, %mul3A_26 : i32
      %mul3A_28 = arith.constant 320 : i32
      %mul3A_29 = arith.muli %arg1, %mul3A_28 : i32
      %add3A = arith.addi %mul3A_0, %mul3A_29 : i32
      "tpu.region"() ({
        %run_scoped3A = tpu.sem_alloc : memref<!tpu.dma_semaphore, #tpu.memory_space<semaphore_mem>>
        %dma_start3A = arith.constant 0 : i32
        %dma_start3A_30 = tpu.memref_slice %arg5[%add3A, %dma_start3A] : memref<10112x128xf32, #tpu.memory_space<hbm>> -> memref<320x128xf32, #tpu.memory_space<hbm>>
        %dma_start3A_31 = arith.constant 0 : i32
        %dma_start3A_32 = tpu.memref_slice %arg13[%mul3A_27, %dma_start3A_31] : memref<5120x128xf32, #tpu.memory_space<vmem_shared>> -> memref<320x128xf32, #tpu.memory_space<vmem_shared>>
        tpu.enqueue_dma source(%dma_start3A_32 : memref<320x128xf32, #tpu.memory_space<vmem_shared>>) target(%dma_start3A_30 : memref<320x128xf32, #tpu.memory_space<hbm>>) target_semaphore(%run_scoped3A : memref<!tpu.dma_semaphore, #tpu.memory_space<semaphore_mem>>)
        %dma_wait3A = arith.constant 0 : i32
        %dma_wait3A_33 = tpu.memref_slice %arg5[%add3A, %dma_wait3A] : memref<10112x128xf32, #tpu.memory_space<hbm>> -> memref<320x128xf32, #tpu.memory_space<hbm>>
        %dma_wait3A_34 = arith.constant 0 : i32
        %dma_wait3A_35 = tpu.memref_slice %arg13[%mul3A_27, %dma_wait3A_34] : memref<5120x128xf32, #tpu.memory_space<vmem_shared>> -> memref<320x128xf32, #tpu.memory_space<vmem_shared>>
        tpu.wait_dma2 semaphore(%run_scoped3A : memref<!tpu.dma_semaphore, #tpu.memory_space<semaphore_mem>>) src(%dma_wait3A_35 : memref<320x128xf32, #tpu.memory_space<vmem_shared>>) dst(%dma_wait3A_33 : memref<320x128xf32, #tpu.memory_space<hbm>>)
        tpu.yield
      }) : () -> ()
    } else {
    }
    %eq3A = arith.constant 15 : i32
    %eq3A_22 = arith.cmpi eq, %arg1, %eq3A : i32
    %convert_element_type3A_23 = arith.extui %eq3A_22 : i1 to i32
    %cond3A_24 = arith.constant 0 : i32
    %cond3A_25 = arith.cmpi ne, %convert_element_type3A_23, %cond3A_24 : i32
    scf.if %cond3A_25 {
      %add3A = arith.constant 4800 : i32
      %add3A_26 = arith.addi %mul3A_0, %add3A : i32
      "tpu.region"() ({
        %run_scoped3A = tpu.sem_alloc : memref<!tpu.dma_semaphore, #tpu.memory_space<semaphore_mem>>
        %dma_start3A = arith.constant 0 : i32
        %dma_start3A_27 = tpu.memref_slice %arg5[%add3A_26, %dma_start3A] : memref<10112x128xf32, #tpu.memory_space<hbm>> -> memref<256x128xf32, #tpu.memory_space<hbm>>
        %dma_start3A_28 = arith.constant 4800 : i32
        %dma_start3A_29 = arith.constant 0 : i32
        %dma_start3A_30 = tpu.memref_slice %arg13[%dma_start3A_28, %dma_start3A_29] : memref<5120x128xf32, #tpu.memory_space<vmem_shared>> -> memref<256x128xf32, #tpu.memory_space<vmem_shared>>
        tpu.enqueue_dma source(%dma_start3A_30 : memref<256x128xf32, #tpu.memory_space<vmem_shared>>) target(%dma_start3A_27 : memref<256x128xf32, #tpu.memory_space<hbm>>) target_semaphore(%run_scoped3A : memref<!tpu.dma_semaphore, #tpu.memory_space<semaphore_mem>>)
        %dma_wait3A = arith.constant 0 : i32
        %dma_wait3A_31 = tpu.memref_slice %arg5[%add3A_26, %dma_wait3A] : memref<10112x128xf32, #tpu.memory_space<hbm>> -> memref<256x128xf32, #tpu.memory_space<hbm>>
        %dma_wait3A_32 = arith.constant 4800 : i32
        %dma_wait3A_33 = arith.constant 0 : i32
        %dma_wait3A_34 = tpu.memref_slice %arg13[%dma_wait3A_32, %dma_wait3A_33] : memref<5120x128xf32, #tpu.memory_space<vmem_shared>> -> memref<256x128xf32, #tpu.memory_space<vmem_shared>>
        tpu.wait_dma2 semaphore(%run_scoped3A : memref<!tpu.dma_semaphore, #tpu.memory_space<semaphore_mem>>) src(%dma_wait3A_34 : memref<256x128xf32, #tpu.memory_space<vmem_shared>>) dst(%dma_wait3A_31 : memref<256x128xf32, #tpu.memory_space<hbm>>)
        tpu.yield
      }) : () -> ()
    } else {
    }
    return
  }
}

#map = affine_map<(d0, d1) -> (0, 0)>
#map1 = affine_map<(d0, d1) -> (0)>
module attributes {stable_mosaic.version = 14 : i64} {
  func.func @k(%arg0: i32, %arg1: i32, %arg2: memref<10000x128xf32, #tpu.memory_space<hbm>>, %arg3: memref<320000xi32, #tpu.memory_space<hbm>>, %arg4: memref<320000xi32, #tpu.memory_space<hbm>>, %arg5: memref<10112x128xf32, #tpu.memory_space<hbm>>, %arg6: memref<20000xi32, #tpu.memory_space<vmem>>, %arg7: memref<20000xi32, #tpu.memory_space<vmem>>, %arg8: memref<80xi32, #tpu.memory_space<vmem>>, %arg9: memref<80xi32, #tpu.memory_space<vmem>>, %arg10: memref<80x128xf32, #tpu.memory_space<vmem>>, %arg11: memref<80x128xf32, #tpu.memory_space<vmem>>, %arg12: memref<80x128xf32, #tpu.memory_space<vmem>>, %arg13: memref<5120x128xf32, #tpu.memory_space<vmem_shared>>, %arg14: memref<!tpu.dma_semaphore, #tpu.memory_space<semaphore_mem>>, %arg15: memref<!tpu.dma_semaphore, #tpu.memory_space<semaphore_mem>>) attributes {dimension_semantics = [#tpu.dimension_semantics<core_parallel>, #tpu.dimension_semantics<subcore_parallel>], iteration_bounds = array<i64: 2, 16>, scalar_prefetch = 0 : i64, scratch_operands = 10 : i64, tpu.core_type = #tpu.core_type<sc_vector_subcore>, window_params = [{transform_indices = #map}, {transform_indices = #map1}, {transform_indices = #map1}, {transform_indices = #map}]} {
    %mul3A = arith.constant 5056 : i32
    %mul3A_0 = arith.muli %arg0, %mul3A : i32
    %scan3A = arith.constant 0 : i32
    %scan3A_1 = arith.constant 80 : i32
    %scan3A_2 = arith.addi %scan3A, %scan3A_1 : i32
    %scan3A_3 = arith.constant 1 : i32
    scf.for %scan3A_26 = %scan3A to %scan3A_2 step %scan3A_3  : i32 {
      %mul3A_27 = arith.constant 1 : i32
      %mul3A_28 = arith.muli %scan3A_26, %mul3A_27 : i32
      %add3A = arith.constant 0 : i32
      %add3A_29 = arith.addi %add3A, %mul3A_28 : i32
      %scan3A_30 = arith.constant 0 : i32
      %scan3A_31 = arith.constant 8 : i32
      %scan3A_32 = arith.addi %scan3A_30, %scan3A_31 : i32
      %scan3A_33 = arith.constant 1 : i32
      scf.for %scan3A_35 = %scan3A_30 to %scan3A_32 step %scan3A_33  : i32 {
        %mul3A_36 = arith.constant 1 : i32
        %mul3A_37 = arith.muli %scan3A_35, %mul3A_36 : i32
        %add3A_38 = arith.constant 0 : i32
        %add3A_39 = arith.addi %add3A_38, %mul3A_37 : i32
        %broadcast_in_dim3A = arith.constant 0.000000e+00 : f32
        %broadcast_in_dim3A_40 = vector.broadcast %broadcast_in_dim3A : f32 to vector<16xf32>
        %mul3A_41 = arith.constant 16 : i32
        %mul3A_42 = arith.muli %add3A_39, %mul3A_41 : i32
        %swap3A = arith.index_cast %add3A_29 : i32 to index
        %swap3A_43 = arith.index_cast %mul3A_42 : i32 to index
        %swap3A_44 = tpu.vector_load %arg12[%swap3A, %swap3A_43] {strides = array<i32>} : memref<80x128xf32, #tpu.memory_space<vmem>>, vector<1x16xf32>,
        %swap3A_45 = vector.shape_cast %swap3A_44 : vector<1x16xf32> to vector<16xf32>
        %swap3A_46 = vector.shape_cast %broadcast_in_dim3A_40 : vector<16xf32> to vector<1x16xf32>
        tpu.vector_store %arg12[%swap3A, %swap3A_43], %swap3A_46 {strides = array<i32>} : memref<80x128xf32, #tpu.memory_space<vmem>>, vector<1x16xf32>,
      }
      %scan3A_34 = arith.constant 8 : i32
    }
    %scan3A_4 = arith.constant 80 : i32
    %scan3A_5 = arith.constant 0 : i32
    %scan3A_6 = arith.constant 4 : i32
    %scan3A_7 = arith.addi %scan3A_5, %scan3A_6 : i32
    %scan3A_8 = arith.constant 1 : i32
    scf.for %scan3A_26 = %scan3A_5 to %scan3A_7 step %scan3A_8  : i32 {
      %mul3A_27 = arith.constant 1 : i32
      %mul3A_28 = arith.muli %scan3A_26, %mul3A_27 : i32
      %add3A = arith.constant 0 : i32
      %add3A_29 = arith.addi %add3A, %mul3A_28 : i32
      %mul3A_30 = arith.constant 320 : i32
      %mul3A_31 = arith.muli %arg1, %mul3A_30 : i32
      %mul3A_32 = arith.constant 80 : i32
      %mul3A_33 = arith.muli %add3A_29, %mul3A_32 : i32
      %add3A_34 = arith.addi %mul3A_31, %mul3A_33 : i32
      "tpu.region"() ({
        %run_scoped3A = tpu.sem_alloc : memref<!tpu.dma_semaphore, #tpu.memory_space<semaphore_mem>>
        %dma_start3A = arith.constant 0 : i32
        %dma_start3A_35 = tpu.memref_slice %arg13[%add3A_34, %dma_start3A] : memref<5120x128xf32, #tpu.memory_space<vmem_shared>> -> memref<80x128xf32, #tpu.memory_space<vmem_shared>>
        %dma_start3A_36 = arith.constant 0 : i32
        %dma_start3A_37 = tpu.memref_slice %arg13[%add3A_34, %dma_start3A_36] : memref<5120x128xf32, #tpu.memory_space<vmem_shared>> -> memref<80x128xf32, #tpu.memory_space<vmem_shared>>
        tpu.enqueue_dma source(%arg12 : memref<80x128xf32, #tpu.memory_space<vmem>>) target(%dma_start3A_37 : memref<80x128xf32, #tpu.memory_space<vmem_shared>>) target_semaphore(%run_scoped3A : memref<!tpu.dma_semaphore, #tpu.memory_space<semaphore_mem>>)
        %dma_wait3A = arith.constant 0 : i32
        %dma_wait3A_38 = tpu.memref_slice %arg13[%add3A_34, %dma_wait3A] : memref<5120x128xf32, #tpu.memory_space<vmem_shared>> -> memref<80x128xf32, #tpu.memory_space<vmem_shared>>
        %dma_wait3A_39 = arith.constant 0 : i32
        %dma_wait3A_40 = tpu.memref_slice %arg13[%add3A_34, %dma_wait3A_39] : memref<5120x128xf32, #tpu.memory_space<vmem_shared>> -> memref<80x128xf32, #tpu.memory_space<vmem_shared>>
        tpu.wait_dma2 semaphore(%run_scoped3A : memref<!tpu.dma_semaphore, #tpu.memory_space<semaphore_mem>>) src(%arg12 : memref<80x128xf32, #tpu.memory_space<vmem>>) dst(%dma_wait3A_40 : memref<80x128xf32, #tpu.memory_space<vmem_shared>>)
        tpu.yield
      }) : () -> ()
    }
    %scan3A_9 = arith.constant 4 : i32
    %mul3A_10 = arith.constant 20000 : i32
    %mul3A_11 = arith.muli %arg1, %mul3A_10 : i32
    "tpu.region"() ({
      %run_scoped3A = tpu.sem_alloc : memref<!tpu.dma_semaphore, #tpu.memory_space<semaphore_mem>>
      %dma_start3A = tpu.memref_slice %arg3[%mul3A_11] : memref<320000xi32, #tpu.memory_space<hbm>> -> memref<20000xi32, #tpu.memory_space<hbm>>
      %dma_start3A_26 = tpu.memref_slice %arg3[%mul3A_11] : memref<320000xi32, #tpu.memory_space<hbm>> -> memref<20000xi32, #tpu.memory_space<hbm>>
      tpu.enqueue_dma source(%dma_start3A_26 : memref<20000xi32, #tpu.memory_space<hbm>>) target(%arg6 : memref<20000xi32, #tpu.memory_space<vmem>>) target_semaphore(%run_scoped3A : memref<!tpu.dma_semaphore, #tpu.memory_space<semaphore_mem>>)
      %dma_wait3A = tpu.memref_slice %arg3[%mul3A_11] : memref<320000xi32, #tpu.memory_space<hbm>> -> memref<20000xi32, #tpu.memory_space<hbm>>
      %dma_wait3A_27 = tpu.memref_slice %arg3[%mul3A_11] : memref<320000xi32, #tpu.memory_space<hbm>> -> memref<20000xi32, #tpu.memory_space<hbm>>
      tpu.wait_dma2 semaphore(%run_scoped3A : memref<!tpu.dma_semaphore, #tpu.memory_space<semaphore_mem>>) src(%dma_wait3A_27 : memref<20000xi32, #tpu.memory_space<hbm>>) dst(%arg6 : memref<20000xi32, #tpu.memory_space<vmem>>)
      tpu.yield
    }) : () -> ()
    %mul3A_12 = arith.constant 20000 : i32
    %mul3A_13 = arith.muli %arg1, %mul3A_12 : i32
    "tpu.region"() ({
      %run_scoped3A = tpu.sem_alloc : memref<!tpu.dma_semaphore, #tpu.memory_space<semaphore_mem>>
      %dma_start3A = tpu.memref_slice %arg4[%mul3A_13] : memref<320000xi32, #tpu.memory_space<hbm>> -> memref<20000xi32, #tpu.memory_space<hbm>>
      %dma_start3A_26 = tpu.memref_slice %arg4[%mul3A_13] : memref<320000xi32, #tpu.memory_space<hbm>> -> memref<20000xi32, #tpu.memory_space<hbm>>
      tpu.enqueue_dma source(%dma_start3A_26 : memref<20000xi32, #tpu.memory_space<hbm>>) target(%arg7 : memref<20000xi32, #tpu.memory_space<vmem>>) target_semaphore(%run_scoped3A : memref<!tpu.dma_semaphore, #tpu.memory_space<semaphore_mem>>)
      %dma_wait3A = tpu.memref_slice %arg4[%mul3A_13] : memref<320000xi32, #tpu.memory_space<hbm>> -> memref<20000xi32, #tpu.memory_space<hbm>>
      %dma_wait3A_27 = tpu.memref_slice %arg4[%mul3A_13] : memref<320000xi32, #tpu.memory_space<hbm>> -> memref<20000xi32, #tpu.memory_space<hbm>>
      tpu.wait_dma2 semaphore(%run_scoped3A : memref<!tpu.dma_semaphore, #tpu.memory_space<semaphore_mem>>) src(%dma_wait3A_27 : memref<20000xi32, #tpu.memory_space<hbm>>) dst(%arg7 : memref<20000xi32, #tpu.memory_space<vmem>>)
      tpu.yield
    }) : () -> ()
    %barrier3A = arith.constant 0 : index
    tpu.barrier barrier_id(%barrier3A)
    %scan3A_14 = arith.constant 0 : i32
    %scan3A_15 = arith.constant 125 : i32
    %scan3A_16 = arith.addi %scan3A_14, %scan3A_15 : i32
    %scan3A_17 = arith.constant 1 : i32
    scf.for %scan3A_26 = %scan3A_14 to %scan3A_16 step %scan3A_17  : i32 {
      %mul3A_27 = arith.constant 2 : i32
      %mul3A_28 = arith.muli %scan3A_26, %mul3A_27 : i32
      %add3A = arith.constant 0 : i32
      %add3A_29 = arith.addi %add3A, %mul3A_28 : i32
      %add3A_30 = arith.constant 0 : i32
      %add3A_31 = arith.addi %add3A_29, %add3A_30 : i32
      %mul3A_32 = arith.constant 80 : i32
      %mul3A_33 = arith.muli %add3A_31, %mul3A_32 : i32
      %dma_start3A = tpu.memref_slice %arg6[%mul3A_33] : memref<20000xi32, #tpu.memory_space<vmem>> -> memref<80xi32, #tpu.memory_space<vmem>>
      %dma_start3A_34 = arith.constant 0 : i32
      %dma_start3A_35 = arith.constant 0 : i32
      %dma_start3A_36 = tpu.memref_slice %arg2[%dma_start3A_34, %dma_start3A_35] : memref<10000x128xf32, #tpu.memory_space<hbm>> -> memref<10000x128xf32, #tpu.memory_space<hbm>>
      tpu.enqueue_indirect_dma source(%dma_start3A_36 : memref<10000x128xf32, #tpu.memory_space<hbm>>) target(%arg10 : memref<80x128xf32, #tpu.memory_space<vmem>>) offsets(%dma_start3A : memref<80xi32, #tpu.memory_space<vmem>>) semaphore(%arg14 : memref<!tpu.dma_semaphore, #tpu.memory_space<semaphore_mem>>)
      %add3A_37 = arith.constant 1 : i32
      %add3A_38 = arith.addi %add3A_29, %add3A_37 : i32
      %mul3A_39 = arith.constant 80 : i32
      %mul3A_40 = arith.muli %add3A_38, %mul3A_39 : i32
      %dma_start3A_41 = tpu.memref_slice %arg6[%mul3A_40] : memref<20000xi32, #tpu.memory_space<vmem>> -> memref<80xi32, #tpu.memory_space<vmem>>
      %dma_start3A_42 = arith.constant 0 : i32
      %dma_start3A_43 = arith.constant 0 : i32
      %dma_start3A_44 = tpu.memref_slice %arg2[%dma_start3A_42, %dma_start3A_43] : memref<10000x128xf32, #tpu.memory_space<hbm>> -> memref<10000x128xf32, #tpu.memory_space<hbm>>
      tpu.enqueue_indirect_dma source(%dma_start3A_44 : memref<10000x128xf32, #tpu.memory_space<hbm>>) target(%arg11 : memref<80x128xf32, #tpu.memory_space<vmem>>) offsets(%dma_start3A_41 : memref<80xi32, #tpu.memory_space<vmem>>) semaphore(%arg14 : memref<!tpu.dma_semaphore, #tpu.memory_space<semaphore_mem>>)
      %add3A_45 = arith.constant 0 : i32
      %add3A_46 = arith.addi %add3A_29, %add3A_45 : i32
      %scan3A_47 = arith.constant 0 : i32
      %scan3A_48 = arith.constant 5 : i32
      %scan3A_49 = arith.addi %scan3A_47, %scan3A_48 : i32
      %scan3A_50 = arith.constant 1 : i32
      scf.for %scan3A_78 = %scan3A_47 to %scan3A_49 step %scan3A_50  : i32 {
        %mul3A_79 = arith.constant 1 : i32
        %mul3A_80 = arith.muli %scan3A_78, %mul3A_79 : i32
        %add3A_81 = arith.constant 0 : i32
        %add3A_82 = arith.addi %add3A_81, %mul3A_80 : i32
        %mul3A_83 = arith.constant 80 : i32
        %mul3A_84 = arith.muli %add3A_46, %mul3A_83 : i32
        %mul3A_85 = arith.constant 16 : i32
        %mul3A_86 = arith.muli %add3A_82, %mul3A_85 : i32
        %add3A_87 = arith.addi %mul3A_84, %mul3A_86 : i32
        %get3A = arith.index_cast %add3A_87 : i32 to index
        %get3A_88 = tpu.vector_load %arg7[%get3A] {strides = array<i32>} : memref<20000xi32, #tpu.memory_space<vmem>>, vector<16xi32>,
        %get3A_89 = vector.shape_cast %get3A_88 : vector<16xi32> to vector<16xi32>
        %sub3A = vector.broadcast %mul3A_0 : i32 to vector<16xi32>
        %sub3A_90 = arith.subi %get3A_89, %sub3A : vector<16xi32>
        %ge3A = arith.constant 0 : i32
        %ge3A_91 = vector.broadcast %ge3A : i32 to vector<16xi32>
        %ge3A_92 = arith.cmpi sge, %sub3A_90, %ge3A_91 : vector<16xi32>
        %lt3A_93 = arith.constant 5056 : i32
        %lt3A_94 = vector.broadcast %lt3A_93 : i32 to vector<16xi32>
        %lt3A_95 = arith.cmpi slt, %sub3A_90, %lt3A_94 : vector<16xi32>
        %and3A = arith.andi %ge3A_92, %lt3A_95 : vector<16xi1>
        %jit3A = arith.constant 5056 : i32
        %broadcast_in_dim3A = vector.broadcast %jit3A : i32 to vector<16xi32>
        %select_n3A = arith.select %and3A, %sub3A_90, %broadcast_in_dim3A : vector<16xi1>, vector<16xi32>
        %mul3A_96 = arith.constant 16 : i32
        %mul3A_97 = arith.muli %add3A_82, %mul3A_96 : i32
        %swap3A = arith.index_cast %mul3A_97 : i32 to index
        %swap3A_98 = tpu.vector_load %arg8[%swap3A] {strides = array<i32>} : memref<80xi32, #tpu.memory_space<vmem>>, vector<16xi32>,
        %swap3A_99 = vector.shape_cast %swap3A_98 : vector<16xi32> to vector<16xi32>
        %swap3A_100 = vector.shape_cast %select_n3A : vector<16xi32> to vector<16xi32>
        tpu.vector_store %arg8[%swap3A], %swap3A_100 {strides = array<i32>} : memref<80xi32, #tpu.memory_space<vmem>>, vector<16xi32>,
      }
      %scan3A_51 = arith.constant 5 : i32
      %dma_wait3A = tpu.memref_slice %arg6[%mul3A_33] : memref<20000xi32, #tpu.memory_space<vmem>> -> memref<80xi32, #tpu.memory_space<vmem>>
      %dma_wait3A_52 = arith.constant 0 : i32
      %dma_wait3A_53 = arith.constant 0 : i32
      %dma_wait3A_54 = tpu.memref_slice %arg2[%dma_wait3A_52, %dma_wait3A_53] : memref<10000x128xf32, #tpu.memory_space<hbm>> -> memref<10000x128xf32, #tpu.memory_space<hbm>>
      tpu.wait_indirect_dma semaphore(%arg14 : memref<!tpu.dma_semaphore, #tpu.memory_space<semaphore_mem>>) src(%dma_wait3A_54 : memref<10000x128xf32, #tpu.memory_space<hbm>>) dst(%arg10 : memref<80x128xf32, #tpu.memory_space<vmem>>)
      %dma_start3A_55 = arith.constant 0 : i32
      %dma_start3A_56 = arith.constant 0 : i32
      %dma_start3A_57 = tpu.memref_slice %arg13[%dma_start3A_55, %dma_start3A_56] : memref<5120x128xf32, #tpu.memory_space<vmem_shared>> -> memref<5120x128xf32, #tpu.memory_space<vmem_shared>>
      tpu.enqueue_indirect_dma source(%arg10 : memref<80x128xf32, #tpu.memory_space<vmem>>) target(%dma_start3A_57 : memref<5120x128xf32, #tpu.memory_space<vmem_shared>>) offsets(%arg8 : memref<80xi32, #tpu.memory_space<vmem>>) semaphore(%arg15 : memref<!tpu.dma_semaphore, #tpu.memory_space<semaphore_mem>>) {add = true}
      %add3A_58 = arith.constant 1 : i32
      %add3A_59 = arith.addi %add3A_29, %add3A_58 : i32
      %scan3A_60 = arith.constant 0 : i32
      %scan3A_61 = arith.constant 5 : i32
      %scan3A_62 = arith.addi %scan3A_60, %scan3A_61 : i32
      %scan3A_63 = arith.constant 1 : i32
      scf.for %scan3A_78 = %scan3A_60 to %scan3A_62 step %scan3A_63  : i32 {
        %mul3A_79 = arith.constant 1 : i32
        %mul3A_80 = arith.muli %scan3A_78, %mul3A_79 : i32
        %add3A_81 = arith.constant 0 : i32
        %add3A_82 = arith.addi %add3A_81, %mul3A_80 : i32
        %mul3A_83 = arith.constant 80 : i32
        %mul3A_84 = arith.muli %add3A_59, %mul3A_83 : i32
        %mul3A_85 = arith.constant 16 : i32
        %mul3A_86 = arith.muli %add3A_82, %mul3A_85 : i32
        %add3A_87 = arith.addi %mul3A_84, %mul3A_86 : i32
        %get3A = arith.index_cast %add3A_87 : i32 to index
        %get3A_88 = tpu.vector_load %arg7[%get3A] {strides = array<i32>} : memref<20000xi32, #tpu.memory_space<vmem>>, vector<16xi32>,
        %get3A_89 = vector.shape_cast %get3A_88 : vector<16xi32> to vector<16xi32>
        %sub3A = vector.broadcast %mul3A_0 : i32 to vector<16xi32>
        %sub3A_90 = arith.subi %get3A_89, %sub3A : vector<16xi32>
        %ge3A = arith.constant 0 : i32
        %ge3A_91 = vector.broadcast %ge3A : i32 to vector<16xi32>
        %ge3A_92 = arith.cmpi sge, %sub3A_90, %ge3A_91 : vector<16xi32>
        %lt3A_93 = arith.constant 5056 : i32
        %lt3A_94 = vector.broadcast %lt3A_93 : i32 to vector<16xi32>
        %lt3A_95 = arith.cmpi slt, %sub3A_90, %lt3A_94 : vector<16xi32>
        %and3A = arith.andi %ge3A_92, %lt3A_95 : vector<16xi1>
        %jit3A = arith.constant 5056 : i32
        %broadcast_in_dim3A = vector.broadcast %jit3A : i32 to vector<16xi32>
        %select_n3A = arith.select %and3A, %sub3A_90, %broadcast_in_dim3A : vector<16xi1>, vector<16xi32>
        %mul3A_96 = arith.constant 16 : i32
        %mul3A_97 = arith.muli %add3A_82, %mul3A_96 : i32
        %swap3A = arith.index_cast %mul3A_97 : i32 to index
        %swap3A_98 = tpu.vector_load %arg9[%swap3A] {strides = array<i32>} : memref<80xi32, #tpu.memory_space<vmem>>, vector<16xi32>,
        %swap3A_99 = vector.shape_cast %swap3A_98 : vector<16xi32> to vector<16xi32>
        %swap3A_100 = vector.shape_cast %select_n3A : vector<16xi32> to vector<16xi32>
        tpu.vector_store %arg9[%swap3A], %swap3A_100 {strides = array<i32>} : memref<80xi32, #tpu.memory_space<vmem>>, vector<16xi32>,
      }
      %scan3A_64 = arith.constant 5 : i32
      %dma_wait3A_65 = tpu.memref_slice %arg6[%mul3A_40] : memref<20000xi32, #tpu.memory_space<vmem>> -> memref<80xi32, #tpu.memory_space<vmem>>
      %dma_wait3A_66 = arith.constant 0 : i32
      %dma_wait3A_67 = arith.constant 0 : i32
      %dma_wait3A_68 = tpu.memref_slice %arg2[%dma_wait3A_66, %dma_wait3A_67] : memref<10000x128xf32, #tpu.memory_space<hbm>> -> memref<10000x128xf32, #tpu.memory_space<hbm>>
      tpu.wait_indirect_dma semaphore(%arg14 : memref<!tpu.dma_semaphore, #tpu.memory_space<semaphore_mem>>) src(%dma_wait3A_68 : memref<10000x128xf32, #tpu.memory_space<hbm>>) dst(%arg11 : memref<80x128xf32, #tpu.memory_space<vmem>>)
      %dma_start3A_69 = arith.constant 0 : i32
      %dma_start3A_70 = arith.constant 0 : i32
      %dma_start3A_71 = tpu.memref_slice %arg13[%dma_start3A_69, %dma_start3A_70] : memref<5120x128xf32, #tpu.memory_space<vmem_shared>> -> memref<5120x128xf32, #tpu.memory_space<vmem_shared>>
      tpu.enqueue_indirect_dma source(%arg11 : memref<80x128xf32, #tpu.memory_space<vmem>>) target(%dma_start3A_71 : memref<5120x128xf32, #tpu.memory_space<vmem_shared>>) offsets(%arg9 : memref<80xi32, #tpu.memory_space<vmem>>) semaphore(%arg15 : memref<!tpu.dma_semaphore, #tpu.memory_space<semaphore_mem>>) {add = true}
      %dma_wait3A_72 = arith.constant 0 : i32
      %dma_wait3A_73 = arith.constant 0 : i32
      %dma_wait3A_74 = tpu.memref_slice %arg13[%dma_wait3A_72, %dma_wait3A_73] : memref<5120x128xf32, #tpu.memory_space<vmem_shared>> -> memref<5120x128xf32, #tpu.memory_space<vmem_shared>>
      tpu.wait_indirect_dma semaphore(%arg15 : memref<!tpu.dma_semaphore, #tpu.memory_space<semaphore_mem>>) src(%arg10 : memref<80x128xf32, #tpu.memory_space<vmem>>) dst(%dma_wait3A_74 : memref<5120x128xf32, #tpu.memory_space<vmem_shared>>)
      %dma_wait3A_75 = arith.constant 0 : i32
      %dma_wait3A_76 = arith.constant 0 : i32
      %dma_wait3A_77 = tpu.memref_slice %arg13[%dma_wait3A_75, %dma_wait3A_76] : memref<5120x128xf32, #tpu.memory_space<vmem_shared>> -> memref<5120x128xf32, #tpu.memory_space<vmem_shared>>
      tpu.wait_indirect_dma semaphore(%arg15 : memref<!tpu.dma_semaphore, #tpu.memory_space<semaphore_mem>>) src(%arg11 : memref<80x128xf32, #tpu.memory_space<vmem>>) dst(%dma_wait3A_77 : memref<5120x128xf32, #tpu.memory_space<vmem_shared>>)
    }
    %scan3A_18 = arith.constant 125 : i32
    %barrier3A_19 = arith.constant 0 : index
    tpu.barrier barrier_id(%barrier3A_19)
    %lt3A = arith.constant 15 : i32
    %lt3A_20 = arith.cmpi slt, %arg1, %lt3A : i32
    %convert_element_type3A = arith.extui %lt3A_20 : i1 to i32
    %cond3A = arith.constant 0 : i32
    %cond3A_21 = arith.cmpi ne, %convert_element_type3A, %cond3A : i32
    scf.if %cond3A_21 {
      %mul3A_26 = arith.constant 320 : i32
      %mul3A_27 = arith.muli %arg1, %mul3A_26 : i32
      %mul3A_28 = arith.constant 320 : i32
      %mul3A_29 = arith.muli %arg1, %mul3A_28 : i32
      %add3A = arith.addi %mul3A_0, %mul3A_29 : i32
      "tpu.region"() ({
        %run_scoped3A = tpu.sem_alloc : memref<!tpu.dma_semaphore, #tpu.memory_space<semaphore_mem>>
        %dma_start3A = arith.constant 0 : i32
        %dma_start3A_30 = tpu.memref_slice %arg5[%add3A, %dma_start3A] : memref<10112x128xf32, #tpu.memory_space<hbm>> -> memref<320x128xf32, #tpu.memory_space<hbm>>
        %dma_start3A_31 = arith.constant 0 : i32
        %dma_start3A_32 = tpu.memref_slice %arg13[%mul3A_27, %dma_start3A_31] : memref<5120x128xf32, #tpu.memory_space<vmem_shared>> -> memref<320x128xf32, #tpu.memory_space<vmem_shared>>
        tpu.enqueue_dma source(%dma_start3A_32 : memref<320x128xf32, #tpu.memory_space<vmem_shared>>) target(%dma_start3A_30 : memref<320x128xf32, #tpu.memory_space<hbm>>) target_semaphore(%run_scoped3A : memref<!tpu.dma_semaphore, #tpu.memory_space<semaphore_mem>>)
        %dma_wait3A = arith.constant 0 : i32
        %dma_wait3A_33 = tpu.memref_slice %arg5[%add3A, %dma_wait3A] : memref<10112x128xf32, #tpu.memory_space<hbm>> -> memref<320x128xf32, #tpu.memory_space<hbm>>
        %dma_wait3A_34 = arith.constant 0 : i32
        %dma_wait3A_35 = tpu.memref_slice %arg13[%mul3A_27, %dma_wait3A_34] : memref<5120x128xf32, #tpu.memory_space<vmem_shared>> -> memref<320x128xf32, #tpu.memory_space<vmem_shared>>
        tpu.wait_dma2 semaphore(%run_scoped3A : memref<!tpu.dma_semaphore, #tpu.memory_space<semaphore_mem>>) src(%dma_wait3A_35 : memref<320x128xf32, #tpu.memory_space<vmem_shared>>) dst(%dma_wait3A_33 : memref<320x128xf32, #tpu.memory_space<hbm>>)
        tpu.yield
      }) : () -> ()
    } else {
    }
    %eq3A = arith.constant 15 : i32
    %eq3A_22 = arith.cmpi eq, %arg1, %eq3A : i32
    %convert_element_type3A_23 = arith.extui %eq3A_22 : i1 to i32
    %cond3A_24 = arith.constant 0 : i32
    %cond3A_25 = arith.cmpi ne, %convert_element_type3A_23, %cond3A_24 : i32
    scf.if %cond3A_25 {
      %add3A = arith.constant 4800 : i32
      %add3A_26 = arith.addi %mul3A_0, %add3A : i32
      "tpu.region"() ({
        %run_scoped3A = tpu.sem_alloc : memref<!tpu.dma_semaphore, #tpu.memory_space<semaphore_mem>>
        %dma_start3A = arith.constant 0 : i32
        %dma_start3A_27 = tpu.memref_slice %arg5[%add3A_26, %dma_start3A] : memref<10112x128xf32, #tpu.memory_space<hbm>> -> memref<256x128xf32, #tpu.memory_space<hbm>>
        %dma_start3A_28 = arith.constant 4800 : i32
        %dma_start3A_29 = arith.constant 0 : i32
        %dma_start3A_30 = tpu.memref_slice %arg13[%dma_start3A_28, %dma_start3A_29] : memref<5120x128xf32, #tpu.memory_space<vmem_shared>> -> memref<256x128xf32, #tpu.memory_space<vmem_shared>>
        tpu.enqueue_dma source(%dma_start3A_30 : memref<256x128xf32, #tpu.memory_space<vmem_shared>>) target(%dma_start3A_27 : memref<256x128xf32, #tpu.memory_space<hbm>>) target_semaphore(%run_scoped3A : memref<!tpu.dma_semaphore, #tpu.memory_space<semaphore_mem>>)
        %dma_wait3A = arith.constant 0 : i32
        %dma_wait3A_31 = tpu.memref_slice %arg5[%add3A_26, %dma_wait3A] : memref<10112x128xf32, #tpu.memory_space<hbm>> -> memref<256x128xf32, #tpu.memory_space<hbm>>
        %dma_wait3A_32 = arith.constant 4800 : i32
        %dma_wait3A_33 = arith.constant 0 : i32
        %dma_wait3A_34 = tpu.memref_slice %arg13[%dma_wait3A_32, %dma_wait3A_33] : memref<5120x128xf32, #tpu.memory_space<vmem_shared>> -> memref<256x128xf32, #tpu.memory_space<vmem_shared>>
        tpu.wait_dma2 semaphore(%run_scoped3A : memref<!tpu.dma_semaphore, #tpu.memory_space<semaphore_mem>>) src(%dma_wait3A_34 : memref<256x128xf32, #tpu.memory_space<vmem_shared>>) dst(%dma_wait3A_31 : memref<256x128xf32, #tpu.memory_space<hbm>>)
        tpu.yield
      }) : () -> ()
    } else {
    }
    return
  }
}

#map = affine_map<(d0, d1) -> (0, 0)>
#map1 = affine_map<(d0, d1) -> (0)>
module attributes {stable_mosaic.version = 14 : i64} {
  func.func @k(%arg0: i32, %arg1: i32, %arg2: memref<40192x128xf32, #tpu.memory_space<hbm>>, %arg3: memref<321536xi32, #tpu.memory_space<hbm>>, %arg4: memref<10112x128xf32, #tpu.memory_space<hbm>>, %arg5: memref<20096xi32, #tpu.memory_space<vmem>>, %arg6: memref<64xi32, #tpu.memory_space<vmem>>, %arg7: memref<64xi32, #tpu.memory_space<vmem>>, %arg8: memref<8x128xf32, #tpu.memory_space<vmem>>, %arg9: memref<8x128xf32, #tpu.memory_space<vmem>>, %arg10: memref<64x128xf32, #tpu.memory_space<vmem>>, %arg11: memref<64x128xf32, #tpu.memory_space<vmem>>, %arg12: memref<80x128xf32, #tpu.memory_space<vmem>>, %arg13: memref<5120x128xf32, #tpu.memory_space<vmem_shared>>, %arg14: memref<!tpu.dma_semaphore, #tpu.memory_space<semaphore_mem>>, %arg15: memref<!tpu.dma_semaphore, #tpu.memory_space<semaphore_mem>>) attributes {dimension_semantics = [#tpu.dimension_semantics<core_parallel>, #tpu.dimension_semantics<subcore_parallel>], iteration_bounds = array<i64: 2, 16>, scalar_prefetch = 0 : i64, scratch_operands = 11 : i64, tpu.core_type = #tpu.core_type<sc_vector_subcore>, window_params = [{transform_indices = #map}, {transform_indices = #map1}, {transform_indices = #map}]} {
    %mul3A = arith.constant 5056 : i32
    %mul3A_0 = arith.muli %arg0, %mul3A : i32
    %scan3A = arith.constant 0 : i32
    %scan3A_1 = arith.constant 80 : i32
    %scan3A_2 = arith.addi %scan3A, %scan3A_1 : i32
    %scan3A_3 = arith.constant 1 : i32
    scf.for %scan3A_49 = %scan3A to %scan3A_2 step %scan3A_3  : i32 {
      %mul3A_50 = arith.constant 1 : i32
      %mul3A_51 = arith.muli %scan3A_49, %mul3A_50 : i32
      %add3A = arith.constant 0 : i32
      %add3A_52 = arith.addi %add3A, %mul3A_51 : i32
      %scan3A_53 = arith.constant 0 : i32
      %scan3A_54 = arith.constant 8 : i32
      %scan3A_55 = arith.addi %scan3A_53, %scan3A_54 : i32
      %scan3A_56 = arith.constant 1 : i32
      scf.for %scan3A_58 = %scan3A_53 to %scan3A_55 step %scan3A_56  : i32 {
        %mul3A_59 = arith.constant 1 : i32
        %mul3A_60 = arith.muli %scan3A_58, %mul3A_59 : i32
        %add3A_61 = arith.constant 0 : i32
        %add3A_62 = arith.addi %add3A_61, %mul3A_60 : i32
        %broadcast_in_dim3A_63 = arith.constant 0.000000e+00 : f32
        %broadcast_in_dim3A_64 = vector.broadcast %broadcast_in_dim3A_63 : f32 to vector<16xf32>
        %mul3A_65 = arith.constant 16 : i32
        %mul3A_66 = arith.muli %add3A_62, %mul3A_65 : i32
        %swap3A = arith.index_cast %add3A_52 : i32 to index
        %swap3A_67 = arith.index_cast %mul3A_66 : i32 to index
        %swap3A_68 = tpu.vector_load %arg12[%swap3A, %swap3A_67] {strides = array<i32>} : memref<80x128xf32, #tpu.memory_space<vmem>>, vector<1x16xf32>,
        %swap3A_69 = vector.shape_cast %swap3A_68 : vector<1x16xf32> to vector<16xf32>
        %swap3A_70 = vector.shape_cast %broadcast_in_dim3A_64 : vector<16xf32> to vector<1x16xf32>
        tpu.vector_store %arg12[%swap3A, %swap3A_67], %swap3A_70 {strides = array<i32>} : memref<80x128xf32, #tpu.memory_space<vmem>>, vector<1x16xf32>,
      }
      %scan3A_57 = arith.constant 8 : i32
    }
    %scan3A_4 = arith.constant 80 : i32
    %scan3A_5 = arith.constant 0 : i32
    %scan3A_6 = arith.constant 4 : i32
    %scan3A_7 = arith.addi %scan3A_5, %scan3A_6 : i32
    %scan3A_8 = arith.constant 1 : i32
    scf.for %scan3A_49 = %scan3A_5 to %scan3A_7 step %scan3A_8  : i32 {
      %mul3A_50 = arith.constant 1 : i32
      %mul3A_51 = arith.muli %scan3A_49, %mul3A_50 : i32
      %add3A = arith.constant 0 : i32
      %add3A_52 = arith.addi %add3A, %mul3A_51 : i32
      %mul3A_53 = arith.constant 320 : i32
      %mul3A_54 = arith.muli %arg1, %mul3A_53 : i32
      %mul3A_55 = arith.constant 80 : i32
      %mul3A_56 = arith.muli %add3A_52, %mul3A_55 : i32
      %add3A_57 = arith.addi %mul3A_54, %mul3A_56 : i32
      "tpu.region"() ({
        %run_scoped3A = tpu.sem_alloc : memref<!tpu.dma_semaphore, #tpu.memory_space<semaphore_mem>>
        %dma_start3A = arith.constant 0 : i32
        %dma_start3A_58 = tpu.memref_slice %arg13[%add3A_57, %dma_start3A] : memref<5120x128xf32, #tpu.memory_space<vmem_shared>> -> memref<80x128xf32, #tpu.memory_space<vmem_shared>>
        %dma_start3A_59 = arith.constant 0 : i32
        %dma_start3A_60 = tpu.memref_slice %arg13[%add3A_57, %dma_start3A_59] : memref<5120x128xf32, #tpu.memory_space<vmem_shared>> -> memref<80x128xf32, #tpu.memory_space<vmem_shared>>
        tpu.enqueue_dma source(%arg12 : memref<80x128xf32, #tpu.memory_space<vmem>>) target(%dma_start3A_60 : memref<80x128xf32, #tpu.memory_space<vmem_shared>>) target_semaphore(%run_scoped3A : memref<!tpu.dma_semaphore, #tpu.memory_space<semaphore_mem>>)
        %dma_wait3A = arith.constant 0 : i32
        %dma_wait3A_61 = tpu.memref_slice %arg13[%add3A_57, %dma_wait3A] : memref<5120x128xf32, #tpu.memory_space<vmem_shared>> -> memref<80x128xf32, #tpu.memory_space<vmem_shared>>
        %dma_wait3A_62 = arith.constant 0 : i32
        %dma_wait3A_63 = tpu.memref_slice %arg13[%add3A_57, %dma_wait3A_62] : memref<5120x128xf32, #tpu.memory_space<vmem_shared>> -> memref<80x128xf32, #tpu.memory_space<vmem_shared>>
        tpu.wait_dma2 semaphore(%run_scoped3A : memref<!tpu.dma_semaphore, #tpu.memory_space<semaphore_mem>>) src(%arg12 : memref<80x128xf32, #tpu.memory_space<vmem>>) dst(%dma_wait3A_63 : memref<80x128xf32, #tpu.memory_space<vmem_shared>>)
        tpu.yield
      }) : () -> ()
    }
    %scan3A_9 = arith.constant 4 : i32
    %iota3A = tpu.iota {dimensions = array<i32: 0>} : vector<16xi32>
    %eq3A = arith.constant 0 : i32
    %eq3A_10 = vector.broadcast %eq3A : i32 to vector<16xi32>
    %eq3A_11 = arith.cmpi eq, %iota3A, %eq3A_10 : vector<16xi32>
    %jit3A = arith.constant 1.000000e+00 : f32
    %jit3A_12 = arith.constant 0.000000e+00 : f32
    %broadcast_in_dim3A = vector.broadcast %jit3A : f32 to vector<16xf32>
    %broadcast_in_dim3A_13 = vector.broadcast %jit3A_12 : f32 to vector<16xf32>
    %select_n3A = arith.select %eq3A_11, %broadcast_in_dim3A, %broadcast_in_dim3A_13 : vector<16xi1>, vector<16xf32>
    %scan3A_14 = arith.constant 0 : i32
    %scan3A_15 = arith.constant 64 : i32
    %scan3A_16 = arith.addi %scan3A_14, %scan3A_15 : i32
    %scan3A_17 = arith.constant 1 : i32
    scf.for %scan3A_49 = %scan3A_14 to %scan3A_16 step %scan3A_17  : i32 {
      %mul3A_50 = arith.constant 1 : i32
      %mul3A_51 = arith.muli %scan3A_49, %mul3A_50 : i32
      %add3A = arith.constant 0 : i32
      %add3A_52 = arith.addi %add3A, %mul3A_51 : i32
      %scan3A_53 = arith.constant 0 : i32
      %scan3A_54 = arith.constant 8 : i32
      %scan3A_55 = arith.addi %scan3A_53, %scan3A_54 : i32
      %scan3A_56 = arith.constant 1 : i32
      scf.for %scan3A_58 = %scan3A_53 to %scan3A_55 step %scan3A_56  : i32 {
        %mul3A_59 = arith.constant 1 : i32
        %mul3A_60 = arith.muli %scan3A_58, %mul3A_59 : i32
        %add3A_61 = arith.constant 0 : i32
        %add3A_62 = arith.addi %add3A_61, %mul3A_60 : i32
        %broadcast_in_dim3A_63 = arith.constant 0.000000e+00 : f32
        %broadcast_in_dim3A_64 = vector.broadcast %broadcast_in_dim3A_63 : f32 to vector<16xf32>
        %mul3A_65 = arith.constant 16 : i32
        %mul3A_66 = arith.muli %add3A_62, %mul3A_65 : i32
        %swap3A = arith.index_cast %add3A_52 : i32 to index
        %swap3A_67 = arith.index_cast %mul3A_66 : i32 to index
        %swap3A_68 = tpu.vector_load %arg10[%swap3A, %swap3A_67] {strides = array<i32>} : memref<64x128xf32, #tpu.memory_space<vmem>>, vector<1x16xf32>,
        %swap3A_69 = vector.shape_cast %swap3A_68 : vector<1x16xf32> to vector<16xf32>
        %swap3A_70 = vector.shape_cast %broadcast_in_dim3A_64 : vector<16xf32> to vector<1x16xf32>
        tpu.vector_store %arg10[%swap3A, %swap3A_67], %swap3A_70 {strides = array<i32>} : memref<64x128xf32, #tpu.memory_space<vmem>>, vector<1x16xf32>,
      }
      %scan3A_57 = arith.constant 8 : i32
    }
    %scan3A_18 = arith.constant 64 : i32
    %scan3A_19 = arith.constant 0 : i32
    %scan3A_20 = arith.constant 64 : i32
    %scan3A_21 = arith.addi %scan3A_19, %scan3A_20 : i32
    %scan3A_22 = arith.constant 1 : i32
    scf.for %scan3A_49 = %scan3A_19 to %scan3A_21 step %scan3A_22  : i32 {
      %mul3A_50 = arith.constant 1 : i32
      %mul3A_51 = arith.muli %scan3A_49, %mul3A_50 : i32
      %add3A = arith.constant 0 : i32
      %add3A_52 = arith.addi %add3A, %mul3A_51 : i32
      %swap3A = arith.index_cast %add3A_52 : i32 to index
      %swap3A_53 = arith.constant 16 : index
      %swap3A_54 = tpu.vector_load %arg10[%swap3A, %swap3A_53] {strides = array<i32>} : memref<64x128xf32, #tpu.memory_space<vmem>>, vector<1x16xf32>,
      %swap3A_55 = vector.shape_cast %swap3A_54 : vector<1x16xf32> to vector<16xf32>
      %swap3A_56 = vector.shape_cast %select_n3A : vector<16xf32> to vector<1x16xf32>
      tpu.vector_store %arg10[%swap3A, %swap3A_53], %swap3A_56 {strides = array<i32>} : memref<64x128xf32, #tpu.memory_space<vmem>>, vector<1x16xf32>,
    }
    %scan3A_23 = arith.constant 64 : i32
    %scan3A_24 = arith.constant 0 : i32
    %scan3A_25 = arith.constant 64 : i32
    %scan3A_26 = arith.addi %scan3A_24, %scan3A_25 : i32
    %scan3A_27 = arith.constant 1 : i32
    scf.for %scan3A_49 = %scan3A_24 to %scan3A_26 step %scan3A_27  : i32 {
      %mul3A_50 = arith.constant 1 : i32
      %mul3A_51 = arith.muli %scan3A_49, %mul3A_50 : i32
      %add3A = arith.constant 0 : i32
      %add3A_52 = arith.addi %add3A, %mul3A_51 : i32
      %scan3A_53 = arith.constant 0 : i32
      %scan3A_54 = arith.constant 8 : i32
      %scan3A_55 = arith.addi %scan3A_53, %scan3A_54 : i32
      %scan3A_56 = arith.constant 1 : i32
      scf.for %scan3A_58 = %scan3A_53 to %scan3A_55 step %scan3A_56  : i32 {
        %mul3A_59 = arith.constant 1 : i32
        %mul3A_60 = arith.muli %scan3A_58, %mul3A_59 : i32
        %add3A_61 = arith.constant 0 : i32
        %add3A_62 = arith.addi %add3A_61, %mul3A_60 : i32
        %broadcast_in_dim3A_63 = arith.constant 0.000000e+00 : f32
        %broadcast_in_dim3A_64 = vector.broadcast %broadcast_in_dim3A_63 : f32 to vector<16xf32>
        %mul3A_65 = arith.constant 16 : i32
        %mul3A_66 = arith.muli %add3A_62, %mul3A_65 : i32
        %swap3A = arith.index_cast %add3A_52 : i32 to index
        %swap3A_67 = arith.index_cast %mul3A_66 : i32 to index
        %swap3A_68 = tpu.vector_load %arg11[%swap3A, %swap3A_67] {strides = array<i32>} : memref<64x128xf32, #tpu.memory_space<vmem>>, vector<1x16xf32>,
        %swap3A_69 = vector.shape_cast %swap3A_68 : vector<1x16xf32> to vector<16xf32>
        %swap3A_70 = vector.shape_cast %broadcast_in_dim3A_64 : vector<16xf32> to vector<1x16xf32>
        tpu.vector_store %arg11[%swap3A, %swap3A_67], %swap3A_70 {strides = array<i32>} : memref<64x128xf32, #tpu.memory_space<vmem>>, vector<1x16xf32>,
      }
      %scan3A_57 = arith.constant 8 : i32
    }
    %scan3A_28 = arith.constant 64 : i32
    %scan3A_29 = arith.constant 0 : i32
    %scan3A_30 = arith.constant 64 : i32
    %scan3A_31 = arith.addi %scan3A_29, %scan3A_30 : i32
    %scan3A_32 = arith.constant 1 : i32
    scf.for %scan3A_49 = %scan3A_29 to %scan3A_31 step %scan3A_32  : i32 {
      %mul3A_50 = arith.constant 1 : i32
      %mul3A_51 = arith.muli %scan3A_49, %mul3A_50 : i32
      %add3A = arith.constant 0 : i32
      %add3A_52 = arith.addi %add3A, %mul3A_51 : i32
      %swap3A = arith.index_cast %add3A_52 : i32 to index
      %swap3A_53 = arith.constant 16 : index
      %swap3A_54 = tpu.vector_load %arg11[%swap3A, %swap3A_53] {strides = array<i32>} : memref<64x128xf32, #tpu.memory_space<vmem>>, vector<1x16xf32>,
      %swap3A_55 = vector.shape_cast %swap3A_54 : vector<1x16xf32> to vector<16xf32>
      %swap3A_56 = vector.shape_cast %select_n3A : vector<16xf32> to vector<1x16xf32>
      tpu.vector_store %arg11[%swap3A, %swap3A_53], %swap3A_56 {strides = array<i32>} : memref<64x128xf32, #tpu.memory_space<vmem>>, vector<1x16xf32>,
    }
    %scan3A_33 = arith.constant 64 : i32
    %mul3A_34 = arith.constant 20096 : i32
    %mul3A_35 = arith.muli %arg1, %mul3A_34 : i32
    "tpu.region"() ({
      %run_scoped3A = tpu.sem_alloc : memref<!tpu.dma_semaphore, #tpu.memory_space<semaphore_mem>>
      %dma_start3A = tpu.memref_slice %arg3[%mul3A_35] : memref<321536xi32, #tpu.memory_space<hbm>> -> memref<20096xi32, #tpu.memory_space<hbm>>
      %dma_start3A_49 = tpu.memref_slice %arg3[%mul3A_35] : memref<321536xi32, #tpu.memory_space<hbm>> -> memref<20096xi32, #tpu.memory_space<hbm>>
      tpu.enqueue_dma source(%dma_start3A_49 : memref<20096xi32, #tpu.memory_space<hbm>>) target(%arg5 : memref<20096xi32, #tpu.memory_space<vmem>>) target_semaphore(%run_scoped3A : memref<!tpu.dma_semaphore, #tpu.memory_space<semaphore_mem>>)
      %dma_wait3A = tpu.memref_slice %arg3[%mul3A_35] : memref<321536xi32, #tpu.memory_space<hbm>> -> memref<20096xi32, #tpu.memory_space<hbm>>
      %dma_wait3A_50 = tpu.memref_slice %arg3[%mul3A_35] : memref<321536xi32, #tpu.memory_space<hbm>> -> memref<20096xi32, #tpu.memory_space<hbm>>
      tpu.wait_dma2 semaphore(%run_scoped3A : memref<!tpu.dma_semaphore, #tpu.memory_space<semaphore_mem>>) src(%dma_wait3A_50 : memref<20096xi32, #tpu.memory_space<hbm>>) dst(%arg5 : memref<20096xi32, #tpu.memory_space<vmem>>)
      tpu.yield
    }) : () -> ()
    %barrier3A = arith.constant 0 : index
    tpu.barrier barrier_id(%barrier3A)
    %scan3A_36 = arith.constant 0 : i32
    %scan3A_37 = arith.constant 157 : i32
    %scan3A_38 = arith.addi %scan3A_36, %scan3A_37 : i32
    %scan3A_39 = arith.constant 1 : i32
    scf.for %scan3A_49 = %scan3A_36 to %scan3A_38 step %scan3A_39  : i32 {
      %mul3A_50 = arith.constant 2 : i32
      %mul3A_51 = arith.muli %scan3A_49, %mul3A_50 : i32
      %add3A = arith.constant 0 : i32
      %add3A_52 = arith.addi %add3A, %mul3A_51 : i32
      %mul3A_53 = arith.constant 2512 : i32
      %mul3A_54 = arith.muli %arg1, %mul3A_53 : i32
      %add3A_55 = arith.constant 0 : i32
      %add3A_56 = arith.addi %add3A_52, %add3A_55 : i32
      %mul3A_57 = arith.constant 8 : i32
      %mul3A_58 = arith.muli %add3A_56, %mul3A_57 : i32
      %add3A_59 = arith.addi %mul3A_54, %mul3A_58 : i32
      %dma_start3A = arith.constant 0 : i32
      %dma_start3A_60 = tpu.memref_slice %arg2[%add3A_59, %dma_start3A] : memref<40192x128xf32, #tpu.memory_space<hbm>> -> memref<8x128xf32, #tpu.memory_space<hbm>>
      %dma_start3A_61 = arith.constant 0 : i32
      %dma_start3A_62 = tpu.memref_slice %arg2[%add3A_59, %dma_start3A_61] : memref<40192x128xf32, #tpu.memory_space<hbm>> -> memref<8x128xf32, #tpu.memory_space<hbm>>
      tpu.enqueue_dma source(%dma_start3A_62 : memref<8x128xf32, #tpu.memory_space<hbm>>) target(%arg8 : memref<8x128xf32, #tpu.memory_space<vmem>>) target_semaphore(%arg14 : memref<!tpu.dma_semaphore, #tpu.memory_space<semaphore_mem>>)
      %mul3A_63 = arith.constant 2512 : i32
      %mul3A_64 = arith.muli %arg1, %mul3A_63 : i32
      %add3A_65 = arith.constant 1 : i32
      %add3A_66 = arith.addi %add3A_52, %add3A_65 : i32
      %mul3A_67 = arith.constant 8 : i32
      %mul3A_68 = arith.muli %add3A_66, %mul3A_67 : i32
      %add3A_69 = arith.addi %mul3A_64, %mul3A_68 : i32
      %dma_start3A_70 = arith.constant 0 : i32
      %dma_start3A_71 = tpu.memref_slice %arg2[%add3A_69, %dma_start3A_70] : memref<40192x128xf32, #tpu.memory_space<hbm>> -> memref<8x128xf32, #tpu.memory_space<hbm>>
      %dma_start3A_72 = arith.constant 0 : i32
      %dma_start3A_73 = tpu.memref_slice %arg2[%add3A_69, %dma_start3A_72] : memref<40192x128xf32, #tpu.memory_space<hbm>> -> memref<8x128xf32, #tpu.memory_space<hbm>>
      tpu.enqueue_dma source(%dma_start3A_73 : memref<8x128xf32, #tpu.memory_space<hbm>>) target(%arg9 : memref<8x128xf32, #tpu.memory_space<vmem>>) target_semaphore(%arg14 : memref<!tpu.dma_semaphore, #tpu.memory_space<semaphore_mem>>)
      %dma_wait3A = arith.constant 0 : i32
      %dma_wait3A_74 = tpu.memref_slice %arg2[%add3A_59, %dma_wait3A] : memref<40192x128xf32, #tpu.memory_space<hbm>> -> memref<8x128xf32, #tpu.memory_space<hbm>>
      %dma_wait3A_75 = arith.constant 0 : i32
      %dma_wait3A_76 = tpu.memref_slice %arg2[%add3A_59, %dma_wait3A_75] : memref<40192x128xf32, #tpu.memory_space<hbm>> -> memref<8x128xf32, #tpu.memory_space<hbm>>
      tpu.wait_dma2 semaphore(%arg14 : memref<!tpu.dma_semaphore, #tpu.memory_space<semaphore_mem>>) src(%dma_wait3A_76 : memref<8x128xf32, #tpu.memory_space<hbm>>) dst(%arg8 : memref<8x128xf32, #tpu.memory_space<vmem>>)
      %get3A = arith.constant 0 : i32
      %get3A_77 = arith.index_cast %get3A : i32 to index
      %get3A_78 = arith.constant 0 : index
      %get3A_79 = tpu.vector_load %arg8[%get3A_77, %get3A_78] {strides = array<i32>} : memref<8x128xf32, #tpu.memory_space<vmem>>, vector<1x16xf32>,
      %get3A_80 = vector.shape_cast %get3A_79 : vector<1x16xf32> to vector<16xf32>
      %swap3A = arith.constant 0 : i32
      %swap3A_81 = arith.index_cast %swap3A : i32 to index
      %swap3A_82 = arith.constant 0 : index
      %swap3A_83 = tpu.vector_load %arg10[%swap3A_81, %swap3A_82] {strides = array<i32>} : memref<64x128xf32, #tpu.memory_space<vmem>>, vector<1x16xf32>,
      %swap3A_84 = vector.shape_cast %swap3A_83 : vector<1x16xf32> to vector<16xf32>
      %swap3A_85 = vector.shape_cast %get3A_80 : vector<16xf32> to vector<1x16xf32>
      tpu.vector_store %arg10[%swap3A_81, %swap3A_82], %swap3A_85 {strides = array<i32>} : memref<64x128xf32, #tpu.memory_space<vmem>>, vector<1x16xf32>,
      %get3A_86 = arith.constant 0 : i32
      %get3A_87 = arith.index_cast %get3A_86 : i32 to index
      %get3A_88 = arith.constant 16 : index
      %get3A_89 = tpu.vector_load %arg8[%get3A_87, %get3A_88] {strides = array<i32>} : memref<8x128xf32, #tpu.memory_space<vmem>>, vector<1x16xf32>,
      %get3A_90 = vector.shape_cast %get3A_89 : vector<1x16xf32> to vector<16xf32>
      %swap3A_91 = arith.constant 1 : i32
      %swap3A_92 = arith.index_cast %swap3A_91 : i32 to index
      %swap3A_93 = arith.constant 0 : index
      %swap3A_94 = tpu.vector_load %arg10[%swap3A_92, %swap3A_93] {strides = array<i32>} : memref<64x128xf32, #tpu.memory_space<vmem>>, vector<1x16xf32>,
      %swap3A_95 = vector.shape_cast %swap3A_94 : vector<1x16xf32> to vector<16xf32>
      %swap3A_96 = vector.shape_cast %get3A_90 : vector<16xf32> to vector<1x16xf32>
      tpu.vector_store %arg10[%swap3A_92, %swap3A_93], %swap3A_96 {strides = array<i32>} : memref<64x128xf32, #tpu.memory_space<vmem>>, vector<1x16xf32>,
      %get3A_97 = arith.constant 0 : i32
      %get3A_98 = arith.index_cast %get3A_97 : i32 to index
      %get3A_99 = arith.constant 32 : index
      %get3A_100 = tpu.vector_load %arg8[%get3A_98, %get3A_99] {strides = array<i32>} : memref<8x128xf32, #tpu.memory_space<vmem>>, vector<1x16xf32>,
      %get3A_101 = vector.shape_cast %get3A_100 : vector<1x16xf32> to vector<16xf32>
      %swap3A_102 = arith.constant 2 : i32
      %swap3A_103 = arith.index_cast %swap3A_102 : i32 to index
      %swap3A_104 = arith.constant 0 : index
      %swap3A_105 = tpu.vector_load %arg10[%swap3A_103, %swap3A_104] {strides = array<i32>} : memref<64x128xf32, #tpu.memory_space<vmem>>, vector<1x16xf32>,
      %swap3A_106 = vector.shape_cast %swap3A_105 : vector<1x16xf32> to vector<16xf32>
      %swap3A_107 = vector.shape_cast %get3A_101 : vector<16xf32> to vector<1x16xf32>
      tpu.vector_store %arg10[%swap3A_103, %swap3A_104], %swap3A_107 {strides = array<i32>} : memref<64x128xf32, #tpu.memory_space<vmem>>, vector<1x16xf32>,
      %get3A_108 = arith.constant 0 : i32
      %get3A_109 = arith.index_cast %get3A_108 : i32 to index
      %get3A_110 = arith.constant 48 : index
      %get3A_111 = tpu.vector_load %arg8[%get3A_109, %get3A_110] {strides = array<i32>} : memref<8x128xf32, #tpu.memory_space<vmem>>, vector<1x16xf32>,
      %get3A_112 = vector.shape_cast %get3A_111 : vector<1x16xf32> to vector<16xf32>
      %swap3A_113 = arith.constant 3 : i32
      %swap3A_114 = arith.index_cast %swap3A_113 : i32 to index
      %swap3A_115 = arith.constant 0 : index
      %swap3A_116 = tpu.vector_load %arg10[%swap3A_114, %swap3A_115] {strides = array<i32>} : memref<64x128xf32, #tpu.memory_space<vmem>>, vector<1x16xf32>,
      %swap3A_117 = vector.shape_cast %swap3A_116 : vector<1x16xf32> to vector<16xf32>
      %swap3A_118 = vector.shape_cast %get3A_112 : vector<16xf32> to vector<1x16xf32>
      tpu.vector_store %arg10[%swap3A_114, %swap3A_115], %swap3A_118 {strides = array<i32>} : memref<64x128xf32, #tpu.memory_space<vmem>>, vector<1x16xf32>,
      %get3A_119 = arith.constant 0 : i32
      %get3A_120 = arith.index_cast %get3A_119 : i32 to index
      %get3A_121 = arith.constant 64 : index
      %get3A_122 = tpu.vector_load %arg8[%get3A_120, %get3A_121] {strides = array<i32>} : memref<8x128xf32, #tpu.memory_space<vmem>>, vector<1x16xf32>,
      %get3A_123 = vector.shape_cast %get3A_122 : vector<1x16xf32> to vector<16xf32>
      %swap3A_124 = arith.constant 4 : i32
      %swap3A_125 = arith.index_cast %swap3A_124 : i32 to index
      %swap3A_126 = arith.constant 0 : index
      %swap3A_127 = tpu.vector_load %arg10[%swap3A_125, %swap3A_126] {strides = array<i32>} : memref<64x128xf32, #tpu.memory_space<vmem>>, vector<1x16xf32>,
      %swap3A_128 = vector.shape_cast %swap3A_127 : vector<1x16xf32> to vector<16xf32>
      %swap3A_129 = vector.shape_cast %get3A_123 : vector<16xf32> to vector<1x16xf32>
      tpu.vector_store %arg10[%swap3A_125, %swap3A_126], %swap3A_129 {strides = array<i32>} : memref<64x128xf32, #tpu.memory_space<vmem>>, vector<1x16xf32>,
      %get3A_130 = arith.constant 0 : i32
      %get3A_131 = arith.index_cast %get3A_130 : i32 to index
      %get3A_132 = arith.constant 80 : index
      %get3A_133 = tpu.vector_load %arg8[%get3A_131, %get3A_132] {strides = array<i32>} : memref<8x128xf32, #tpu.memory_space<vmem>>, vector<1x16xf32>,
      %get3A_134 = vector.shape_cast %get3A_133 : vector<1x16xf32> to vector<16xf32>
      %swap3A_135 = arith.constant 5 : i32
      %swap3A_136 = arith.index_cast %swap3A_135 : i32 to index
      %swap3A_137 = arith.constant 0 : index
      %swap3A_138 = tpu.vector_load %arg10[%swap3A_136, %swap3A_137] {strides = array<i32>} : memref<64x128xf32, #tpu.memory_space<vmem>>, vector<1x16xf32>,
      %swap3A_139 = vector.shape_cast %swap3A_138 : vector<1x16xf32> to vector<16xf32>
      %swap3A_140 = vector.shape_cast %get3A_134 : vector<16xf32> to vector<1x16xf32>
      tpu.vector_store %arg10[%swap3A_136, %swap3A_137], %swap3A_140 {strides = array<i32>} : memref<64x128xf32, #tpu.memory_space<vmem>>, vector<1x16xf32>,
      %get3A_141 = arith.constant 0 : i32
      %get3A_142 = arith.index_cast %get3A_141 : i32 to index
      %get3A_143 = arith.constant 96 : index
      %get3A_144 = tpu.vector_load %arg8[%get3A_142, %get3A_143] {strides = array<i32>} : memref<8x128xf32, #tpu.memory_space<vmem>>, vector<1x16xf32>,
      %get3A_145 = vector.shape_cast %get3A_144 : vector<1x16xf32> to vector<16xf32>
      %swap3A_146 = arith.constant 6 : i32
      %swap3A_147 = arith.index_cast %swap3A_146 : i32 to index
      %swap3A_148 = arith.constant 0 : index
      %swap3A_149 = tpu.vector_load %arg10[%swap3A_147, %swap3A_148] {strides = array<i32>} : memref<64x128xf32, #tpu.memory_space<vmem>>, vector<1x16xf32>,
      %swap3A_150 = vector.shape_cast %swap3A_149 : vector<1x16xf32> to vector<16xf32>
      %swap3A_151 = vector.shape_cast %get3A_145 : vector<16xf32> to vector<1x16xf32>
      tpu.vector_store %arg10[%swap3A_147, %swap3A_148], %swap3A_151 {strides = array<i32>} : memref<64x128xf32, #tpu.memory_space<vmem>>, vector<1x16xf32>,
      %get3A_152 = arith.constant 0 : i32
      %get3A_153 = arith.index_cast %get3A_152 : i32 to index
      %get3A_154 = arith.constant 112 : index
      %get3A_155 = tpu.vector_load %arg8[%get3A_153, %get3A_154] {strides = array<i32>} : memref<8x128xf32, #tpu.memory_space<vmem>>, vector<1x16xf32>,
      %get3A_156 = vector.shape_cast %get3A_155 : vector<1x16xf32> to vector<16xf32>
      %swap3A_157 = arith.constant 7 : i32
      %swap3A_158 = arith.index_cast %swap3A_157 : i32 to index
      %swap3A_159 = arith.constant 0 : index
      %swap3A_160 = tpu.vector_load %arg10[%swap3A_158, %swap3A_159] {strides = array<i32>} : memref<64x128xf32, #tpu.memory_space<vmem>>, vector<1x16xf32>,
      %swap3A_161 = vector.shape_cast %swap3A_160 : vector<1x16xf32> to vector<16xf32>
      %swap3A_162 = vector.shape_cast %get3A_156 : vector<16xf32> to vector<1x16xf32>
      tpu.vector_store %arg10[%swap3A_158, %swap3A_159], %swap3A_162 {strides = array<i32>} : memref<64x128xf32, #tpu.memory_space<vmem>>, vector<1x16xf32>,
      %get3A_163 = arith.constant 1 : i32
      %get3A_164 = arith.index_cast %get3A_163 : i32 to index
      %get3A_165 = arith.constant 0 : index
      %get3A_166 = tpu.vector_load %arg8[%get3A_164, %get3A_165] {strides = array<i32>} : memref<8x128xf32, #tpu.memory_space<vmem>>, vector<1x16xf32>,
      %get3A_167 = vector.shape_cast %get3A_166 : vector<1x16xf32> to vector<16xf32>
      %swap3A_168 = arith.constant 8 : i32
      %swap3A_169 = arith.index_cast %swap3A_168 : i32 to index
      %swap3A_170 = arith.constant 0 : index
      %swap3A_171 = tpu.vector_load %arg10[%swap3A_169, %swap3A_170] {strides = array<i32>} : memref<64x128xf32, #tpu.memory_space<vmem>>, vector<1x16xf32>,
      %swap3A_172 = vector.shape_cast %swap3A_171 : vector<1x16xf32> to vector<16xf32>
      %swap3A_173 = vector.shape_cast %get3A_167 : vector<16xf32> to vector<1x16xf32>
      tpu.vector_store %arg10[%swap3A_169, %swap3A_170], %swap3A_173 {strides = array<i32>} : memref<64x128xf32, #tpu.memory_space<vmem>>, vector<1x16xf32>,
      %get3A_174 = arith.constant 1 : i32
      %get3A_175 = arith.index_cast %get3A_174 : i32 to index
      %get3A_176 = arith.constant 16 : index
      %get3A_177 = tpu.vector_load %arg8[%get3A_175, %get3A_176] {strides = array<i32>} : memref<8x128xf32, #tpu.memory_space<vmem>>, vector<1x16xf32>,
      %get3A_178 = vector.shape_cast %get3A_177 : vector<1x16xf32> to vector<16xf32>
      %swap3A_179 = arith.constant 9 : i32
      %swap3A_180 = arith.index_cast %swap3A_179 : i32 to index
      %swap3A_181 = arith.constant 0 : index
      %swap3A_182 = tpu.vector_load %arg10[%swap3A_180, %swap3A_181] {strides = array<i32>} : memref<64x128xf32, #tpu.memory_space<vmem>>, vector<1x16xf32>,
      %swap3A_183 = vector.shape_cast %swap3A_182 : vector<1x16xf32> to vector<16xf32>
      %swap3A_184 = vector.shape_cast %get3A_178 : vector<16xf32> to vector<1x16xf32>
      tpu.vector_store %arg10[%swap3A_180, %swap3A_181], %swap3A_184 {strides = array<i32>} : memref<64x128xf32, #tpu.memory_space<vmem>>, vector<1x16xf32>,
      %get3A_185 = arith.constant 1 : i32
      %get3A_186 = arith.index_cast %get3A_185 : i32 to index
      %get3A_187 = arith.constant 32 : index
      %get3A_188 = tpu.vector_load %arg8[%get3A_186, %get3A_187] {strides = array<i32>} : memref<8x128xf32, #tpu.memory_space<vmem>>, vector<1x16xf32>,
      %get3A_189 = vector.shape_cast %get3A_188 : vector<1x16xf32> to vector<16xf32>
      %swap3A_190 = arith.constant 10 : i32
      %swap3A_191 = arith.index_cast %swap3A_190 : i32 to index
      %swap3A_192 = arith.constant 0 : index
      %swap3A_193 = tpu.vector_load %arg10[%swap3A_191, %swap3A_192] {strides = array<i32>} : memref<64x128xf32, #tpu.memory_space<vmem>>, vector<1x16xf32>,
      %swap3A_194 = vector.shape_cast %swap3A_193 : vector<1x16xf32> to vector<16xf32>
      %swap3A_195 = vector.shape_cast %get3A_189 : vector<16xf32> to vector<1x16xf32>
      tpu.vector_store %arg10[%swap3A_191, %swap3A_192], %swap3A_195 {strides = array<i32>} : memref<64x128xf32, #tpu.memory_space<vmem>>, vector<1x16xf32>,
      %get3A_196 = arith.constant 1 : i32
      %get3A_197 = arith.index_cast %get3A_196 : i32 to index
      %get3A_198 = arith.constant 48 : index
      %get3A_199 = tpu.vector_load %arg8[%get3A_197, %get3A_198] {strides = array<i32>} : memref<8x128xf32, #tpu.memory_space<vmem>>, vector<1x16xf32>,
      %get3A_200 = vector.shape_cast %get3A_199 : vector<1x16xf32> to vector<16xf32>
      %swap3A_201 = arith.constant 11 : i32
      %swap3A_202 = arith.index_cast %swap3A_201 : i32 to index
      %swap3A_203 = arith.constant 0 : index
      %swap3A_204 = tpu.vector_load %arg10[%swap3A_202, %swap3A_203] {strides = array<i32>} : memref<64x128xf32, #tpu.memory_space<vmem>>, vector<1x16xf32>,
      %swap3A_205 = vector.shape_cast %swap3A_204 : vector<1x16xf32> to vector<16xf32>
      %swap3A_206 = vector.shape_cast %get3A_200 : vector<16xf32> to vector<1x16xf32>
      tpu.vector_store %arg10[%swap3A_202, %swap3A_203], %swap3A_206 {strides = array<i32>} : memref<64x128xf32, #tpu.memory_space<vmem>>, vector<1x16xf32>,
      %get3A_207 = arith.constant 1 : i32
      %get3A_208 = arith.index_cast %get3A_207 : i32 to index
      %get3A_209 = arith.constant 64 : index
      %get3A_210 = tpu.vector_load %arg8[%get3A_208, %get3A_209] {strides = array<i32>} : memref<8x128xf32, #tpu.memory_space<vmem>>, vector<1x16xf32>,
      %get3A_211 = vector.shape_cast %get3A_210 : vector<1x16xf32> to vector<16xf32>
      %swap3A_212 = arith.constant 12 : i32
      %swap3A_213 = arith.index_cast %swap3A_212 : i32 to index
      %swap3A_214 = arith.constant 0 : index
      %swap3A_215 = tpu.vector_load %arg10[%swap3A_213, %swap3A_214] {strides = array<i32>} : memref<64x128xf32, #tpu.memory_space<vmem>>, vector<1x16xf32>,
      %swap3A_216 = vector.shape_cast %swap3A_215 : vector<1x16xf32> to vector<16xf32>
      %swap3A_217 = vector.shape_cast %get3A_211 : vector<16xf32> to vector<1x16xf32>
      tpu.vector_store %arg10[%swap3A_213, %swap3A_214], %swap3A_217 {strides = array<i32>} : memref<64x128xf32, #tpu.memory_space<vmem>>, vector<1x16xf32>,
      %get3A_218 = arith.constant 1 : i32
      %get3A_219 = arith.index_cast %get3A_218 : i32 to index
      %get3A_220 = arith.constant 80 : index
      %get3A_221 = tpu.vector_load %arg8[%get3A_219, %get3A_220] {strides = array<i32>} : memref<8x128xf32, #tpu.memory_space<vmem>>, vector<1x16xf32>,
      %get3A_222 = vector.shape_cast %get3A_221 : vector<1x16xf32> to vector<16xf32>
      %swap3A_223 = arith.constant 13 : i32
      %swap3A_224 = arith.index_cast %swap3A_223 : i32 to index
      %swap3A_225 = arith.constant 0 : index
      %swap3A_226 = tpu.vector_load %arg10[%swap3A_224, %swap3A_225] {strides = array<i32>} : memref<64x128xf32, #tpu.memory_space<vmem>>, vector<1x16xf32>,
      %swap3A_227 = vector.shape_cast %swap3A_226 : vector<1x16xf32> to vector<16xf32>
      %swap3A_228 = vector.shape_cast %get3A_222 : vector<16xf32> to vector<1x16xf32>
      tpu.vector_store %arg10[%swap3A_224, %swap3A_225], %swap3A_228 {strides = array<i32>} : memref<64x128xf32, #tpu.memory_space<vmem>>, vector<1x16xf32>,
      %get3A_229 = arith.constant 1 : i32
      %get3A_230 = arith.index_cast %get3A_229 : i32 to index
      %get3A_231 = arith.constant 96 : index
      %get3A_232 = tpu.vector_load %arg8[%get3A_230, %get3A_231] {strides = array<i32>} : memref<8x128xf32, #tpu.memory_space<vmem>>, vector<1x16xf32>,
      %get3A_233 = vector.shape_cast %get3A_232 : vector<1x16xf32> to vector<16xf32>
      %swap3A_234 = arith.constant 14 : i32
      %swap3A_235 = arith.index_cast %swap3A_234 : i32 to index
      %swap3A_236 = arith.constant 0 : index
      %swap3A_237 = tpu.vector_load %arg10[%swap3A_235, %swap3A_236] {strides = array<i32>} : memref<64x128xf32, #tpu.memory_space<vmem>>, vector<1x16xf32>,
      %swap3A_238 = vector.shape_cast %swap3A_237 : vector<1x16xf32> to vector<16xf32>
      %swap3A_239 = vector.shape_cast %get3A_233 : vector<16xf32> to vector<1x16xf32>
      tpu.vector_store %arg10[%swap3A_235, %swap3A_236], %swap3A_239 {strides = array<i32>} : memref<64x128xf32, #tpu.memory_space<vmem>>, vector<1x16xf32>,
      %get3A_240 = arith.constant 1 : i32
      %get3A_241 = arith.index_cast %get3A_240 : i32 to index
      %get3A_242 = arith.constant 112 : index
      %get3A_243 = tpu.vector_load %arg8[%get3A_241, %get3A_242] {strides = array<i32>} : memref<8x128xf32, #tpu.memory_space<vmem>>, vector<1x16xf32>,
      %get3A_244 = vector.shape_cast %get3A_243 : vector<1x16xf32> to vector<16xf32>
      %swap3A_245 = arith.constant 15 : i32
      %swap3A_246 = arith.index_cast %swap3A_245 : i32 to index
      %swap3A_247 = arith.constant 0 : index
      %swap3A_248 = tpu.vector_load %arg10[%swap3A_246, %swap3A_247] {strides = array<i32>} : memref<64x128xf32, #tpu.memory_space<vmem>>, vector<1x16xf32>,
      %swap3A_249 = vector.shape_cast %swap3A_248 : vector<1x16xf32> to vector<16xf32>
      %swap3A_250 = vector.shape_cast %get3A_244 : vector<16xf32> to vector<1x16xf32>
      tpu.vector_store %arg10[%swap3A_246, %swap3A_247], %swap3A_250 {strides = array<i32>} : memref<64x128xf32, #tpu.memory_space<vmem>>, vector<1x16xf32>,
      %get3A_251 = arith.constant 2 : i32
      %get3A_252 = arith.index_cast %get3A_251 : i32 to index
      %get3A_253 = arith.constant 0 : index
      %get3A_254 = tpu.vector_load %arg8[%get3A_252, %get3A_253] {strides = array<i32>} : memref<8x128xf32, #tpu.memory_space<vmem>>, vector<1x16xf32>,
      %get3A_255 = vector.shape_cast %get3A_254 : vector<1x16xf32> to vector<16xf32>
      %swap3A_256 = arith.constant 16 : i32
      %swap3A_257 = arith.index_cast %swap3A_256 : i32 to index
      %swap3A_258 = arith.constant 0 : index
      %swap3A_259 = tpu.vector_load %arg10[%swap3A_257, %swap3A_258] {strides = array<i32>} : memref<64x128xf32, #tpu.memory_space<vmem>>, vector<1x16xf32>,
      %swap3A_260 = vector.shape_cast %swap3A_259 : vector<1x16xf32> to vector<16xf32>
      %swap3A_261 = vector.shape_cast %get3A_255 : vector<16xf32> to vector<1x16xf32>
      tpu.vector_store %arg10[%swap3A_257, %swap3A_258], %swap3A_261 {strides = array<i32>} : memref<64x128xf32, #tpu.memory_space<vmem>>, vector<1x16xf32>,
      %get3A_262 = arith.constant 2 : i32
      %get3A_263 = arith.index_cast %get3A_262 : i32 to index
      %get3A_264 = arith.constant 16 : index
      %get3A_265 = tpu.vector_load %arg8[%get3A_263, %get3A_264] {strides = array<i32>} : memref<8x128xf32, #tpu.memory_space<vmem>>, vector<1x16xf32>,
      %get3A_266 = vector.shape_cast %get3A_265 : vector<1x16xf32> to vector<16xf32>
      %swap3A_267 = arith.constant 17 : i32
      %swap3A_268 = arith.index_cast %swap3A_267 : i32 to index
      %swap3A_269 = arith.constant 0 : index
      %swap3A_270 = tpu.vector_load %arg10[%swap3A_268, %swap3A_269] {strides = array<i32>} : memref<64x128xf32, #tpu.memory_space<vmem>>, vector<1x16xf32>,
      %swap3A_271 = vector.shape_cast %swap3A_270 : vector<1x16xf32> to vector<16xf32>
      %swap3A_272 = vector.shape_cast %get3A_266 : vector<16xf32> to vector<1x16xf32>
      tpu.vector_store %arg10[%swap3A_268, %swap3A_269], %swap3A_272 {strides = array<i32>} : memref<64x128xf32, #tpu.memory_space<vmem>>, vector<1x16xf32>,
      %get3A_273 = arith.constant 2 : i32
      %get3A_274 = arith.index_cast %get3A_273 : i32 to index
      %get3A_275 = arith.constant 32 : index
      %get3A_276 = tpu.vector_load %arg8[%get3A_274, %get3A_275] {strides = array<i32>} : memref<8x128xf32, #tpu.memory_space<vmem>>, vector<1x16xf32>,
      %get3A_277 = vector.shape_cast %get3A_276 : vector<1x16xf32> to vector<16xf32>
      %swap3A_278 = arith.constant 18 : i32
      %swap3A_279 = arith.index_cast %swap3A_278 : i32 to index
      %swap3A_280 = arith.constant 0 : index
      %swap3A_281 = tpu.vector_load %arg10[%swap3A_279, %swap3A_280] {strides = array<i32>} : memref<64x128xf32, #tpu.memory_space<vmem>>, vector<1x16xf32>,
      %swap3A_282 = vector.shape_cast %swap3A_281 : vector<1x16xf32> to vector<16xf32>
      %swap3A_283 = vector.shape_cast %get3A_277 : vector<16xf32> to vector<1x16xf32>
      tpu.vector_store %arg10[%swap3A_279, %swap3A_280], %swap3A_283 {strides = array<i32>} : memref<64x128xf32, #tpu.memory_space<vmem>>, vector<1x16xf32>,
      %get3A_284 = arith.constant 2 : i32
      %get3A_285 = arith.index_cast %get3A_284 : i32 to index
      %get3A_286 = arith.constant 48 : index
      %get3A_287 = tpu.vector_load %arg8[%get3A_285, %get3A_286] {strides = array<i32>} : memref<8x128xf32, #tpu.memory_space<vmem>>, vector<1x16xf32>,
      %get3A_288 = vector.shape_cast %get3A_287 : vector<1x16xf32> to vector<16xf32>
      %swap3A_289 = arith.constant 19 : i32
      %swap3A_290 = arith.index_cast %swap3A_289 : i32 to index
      %swap3A_291 = arith.constant 0 : index
      %swap3A_292 = tpu.vector_load %arg10[%swap3A_290, %swap3A_291] {strides = array<i32>} : memref<64x128xf32, #tpu.memory_space<vmem>>, vector<1x16xf32>,
      %swap3A_293 = vector.shape_cast %swap3A_292 : vector<1x16xf32> to vector<16xf32>
      %swap3A_294 = vector.shape_cast %get3A_288 : vector<16xf32> to vector<1x16xf32>
      tpu.vector_store %arg10[%swap3A_290, %swap3A_291], %swap3A_294 {strides = array<i32>} : memref<64x128xf32, #tpu.memory_space<vmem>>, vector<1x16xf32>,
      %get3A_295 = arith.constant 2 : i32
      %get3A_296 = arith.index_cast %get3A_295 : i32 to index
      %get3A_297 = arith.constant 64 : index
      %get3A_298 = tpu.vector_load %arg8[%get3A_296, %get3A_297] {strides = array<i32>} : memref<8x128xf32, #tpu.memory_space<vmem>>, vector<1x16xf32>,
      %get3A_299 = vector.shape_cast %get3A_298 : vector<1x16xf32> to vector<16xf32>
      %swap3A_300 = arith.constant 20 : i32
      %swap3A_301 = arith.index_cast %swap3A_300 : i32 to index
      %swap3A_302 = arith.constant 0 : index
      %swap3A_303 = tpu.vector_load %arg10[%swap3A_301, %swap3A_302] {strides = array<i32>} : memref<64x128xf32, #tpu.memory_space<vmem>>, vector<1x16xf32>,
      %swap3A_304 = vector.shape_cast %swap3A_303 : vector<1x16xf32> to vector<16xf32>
      %swap3A_305 = vector.shape_cast %get3A_299 : vector<16xf32> to vector<1x16xf32>
      tpu.vector_store %arg10[%swap3A_301, %swap3A_302], %swap3A_305 {strides = array<i32>} : memref<64x128xf32, #tpu.memory_space<vmem>>, vector<1x16xf32>,
      %get3A_306 = arith.constant 2 : i32
      %get3A_307 = arith.index_cast %get3A_306 : i32 to index
      %get3A_308 = arith.constant 80 : index
      %get3A_309 = tpu.vector_load %arg8[%get3A_307, %get3A_308] {strides = array<i32>} : memref<8x128xf32, #tpu.memory_space<vmem>>, vector<1x16xf32>,
      %get3A_310 = vector.shape_cast %get3A_309 : vector<1x16xf32> to vector<16xf32>
      %swap3A_311 = arith.constant 21 : i32
      %swap3A_312 = arith.index_cast %swap3A_311 : i32 to index
      %swap3A_313 = arith.constant 0 : index
      %swap3A_314 = tpu.vector_load %arg10[%swap3A_312, %swap3A_313] {strides = array<i32>} : memref<64x128xf32, #tpu.memory_space<vmem>>, vector<1x16xf32>,
      %swap3A_315 = vector.shape_cast %swap3A_314 : vector<1x16xf32> to vector<16xf32>
      %swap3A_316 = vector.shape_cast %get3A_310 : vector<16xf32> to vector<1x16xf32>
      tpu.vector_store %arg10[%swap3A_312, %swap3A_313], %swap3A_316 {strides = array<i32>} : memref<64x128xf32, #tpu.memory_space<vmem>>, vector<1x16xf32>,
      %get3A_317 = arith.constant 2 : i32
      %get3A_318 = arith.index_cast %get3A_317 : i32 to index
      %get3A_319 = arith.constant 96 : index
      %get3A_320 = tpu.vector_load %arg8[%get3A_318, %get3A_319] {strides = array<i32>} : memref<8x128xf32, #tpu.memory_space<vmem>>, vector<1x16xf32>,
      %get3A_321 = vector.shape_cast %get3A_320 : vector<1x16xf32> to vector<16xf32>
      %swap3A_322 = arith.constant 22 : i32
      %swap3A_323 = arith.index_cast %swap3A_322 : i32 to index
      %swap3A_324 = arith.constant 0 : index
      %swap3A_325 = tpu.vector_load %arg10[%swap3A_323, %swap3A_324] {strides = array<i32>} : memref<64x128xf32, #tpu.memory_space<vmem>>, vector<1x16xf32>,
      %swap3A_326 = vector.shape_cast %swap3A_325 : vector<1x16xf32> to vector<16xf32>
      %swap3A_327 = vector.shape_cast %get3A_321 : vector<16xf32> to vector<1x16xf32>
      tpu.vector_store %arg10[%swap3A_323, %swap3A_324], %swap3A_327 {strides = array<i32>} : memref<64x128xf32, #tpu.memory_space<vmem>>, vector<1x16xf32>,
      %get3A_328 = arith.constant 2 : i32
      %get3A_329 = arith.index_cast %get3A_328 : i32 to index
      %get3A_330 = arith.constant 112 : index
      %get3A_331 = tpu.vector_load %arg8[%get3A_329, %get3A_330] {strides = array<i32>} : memref<8x128xf32, #tpu.memory_space<vmem>>, vector<1x16xf32>,
      %get3A_332 = vector.shape_cast %get3A_331 : vector<1x16xf32> to vector<16xf32>
      %swap3A_333 = arith.constant 23 : i32
      %swap3A_334 = arith.index_cast %swap3A_333 : i32 to index
      %swap3A_335 = arith.constant 0 : index
      %swap3A_336 = tpu.vector_load %arg10[%swap3A_334, %swap3A_335] {strides = array<i32>} : memref<64x128xf32, #tpu.memory_space<vmem>>, vector<1x16xf32>,
      %swap3A_337 = vector.shape_cast %swap3A_336 : vector<1x16xf32> to vector<16xf32>
      %swap3A_338 = vector.shape_cast %get3A_332 : vector<16xf32> to vector<1x16xf32>
      tpu.vector_store %arg10[%swap3A_334, %swap3A_335], %swap3A_338 {strides = array<i32>} : memref<64x128xf32, #tpu.memory_space<vmem>>, vector<1x16xf32>,
      %get3A_339 = arith.constant 3 : i32
      %get3A_340 = arith.index_cast %get3A_339 : i32 to index
      %get3A_341 = arith.constant 0 : index
      %get3A_342 = tpu.vector_load %arg8[%get3A_340, %get3A_341] {strides = array<i32>} : memref<8x128xf32, #tpu.memory_space<vmem>>, vector<1x16xf32>,
      %get3A_343 = vector.shape_cast %get3A_342 : vector<1x16xf32> to vector<16xf32>
      %swap3A_344 = arith.constant 24 : i32
      %swap3A_345 = arith.index_cast %swap3A_344 : i32 to index
      %swap3A_346 = arith.constant 0 : index
      %swap3A_347 = tpu.vector_load %arg10[%swap3A_345, %swap3A_346] {strides = array<i32>} : memref<64x128xf32, #tpu.memory_space<vmem>>, vector<1x16xf32>,
      %swap3A_348 = vector.shape_cast %swap3A_347 : vector<1x16xf32> to vector<16xf32>
      %swap3A_349 = vector.shape_cast %get3A_343 : vector<16xf32> to vector<1x16xf32>
      tpu.vector_store %arg10[%swap3A_345, %swap3A_346], %swap3A_349 {strides = array<i32>} : memref<64x128xf32, #tpu.memory_space<vmem>>, vector<1x16xf32>,
      %get3A_350 = arith.constant 3 : i32
      %get3A_351 = arith.index_cast %get3A_350 : i32 to index
      %get3A_352 = arith.constant 16 : index
      %get3A_353 = tpu.vector_load %arg8[%get3A_351, %get3A_352] {strides = array<i32>} : memref<8x128xf32, #tpu.memory_space<vmem>>, vector<1x16xf32>,
      %get3A_354 = vector.shape_cast %get3A_353 : vector<1x16xf32> to vector<16xf32>
      %swap3A_355 = arith.constant 25 : i32
      %swap3A_356 = arith.index_cast %swap3A_355 : i32 to index
      %swap3A_357 = arith.constant 0 : index
      %swap3A_358 = tpu.vector_load %arg10[%swap3A_356, %swap3A_357] {strides = array<i32>} : memref<64x128xf32, #tpu.memory_space<vmem>>, vector<1x16xf32>,
      %swap3A_359 = vector.shape_cast %swap3A_358 : vector<1x16xf32> to vector<16xf32>
      %swap3A_360 = vector.shape_cast %get3A_354 : vector<16xf32> to vector<1x16xf32>
      tpu.vector_store %arg10[%swap3A_356, %swap3A_357], %swap3A_360 {strides = array<i32>} : memref<64x128xf32, #tpu.memory_space<vmem>>, vector<1x16xf32>,
      %get3A_361 = arith.constant 3 : i32
      %get3A_362 = arith.index_cast %get3A_361 : i32 to index
      %get3A_363 = arith.constant 32 : index
      %get3A_364 = tpu.vector_load %arg8[%get3A_362, %get3A_363] {strides = array<i32>} : memref<8x128xf32, #tpu.memory_space<vmem>>, vector<1x16xf32>,
      %get3A_365 = vector.shape_cast %get3A_364 : vector<1x16xf32> to vector<16xf32>
      %swap3A_366 = arith.constant 26 : i32
      %swap3A_367 = arith.index_cast %swap3A_366 : i32 to index
      %swap3A_368 = arith.constant 0 : index
      %swap3A_369 = tpu.vector_load %arg10[%swap3A_367, %swap3A_368] {strides = array<i32>} : memref<64x128xf32, #tpu.memory_space<vmem>>, vector<1x16xf32>,
      %swap3A_370 = vector.shape_cast %swap3A_369 : vector<1x16xf32> to vector<16xf32>
      %swap3A_371 = vector.shape_cast %get3A_365 : vector<16xf32> to vector<1x16xf32>
      tpu.vector_store %arg10[%swap3A_367, %swap3A_368], %swap3A_371 {strides = array<i32>} : memref<64x128xf32, #tpu.memory_space<vmem>>, vector<1x16xf32>,
      %get3A_372 = arith.constant 3 : i32
      %get3A_373 = arith.index_cast %get3A_372 : i32 to index
      %get3A_374 = arith.constant 48 : index
      %get3A_375 = tpu.vector_load %arg8[%get3A_373, %get3A_374] {strides = array<i32>} : memref<8x128xf32, #tpu.memory_space<vmem>>, vector<1x16xf32>,
      %get3A_376 = vector.shape_cast %get3A_375 : vector<1x16xf32> to vector<16xf32>
      %swap3A_377 = arith.constant 27 : i32
      %swap3A_378 = arith.index_cast %swap3A_377 : i32 to index
      %swap3A_379 = arith.constant 0 : index
      %swap3A_380 = tpu.vector_load %arg10[%swap3A_378, %swap3A_379] {strides = array<i32>} : memref<64x128xf32, #tpu.memory_space<vmem>>, vector<1x16xf32>,
      %swap3A_381 = vector.shape_cast %swap3A_380 : vector<1x16xf32> to vector<16xf32>
      %swap3A_382 = vector.shape_cast %get3A_376 : vector<16xf32> to vector<1x16xf32>
      tpu.vector_store %arg10[%swap3A_378, %swap3A_379], %swap3A_382 {strides = array<i32>} : memref<64x128xf32, #tpu.memory_space<vmem>>, vector<1x16xf32>,
      %get3A_383 = arith.constant 3 : i32
      %get3A_384 = arith.index_cast %get3A_383 : i32 to index
      %get3A_385 = arith.constant 64 : index
      %get3A_386 = tpu.vector_load %arg8[%get3A_384, %get3A_385] {strides = array<i32>} : memref<8x128xf32, #tpu.memory_space<vmem>>, vector<1x16xf32>,
      %get3A_387 = vector.shape_cast %get3A_386 : vector<1x16xf32> to vector<16xf32>
      %swap3A_388 = arith.constant 28 : i32
      %swap3A_389 = arith.index_cast %swap3A_388 : i32 to index
      %swap3A_390 = arith.constant 0 : index
      %swap3A_391 = tpu.vector_load %arg10[%swap3A_389, %swap3A_390] {strides = array<i32>} : memref<64x128xf32, #tpu.memory_space<vmem>>, vector<1x16xf32>,
      %swap3A_392 = vector.shape_cast %swap3A_391 : vector<1x16xf32> to vector<16xf32>
      %swap3A_393 = vector.shape_cast %get3A_387 : vector<16xf32> to vector<1x16xf32>
      tpu.vector_store %arg10[%swap3A_389, %swap3A_390], %swap3A_393 {strides = array<i32>} : memref<64x128xf32, #tpu.memory_space<vmem>>, vector<1x16xf32>,
      %get3A_394 = arith.constant 3 : i32
      %get3A_395 = arith.index_cast %get3A_394 : i32 to index
      %get3A_396 = arith.constant 80 : index
      %get3A_397 = tpu.vector_load %arg8[%get3A_395, %get3A_396] {strides = array<i32>} : memref<8x128xf32, #tpu.memory_space<vmem>>, vector<1x16xf32>,
      %get3A_398 = vector.shape_cast %get3A_397 : vector<1x16xf32> to vector<16xf32>
      %swap3A_399 = arith.constant 29 : i32
      %swap3A_400 = arith.index_cast %swap3A_399 : i32 to index
      %swap3A_401 = arith.constant 0 : index
      %swap3A_402 = tpu.vector_load %arg10[%swap3A_400, %swap3A_401] {strides = array<i32>} : memref<64x128xf32, #tpu.memory_space<vmem>>, vector<1x16xf32>,
      %swap3A_403 = vector.shape_cast %swap3A_402 : vector<1x16xf32> to vector<16xf32>
      %swap3A_404 = vector.shape_cast %get3A_398 : vector<16xf32> to vector<1x16xf32>
      tpu.vector_store %arg10[%swap3A_400, %swap3A_401], %swap3A_404 {strides = array<i32>} : memref<64x128xf32, #tpu.memory_space<vmem>>, vector<1x16xf32>,
      %get3A_405 = arith.constant 3 : i32
      %get3A_406 = arith.index_cast %get3A_405 : i32 to index
      %get3A_407 = arith.constant 96 : index
      %get3A_408 = tpu.vector_load %arg8[%get3A_406, %get3A_407] {strides = array<i32>} : memref<8x128xf32, #tpu.memory_space<vmem>>, vector<1x16xf32>,
      %get3A_409 = vector.shape_cast %get3A_408 : vector<1x16xf32> to vector<16xf32>
      %swap3A_410 = arith.constant 30 : i32
      %swap3A_411 = arith.index_cast %swap3A_410 : i32 to index
      %swap3A_412 = arith.constant 0 : index
      %swap3A_413 = tpu.vector_load %arg10[%swap3A_411, %swap3A_412] {strides = array<i32>} : memref<64x128xf32, #tpu.memory_space<vmem>>, vector<1x16xf32>,
      %swap3A_414 = vector.shape_cast %swap3A_413 : vector<1x16xf32> to vector<16xf32>
      %swap3A_415 = vector.shape_cast %get3A_409 : vector<16xf32> to vector<1x16xf32>
      tpu.vector_store %arg10[%swap3A_411, %swap3A_412], %swap3A_415 {strides = array<i32>} : memref<64x128xf32, #tpu.memory_space<vmem>>, vector<1x16xf32>,
      %get3A_416 = arith.constant 3 : i32
      %get3A_417 = arith.index_cast %get3A_416 : i32 to index
      %get3A_418 = arith.constant 112 : index
      %get3A_419 = tpu.vector_load %arg8[%get3A_417, %get3A_418] {strides = array<i32>} : memref<8x128xf32, #tpu.memory_space<vmem>>, vector<1x16xf32>,
      %get3A_420 = vector.shape_cast %get3A_419 : vector<1x16xf32> to vector<16xf32>
      %swap3A_421 = arith.constant 31 : i32
      %swap3A_422 = arith.index_cast %swap3A_421 : i32 to index
      %swap3A_423 = arith.constant 0 : index
      %swap3A_424 = tpu.vector_load %arg10[%swap3A_422, %swap3A_423] {strides = array<i32>} : memref<64x128xf32, #tpu.memory_space<vmem>>, vector<1x16xf32>,
      %swap3A_425 = vector.shape_cast %swap3A_424 : vector<1x16xf32> to vector<16xf32>
      %swap3A_426 = vector.shape_cast %get3A_420 : vector<16xf32> to vector<1x16xf32>
      tpu.vector_store %arg10[%swap3A_422, %swap3A_423], %swap3A_426 {strides = array<i32>} : memref<64x128xf32, #tpu.memory_space<vmem>>, vector<1x16xf32>,
      %get3A_427 = arith.constant 4 : i32
      %get3A_428 = arith.index_cast %get3A_427 : i32 to index
      %get3A_429 = arith.constant 0 : index
      %get3A_430 = tpu.vector_load %arg8[%get3A_428, %get3A_429] {strides = array<i32>} : memref<8x128xf32, #tpu.memory_space<vmem>>, vector<1x16xf32>,
      %get3A_431 = vector.shape_cast %get3A_430 : vector<1x16xf32> to vector<16xf32>
      %swap3A_432 = arith.constant 32 : i32
      %swap3A_433 = arith.index_cast %swap3A_432 : i32 to index
      %swap3A_434 = arith.constant 0 : index
      %swap3A_435 = tpu.vector_load %arg10[%swap3A_433, %swap3A_434] {strides = array<i32>} : memref<64x128xf32, #tpu.memory_space<vmem>>, vector<1x16xf32>,
      %swap3A_436 = vector.shape_cast %swap3A_435 : vector<1x16xf32> to vector<16xf32>
      %swap3A_437 = vector.shape_cast %get3A_431 : vector<16xf32> to vector<1x16xf32>
      tpu.vector_store %arg10[%swap3A_433, %swap3A_434], %swap3A_437 {strides = array<i32>} : memref<64x128xf32, #tpu.memory_space<vmem>>, vector<1x16xf32>,
      %get3A_438 = arith.constant 4 : i32
      %get3A_439 = arith.index_cast %get3A_438 : i32 to index
      %get3A_440 = arith.constant 16 : index
      %get3A_441 = tpu.vector_load %arg8[%get3A_439, %get3A_440] {strides = array<i32>} : memref<8x128xf32, #tpu.memory_space<vmem>>, vector<1x16xf32>,
      %get3A_442 = vector.shape_cast %get3A_441 : vector<1x16xf32> to vector<16xf32>
      %swap3A_443 = arith.constant 33 : i32
      %swap3A_444 = arith.index_cast %swap3A_443 : i32 to index
      %swap3A_445 = arith.constant 0 : index
      %swap3A_446 = tpu.vector_load %arg10[%swap3A_444, %swap3A_445] {strides = array<i32>} : memref<64x128xf32, #tpu.memory_space<vmem>>, vector<1x16xf32>,
      %swap3A_447 = vector.shape_cast %swap3A_446 : vector<1x16xf32> to vector<16xf32>
      %swap3A_448 = vector.shape_cast %get3A_442 : vector<16xf32> to vector<1x16xf32>
      tpu.vector_store %arg10[%swap3A_444, %swap3A_445], %swap3A_448 {strides = array<i32>} : memref<64x128xf32, #tpu.memory_space<vmem>>, vector<1x16xf32>,
      %get3A_449 = arith.constant 4 : i32
      %get3A_450 = arith.index_cast %get3A_449 : i32 to index
      %get3A_451 = arith.constant 32 : index
      %get3A_452 = tpu.vector_load %arg8[%get3A_450, %get3A_451] {strides = array<i32>} : memref<8x128xf32, #tpu.memory_space<vmem>>, vector<1x16xf32>,
      %get3A_453 = vector.shape_cast %get3A_452 : vector<1x16xf32> to vector<16xf32>
      %swap3A_454 = arith.constant 34 : i32
      %swap3A_455 = arith.index_cast %swap3A_454 : i32 to index
      %swap3A_456 = arith.constant 0 : index
      %swap3A_457 = tpu.vector_load %arg10[%swap3A_455, %swap3A_456] {strides = array<i32>} : memref<64x128xf32, #tpu.memory_space<vmem>>, vector<1x16xf32>,
      %swap3A_458 = vector.shape_cast %swap3A_457 : vector<1x16xf32> to vector<16xf32>
      %swap3A_459 = vector.shape_cast %get3A_453 : vector<16xf32> to vector<1x16xf32>
      tpu.vector_store %arg10[%swap3A_455, %swap3A_456], %swap3A_459 {strides = array<i32>} : memref<64x128xf32, #tpu.memory_space<vmem>>, vector<1x16xf32>,
      %get3A_460 = arith.constant 4 : i32
      %get3A_461 = arith.index_cast %get3A_460 : i32 to index
      %get3A_462 = arith.constant 48 : index
      %get3A_463 = tpu.vector_load %arg8[%get3A_461, %get3A_462] {strides = array<i32>} : memref<8x128xf32, #tpu.memory_space<vmem>>, vector<1x16xf32>,
      %get3A_464 = vector.shape_cast %get3A_463 : vector<1x16xf32> to vector<16xf32>
      %swap3A_465 = arith.constant 35 : i32
      %swap3A_466 = arith.index_cast %swap3A_465 : i32 to index
      %swap3A_467 = arith.constant 0 : index
      %swap3A_468 = tpu.vector_load %arg10[%swap3A_466, %swap3A_467] {strides = array<i32>} : memref<64x128xf32, #tpu.memory_space<vmem>>, vector<1x16xf32>,
      %swap3A_469 = vector.shape_cast %swap3A_468 : vector<1x16xf32> to vector<16xf32>
      %swap3A_470 = vector.shape_cast %get3A_464 : vector<16xf32> to vector<1x16xf32>
      tpu.vector_store %arg10[%swap3A_466, %swap3A_467], %swap3A_470 {strides = array<i32>} : memref<64x128xf32, #tpu.memory_space<vmem>>, vector<1x16xf32>,
      %get3A_471 = arith.constant 4 : i32
      %get3A_472 = arith.index_cast %get3A_471 : i32 to index
      %get3A_473 = arith.constant 64 : index
      %get3A_474 = tpu.vector_load %arg8[%get3A_472, %get3A_473] {strides = array<i32>} : memref<8x128xf32, #tpu.memory_space<vmem>>, vector<1x16xf32>,
      %get3A_475 = vector.shape_cast %get3A_474 : vector<1x16xf32> to vector<16xf32>
      %swap3A_476 = arith.constant 36 : i32
      %swap3A_477 = arith.index_cast %swap3A_476 : i32 to index
      %swap3A_478 = arith.constant 0 : index
      %swap3A_479 = tpu.vector_load %arg10[%swap3A_477, %swap3A_478] {strides = array<i32>} : memref<64x128xf32, #tpu.memory_space<vmem>>, vector<1x16xf32>,
      %swap3A_480 = vector.shape_cast %swap3A_479 : vector<1x16xf32> to vector<16xf32>
      %swap3A_481 = vector.shape_cast %get3A_475 : vector<16xf32> to vector<1x16xf32>
      tpu.vector_store %arg10[%swap3A_477, %swap3A_478], %swap3A_481 {strides = array<i32>} : memref<64x128xf32, #tpu.memory_space<vmem>>, vector<1x16xf32>,
      %get3A_482 = arith.constant 4 : i32
      %get3A_483 = arith.index_cast %get3A_482 : i32 to index
      %get3A_484 = arith.constant 80 : index
      %get3A_485 = tpu.vector_load %arg8[%get3A_483, %get3A_484] {strides = array<i32>} : memref<8x128xf32, #tpu.memory_space<vmem>>, vector<1x16xf32>,
      %get3A_486 = vector.shape_cast %get3A_485 : vector<1x16xf32> to vector<16xf32>
      %swap3A_487 = arith.constant 37 : i32
      %swap3A_488 = arith.index_cast %swap3A_487 : i32 to index
      %swap3A_489 = arith.constant 0 : index
      %swap3A_490 = tpu.vector_load %arg10[%swap3A_488, %swap3A_489] {strides = array<i32>} : memref<64x128xf32, #tpu.memory_space<vmem>>, vector<1x16xf32>,
      %swap3A_491 = vector.shape_cast %swap3A_490 : vector<1x16xf32> to vector<16xf32>
      %swap3A_492 = vector.shape_cast %get3A_486 : vector<16xf32> to vector<1x16xf32>
      tpu.vector_store %arg10[%swap3A_488, %swap3A_489], %swap3A_492 {strides = array<i32>} : memref<64x128xf32, #tpu.memory_space<vmem>>, vector<1x16xf32>,
      %get3A_493 = arith.constant 4 : i32
      %get3A_494 = arith.index_cast %get3A_493 : i32 to index
      %get3A_495 = arith.constant 96 : index
      %get3A_496 = tpu.vector_load %arg8[%get3A_494, %get3A_495] {strides = array<i32>} : memref<8x128xf32, #tpu.memory_space<vmem>>, vector<1x16xf32>,
      %get3A_497 = vector.shape_cast %get3A_496 : vector<1x16xf32> to vector<16xf32>
      %swap3A_498 = arith.constant 38 : i32
      %swap3A_499 = arith.index_cast %swap3A_498 : i32 to index
      %swap3A_500 = arith.constant 0 : index
      %swap3A_501 = tpu.vector_load %arg10[%swap3A_499, %swap3A_500] {strides = array<i32>} : memref<64x128xf32, #tpu.memory_space<vmem>>, vector<1x16xf32>,
      %swap3A_502 = vector.shape_cast %swap3A_501 : vector<1x16xf32> to vector<16xf32>
      %swap3A_503 = vector.shape_cast %get3A_497 : vector<16xf32> to vector<1x16xf32>
      tpu.vector_store %arg10[%swap3A_499, %swap3A_500], %swap3A_503 {strides = array<i32>} : memref<64x128xf32, #tpu.memory_space<vmem>>, vector<1x16xf32>,
      %get3A_504 = arith.constant 4 : i32
      %get3A_505 = arith.index_cast %get3A_504 : i32 to index
      %get3A_506 = arith.constant 112 : index
      %get3A_507 = tpu.vector_load %arg8[%get3A_505, %get3A_506] {strides = array<i32>} : memref<8x128xf32, #tpu.memory_space<vmem>>, vector<1x16xf32>,
      %get3A_508 = vector.shape_cast %get3A_507 : vector<1x16xf32> to vector<16xf32>
      %swap3A_509 = arith.constant 39 : i32
      %swap3A_510 = arith.index_cast %swap3A_509 : i32 to index
      %swap3A_511 = arith.constant 0 : index
      %swap3A_512 = tpu.vector_load %arg10[%swap3A_510, %swap3A_511] {strides = array<i32>} : memref<64x128xf32, #tpu.memory_space<vmem>>, vector<1x16xf32>,
      %swap3A_513 = vector.shape_cast %swap3A_512 : vector<1x16xf32> to vector<16xf32>
      %swap3A_514 = vector.shape_cast %get3A_508 : vector<16xf32> to vector<1x16xf32>
      tpu.vector_store %arg10[%swap3A_510, %swap3A_511], %swap3A_514 {strides = array<i32>} : memref<64x128xf32, #tpu.memory_space<vmem>>, vector<1x16xf32>,
      %get3A_515 = arith.constant 5 : i32
      %get3A_516 = arith.index_cast %get3A_515 : i32 to index
      %get3A_517 = arith.constant 0 : index
      %get3A_518 = tpu.vector_load %arg8[%get3A_516, %get3A_517] {strides = array<i32>} : memref<8x128xf32, #tpu.memory_space<vmem>>, vector<1x16xf32>,
      %get3A_519 = vector.shape_cast %get3A_518 : vector<1x16xf32> to vector<16xf32>
      %swap3A_520 = arith.constant 40 : i32
      %swap3A_521 = arith.index_cast %swap3A_520 : i32 to index
      %swap3A_522 = arith.constant 0 : index
      %swap3A_523 = tpu.vector_load %arg10[%swap3A_521, %swap3A_522] {strides = array<i32>} : memref<64x128xf32, #tpu.memory_space<vmem>>, vector<1x16xf32>,
      %swap3A_524 = vector.shape_cast %swap3A_523 : vector<1x16xf32> to vector<16xf32>
      %swap3A_525 = vector.shape_cast %get3A_519 : vector<16xf32> to vector<1x16xf32>
      tpu.vector_store %arg10[%swap3A_521, %swap3A_522], %swap3A_525 {strides = array<i32>} : memref<64x128xf32, #tpu.memory_space<vmem>>, vector<1x16xf32>,
      %get3A_526 = arith.constant 5 : i32
      %get3A_527 = arith.index_cast %get3A_526 : i32 to index
      %get3A_528 = arith.constant 16 : index
      %get3A_529 = tpu.vector_load %arg8[%get3A_527, %get3A_528] {strides = array<i32>} : memref<8x128xf32, #tpu.memory_space<vmem>>, vector<1x16xf32>,
      %get3A_530 = vector.shape_cast %get3A_529 : vector<1x16xf32> to vector<16xf32>
      %swap3A_531 = arith.constant 41 : i32
      %swap3A_532 = arith.index_cast %swap3A_531 : i32 to index
      %swap3A_533 = arith.constant 0 : index
      %swap3A_534 = tpu.vector_load %arg10[%swap3A_532, %swap3A_533] {strides = array<i32>} : memref<64x128xf32, #tpu.memory_space<vmem>>, vector<1x16xf32>,
      %swap3A_535 = vector.shape_cast %swap3A_534 : vector<1x16xf32> to vector<16xf32>
      %swap3A_536 = vector.shape_cast %get3A_530 : vector<16xf32> to vector<1x16xf32>
      tpu.vector_store %arg10[%swap3A_532, %swap3A_533], %swap3A_536 {strides = array<i32>} : memref<64x128xf32, #tpu.memory_space<vmem>>, vector<1x16xf32>,
      %get3A_537 = arith.constant 5 : i32
      %get3A_538 = arith.index_cast %get3A_537 : i32 to index
      %get3A_539 = arith.constant 32 : index
      %get3A_540 = tpu.vector_load %arg8[%get3A_538, %get3A_539] {strides = array<i32>} : memref<8x128xf32, #tpu.memory_space<vmem>>, vector<1x16xf32>,
      %get3A_541 = vector.shape_cast %get3A_540 : vector<1x16xf32> to vector<16xf32>
      %swap3A_542 = arith.constant 42 : i32
      %swap3A_543 = arith.index_cast %swap3A_542 : i32 to index
      %swap3A_544 = arith.constant 0 : index
      %swap3A_545 = tpu.vector_load %arg10[%swap3A_543, %swap3A_544] {strides = array<i32>} : memref<64x128xf32, #tpu.memory_space<vmem>>, vector<1x16xf32>,
      %swap3A_546 = vector.shape_cast %swap3A_545 : vector<1x16xf32> to vector<16xf32>
      %swap3A_547 = vector.shape_cast %get3A_541 : vector<16xf32> to vector<1x16xf32>
      tpu.vector_store %arg10[%swap3A_543, %swap3A_544], %swap3A_547 {strides = array<i32>} : memref<64x128xf32, #tpu.memory_space<vmem>>, vector<1x16xf32>,
      %get3A_548 = arith.constant 5 : i32
      %get3A_549 = arith.index_cast %get3A_548 : i32 to index
      %get3A_550 = arith.constant 48 : index
      %get3A_551 = tpu.vector_load %arg8[%get3A_549, %get3A_550] {strides = array<i32>} : memref<8x128xf32, #tpu.memory_space<vmem>>, vector<1x16xf32>,
      %get3A_552 = vector.shape_cast %get3A_551 : vector<1x16xf32> to vector<16xf32>
      %swap3A_553 = arith.constant 43 : i32
      %swap3A_554 = arith.index_cast %swap3A_553 : i32 to index
      %swap3A_555 = arith.constant 0 : index
      %swap3A_556 = tpu.vector_load %arg10[%swap3A_554, %swap3A_555] {strides = array<i32>} : memref<64x128xf32, #tpu.memory_space<vmem>>, vector<1x16xf32>,
      %swap3A_557 = vector.shape_cast %swap3A_556 : vector<1x16xf32> to vector<16xf32>
      %swap3A_558 = vector.shape_cast %get3A_552 : vector<16xf32> to vector<1x16xf32>
      tpu.vector_store %arg10[%swap3A_554, %swap3A_555], %swap3A_558 {strides = array<i32>} : memref<64x128xf32, #tpu.memory_space<vmem>>, vector<1x16xf32>,
      %get3A_559 = arith.constant 5 : i32
      %get3A_560 = arith.index_cast %get3A_559 : i32 to index
      %get3A_561 = arith.constant 64 : index
      %get3A_562 = tpu.vector_load %arg8[%get3A_560, %get3A_561] {strides = array<i32>} : memref<8x128xf32, #tpu.memory_space<vmem>>, vector<1x16xf32>,
      %get3A_563 = vector.shape_cast %get3A_562 : vector<1x16xf32> to vector<16xf32>
      %swap3A_564 = arith.constant 44 : i32
      %swap3A_565 = arith.index_cast %swap3A_564 : i32 to index
      %swap3A_566 = arith.constant 0 : index
      %swap3A_567 = tpu.vector_load %arg10[%swap3A_565, %swap3A_566] {strides = array<i32>} : memref<64x128xf32, #tpu.memory_space<vmem>>, vector<1x16xf32>,
      %swap3A_568 = vector.shape_cast %swap3A_567 : vector<1x16xf32> to vector<16xf32>
      %swap3A_569 = vector.shape_cast %get3A_563 : vector<16xf32> to vector<1x16xf32>
      tpu.vector_store %arg10[%swap3A_565, %swap3A_566], %swap3A_569 {strides = array<i32>} : memref<64x128xf32, #tpu.memory_space<vmem>>, vector<1x16xf32>,
      %get3A_570 = arith.constant 5 : i32
      %get3A_571 = arith.index_cast %get3A_570 : i32 to index
      %get3A_572 = arith.constant 80 : index
      %get3A_573 = tpu.vector_load %arg8[%get3A_571, %get3A_572] {strides = array<i32>} : memref<8x128xf32, #tpu.memory_space<vmem>>, vector<1x16xf32>,
      %get3A_574 = vector.shape_cast %get3A_573 : vector<1x16xf32> to vector<16xf32>
      %swap3A_575 = arith.constant 45 : i32
      %swap3A_576 = arith.index_cast %swap3A_575 : i32 to index
      %swap3A_577 = arith.constant 0 : index
      %swap3A_578 = tpu.vector_load %arg10[%swap3A_576, %swap3A_577] {strides = array<i32>} : memref<64x128xf32, #tpu.memory_space<vmem>>, vector<1x16xf32>,
      %swap3A_579 = vector.shape_cast %swap3A_578 : vector<1x16xf32> to vector<16xf32>
      %swap3A_580 = vector.shape_cast %get3A_574 : vector<16xf32> to vector<1x16xf32>
      tpu.vector_store %arg10[%swap3A_576, %swap3A_577], %swap3A_580 {strides = array<i32>} : memref<64x128xf32, #tpu.memory_space<vmem>>, vector<1x16xf32>,
      %get3A_581 = arith.constant 5 : i32
      %get3A_582 = arith.index_cast %get3A_581 : i32 to index
      %get3A_583 = arith.constant 96 : index
      %get3A_584 = tpu.vector_load %arg8[%get3A_582, %get3A_583] {strides = array<i32>} : memref<8x128xf32, #tpu.memory_space<vmem>>, vector<1x16xf32>,
      %get3A_585 = vector.shape_cast %get3A_584 : vector<1x16xf32> to vector<16xf32>
      %swap3A_586 = arith.constant 46 : i32
      %swap3A_587 = arith.index_cast %swap3A_586 : i32 to index
      %swap3A_588 = arith.constant 0 : index
      %swap3A_589 = tpu.vector_load %arg10[%swap3A_587, %swap3A_588] {strides = array<i32>} : memref<64x128xf32, #tpu.memory_space<vmem>>, vector<1x16xf32>,
      %swap3A_590 = vector.shape_cast %swap3A_589 : vector<1x16xf32> to vector<16xf32>
      %swap3A_591 = vector.shape_cast %get3A_585 : vector<16xf32> to vector<1x16xf32>
      tpu.vector_store %arg10[%swap3A_587, %swap3A_588], %swap3A_591 {strides = array<i32>} : memref<64x128xf32, #tpu.memory_space<vmem>>, vector<1x16xf32>,
      %get3A_592 = arith.constant 5 : i32
      %get3A_593 = arith.index_cast %get3A_592 : i32 to index
      %get3A_594 = arith.constant 112 : index
      %get3A_595 = tpu.vector_load %arg8[%get3A_593, %get3A_594] {strides = array<i32>} : memref<8x128xf32, #tpu.memory_space<vmem>>, vector<1x16xf32>,
      %get3A_596 = vector.shape_cast %get3A_595 : vector<1x16xf32> to vector<16xf32>
      %swap3A_597 = arith.constant 47 : i32
      %swap3A_598 = arith.index_cast %swap3A_597 : i32 to index
      %swap3A_599 = arith.constant 0 : index
      %swap3A_600 = tpu.vector_load %arg10[%swap3A_598, %swap3A_599] {strides = array<i32>} : memref<64x128xf32, #tpu.memory_space<vmem>>, vector<1x16xf32>,
      %swap3A_601 = vector.shape_cast %swap3A_600 : vector<1x16xf32> to vector<16xf32>
      %swap3A_602 = vector.shape_cast %get3A_596 : vector<16xf32> to vector<1x16xf32>
      tpu.vector_store %arg10[%swap3A_598, %swap3A_599], %swap3A_602 {strides = array<i32>} : memref<64x128xf32, #tpu.memory_space<vmem>>, vector<1x16xf32>,
      %get3A_603 = arith.constant 6 : i32
      %get3A_604 = arith.index_cast %get3A_603 : i32 to index
      %get3A_605 = arith.constant 0 : index
      %get3A_606 = tpu.vector_load %arg8[%get3A_604, %get3A_605] {strides = array<i32>} : memref<8x128xf32, #tpu.memory_space<vmem>>, vector<1x16xf32>,
      %get3A_607 = vector.shape_cast %get3A_606 : vector<1x16xf32> to vector<16xf32>
      %swap3A_608 = arith.constant 48 : i32
      %swap3A_609 = arith.index_cast %swap3A_608 : i32 to index
      %swap3A_610 = arith.constant 0 : index
      %swap3A_611 = tpu.vector_load %arg10[%swap3A_609, %swap3A_610] {strides = array<i32>} : memref<64x128xf32, #tpu.memory_space<vmem>>, vector<1x16xf32>,
      %swap3A_612 = vector.shape_cast %swap3A_611 : vector<1x16xf32> to vector<16xf32>
      %swap3A_613 = vector.shape_cast %get3A_607 : vector<16xf32> to vector<1x16xf32>
      tpu.vector_store %arg10[%swap3A_609, %swap3A_610], %swap3A_613 {strides = array<i32>} : memref<64x128xf32, #tpu.memory_space<vmem>>, vector<1x16xf32>,
      %get3A_614 = arith.constant 6 : i32
      %get3A_615 = arith.index_cast %get3A_614 : i32 to index
      %get3A_616 = arith.constant 16 : index
      %get3A_617 = tpu.vector_load %arg8[%get3A_615, %get3A_616] {strides = array<i32>} : memref<8x128xf32, #tpu.memory_space<vmem>>, vector<1x16xf32>,
      %get3A_618 = vector.shape_cast %get3A_617 : vector<1x16xf32> to vector<16xf32>
      %swap3A_619 = arith.constant 49 : i32
      %swap3A_620 = arith.index_cast %swap3A_619 : i32 to index
      %swap3A_621 = arith.constant 0 : index
      %swap3A_622 = tpu.vector_load %arg10[%swap3A_620, %swap3A_621] {strides = array<i32>} : memref<64x128xf32, #tpu.memory_space<vmem>>, vector<1x16xf32>,
      %swap3A_623 = vector.shape_cast %swap3A_622 : vector<1x16xf32> to vector<16xf32>
      %swap3A_624 = vector.shape_cast %get3A_618 : vector<16xf32> to vector<1x16xf32>
      tpu.vector_store %arg10[%swap3A_620, %swap3A_621], %swap3A_624 {strides = array<i32>} : memref<64x128xf32, #tpu.memory_space<vmem>>, vector<1x16xf32>,
      %get3A_625 = arith.constant 6 : i32
      %get3A_626 = arith.index_cast %get3A_625 : i32 to index
      %get3A_627 = arith.constant 32 : index
      %get3A_628 = tpu.vector_load %arg8[%get3A_626, %get3A_627] {strides = array<i32>} : memref<8x128xf32, #tpu.memory_space<vmem>>, vector<1x16xf32>,
      %get3A_629 = vector.shape_cast %get3A_628 : vector<1x16xf32> to vector<16xf32>
      %swap3A_630 = arith.constant 50 : i32
      %swap3A_631 = arith.index_cast %swap3A_630 : i32 to index
      %swap3A_632 = arith.constant 0 : index
      %swap3A_633 = tpu.vector_load %arg10[%swap3A_631, %swap3A_632] {strides = array<i32>} : memref<64x128xf32, #tpu.memory_space<vmem>>, vector<1x16xf32>,
      %swap3A_634 = vector.shape_cast %swap3A_633 : vector<1x16xf32> to vector<16xf32>
      %swap3A_635 = vector.shape_cast %get3A_629 : vector<16xf32> to vector<1x16xf32>
      tpu.vector_store %arg10[%swap3A_631, %swap3A_632], %swap3A_635 {strides = array<i32>} : memref<64x128xf32, #tpu.memory_space<vmem>>, vector<1x16xf32>,
      %get3A_636 = arith.constant 6 : i32
      %get3A_637 = arith.index_cast %get3A_636 : i32 to index
      %get3A_638 = arith.constant 48 : index
      %get3A_639 = tpu.vector_load %arg8[%get3A_637, %get3A_638] {strides = array<i32>} : memref<8x128xf32, #tpu.memory_space<vmem>>, vector<1x16xf32>,
      %get3A_640 = vector.shape_cast %get3A_639 : vector<1x16xf32> to vector<16xf32>
      %swap3A_641 = arith.constant 51 : i32
      %swap3A_642 = arith.index_cast %swap3A_641 : i32 to index
      %swap3A_643 = arith.constant 0 : index
      %swap3A_644 = tpu.vector_load %arg10[%swap3A_642, %swap3A_643] {strides = array<i32>} : memref<64x128xf32, #tpu.memory_space<vmem>>, vector<1x16xf32>,
      %swap3A_645 = vector.shape_cast %swap3A_644 : vector<1x16xf32> to vector<16xf32>
      %swap3A_646 = vector.shape_cast %get3A_640 : vector<16xf32> to vector<1x16xf32>
      tpu.vector_store %arg10[%swap3A_642, %swap3A_643], %swap3A_646 {strides = array<i32>} : memref<64x128xf32, #tpu.memory_space<vmem>>, vector<1x16xf32>,
      %get3A_647 = arith.constant 6 : i32
      %get3A_648 = arith.index_cast %get3A_647 : i32 to index
      %get3A_649 = arith.constant 64 : index
      %get3A_650 = tpu.vector_load %arg8[%get3A_648, %get3A_649] {strides = array<i32>} : memref<8x128xf32, #tpu.memory_space<vmem>>, vector<1x16xf32>,
      %get3A_651 = vector.shape_cast %get3A_650 : vector<1x16xf32> to vector<16xf32>
      %swap3A_652 = arith.constant 52 : i32
      %swap3A_653 = arith.index_cast %swap3A_652 : i32 to index
      %swap3A_654 = arith.constant 0 : index
      %swap3A_655 = tpu.vector_load %arg10[%swap3A_653, %swap3A_654] {strides = array<i32>} : memref<64x128xf32, #tpu.memory_space<vmem>>, vector<1x16xf32>,
      %swap3A_656 = vector.shape_cast %swap3A_655 : vector<1x16xf32> to vector<16xf32>
      %swap3A_657 = vector.shape_cast %get3A_651 : vector<16xf32> to vector<1x16xf32>
      tpu.vector_store %arg10[%swap3A_653, %swap3A_654], %swap3A_657 {strides = array<i32>} : memref<64x128xf32, #tpu.memory_space<vmem>>, vector<1x16xf32>,
      %get3A_658 = arith.constant 6 : i32
      %get3A_659 = arith.index_cast %get3A_658 : i32 to index
      %get3A_660 = arith.constant 80 : index
      %get3A_661 = tpu.vector_load %arg8[%get3A_659, %get3A_660] {strides = array<i32>} : memref<8x128xf32, #tpu.memory_space<vmem>>, vector<1x16xf32>,
      %get3A_662 = vector.shape_cast %get3A_661 : vector<1x16xf32> to vector<16xf32>
      %swap3A_663 = arith.constant 53 : i32
      %swap3A_664 = arith.index_cast %swap3A_663 : i32 to index
      %swap3A_665 = arith.constant 0 : index
      %swap3A_666 = tpu.vector_load %arg10[%swap3A_664, %swap3A_665] {strides = array<i32>} : memref<64x128xf32, #tpu.memory_space<vmem>>, vector<1x16xf32>,
      %swap3A_667 = vector.shape_cast %swap3A_666 : vector<1x16xf32> to vector<16xf32>
      %swap3A_668 = vector.shape_cast %get3A_662 : vector<16xf32> to vector<1x16xf32>
      tpu.vector_store %arg10[%swap3A_664, %swap3A_665], %swap3A_668 {strides = array<i32>} : memref<64x128xf32, #tpu.memory_space<vmem>>, vector<1x16xf32>,
      %get3A_669 = arith.constant 6 : i32
      %get3A_670 = arith.index_cast %get3A_669 : i32 to index
      %get3A_671 = arith.constant 96 : index
      %get3A_672 = tpu.vector_load %arg8[%get3A_670, %get3A_671] {strides = array<i32>} : memref<8x128xf32, #tpu.memory_space<vmem>>, vector<1x16xf32>,
      %get3A_673 = vector.shape_cast %get3A_672 : vector<1x16xf32> to vector<16xf32>
      %swap3A_674 = arith.constant 54 : i32
      %swap3A_675 = arith.index_cast %swap3A_674 : i32 to index
      %swap3A_676 = arith.constant 0 : index
      %swap3A_677 = tpu.vector_load %arg10[%swap3A_675, %swap3A_676] {strides = array<i32>} : memref<64x128xf32, #tpu.memory_space<vmem>>, vector<1x16xf32>,
      %swap3A_678 = vector.shape_cast %swap3A_677 : vector<1x16xf32> to vector<16xf32>
      %swap3A_679 = vector.shape_cast %get3A_673 : vector<16xf32> to vector<1x16xf32>
      tpu.vector_store %arg10[%swap3A_675, %swap3A_676], %swap3A_679 {strides = array<i32>} : memref<64x128xf32, #tpu.memory_space<vmem>>, vector<1x16xf32>,
      %get3A_680 = arith.constant 6 : i32
      %get3A_681 = arith.index_cast %get3A_680 : i32 to index
      %get3A_682 = arith.constant 112 : index
      %get3A_683 = tpu.vector_load %arg8[%get3A_681, %get3A_682] {strides = array<i32>} : memref<8x128xf32, #tpu.memory_space<vmem>>, vector<1x16xf32>,
      %get3A_684 = vector.shape_cast %get3A_683 : vector<1x16xf32> to vector<16xf32>
      %swap3A_685 = arith.constant 55 : i32
      %swap3A_686 = arith.index_cast %swap3A_685 : i32 to index
      %swap3A_687 = arith.constant 0 : index
      %swap3A_688 = tpu.vector_load %arg10[%swap3A_686, %swap3A_687] {strides = array<i32>} : memref<64x128xf32, #tpu.memory_space<vmem>>, vector<1x16xf32>,
      %swap3A_689 = vector.shape_cast %swap3A_688 : vector<1x16xf32> to vector<16xf32>
      %swap3A_690 = vector.shape_cast %get3A_684 : vector<16xf32> to vector<1x16xf32>
      tpu.vector_store %arg10[%swap3A_686, %swap3A_687], %swap3A_690 {strides = array<i32>} : memref<64x128xf32, #tpu.memory_space<vmem>>, vector<1x16xf32>,
      %get3A_691 = arith.constant 7 : i32
      %get3A_692 = arith.index_cast %get3A_691 : i32 to index
      %get3A_693 = arith.constant 0 : index
      %get3A_694 = tpu.vector_load %arg8[%get3A_692, %get3A_693] {strides = array<i32>} : memref<8x128xf32, #tpu.memory_space<vmem>>, vector<1x16xf32>,
      %get3A_695 = vector.shape_cast %get3A_694 : vector<1x16xf32> to vector<16xf32>
      %swap3A_696 = arith.constant 56 : i32
      %swap3A_697 = arith.index_cast %swap3A_696 : i32 to index
      %swap3A_698 = arith.constant 0 : index
      %swap3A_699 = tpu.vector_load %arg10[%swap3A_697, %swap3A_698] {strides = array<i32>} : memref<64x128xf32, #tpu.memory_space<vmem>>, vector<1x16xf32>,
      %swap3A_700 = vector.shape_cast %swap3A_699 : vector<1x16xf32> to vector<16xf32>
      %swap3A_701 = vector.shape_cast %get3A_695 : vector<16xf32> to vector<1x16xf32>
      tpu.vector_store %arg10[%swap3A_697, %swap3A_698], %swap3A_701 {strides = array<i32>} : memref<64x128xf32, #tpu.memory_space<vmem>>, vector<1x16xf32>,
      %get3A_702 = arith.constant 7 : i32
      %get3A_703 = arith.index_cast %get3A_702 : i32 to index
      %get3A_704 = arith.constant 16 : index
      %get3A_705 = tpu.vector_load %arg8[%get3A_703, %get3A_704] {strides = array<i32>} : memref<8x128xf32, #tpu.memory_space<vmem>>, vector<1x16xf32>,
      %get3A_706 = vector.shape_cast %get3A_705 : vector<1x16xf32> to vector<16xf32>
      %swap3A_707 = arith.constant 57 : i32
      %swap3A_708 = arith.index_cast %swap3A_707 : i32 to index
      %swap3A_709 = arith.constant 0 : index
      %swap3A_710 = tpu.vector_load %arg10[%swap3A_708, %swap3A_709] {strides = array<i32>} : memref<64x128xf32, #tpu.memory_space<vmem>>, vector<1x16xf32>,
      %swap3A_711 = vector.shape_cast %swap3A_710 : vector<1x16xf32> to vector<16xf32>
      %swap3A_712 = vector.shape_cast %get3A_706 : vector<16xf32> to vector<1x16xf32>
      tpu.vector_store %arg10[%swap3A_708, %swap3A_709], %swap3A_712 {strides = array<i32>} : memref<64x128xf32, #tpu.memory_space<vmem>>, vector<1x16xf32>,
      %get3A_713 = arith.constant 7 : i32
      %get3A_714 = arith.index_cast %get3A_713 : i32 to index
      %get3A_715 = arith.constant 32 : index
      %get3A_716 = tpu.vector_load %arg8[%get3A_714, %get3A_715] {strides = array<i32>} : memref<8x128xf32, #tpu.memory_space<vmem>>, vector<1x16xf32>,
      %get3A_717 = vector.shape_cast %get3A_716 : vector<1x16xf32> to vector<16xf32>
      %swap3A_718 = arith.constant 58 : i32
      %swap3A_719 = arith.index_cast %swap3A_718 : i32 to index
      %swap3A_720 = arith.constant 0 : index
      %swap3A_721 = tpu.vector_load %arg10[%swap3A_719, %swap3A_720] {strides = array<i32>} : memref<64x128xf32, #tpu.memory_space<vmem>>, vector<1x16xf32>,
      %swap3A_722 = vector.shape_cast %swap3A_721 : vector<1x16xf32> to vector<16xf32>
      %swap3A_723 = vector.shape_cast %get3A_717 : vector<16xf32> to vector<1x16xf32>
      tpu.vector_store %arg10[%swap3A_719, %swap3A_720], %swap3A_723 {strides = array<i32>} : memref<64x128xf32, #tpu.memory_space<vmem>>, vector<1x16xf32>,
      %get3A_724 = arith.constant 7 : i32
      %get3A_725 = arith.index_cast %get3A_724 : i32 to index
      %get3A_726 = arith.constant 48 : index
      %get3A_727 = tpu.vector_load %arg8[%get3A_725, %get3A_726] {strides = array<i32>} : memref<8x128xf32, #tpu.memory_space<vmem>>, vector<1x16xf32>,
      %get3A_728 = vector.shape_cast %get3A_727 : vector<1x16xf32> to vector<16xf32>
      %swap3A_729 = arith.constant 59 : i32
      %swap3A_730 = arith.index_cast %swap3A_729 : i32 to index
      %swap3A_731 = arith.constant 0 : index
      %swap3A_732 = tpu.vector_load %arg10[%swap3A_730, %swap3A_731] {strides = array<i32>} : memref<64x128xf32, #tpu.memory_space<vmem>>, vector<1x16xf32>,
      %swap3A_733 = vector.shape_cast %swap3A_732 : vector<1x16xf32> to vector<16xf32>
      %swap3A_734 = vector.shape_cast %get3A_728 : vector<16xf32> to vector<1x16xf32>
      tpu.vector_store %arg10[%swap3A_730, %swap3A_731], %swap3A_734 {strides = array<i32>} : memref<64x128xf32, #tpu.memory_space<vmem>>, vector<1x16xf32>,
      %get3A_735 = arith.constant 7 : i32
      %get3A_736 = arith.index_cast %get3A_735 : i32 to index
      %get3A_737 = arith.constant 64 : index
      %get3A_738 = tpu.vector_load %arg8[%get3A_736, %get3A_737] {strides = array<i32>} : memref<8x128xf32, #tpu.memory_space<vmem>>, vector<1x16xf32>,
      %get3A_739 = vector.shape_cast %get3A_738 : vector<1x16xf32> to vector<16xf32>
      %swap3A_740 = arith.constant 60 : i32
      %swap3A_741 = arith.index_cast %swap3A_740 : i32 to index
      %swap3A_742 = arith.constant 0 : index
      %swap3A_743 = tpu.vector_load %arg10[%swap3A_741, %swap3A_742] {strides = array<i32>} : memref<64x128xf32, #tpu.memory_space<vmem>>, vector<1x16xf32>,
      %swap3A_744 = vector.shape_cast %swap3A_743 : vector<1x16xf32> to vector<16xf32>
      %swap3A_745 = vector.shape_cast %get3A_739 : vector<16xf32> to vector<1x16xf32>
      tpu.vector_store %arg10[%swap3A_741, %swap3A_742], %swap3A_745 {strides = array<i32>} : memref<64x128xf32, #tpu.memory_space<vmem>>, vector<1x16xf32>,
      %get3A_746 = arith.constant 7 : i32
      %get3A_747 = arith.index_cast %get3A_746 : i32 to index
      %get3A_748 = arith.constant 80 : index
      %get3A_749 = tpu.vector_load %arg8[%get3A_747, %get3A_748] {strides = array<i32>} : memref<8x128xf32, #tpu.memory_space<vmem>>, vector<1x16xf32>,
      %get3A_750 = vector.shape_cast %get3A_749 : vector<1x16xf32> to vector<16xf32>
      %swap3A_751 = arith.constant 61 : i32
      %swap3A_752 = arith.index_cast %swap3A_751 : i32 to index
      %swap3A_753 = arith.constant 0 : index
      %swap3A_754 = tpu.vector_load %arg10[%swap3A_752, %swap3A_753] {strides = array<i32>} : memref<64x128xf32, #tpu.memory_space<vmem>>, vector<1x16xf32>,
      %swap3A_755 = vector.shape_cast %swap3A_754 : vector<1x16xf32> to vector<16xf32>
      %swap3A_756 = vector.shape_cast %get3A_750 : vector<16xf32> to vector<1x16xf32>
      tpu.vector_store %arg10[%swap3A_752, %swap3A_753], %swap3A_756 {strides = array<i32>} : memref<64x128xf32, #tpu.memory_space<vmem>>, vector<1x16xf32>,
      %get3A_757 = arith.constant 7 : i32
      %get3A_758 = arith.index_cast %get3A_757 : i32 to index
      %get3A_759 = arith.constant 96 : index
      %get3A_760 = tpu.vector_load %arg8[%get3A_758, %get3A_759] {strides = array<i32>} : memref<8x128xf32, #tpu.memory_space<vmem>>, vector<1x16xf32>,
      %get3A_761 = vector.shape_cast %get3A_760 : vector<1x16xf32> to vector<16xf32>
      %swap3A_762 = arith.constant 62 : i32
      %swap3A_763 = arith.index_cast %swap3A_762 : i32 to index
      %swap3A_764 = arith.constant 0 : index
      %swap3A_765 = tpu.vector_load %arg10[%swap3A_763, %swap3A_764] {strides = array<i32>} : memref<64x128xf32, #tpu.memory_space<vmem>>, vector<1x16xf32>,
      %swap3A_766 = vector.shape_cast %swap3A_765 : vector<1x16xf32> to vector<16xf32>
      %swap3A_767 = vector.shape_cast %get3A_761 : vector<16xf32> to vector<1x16xf32>
      tpu.vector_store %arg10[%swap3A_763, %swap3A_764], %swap3A_767 {strides = array<i32>} : memref<64x128xf32, #tpu.memory_space<vmem>>, vector<1x16xf32>,
      %get3A_768 = arith.constant 7 : i32
      %get3A_769 = arith.index_cast %get3A_768 : i32 to index
      %get3A_770 = arith.constant 112 : index
      %get3A_771 = tpu.vector_load %arg8[%get3A_769, %get3A_770] {strides = array<i32>} : memref<8x128xf32, #tpu.memory_space<vmem>>, vector<1x16xf32>,
      %get3A_772 = vector.shape_cast %get3A_771 : vector<1x16xf32> to vector<16xf32>
      %swap3A_773 = arith.constant 63 : i32
      %swap3A_774 = arith.index_cast %swap3A_773 : i32 to index
      %swap3A_775 = arith.constant 0 : index
      %swap3A_776 = tpu.vector_load %arg10[%swap3A_774, %swap3A_775] {strides = array<i32>} : memref<64x128xf32, #tpu.memory_space<vmem>>, vector<1x16xf32>,
      %swap3A_777 = vector.shape_cast %swap3A_776 : vector<1x16xf32> to vector<16xf32>
      %swap3A_778 = vector.shape_cast %get3A_772 : vector<16xf32> to vector<1x16xf32>
      tpu.vector_store %arg10[%swap3A_774, %swap3A_775], %swap3A_778 {strides = array<i32>} : memref<64x128xf32, #tpu.memory_space<vmem>>, vector<1x16xf32>,
      %add3A_779 = arith.constant 0 : i32
      %add3A_780 = arith.addi %add3A_52, %add3A_779 : i32
      %scan3A_781 = arith.constant 0 : i32
      %scan3A_782 = arith.constant 4 : i32
      %scan3A_783 = arith.addi %scan3A_781, %scan3A_782 : i32
      %scan3A_784 = arith.constant 1 : i32
      scf.for %scan3A_1513 = %scan3A_781 to %scan3A_783 step %scan3A_784  : i32 {
        %mul3A_1514 = arith.constant 1 : i32
        %mul3A_1515 = arith.muli %scan3A_1513, %mul3A_1514 : i32
        %add3A_1516 = arith.constant 0 : i32
        %add3A_1517 = arith.addi %add3A_1516, %mul3A_1515 : i32
        %mul3A_1518 = arith.constant 64 : i32
        %mul3A_1519 = arith.muli %add3A_780, %mul3A_1518 : i32
        %mul3A_1520 = arith.constant 16 : i32
        %mul3A_1521 = arith.muli %add3A_1517, %mul3A_1520 : i32
        %add3A_1522 = arith.addi %mul3A_1519, %mul3A_1521 : i32
        %get3A_1523 = arith.index_cast %add3A_1522 : i32 to index
        %get3A_1524 = tpu.vector_load %arg5[%get3A_1523] {strides = array<i32>} : memref<20096xi32, #tpu.memory_space<vmem>>, vector<16xi32>,
        %get3A_1525 = vector.shape_cast %get3A_1524 : vector<16xi32> to vector<16xi32>
        %sub3A = vector.broadcast %mul3A_0 : i32 to vector<16xi32>
        %sub3A_1526 = arith.subi %get3A_1525, %sub3A : vector<16xi32>
        %ge3A = arith.constant 0 : i32
        %ge3A_1527 = vector.broadcast %ge3A : i32 to vector<16xi32>
        %ge3A_1528 = arith.cmpi sge, %sub3A_1526, %ge3A_1527 : vector<16xi32>
        %lt3A_1529 = arith.constant 5056 : i32
        %lt3A_1530 = vector.broadcast %lt3A_1529 : i32 to vector<16xi32>
        %lt3A_1531 = arith.cmpi slt, %sub3A_1526, %lt3A_1530 : vector<16xi32>
        %and3A = arith.andi %ge3A_1528, %lt3A_1531 : vector<16xi1>
        %jit3A_1532 = arith.constant 5056 : i32
        %broadcast_in_dim3A_1533 = vector.broadcast %jit3A_1532 : i32 to vector<16xi32>
        %select_n3A_1534 = arith.select %and3A, %sub3A_1526, %broadcast_in_dim3A_1533 : vector<16xi1>, vector<16xi32>
        %mul3A_1535 = arith.constant 16 : i32
        %mul3A_1536 = arith.muli %add3A_1517, %mul3A_1535 : i32
        %swap3A_1537 = arith.index_cast %mul3A_1536 : i32 to index
        %swap3A_1538 = tpu.vector_load %arg6[%swap3A_1537] {strides = array<i32>} : memref<64xi32, #tpu.memory_space<vmem>>, vector<16xi32>,
        %swap3A_1539 = vector.shape_cast %swap3A_1538 : vector<16xi32> to vector<16xi32>
        %swap3A_1540 = vector.shape_cast %select_n3A_1534 : vector<16xi32> to vector<16xi32>
        tpu.vector_store %arg6[%swap3A_1537], %swap3A_1540 {strides = array<i32>} : memref<64xi32, #tpu.memory_space<vmem>>, vector<16xi32>,
      }
      %scan3A_785 = arith.constant 4 : i32
      %dma_start3A_786 = arith.constant 0 : i32
      %dma_start3A_787 = arith.constant 0 : i32
      %dma_start3A_788 = tpu.memref_slice %arg13[%dma_start3A_786, %dma_start3A_787] : memref<5120x128xf32, #tpu.memory_space<vmem_shared>> -> memref<5120x128xf32, #tpu.memory_space<vmem_shared>>
      tpu.enqueue_indirect_dma source(%arg10 : memref<64x128xf32, #tpu.memory_space<vmem>>) target(%dma_start3A_788 : memref<5120x128xf32, #tpu.memory_space<vmem_shared>>) offsets(%arg6 : memref<64xi32, #tpu.memory_space<vmem>>) semaphore(%arg15 : memref<!tpu.dma_semaphore, #tpu.memory_space<semaphore_mem>>) {add = true}
      %dma_wait3A_789 = arith.constant 0 : i32
      %dma_wait3A_790 = tpu.memref_slice %arg2[%add3A_69, %dma_wait3A_789] : memref<40192x128xf32, #tpu.memory_space<hbm>> -> memref<8x128xf32, #tpu.memory_space<hbm>>
      %dma_wait3A_791 = arith.constant 0 : i32
      %dma_wait3A_792 = tpu.memref_slice %arg2[%add3A_69, %dma_wait3A_791] : memref<40192x128xf32, #tpu.memory_space<hbm>> -> memref<8x128xf32, #tpu.memory_space<hbm>>
      tpu.wait_dma2 semaphore(%arg14 : memref<!tpu.dma_semaphore, #tpu.memory_space<semaphore_mem>>) src(%dma_wait3A_792 : memref<8x128xf32, #tpu.memory_space<hbm>>) dst(%arg9 : memref<8x128xf32, #tpu.memory_space<vmem>>)
      %get3A_793 = arith.constant 0 : i32
      %get3A_794 = arith.index_cast %get3A_793 : i32 to index
      %get3A_795 = arith.constant 0 : index
      %get3A_796 = tpu.vector_load %arg9[%get3A_794, %get3A_795] {strides = array<i32>} : memref<8x128xf32, #tpu.memory_space<vmem>>, vector<1x16xf32>,
      %get3A_797 = vector.shape_cast %get3A_796 : vector<1x16xf32> to vector<16xf32>
      %swap3A_798 = arith.constant 0 : i32
      %swap3A_799 = arith.index_cast %swap3A_798 : i32 to index
      %swap3A_800 = arith.constant 0 : index
      %swap3A_801 = tpu.vector_load %arg11[%swap3A_799, %swap3A_800] {strides = array<i32>} : memref<64x128xf32, #tpu.memory_space<vmem>>, vector<1x16xf32>,
      %swap3A_802 = vector.shape_cast %swap3A_801 : vector<1x16xf32> to vector<16xf32>
      %swap3A_803 = vector.shape_cast %get3A_797 : vector<16xf32> to vector<1x16xf32>
      tpu.vector_store %arg11[%swap3A_799, %swap3A_800], %swap3A_803 {strides = array<i32>} : memref<64x128xf32, #tpu.memory_space<vmem>>, vector<1x16xf32>,
      %get3A_804 = arith.constant 0 : i32
      %get3A_805 = arith.index_cast %get3A_804 : i32 to index
      %get3A_806 = arith.constant 16 : index
      %get3A_807 = tpu.vector_load %arg9[%get3A_805, %get3A_806] {strides = array<i32>} : memref<8x128xf32, #tpu.memory_space<vmem>>, vector<1x16xf32>,
      %get3A_808 = vector.shape_cast %get3A_807 : vector<1x16xf32> to vector<16xf32>
      %swap3A_809 = arith.constant 1 : i32
      %swap3A_810 = arith.index_cast %swap3A_809 : i32 to index
      %swap3A_811 = arith.constant 0 : index
      %swap3A_812 = tpu.vector_load %arg11[%swap3A_810, %swap3A_811] {strides = array<i32>} : memref<64x128xf32, #tpu.memory_space<vmem>>, vector<1x16xf32>,
      %swap3A_813 = vector.shape_cast %swap3A_812 : vector<1x16xf32> to vector<16xf32>
      %swap3A_814 = vector.shape_cast %get3A_808 : vector<16xf32> to vector<1x16xf32>
      tpu.vector_store %arg11[%swap3A_810, %swap3A_811], %swap3A_814 {strides = array<i32>} : memref<64x128xf32, #tpu.memory_space<vmem>>, vector<1x16xf32>,
      %get3A_815 = arith.constant 0 : i32
      %get3A_816 = arith.index_cast %get3A_815 : i32 to index
      %get3A_817 = arith.constant 32 : index
      %get3A_818 = tpu.vector_load %arg9[%get3A_816, %get3A_817] {strides = array<i32>} : memref<8x128xf32, #tpu.memory_space<vmem>>, vector<1x16xf32>,
      %get3A_819 = vector.shape_cast %get3A_818 : vector<1x16xf32> to vector<16xf32>
      %swap3A_820 = arith.constant 2 : i32
      %swap3A_821 = arith.index_cast %swap3A_820 : i32 to index
      %swap3A_822 = arith.constant 0 : index
      %swap3A_823 = tpu.vector_load %arg11[%swap3A_821, %swap3A_822] {strides = array<i32>} : memref<64x128xf32, #tpu.memory_space<vmem>>, vector<1x16xf32>,
      %swap3A_824 = vector.shape_cast %swap3A_823 : vector<1x16xf32> to vector<16xf32>
      %swap3A_825 = vector.shape_cast %get3A_819 : vector<16xf32> to vector<1x16xf32>
      tpu.vector_store %arg11[%swap3A_821, %swap3A_822], %swap3A_825 {strides = array<i32>} : memref<64x128xf32, #tpu.memory_space<vmem>>, vector<1x16xf32>,
      %get3A_826 = arith.constant 0 : i32
      %get3A_827 = arith.index_cast %get3A_826 : i32 to index
      %get3A_828 = arith.constant 48 : index
      %get3A_829 = tpu.vector_load %arg9[%get3A_827, %get3A_828] {strides = array<i32>} : memref<8x128xf32, #tpu.memory_space<vmem>>, vector<1x16xf32>,
      %get3A_830 = vector.shape_cast %get3A_829 : vector<1x16xf32> to vector<16xf32>
      %swap3A_831 = arith.constant 3 : i32
      %swap3A_832 = arith.index_cast %swap3A_831 : i32 to index
      %swap3A_833 = arith.constant 0 : index
      %swap3A_834 = tpu.vector_load %arg11[%swap3A_832, %swap3A_833] {strides = array<i32>} : memref<64x128xf32, #tpu.memory_space<vmem>>, vector<1x16xf32>,
      %swap3A_835 = vector.shape_cast %swap3A_834 : vector<1x16xf32> to vector<16xf32>
      %swap3A_836 = vector.shape_cast %get3A_830 : vector<16xf32> to vector<1x16xf32>
      tpu.vector_store %arg11[%swap3A_832, %swap3A_833], %swap3A_836 {strides = array<i32>} : memref<64x128xf32, #tpu.memory_space<vmem>>, vector<1x16xf32>,
      %get3A_837 = arith.constant 0 : i32
      %get3A_838 = arith.index_cast %get3A_837 : i32 to index
      %get3A_839 = arith.constant 64 : index
      %get3A_840 = tpu.vector_load %arg9[%get3A_838, %get3A_839] {strides = array<i32>} : memref<8x128xf32, #tpu.memory_space<vmem>>, vector<1x16xf32>,
      %get3A_841 = vector.shape_cast %get3A_840 : vector<1x16xf32> to vector<16xf32>
      %swap3A_842 = arith.constant 4 : i32
      %swap3A_843 = arith.index_cast %swap3A_842 : i32 to index
      %swap3A_844 = arith.constant 0 : index
      %swap3A_845 = tpu.vector_load %arg11[%swap3A_843, %swap3A_844] {strides = array<i32>} : memref<64x128xf32, #tpu.memory_space<vmem>>, vector<1x16xf32>,
      %swap3A_846 = vector.shape_cast %swap3A_845 : vector<1x16xf32> to vector<16xf32>
      %swap3A_847 = vector.shape_cast %get3A_841 : vector<16xf32> to vector<1x16xf32>
      tpu.vector_store %arg11[%swap3A_843, %swap3A_844], %swap3A_847 {strides = array<i32>} : memref<64x128xf32, #tpu.memory_space<vmem>>, vector<1x16xf32>,
      %get3A_848 = arith.constant 0 : i32
      %get3A_849 = arith.index_cast %get3A_848 : i32 to index
      %get3A_850 = arith.constant 80 : index
      %get3A_851 = tpu.vector_load %arg9[%get3A_849, %get3A_850] {strides = array<i32>} : memref<8x128xf32, #tpu.memory_space<vmem>>, vector<1x16xf32>,
      %get3A_852 = vector.shape_cast %get3A_851 : vector<1x16xf32> to vector<16xf32>
      %swap3A_853 = arith.constant 5 : i32
      %swap3A_854 = arith.index_cast %swap3A_853 : i32 to index
      %swap3A_855 = arith.constant 0 : index
      %swap3A_856 = tpu.vector_load %arg11[%swap3A_854, %swap3A_855] {strides = array<i32>} : memref<64x128xf32, #tpu.memory_space<vmem>>, vector<1x16xf32>,
      %swap3A_857 = vector.shape_cast %swap3A_856 : vector<1x16xf32> to vector<16xf32>
      %swap3A_858 = vector.shape_cast %get3A_852 : vector<16xf32> to vector<1x16xf32>
      tpu.vector_store %arg11[%swap3A_854, %swap3A_855], %swap3A_858 {strides = array<i32>} : memref<64x128xf32, #tpu.memory_space<vmem>>, vector<1x16xf32>,
      %get3A_859 = arith.constant 0 : i32
      %get3A_860 = arith.index_cast %get3A_859 : i32 to index
      %get3A_861 = arith.constant 96 : index
      %get3A_862 = tpu.vector_load %arg9[%get3A_860, %get3A_861] {strides = array<i32>} : memref<8x128xf32, #tpu.memory_space<vmem>>, vector<1x16xf32>,
      %get3A_863 = vector.shape_cast %get3A_862 : vector<1x16xf32> to vector<16xf32>
      %swap3A_864 = arith.constant 6 : i32
      %swap3A_865 = arith.index_cast %swap3A_864 : i32 to index
      %swap3A_866 = arith.constant 0 : index
      %swap3A_867 = tpu.vector_load %arg11[%swap3A_865, %swap3A_866] {strides = array<i32>} : memref<64x128xf32, #tpu.memory_space<vmem>>, vector<1x16xf32>,
      %swap3A_868 = vector.shape_cast %swap3A_867 : vector<1x16xf32> to vector<16xf32>
      %swap3A_869 = vector.shape_cast %get3A_863 : vector<16xf32> to vector<1x16xf32>
      tpu.vector_store %arg11[%swap3A_865, %swap3A_866], %swap3A_869 {strides = array<i32>} : memref<64x128xf32, #tpu.memory_space<vmem>>, vector<1x16xf32>,
      %get3A_870 = arith.constant 0 : i32
      %get3A_871 = arith.index_cast %get3A_870 : i32 to index
      %get3A_872 = arith.constant 112 : index
      %get3A_873 = tpu.vector_load %arg9[%get3A_871, %get3A_872] {strides = array<i32>} : memref<8x128xf32, #tpu.memory_space<vmem>>, vector<1x16xf32>,
      %get3A_874 = vector.shape_cast %get3A_873 : vector<1x16xf32> to vector<16xf32>
      %swap3A_875 = arith.constant 7 : i32
      %swap3A_876 = arith.index_cast %swap3A_875 : i32 to index
      %swap3A_877 = arith.constant 0 : index
      %swap3A_878 = tpu.vector_load %arg11[%swap3A_876, %swap3A_877] {strides = array<i32>} : memref<64x128xf32, #tpu.memory_space<vmem>>, vector<1x16xf32>,
      %swap3A_879 = vector.shape_cast %swap3A_878 : vector<1x16xf32> to vector<16xf32>
      %swap3A_880 = vector.shape_cast %get3A_874 : vector<16xf32> to vector<1x16xf32>
      tpu.vector_store %arg11[%swap3A_876, %swap3A_877], %swap3A_880 {strides = array<i32>} : memref<64x128xf32, #tpu.memory_space<vmem>>, vector<1x16xf32>,
      %get3A_881 = arith.constant 1 : i32
      %get3A_882 = arith.index_cast %get3A_881 : i32 to index
      %get3A_883 = arith.constant 0 : index
      %get3A_884 = tpu.vector_load %arg9[%get3A_882, %get3A_883] {strides = array<i32>} : memref<8x128xf32, #tpu.memory_space<vmem>>, vector<1x16xf32>,
      %get3A_885 = vector.shape_cast %get3A_884 : vector<1x16xf32> to vector<16xf32>
      %swap3A_886 = arith.constant 8 : i32
      %swap3A_887 = arith.index_cast %swap3A_886 : i32 to index
      %swap3A_888 = arith.constant 0 : index
      %swap3A_889 = tpu.vector_load %arg11[%swap3A_887, %swap3A_888] {strides = array<i32>} : memref<64x128xf32, #tpu.memory_space<vmem>>, vector<1x16xf32>,
      %swap3A_890 = vector.shape_cast %swap3A_889 : vector<1x16xf32> to vector<16xf32>
      %swap3A_891 = vector.shape_cast %get3A_885 : vector<16xf32> to vector<1x16xf32>
      tpu.vector_store %arg11[%swap3A_887, %swap3A_888], %swap3A_891 {strides = array<i32>} : memref<64x128xf32, #tpu.memory_space<vmem>>, vector<1x16xf32>,
      %get3A_892 = arith.constant 1 : i32
      %get3A_893 = arith.index_cast %get3A_892 : i32 to index
      %get3A_894 = arith.constant 16 : index
      %get3A_895 = tpu.vector_load %arg9[%get3A_893, %get3A_894] {strides = array<i32>} : memref<8x128xf32, #tpu.memory_space<vmem>>, vector<1x16xf32>,
      %get3A_896 = vector.shape_cast %get3A_895 : vector<1x16xf32> to vector<16xf32>
      %swap3A_897 = arith.constant 9 : i32
      %swap3A_898 = arith.index_cast %swap3A_897 : i32 to index
      %swap3A_899 = arith.constant 0 : index
      %swap3A_900 = tpu.vector_load %arg11[%swap3A_898, %swap3A_899] {strides = array<i32>} : memref<64x128xf32, #tpu.memory_space<vmem>>, vector<1x16xf32>,
      %swap3A_901 = vector.shape_cast %swap3A_900 : vector<1x16xf32> to vector<16xf32>
      %swap3A_902 = vector.shape_cast %get3A_896 : vector<16xf32> to vector<1x16xf32>
      tpu.vector_store %arg11[%swap3A_898, %swap3A_899], %swap3A_902 {strides = array<i32>} : memref<64x128xf32, #tpu.memory_space<vmem>>, vector<1x16xf32>,
      %get3A_903 = arith.constant 1 : i32
      %get3A_904 = arith.index_cast %get3A_903 : i32 to index
      %get3A_905 = arith.constant 32 : index
      %get3A_906 = tpu.vector_load %arg9[%get3A_904, %get3A_905] {strides = array<i32>} : memref<8x128xf32, #tpu.memory_space<vmem>>, vector<1x16xf32>,
      %get3A_907 = vector.shape_cast %get3A_906 : vector<1x16xf32> to vector<16xf32>
      %swap3A_908 = arith.constant 10 : i32
      %swap3A_909 = arith.index_cast %swap3A_908 : i32 to index
      %swap3A_910 = arith.constant 0 : index
      %swap3A_911 = tpu.vector_load %arg11[%swap3A_909, %swap3A_910] {strides = array<i32>} : memref<64x128xf32, #tpu.memory_space<vmem>>, vector<1x16xf32>,
      %swap3A_912 = vector.shape_cast %swap3A_911 : vector<1x16xf32> to vector<16xf32>
      %swap3A_913 = vector.shape_cast %get3A_907 : vector<16xf32> to vector<1x16xf32>
      tpu.vector_store %arg11[%swap3A_909, %swap3A_910], %swap3A_913 {strides = array<i32>} : memref<64x128xf32, #tpu.memory_space<vmem>>, vector<1x16xf32>,
      %get3A_914 = arith.constant 1 : i32
      %get3A_915 = arith.index_cast %get3A_914 : i32 to index
      %get3A_916 = arith.constant 48 : index
      %get3A_917 = tpu.vector_load %arg9[%get3A_915, %get3A_916] {strides = array<i32>} : memref<8x128xf32, #tpu.memory_space<vmem>>, vector<1x16xf32>,
      %get3A_918 = vector.shape_cast %get3A_917 : vector<1x16xf32> to vector<16xf32>
      %swap3A_919 = arith.constant 11 : i32
      %swap3A_920 = arith.index_cast %swap3A_919 : i32 to index
      %swap3A_921 = arith.constant 0 : index
      %swap3A_922 = tpu.vector_load %arg11[%swap3A_920, %swap3A_921] {strides = array<i32>} : memref<64x128xf32, #tpu.memory_space<vmem>>, vector<1x16xf32>,
      %swap3A_923 = vector.shape_cast %swap3A_922 : vector<1x16xf32> to vector<16xf32>
      %swap3A_924 = vector.shape_cast %get3A_918 : vector<16xf32> to vector<1x16xf32>
      tpu.vector_store %arg11[%swap3A_920, %swap3A_921], %swap3A_924 {strides = array<i32>} : memref<64x128xf32, #tpu.memory_space<vmem>>, vector<1x16xf32>,
      %get3A_925 = arith.constant 1 : i32
      %get3A_926 = arith.index_cast %get3A_925 : i32 to index
      %get3A_927 = arith.constant 64 : index
      %get3A_928 = tpu.vector_load %arg9[%get3A_926, %get3A_927] {strides = array<i32>} : memref<8x128xf32, #tpu.memory_space<vmem>>, vector<1x16xf32>,
      %get3A_929 = vector.shape_cast %get3A_928 : vector<1x16xf32> to vector<16xf32>
      %swap3A_930 = arith.constant 12 : i32
      %swap3A_931 = arith.index_cast %swap3A_930 : i32 to index
      %swap3A_932 = arith.constant 0 : index
      %swap3A_933 = tpu.vector_load %arg11[%swap3A_931, %swap3A_932] {strides = array<i32>} : memref<64x128xf32, #tpu.memory_space<vmem>>, vector<1x16xf32>,
      %swap3A_934 = vector.shape_cast %swap3A_933 : vector<1x16xf32> to vector<16xf32>
      %swap3A_935 = vector.shape_cast %get3A_929 : vector<16xf32> to vector<1x16xf32>
      tpu.vector_store %arg11[%swap3A_931, %swap3A_932], %swap3A_935 {strides = array<i32>} : memref<64x128xf32, #tpu.memory_space<vmem>>, vector<1x16xf32>,
      %get3A_936 = arith.constant 1 : i32
      %get3A_937 = arith.index_cast %get3A_936 : i32 to index
      %get3A_938 = arith.constant 80 : index
      %get3A_939 = tpu.vector_load %arg9[%get3A_937, %get3A_938] {strides = array<i32>} : memref<8x128xf32, #tpu.memory_space<vmem>>, vector<1x16xf32>,
      %get3A_940 = vector.shape_cast %get3A_939 : vector<1x16xf32> to vector<16xf32>
      %swap3A_941 = arith.constant 13 : i32
      %swap3A_942 = arith.index_cast %swap3A_941 : i32 to index
      %swap3A_943 = arith.constant 0 : index
      %swap3A_944 = tpu.vector_load %arg11[%swap3A_942, %swap3A_943] {strides = array<i32>} : memref<64x128xf32, #tpu.memory_space<vmem>>, vector<1x16xf32>,
      %swap3A_945 = vector.shape_cast %swap3A_944 : vector<1x16xf32> to vector<16xf32>
      %swap3A_946 = vector.shape_cast %get3A_940 : vector<16xf32> to vector<1x16xf32>
      tpu.vector_store %arg11[%swap3A_942, %swap3A_943], %swap3A_946 {strides = array<i32>} : memref<64x128xf32, #tpu.memory_space<vmem>>, vector<1x16xf32>,
      %get3A_947 = arith.constant 1 : i32
      %get3A_948 = arith.index_cast %get3A_947 : i32 to index
      %get3A_949 = arith.constant 96 : index
      %get3A_950 = tpu.vector_load %arg9[%get3A_948, %get3A_949] {strides = array<i32>} : memref<8x128xf32, #tpu.memory_space<vmem>>, vector<1x16xf32>,
      %get3A_951 = vector.shape_cast %get3A_950 : vector<1x16xf32> to vector<16xf32>
      %swap3A_952 = arith.constant 14 : i32
      %swap3A_953 = arith.index_cast %swap3A_952 : i32 to index
      %swap3A_954 = arith.constant 0 : index
      %swap3A_955 = tpu.vector_load %arg11[%swap3A_953, %swap3A_954] {strides = array<i32>} : memref<64x128xf32, #tpu.memory_space<vmem>>, vector<1x16xf32>,
      %swap3A_956 = vector.shape_cast %swap3A_955 : vector<1x16xf32> to vector<16xf32>
      %swap3A_957 = vector.shape_cast %get3A_951 : vector<16xf32> to vector<1x16xf32>
      tpu.vector_store %arg11[%swap3A_953, %swap3A_954], %swap3A_957 {strides = array<i32>} : memref<64x128xf32, #tpu.memory_space<vmem>>, vector<1x16xf32>,
      %get3A_958 = arith.constant 1 : i32
      %get3A_959 = arith.index_cast %get3A_958 : i32 to index
      %get3A_960 = arith.constant 112 : index
      %get3A_961 = tpu.vector_load %arg9[%get3A_959, %get3A_960] {strides = array<i32>} : memref<8x128xf32, #tpu.memory_space<vmem>>, vector<1x16xf32>,
      %get3A_962 = vector.shape_cast %get3A_961 : vector<1x16xf32> to vector<16xf32>
      %swap3A_963 = arith.constant 15 : i32
      %swap3A_964 = arith.index_cast %swap3A_963 : i32 to index
      %swap3A_965 = arith.constant 0 : index
      %swap3A_966 = tpu.vector_load %arg11[%swap3A_964, %swap3A_965] {strides = array<i32>} : memref<64x128xf32, #tpu.memory_space<vmem>>, vector<1x16xf32>,
      %swap3A_967 = vector.shape_cast %swap3A_966 : vector<1x16xf32> to vector<16xf32>
      %swap3A_968 = vector.shape_cast %get3A_962 : vector<16xf32> to vector<1x16xf32>
      tpu.vector_store %arg11[%swap3A_964, %swap3A_965], %swap3A_968 {strides = array<i32>} : memref<64x128xf32, #tpu.memory_space<vmem>>, vector<1x16xf32>,
      %get3A_969 = arith.constant 2 : i32
      %get3A_970 = arith.index_cast %get3A_969 : i32 to index
      %get3A_971 = arith.constant 0 : index
      %get3A_972 = tpu.vector_load %arg9[%get3A_970, %get3A_971] {strides = array<i32>} : memref<8x128xf32, #tpu.memory_space<vmem>>, vector<1x16xf32>,
      %get3A_973 = vector.shape_cast %get3A_972 : vector<1x16xf32> to vector<16xf32>
      %swap3A_974 = arith.constant 16 : i32
      %swap3A_975 = arith.index_cast %swap3A_974 : i32 to index
      %swap3A_976 = arith.constant 0 : index
      %swap3A_977 = tpu.vector_load %arg11[%swap3A_975, %swap3A_976] {strides = array<i32>} : memref<64x128xf32, #tpu.memory_space<vmem>>, vector<1x16xf32>,
      %swap3A_978 = vector.shape_cast %swap3A_977 : vector<1x16xf32> to vector<16xf32>
      %swap3A_979 = vector.shape_cast %get3A_973 : vector<16xf32> to vector<1x16xf32>
      tpu.vector_store %arg11[%swap3A_975, %swap3A_976], %swap3A_979 {strides = array<i32>} : memref<64x128xf32, #tpu.memory_space<vmem>>, vector<1x16xf32>,
      %get3A_980 = arith.constant 2 : i32
      %get3A_981 = arith.index_cast %get3A_980 : i32 to index
      %get3A_982 = arith.constant 16 : index
      %get3A_983 = tpu.vector_load %arg9[%get3A_981, %get3A_982] {strides = array<i32>} : memref<8x128xf32, #tpu.memory_space<vmem>>, vector<1x16xf32>,
      %get3A_984 = vector.shape_cast %get3A_983 : vector<1x16xf32> to vector<16xf32>
      %swap3A_985 = arith.constant 17 : i32
      %swap3A_986 = arith.index_cast %swap3A_985 : i32 to index
      %swap3A_987 = arith.constant 0 : index
      %swap3A_988 = tpu.vector_load %arg11[%swap3A_986, %swap3A_987] {strides = array<i32>} : memref<64x128xf32, #tpu.memory_space<vmem>>, vector<1x16xf32>,
      %swap3A_989 = vector.shape_cast %swap3A_988 : vector<1x16xf32> to vector<16xf32>
      %swap3A_990 = vector.shape_cast %get3A_984 : vector<16xf32> to vector<1x16xf32>
      tpu.vector_store %arg11[%swap3A_986, %swap3A_987], %swap3A_990 {strides = array<i32>} : memref<64x128xf32, #tpu.memory_space<vmem>>, vector<1x16xf32>,
      %get3A_991 = arith.constant 2 : i32
      %get3A_992 = arith.index_cast %get3A_991 : i32 to index
      %get3A_993 = arith.constant 32 : index
      %get3A_994 = tpu.vector_load %arg9[%get3A_992, %get3A_993] {strides = array<i32>} : memref<8x128xf32, #tpu.memory_space<vmem>>, vector<1x16xf32>,
      %get3A_995 = vector.shape_cast %get3A_994 : vector<1x16xf32> to vector<16xf32>
      %swap3A_996 = arith.constant 18 : i32
      %swap3A_997 = arith.index_cast %swap3A_996 : i32 to index
      %swap3A_998 = arith.constant 0 : index
      %swap3A_999 = tpu.vector_load %arg11[%swap3A_997, %swap3A_998] {strides = array<i32>} : memref<64x128xf32, #tpu.memory_space<vmem>>, vector<1x16xf32>,
      %swap3A_1000 = vector.shape_cast %swap3A_999 : vector<1x16xf32> to vector<16xf32>
      %swap3A_1001 = vector.shape_cast %get3A_995 : vector<16xf32> to vector<1x16xf32>
      tpu.vector_store %arg11[%swap3A_997, %swap3A_998], %swap3A_1001 {strides = array<i32>} : memref<64x128xf32, #tpu.memory_space<vmem>>, vector<1x16xf32>,
      %get3A_1002 = arith.constant 2 : i32
      %get3A_1003 = arith.index_cast %get3A_1002 : i32 to index
      %get3A_1004 = arith.constant 48 : index
      %get3A_1005 = tpu.vector_load %arg9[%get3A_1003, %get3A_1004] {strides = array<i32>} : memref<8x128xf32, #tpu.memory_space<vmem>>, vector<1x16xf32>,
      %get3A_1006 = vector.shape_cast %get3A_1005 : vector<1x16xf32> to vector<16xf32>
      %swap3A_1007 = arith.constant 19 : i32
      %swap3A_1008 = arith.index_cast %swap3A_1007 : i32 to index
      %swap3A_1009 = arith.constant 0 : index
      %swap3A_1010 = tpu.vector_load %arg11[%swap3A_1008, %swap3A_1009] {strides = array<i32>} : memref<64x128xf32, #tpu.memory_space<vmem>>, vector<1x16xf32>,
      %swap3A_1011 = vector.shape_cast %swap3A_1010 : vector<1x16xf32> to vector<16xf32>
      %swap3A_1012 = vector.shape_cast %get3A_1006 : vector<16xf32> to vector<1x16xf32>
      tpu.vector_store %arg11[%swap3A_1008, %swap3A_1009], %swap3A_1012 {strides = array<i32>} : memref<64x128xf32, #tpu.memory_space<vmem>>, vector<1x16xf32>,
      %get3A_1013 = arith.constant 2 : i32
      %get3A_1014 = arith.index_cast %get3A_1013 : i32 to index
      %get3A_1015 = arith.constant 64 : index
      %get3A_1016 = tpu.vector_load %arg9[%get3A_1014, %get3A_1015] {strides = array<i32>} : memref<8x128xf32, #tpu.memory_space<vmem>>, vector<1x16xf32>,
      %get3A_1017 = vector.shape_cast %get3A_1016 : vector<1x16xf32> to vector<16xf32>
      %swap3A_1018 = arith.constant 20 : i32
      %swap3A_1019 = arith.index_cast %swap3A_1018 : i32 to index
      %swap3A_1020 = arith.constant 0 : index
      %swap3A_1021 = tpu.vector_load %arg11[%swap3A_1019, %swap3A_1020] {strides = array<i32>} : memref<64x128xf32, #tpu.memory_space<vmem>>, vector<1x16xf32>,
      %swap3A_1022 = vector.shape_cast %swap3A_1021 : vector<1x16xf32> to vector<16xf32>
      %swap3A_1023 = vector.shape_cast %get3A_1017 : vector<16xf32> to vector<1x16xf32>
      tpu.vector_store %arg11[%swap3A_1019, %swap3A_1020], %swap3A_1023 {strides = array<i32>} : memref<64x128xf32, #tpu.memory_space<vmem>>, vector<1x16xf32>,
      %get3A_1024 = arith.constant 2 : i32
      %get3A_1025 = arith.index_cast %get3A_1024 : i32 to index
      %get3A_1026 = arith.constant 80 : index
      %get3A_1027 = tpu.vector_load %arg9[%get3A_1025, %get3A_1026] {strides = array<i32>} : memref<8x128xf32, #tpu.memory_space<vmem>>, vector<1x16xf32>,
      %get3A_1028 = vector.shape_cast %get3A_1027 : vector<1x16xf32> to vector<16xf32>
      %swap3A_1029 = arith.constant 21 : i32
      %swap3A_1030 = arith.index_cast %swap3A_1029 : i32 to index
      %swap3A_1031 = arith.constant 0 : index
      %swap3A_1032 = tpu.vector_load %arg11[%swap3A_1030, %swap3A_1031] {strides = array<i32>} : memref<64x128xf32, #tpu.memory_space<vmem>>, vector<1x16xf32>,
      %swap3A_1033 = vector.shape_cast %swap3A_1032 : vector<1x16xf32> to vector<16xf32>
      %swap3A_1034 = vector.shape_cast %get3A_1028 : vector<16xf32> to vector<1x16xf32>
      tpu.vector_store %arg11[%swap3A_1030, %swap3A_1031], %swap3A_1034 {strides = array<i32>} : memref<64x128xf32, #tpu.memory_space<vmem>>, vector<1x16xf32>,
      %get3A_1035 = arith.constant 2 : i32
      %get3A_1036 = arith.index_cast %get3A_1035 : i32 to index
      %get3A_1037 = arith.constant 96 : index
      %get3A_1038 = tpu.vector_load %arg9[%get3A_1036, %get3A_1037] {strides = array<i32>} : memref<8x128xf32, #tpu.memory_space<vmem>>, vector<1x16xf32>,
      %get3A_1039 = vector.shape_cast %get3A_1038 : vector<1x16xf32> to vector<16xf32>
      %swap3A_1040 = arith.constant 22 : i32
      %swap3A_1041 = arith.index_cast %swap3A_1040 : i32 to index
      %swap3A_1042 = arith.constant 0 : index
      %swap3A_1043 = tpu.vector_load %arg11[%swap3A_1041, %swap3A_1042] {strides = array<i32>} : memref<64x128xf32, #tpu.memory_space<vmem>>, vector<1x16xf32>,
      %swap3A_1044 = vector.shape_cast %swap3A_1043 : vector<1x16xf32> to vector<16xf32>
      %swap3A_1045 = vector.shape_cast %get3A_1039 : vector<16xf32> to vector<1x16xf32>
      tpu.vector_store %arg11[%swap3A_1041, %swap3A_1042], %swap3A_1045 {strides = array<i32>} : memref<64x128xf32, #tpu.memory_space<vmem>>, vector<1x16xf32>,
      %get3A_1046 = arith.constant 2 : i32
      %get3A_1047 = arith.index_cast %get3A_1046 : i32 to index
      %get3A_1048 = arith.constant 112 : index
      %get3A_1049 = tpu.vector_load %arg9[%get3A_1047, %get3A_1048] {strides = array<i32>} : memref<8x128xf32, #tpu.memory_space<vmem>>, vector<1x16xf32>,
      %get3A_1050 = vector.shape_cast %get3A_1049 : vector<1x16xf32> to vector<16xf32>
      %swap3A_1051 = arith.constant 23 : i32
      %swap3A_1052 = arith.index_cast %swap3A_1051 : i32 to index
      %swap3A_1053 = arith.constant 0 : index
      %swap3A_1054 = tpu.vector_load %arg11[%swap3A_1052, %swap3A_1053] {strides = array<i32>} : memref<64x128xf32, #tpu.memory_space<vmem>>, vector<1x16xf32>,
      %swap3A_1055 = vector.shape_cast %swap3A_1054 : vector<1x16xf32> to vector<16xf32>
      %swap3A_1056 = vector.shape_cast %get3A_1050 : vector<16xf32> to vector<1x16xf32>
      tpu.vector_store %arg11[%swap3A_1052, %swap3A_1053], %swap3A_1056 {strides = array<i32>} : memref<64x128xf32, #tpu.memory_space<vmem>>, vector<1x16xf32>,
      %get3A_1057 = arith.constant 3 : i32
      %get3A_1058 = arith.index_cast %get3A_1057 : i32 to index
      %get3A_1059 = arith.constant 0 : index
      %get3A_1060 = tpu.vector_load %arg9[%get3A_1058, %get3A_1059] {strides = array<i32>} : memref<8x128xf32, #tpu.memory_space<vmem>>, vector<1x16xf32>,
      %get3A_1061 = vector.shape_cast %get3A_1060 : vector<1x16xf32> to vector<16xf32>
      %swap3A_1062 = arith.constant 24 : i32
      %swap3A_1063 = arith.index_cast %swap3A_1062 : i32 to index
      %swap3A_1064 = arith.constant 0 : index
      %swap3A_1065 = tpu.vector_load %arg11[%swap3A_1063, %swap3A_1064] {strides = array<i32>} : memref<64x128xf32, #tpu.memory_space<vmem>>, vector<1x16xf32>,
      %swap3A_1066 = vector.shape_cast %swap3A_1065 : vector<1x16xf32> to vector<16xf32>
      %swap3A_1067 = vector.shape_cast %get3A_1061 : vector<16xf32> to vector<1x16xf32>
      tpu.vector_store %arg11[%swap3A_1063, %swap3A_1064], %swap3A_1067 {strides = array<i32>} : memref<64x128xf32, #tpu.memory_space<vmem>>, vector<1x16xf32>,
      %get3A_1068 = arith.constant 3 : i32
      %get3A_1069 = arith.index_cast %get3A_1068 : i32 to index
      %get3A_1070 = arith.constant 16 : index
      %get3A_1071 = tpu.vector_load %arg9[%get3A_1069, %get3A_1070] {strides = array<i32>} : memref<8x128xf32, #tpu.memory_space<vmem>>, vector<1x16xf32>,
      %get3A_1072 = vector.shape_cast %get3A_1071 : vector<1x16xf32> to vector<16xf32>
      %swap3A_1073 = arith.constant 25 : i32
      %swap3A_1074 = arith.index_cast %swap3A_1073 : i32 to index
      %swap3A_1075 = arith.constant 0 : index
      %swap3A_1076 = tpu.vector_load %arg11[%swap3A_1074, %swap3A_1075] {strides = array<i32>} : memref<64x128xf32, #tpu.memory_space<vmem>>, vector<1x16xf32>,
      %swap3A_1077 = vector.shape_cast %swap3A_1076 : vector<1x16xf32> to vector<16xf32>
      %swap3A_1078 = vector.shape_cast %get3A_1072 : vector<16xf32> to vector<1x16xf32>
      tpu.vector_store %arg11[%swap3A_1074, %swap3A_1075], %swap3A_1078 {strides = array<i32>} : memref<64x128xf32, #tpu.memory_space<vmem>>, vector<1x16xf32>,
      %get3A_1079 = arith.constant 3 : i32
      %get3A_1080 = arith.index_cast %get3A_1079 : i32 to index
      %get3A_1081 = arith.constant 32 : index
      %get3A_1082 = tpu.vector_load %arg9[%get3A_1080, %get3A_1081] {strides = array<i32>} : memref<8x128xf32, #tpu.memory_space<vmem>>, vector<1x16xf32>,
      %get3A_1083 = vector.shape_cast %get3A_1082 : vector<1x16xf32> to vector<16xf32>
      %swap3A_1084 = arith.constant 26 : i32
      %swap3A_1085 = arith.index_cast %swap3A_1084 : i32 to index
      %swap3A_1086 = arith.constant 0 : index
      %swap3A_1087 = tpu.vector_load %arg11[%swap3A_1085, %swap3A_1086] {strides = array<i32>} : memref<64x128xf32, #tpu.memory_space<vmem>>, vector<1x16xf32>,
      %swap3A_1088 = vector.shape_cast %swap3A_1087 : vector<1x16xf32> to vector<16xf32>
      %swap3A_1089 = vector.shape_cast %get3A_1083 : vector<16xf32> to vector<1x16xf32>
      tpu.vector_store %arg11[%swap3A_1085, %swap3A_1086], %swap3A_1089 {strides = array<i32>} : memref<64x128xf32, #tpu.memory_space<vmem>>, vector<1x16xf32>,
      %get3A_1090 = arith.constant 3 : i32
      %get3A_1091 = arith.index_cast %get3A_1090 : i32 to index
      %get3A_1092 = arith.constant 48 : index
      %get3A_1093 = tpu.vector_load %arg9[%get3A_1091, %get3A_1092] {strides = array<i32>} : memref<8x128xf32, #tpu.memory_space<vmem>>, vector<1x16xf32>,
      %get3A_1094 = vector.shape_cast %get3A_1093 : vector<1x16xf32> to vector<16xf32>
      %swap3A_1095 = arith.constant 27 : i32
      %swap3A_1096 = arith.index_cast %swap3A_1095 : i32 to index
      %swap3A_1097 = arith.constant 0 : index
      %swap3A_1098 = tpu.vector_load %arg11[%swap3A_1096, %swap3A_1097] {strides = array<i32>} : memref<64x128xf32, #tpu.memory_space<vmem>>, vector<1x16xf32>,
      %swap3A_1099 = vector.shape_cast %swap3A_1098 : vector<1x16xf32> to vector<16xf32>
      %swap3A_1100 = vector.shape_cast %get3A_1094 : vector<16xf32> to vector<1x16xf32>
      tpu.vector_store %arg11[%swap3A_1096, %swap3A_1097], %swap3A_1100 {strides = array<i32>} : memref<64x128xf32, #tpu.memory_space<vmem>>, vector<1x16xf32>,
      %get3A_1101 = arith.constant 3 : i32
      %get3A_1102 = arith.index_cast %get3A_1101 : i32 to index
      %get3A_1103 = arith.constant 64 : index
      %get3A_1104 = tpu.vector_load %arg9[%get3A_1102, %get3A_1103] {strides = array<i32>} : memref<8x128xf32, #tpu.memory_space<vmem>>, vector<1x16xf32>,
      %get3A_1105 = vector.shape_cast %get3A_1104 : vector<1x16xf32> to vector<16xf32>
      %swap3A_1106 = arith.constant 28 : i32
      %swap3A_1107 = arith.index_cast %swap3A_1106 : i32 to index
      %swap3A_1108 = arith.constant 0 : index
      %swap3A_1109 = tpu.vector_load %arg11[%swap3A_1107, %swap3A_1108] {strides = array<i32>} : memref<64x128xf32, #tpu.memory_space<vmem>>, vector<1x16xf32>,
      %swap3A_1110 = vector.shape_cast %swap3A_1109 : vector<1x16xf32> to vector<16xf32>
      %swap3A_1111 = vector.shape_cast %get3A_1105 : vector<16xf32> to vector<1x16xf32>
      tpu.vector_store %arg11[%swap3A_1107, %swap3A_1108], %swap3A_1111 {strides = array<i32>} : memref<64x128xf32, #tpu.memory_space<vmem>>, vector<1x16xf32>,
      %get3A_1112 = arith.constant 3 : i32
      %get3A_1113 = arith.index_cast %get3A_1112 : i32 to index
      %get3A_1114 = arith.constant 80 : index
      %get3A_1115 = tpu.vector_load %arg9[%get3A_1113, %get3A_1114] {strides = array<i32>} : memref<8x128xf32, #tpu.memory_space<vmem>>, vector<1x16xf32>,
      %get3A_1116 = vector.shape_cast %get3A_1115 : vector<1x16xf32> to vector<16xf32>
      %swap3A_1117 = arith.constant 29 : i32
      %swap3A_1118 = arith.index_cast %swap3A_1117 : i32 to index
      %swap3A_1119 = arith.constant 0 : index
      %swap3A_1120 = tpu.vector_load %arg11[%swap3A_1118, %swap3A_1119] {strides = array<i32>} : memref<64x128xf32, #tpu.memory_space<vmem>>, vector<1x16xf32>,
      %swap3A_1121 = vector.shape_cast %swap3A_1120 : vector<1x16xf32> to vector<16xf32>
      %swap3A_1122 = vector.shape_cast %get3A_1116 : vector<16xf32> to vector<1x16xf32>
      tpu.vector_store %arg11[%swap3A_1118, %swap3A_1119], %swap3A_1122 {strides = array<i32>} : memref<64x128xf32, #tpu.memory_space<vmem>>, vector<1x16xf32>,
      %get3A_1123 = arith.constant 3 : i32
      %get3A_1124 = arith.index_cast %get3A_1123 : i32 to index
      %get3A_1125 = arith.constant 96 : index
      %get3A_1126 = tpu.vector_load %arg9[%get3A_1124, %get3A_1125] {strides = array<i32>} : memref<8x128xf32, #tpu.memory_space<vmem>>, vector<1x16xf32>,
      %get3A_1127 = vector.shape_cast %get3A_1126 : vector<1x16xf32> to vector<16xf32>
      %swap3A_1128 = arith.constant 30 : i32
      %swap3A_1129 = arith.index_cast %swap3A_1128 : i32 to index
      %swap3A_1130 = arith.constant 0 : index
      %swap3A_1131 = tpu.vector_load %arg11[%swap3A_1129, %swap3A_1130] {strides = array<i32>} : memref<64x128xf32, #tpu.memory_space<vmem>>, vector<1x16xf32>,
      %swap3A_1132 = vector.shape_cast %swap3A_1131 : vector<1x16xf32> to vector<16xf32>
      %swap3A_1133 = vector.shape_cast %get3A_1127 : vector<16xf32> to vector<1x16xf32>
      tpu.vector_store %arg11[%swap3A_1129, %swap3A_1130], %swap3A_1133 {strides = array<i32>} : memref<64x128xf32, #tpu.memory_space<vmem>>, vector<1x16xf32>,
      %get3A_1134 = arith.constant 3 : i32
      %get3A_1135 = arith.index_cast %get3A_1134 : i32 to index
      %get3A_1136 = arith.constant 112 : index
      %get3A_1137 = tpu.vector_load %arg9[%get3A_1135, %get3A_1136] {strides = array<i32>} : memref<8x128xf32, #tpu.memory_space<vmem>>, vector<1x16xf32>,
      %get3A_1138 = vector.shape_cast %get3A_1137 : vector<1x16xf32> to vector<16xf32>
      %swap3A_1139 = arith.constant 31 : i32
      %swap3A_1140 = arith.index_cast %swap3A_1139 : i32 to index
      %swap3A_1141 = arith.constant 0 : index
      %swap3A_1142 = tpu.vector_load %arg11[%swap3A_1140, %swap3A_1141] {strides = array<i32>} : memref<64x128xf32, #tpu.memory_space<vmem>>, vector<1x16xf32>,
      %swap3A_1143 = vector.shape_cast %swap3A_1142 : vector<1x16xf32> to vector<16xf32>
      %swap3A_1144 = vector.shape_cast %get3A_1138 : vector<16xf32> to vector<1x16xf32>
      tpu.vector_store %arg11[%swap3A_1140, %swap3A_1141], %swap3A_1144 {strides = array<i32>} : memref<64x128xf32, #tpu.memory_space<vmem>>, vector<1x16xf32>,
      %get3A_1145 = arith.constant 4 : i32
      %get3A_1146 = arith.index_cast %get3A_1145 : i32 to index
      %get3A_1147 = arith.constant 0 : index
      %get3A_1148 = tpu.vector_load %arg9[%get3A_1146, %get3A_1147] {strides = array<i32>} : memref<8x128xf32, #tpu.memory_space<vmem>>, vector<1x16xf32>,
      %get3A_1149 = vector.shape_cast %get3A_1148 : vector<1x16xf32> to vector<16xf32>
      %swap3A_1150 = arith.constant 32 : i32
      %swap3A_1151 = arith.index_cast %swap3A_1150 : i32 to index
      %swap3A_1152 = arith.constant 0 : index
      %swap3A_1153 = tpu.vector_load %arg11[%swap3A_1151, %swap3A_1152] {strides = array<i32>} : memref<64x128xf32, #tpu.memory_space<vmem>>, vector<1x16xf32>,
      %swap3A_1154 = vector.shape_cast %swap3A_1153 : vector<1x16xf32> to vector<16xf32>
      %swap3A_1155 = vector.shape_cast %get3A_1149 : vector<16xf32> to vector<1x16xf32>
      tpu.vector_store %arg11[%swap3A_1151, %swap3A_1152], %swap3A_1155 {strides = array<i32>} : memref<64x128xf32, #tpu.memory_space<vmem>>, vector<1x16xf32>,
      %get3A_1156 = arith.constant 4 : i32
      %get3A_1157 = arith.index_cast %get3A_1156 : i32 to index
      %get3A_1158 = arith.constant 16 : index
      %get3A_1159 = tpu.vector_load %arg9[%get3A_1157, %get3A_1158] {strides = array<i32>} : memref<8x128xf32, #tpu.memory_space<vmem>>, vector<1x16xf32>,
      %get3A_1160 = vector.shape_cast %get3A_1159 : vector<1x16xf32> to vector<16xf32>
      %swap3A_1161 = arith.constant 33 : i32
      %swap3A_1162 = arith.index_cast %swap3A_1161 : i32 to index
      %swap3A_1163 = arith.constant 0 : index
      %swap3A_1164 = tpu.vector_load %arg11[%swap3A_1162, %swap3A_1163] {strides = array<i32>} : memref<64x128xf32, #tpu.memory_space<vmem>>, vector<1x16xf32>,
      %swap3A_1165 = vector.shape_cast %swap3A_1164 : vector<1x16xf32> to vector<16xf32>
      %swap3A_1166 = vector.shape_cast %get3A_1160 : vector<16xf32> to vector<1x16xf32>
      tpu.vector_store %arg11[%swap3A_1162, %swap3A_1163], %swap3A_1166 {strides = array<i32>} : memref<64x128xf32, #tpu.memory_space<vmem>>, vector<1x16xf32>,
      %get3A_1167 = arith.constant 4 : i32
      %get3A_1168 = arith.index_cast %get3A_1167 : i32 to index
      %get3A_1169 = arith.constant 32 : index
      %get3A_1170 = tpu.vector_load %arg9[%get3A_1168, %get3A_1169] {strides = array<i32>} : memref<8x128xf32, #tpu.memory_space<vmem>>, vector<1x16xf32>,
      %get3A_1171 = vector.shape_cast %get3A_1170 : vector<1x16xf32> to vector<16xf32>
      %swap3A_1172 = arith.constant 34 : i32
      %swap3A_1173 = arith.index_cast %swap3A_1172 : i32 to index
      %swap3A_1174 = arith.constant 0 : index
      %swap3A_1175 = tpu.vector_load %arg11[%swap3A_1173, %swap3A_1174] {strides = array<i32>} : memref<64x128xf32, #tpu.memory_space<vmem>>, vector<1x16xf32>,
      %swap3A_1176 = vector.shape_cast %swap3A_1175 : vector<1x16xf32> to vector<16xf32>
      %swap3A_1177 = vector.shape_cast %get3A_1171 : vector<16xf32> to vector<1x16xf32>
      tpu.vector_store %arg11[%swap3A_1173, %swap3A_1174], %swap3A_1177 {strides = array<i32>} : memref<64x128xf32, #tpu.memory_space<vmem>>, vector<1x16xf32>,
      %get3A_1178 = arith.constant 4 : i32
      %get3A_1179 = arith.index_cast %get3A_1178 : i32 to index
      %get3A_1180 = arith.constant 48 : index
      %get3A_1181 = tpu.vector_load %arg9[%get3A_1179, %get3A_1180] {strides = array<i32>} : memref<8x128xf32, #tpu.memory_space<vmem>>, vector<1x16xf32>,
      %get3A_1182 = vector.shape_cast %get3A_1181 : vector<1x16xf32> to vector<16xf32>
      %swap3A_1183 = arith.constant 35 : i32
      %swap3A_1184 = arith.index_cast %swap3A_1183 : i32 to index
      %swap3A_1185 = arith.constant 0 : index
      %swap3A_1186 = tpu.vector_load %arg11[%swap3A_1184, %swap3A_1185] {strides = array<i32>} : memref<64x128xf32, #tpu.memory_space<vmem>>, vector<1x16xf32>,
      %swap3A_1187 = vector.shape_cast %swap3A_1186 : vector<1x16xf32> to vector<16xf32>
      %swap3A_1188 = vector.shape_cast %get3A_1182 : vector<16xf32> to vector<1x16xf32>
      tpu.vector_store %arg11[%swap3A_1184, %swap3A_1185], %swap3A_1188 {strides = array<i32>} : memref<64x128xf32, #tpu.memory_space<vmem>>, vector<1x16xf32>,
      %get3A_1189 = arith.constant 4 : i32
      %get3A_1190 = arith.index_cast %get3A_1189 : i32 to index
      %get3A_1191 = arith.constant 64 : index
      %get3A_1192 = tpu.vector_load %arg9[%get3A_1190, %get3A_1191] {strides = array<i32>} : memref<8x128xf32, #tpu.memory_space<vmem>>, vector<1x16xf32>,
      %get3A_1193 = vector.shape_cast %get3A_1192 : vector<1x16xf32> to vector<16xf32>
      %swap3A_1194 = arith.constant 36 : i32
      %swap3A_1195 = arith.index_cast %swap3A_1194 : i32 to index
      %swap3A_1196 = arith.constant 0 : index
      %swap3A_1197 = tpu.vector_load %arg11[%swap3A_1195, %swap3A_1196] {strides = array<i32>} : memref<64x128xf32, #tpu.memory_space<vmem>>, vector<1x16xf32>,
      %swap3A_1198 = vector.shape_cast %swap3A_1197 : vector<1x16xf32> to vector<16xf32>
      %swap3A_1199 = vector.shape_cast %get3A_1193 : vector<16xf32> to vector<1x16xf32>
      tpu.vector_store %arg11[%swap3A_1195, %swap3A_1196], %swap3A_1199 {strides = array<i32>} : memref<64x128xf32, #tpu.memory_space<vmem>>, vector<1x16xf32>,
      %get3A_1200 = arith.constant 4 : i32
      %get3A_1201 = arith.index_cast %get3A_1200 : i32 to index
      %get3A_1202 = arith.constant 80 : index
      %get3A_1203 = tpu.vector_load %arg9[%get3A_1201, %get3A_1202] {strides = array<i32>} : memref<8x128xf32, #tpu.memory_space<vmem>>, vector<1x16xf32>,
      %get3A_1204 = vector.shape_cast %get3A_1203 : vector<1x16xf32> to vector<16xf32>
      %swap3A_1205 = arith.constant 37 : i32
      %swap3A_1206 = arith.index_cast %swap3A_1205 : i32 to index
      %swap3A_1207 = arith.constant 0 : index
      %swap3A_1208 = tpu.vector_load %arg11[%swap3A_1206, %swap3A_1207] {strides = array<i32>} : memref<64x128xf32, #tpu.memory_space<vmem>>, vector<1x16xf32>,
      %swap3A_1209 = vector.shape_cast %swap3A_1208 : vector<1x16xf32> to vector<16xf32>
      %swap3A_1210 = vector.shape_cast %get3A_1204 : vector<16xf32> to vector<1x16xf32>
      tpu.vector_store %arg11[%swap3A_1206, %swap3A_1207], %swap3A_1210 {strides = array<i32>} : memref<64x128xf32, #tpu.memory_space<vmem>>, vector<1x16xf32>,
      %get3A_1211 = arith.constant 4 : i32
      %get3A_1212 = arith.index_cast %get3A_1211 : i32 to index
      %get3A_1213 = arith.constant 96 : index
      %get3A_1214 = tpu.vector_load %arg9[%get3A_1212, %get3A_1213] {strides = array<i32>} : memref<8x128xf32, #tpu.memory_space<vmem>>, vector<1x16xf32>,
      %get3A_1215 = vector.shape_cast %get3A_1214 : vector<1x16xf32> to vector<16xf32>
      %swap3A_1216 = arith.constant 38 : i32
      %swap3A_1217 = arith.index_cast %swap3A_1216 : i32 to index
      %swap3A_1218 = arith.constant 0 : index
      %swap3A_1219 = tpu.vector_load %arg11[%swap3A_1217, %swap3A_1218] {strides = array<i32>} : memref<64x128xf32, #tpu.memory_space<vmem>>, vector<1x16xf32>,
      %swap3A_1220 = vector.shape_cast %swap3A_1219 : vector<1x16xf32> to vector<16xf32>
      %swap3A_1221 = vector.shape_cast %get3A_1215 : vector<16xf32> to vector<1x16xf32>
      tpu.vector_store %arg11[%swap3A_1217, %swap3A_1218], %swap3A_1221 {strides = array<i32>} : memref<64x128xf32, #tpu.memory_space<vmem>>, vector<1x16xf32>,
      %get3A_1222 = arith.constant 4 : i32
      %get3A_1223 = arith.index_cast %get3A_1222 : i32 to index
      %get3A_1224 = arith.constant 112 : index
      %get3A_1225 = tpu.vector_load %arg9[%get3A_1223, %get3A_1224] {strides = array<i32>} : memref<8x128xf32, #tpu.memory_space<vmem>>, vector<1x16xf32>,
      %get3A_1226 = vector.shape_cast %get3A_1225 : vector<1x16xf32> to vector<16xf32>
      %swap3A_1227 = arith.constant 39 : i32
      %swap3A_1228 = arith.index_cast %swap3A_1227 : i32 to index
      %swap3A_1229 = arith.constant 0 : index
      %swap3A_1230 = tpu.vector_load %arg11[%swap3A_1228, %swap3A_1229] {strides = array<i32>} : memref<64x128xf32, #tpu.memory_space<vmem>>, vector<1x16xf32>,
      %swap3A_1231 = vector.shape_cast %swap3A_1230 : vector<1x16xf32> to vector<16xf32>
      %swap3A_1232 = vector.shape_cast %get3A_1226 : vector<16xf32> to vector<1x16xf32>
      tpu.vector_store %arg11[%swap3A_1228, %swap3A_1229], %swap3A_1232 {strides = array<i32>} : memref<64x128xf32, #tpu.memory_space<vmem>>, vector<1x16xf32>,
      %get3A_1233 = arith.constant 5 : i32
      %get3A_1234 = arith.index_cast %get3A_1233 : i32 to index
      %get3A_1235 = arith.constant 0 : index
      %get3A_1236 = tpu.vector_load %arg9[%get3A_1234, %get3A_1235] {strides = array<i32>} : memref<8x128xf32, #tpu.memory_space<vmem>>, vector<1x16xf32>,
      %get3A_1237 = vector.shape_cast %get3A_1236 : vector<1x16xf32> to vector<16xf32>
      %swap3A_1238 = arith.constant 40 : i32
      %swap3A_1239 = arith.index_cast %swap3A_1238 : i32 to index
      %swap3A_1240 = arith.constant 0 : index
      %swap3A_1241 = tpu.vector_load %arg11[%swap3A_1239, %swap3A_1240] {strides = array<i32>} : memref<64x128xf32, #tpu.memory_space<vmem>>, vector<1x16xf32>,
      %swap3A_1242 = vector.shape_cast %swap3A_1241 : vector<1x16xf32> to vector<16xf32>
      %swap3A_1243 = vector.shape_cast %get3A_1237 : vector<16xf32> to vector<1x16xf32>
      tpu.vector_store %arg11[%swap3A_1239, %swap3A_1240], %swap3A_1243 {strides = array<i32>} : memref<64x128xf32, #tpu.memory_space<vmem>>, vector<1x16xf32>,
      %get3A_1244 = arith.constant 5 : i32
      %get3A_1245 = arith.index_cast %get3A_1244 : i32 to index
      %get3A_1246 = arith.constant 16 : index
      %get3A_1247 = tpu.vector_load %arg9[%get3A_1245, %get3A_1246] {strides = array<i32>} : memref<8x128xf32, #tpu.memory_space<vmem>>, vector<1x16xf32>,
      %get3A_1248 = vector.shape_cast %get3A_1247 : vector<1x16xf32> to vector<16xf32>
      %swap3A_1249 = arith.constant 41 : i32
      %swap3A_1250 = arith.index_cast %swap3A_1249 : i32 to index
      %swap3A_1251 = arith.constant 0 : index
      %swap3A_1252 = tpu.vector_load %arg11[%swap3A_1250, %swap3A_1251] {strides = array<i32>} : memref<64x128xf32, #tpu.memory_space<vmem>>, vector<1x16xf32>,
      %swap3A_1253 = vector.shape_cast %swap3A_1252 : vector<1x16xf32> to vector<16xf32>
      %swap3A_1254 = vector.shape_cast %get3A_1248 : vector<16xf32> to vector<1x16xf32>
      tpu.vector_store %arg11[%swap3A_1250, %swap3A_1251], %swap3A_1254 {strides = array<i32>} : memref<64x128xf32, #tpu.memory_space<vmem>>, vector<1x16xf32>,
      %get3A_1255 = arith.constant 5 : i32
      %get3A_1256 = arith.index_cast %get3A_1255 : i32 to index
      %get3A_1257 = arith.constant 32 : index
      %get3A_1258 = tpu.vector_load %arg9[%get3A_1256, %get3A_1257] {strides = array<i32>} : memref<8x128xf32, #tpu.memory_space<vmem>>, vector<1x16xf32>,
      %get3A_1259 = vector.shape_cast %get3A_1258 : vector<1x16xf32> to vector<16xf32>
      %swap3A_1260 = arith.constant 42 : i32
      %swap3A_1261 = arith.index_cast %swap3A_1260 : i32 to index
      %swap3A_1262 = arith.constant 0 : index
      %swap3A_1263 = tpu.vector_load %arg11[%swap3A_1261, %swap3A_1262] {strides = array<i32>} : memref<64x128xf32, #tpu.memory_space<vmem>>, vector<1x16xf32>,
      %swap3A_1264 = vector.shape_cast %swap3A_1263 : vector<1x16xf32> to vector<16xf32>
      %swap3A_1265 = vector.shape_cast %get3A_1259 : vector<16xf32> to vector<1x16xf32>
      tpu.vector_store %arg11[%swap3A_1261, %swap3A_1262], %swap3A_1265 {strides = array<i32>} : memref<64x128xf32, #tpu.memory_space<vmem>>, vector<1x16xf32>,
      %get3A_1266 = arith.constant 5 : i32
      %get3A_1267 = arith.index_cast %get3A_1266 : i32 to index
      %get3A_1268 = arith.constant 48 : index
      %get3A_1269 = tpu.vector_load %arg9[%get3A_1267, %get3A_1268] {strides = array<i32>} : memref<8x128xf32, #tpu.memory_space<vmem>>, vector<1x16xf32>,
      %get3A_1270 = vector.shape_cast %get3A_1269 : vector<1x16xf32> to vector<16xf32>
      %swap3A_1271 = arith.constant 43 : i32
      %swap3A_1272 = arith.index_cast %swap3A_1271 : i32 to index
      %swap3A_1273 = arith.constant 0 : index
      %swap3A_1274 = tpu.vector_load %arg11[%swap3A_1272, %swap3A_1273] {strides = array<i32>} : memref<64x128xf32, #tpu.memory_space<vmem>>, vector<1x16xf32>,
      %swap3A_1275 = vector.shape_cast %swap3A_1274 : vector<1x16xf32> to vector<16xf32>
      %swap3A_1276 = vector.shape_cast %get3A_1270 : vector<16xf32> to vector<1x16xf32>
      tpu.vector_store %arg11[%swap3A_1272, %swap3A_1273], %swap3A_1276 {strides = array<i32>} : memref<64x128xf32, #tpu.memory_space<vmem>>, vector<1x16xf32>,
      %get3A_1277 = arith.constant 5 : i32
      %get3A_1278 = arith.index_cast %get3A_1277 : i32 to index
      %get3A_1279 = arith.constant 64 : index
      %get3A_1280 = tpu.vector_load %arg9[%get3A_1278, %get3A_1279] {strides = array<i32>} : memref<8x128xf32, #tpu.memory_space<vmem>>, vector<1x16xf32>,
      %get3A_1281 = vector.shape_cast %get3A_1280 : vector<1x16xf32> to vector<16xf32>
      %swap3A_1282 = arith.constant 44 : i32
      %swap3A_1283 = arith.index_cast %swap3A_1282 : i32 to index
      %swap3A_1284 = arith.constant 0 : index
      %swap3A_1285 = tpu.vector_load %arg11[%swap3A_1283, %swap3A_1284] {strides = array<i32>} : memref<64x128xf32, #tpu.memory_space<vmem>>, vector<1x16xf32>,
      %swap3A_1286 = vector.shape_cast %swap3A_1285 : vector<1x16xf32> to vector<16xf32>
      %swap3A_1287 = vector.shape_cast %get3A_1281 : vector<16xf32> to vector<1x16xf32>
      tpu.vector_store %arg11[%swap3A_1283, %swap3A_1284], %swap3A_1287 {strides = array<i32>} : memref<64x128xf32, #tpu.memory_space<vmem>>, vector<1x16xf32>,
      %get3A_1288 = arith.constant 5 : i32
      %get3A_1289 = arith.index_cast %get3A_1288 : i32 to index
      %get3A_1290 = arith.constant 80 : index
      %get3A_1291 = tpu.vector_load %arg9[%get3A_1289, %get3A_1290] {strides = array<i32>} : memref<8x128xf32, #tpu.memory_space<vmem>>, vector<1x16xf32>,
      %get3A_1292 = vector.shape_cast %get3A_1291 : vector<1x16xf32> to vector<16xf32>
      %swap3A_1293 = arith.constant 45 : i32
      %swap3A_1294 = arith.index_cast %swap3A_1293 : i32 to index
      %swap3A_1295 = arith.constant 0 : index
      %swap3A_1296 = tpu.vector_load %arg11[%swap3A_1294, %swap3A_1295] {strides = array<i32>} : memref<64x128xf32, #tpu.memory_space<vmem>>, vector<1x16xf32>,
      %swap3A_1297 = vector.shape_cast %swap3A_1296 : vector<1x16xf32> to vector<16xf32>
      %swap3A_1298 = vector.shape_cast %get3A_1292 : vector<16xf32> to vector<1x16xf32>
      tpu.vector_store %arg11[%swap3A_1294, %swap3A_1295], %swap3A_1298 {strides = array<i32>} : memref<64x128xf32, #tpu.memory_space<vmem>>, vector<1x16xf32>,
      %get3A_1299 = arith.constant 5 : i32
      %get3A_1300 = arith.index_cast %get3A_1299 : i32 to index
      %get3A_1301 = arith.constant 96 : index
      %get3A_1302 = tpu.vector_load %arg9[%get3A_1300, %get3A_1301] {strides = array<i32>} : memref<8x128xf32, #tpu.memory_space<vmem>>, vector<1x16xf32>,
      %get3A_1303 = vector.shape_cast %get3A_1302 : vector<1x16xf32> to vector<16xf32>
      %swap3A_1304 = arith.constant 46 : i32
      %swap3A_1305 = arith.index_cast %swap3A_1304 : i32 to index
      %swap3A_1306 = arith.constant 0 : index
      %swap3A_1307 = tpu.vector_load %arg11[%swap3A_1305, %swap3A_1306] {strides = array<i32>} : memref<64x128xf32, #tpu.memory_space<vmem>>, vector<1x16xf32>,
      %swap3A_1308 = vector.shape_cast %swap3A_1307 : vector<1x16xf32> to vector<16xf32>
      %swap3A_1309 = vector.shape_cast %get3A_1303 : vector<16xf32> to vector<1x16xf32>
      tpu.vector_store %arg11[%swap3A_1305, %swap3A_1306], %swap3A_1309 {strides = array<i32>} : memref<64x128xf32, #tpu.memory_space<vmem>>, vector<1x16xf32>,
      %get3A_1310 = arith.constant 5 : i32
      %get3A_1311 = arith.index_cast %get3A_1310 : i32 to index
      %get3A_1312 = arith.constant 112 : index
      %get3A_1313 = tpu.vector_load %arg9[%get3A_1311, %get3A_1312] {strides = array<i32>} : memref<8x128xf32, #tpu.memory_space<vmem>>, vector<1x16xf32>,
      %get3A_1314 = vector.shape_cast %get3A_1313 : vector<1x16xf32> to vector<16xf32>
      %swap3A_1315 = arith.constant 47 : i32
      %swap3A_1316 = arith.index_cast %swap3A_1315 : i32 to index
      %swap3A_1317 = arith.constant 0 : index
      %swap3A_1318 = tpu.vector_load %arg11[%swap3A_1316, %swap3A_1317] {strides = array<i32>} : memref<64x128xf32, #tpu.memory_space<vmem>>, vector<1x16xf32>,
      %swap3A_1319 = vector.shape_cast %swap3A_1318 : vector<1x16xf32> to vector<16xf32>
      %swap3A_1320 = vector.shape_cast %get3A_1314 : vector<16xf32> to vector<1x16xf32>
      tpu.vector_store %arg11[%swap3A_1316, %swap3A_1317], %swap3A_1320 {strides = array<i32>} : memref<64x128xf32, #tpu.memory_space<vmem>>, vector<1x16xf32>,
      %get3A_1321 = arith.constant 6 : i32
      %get3A_1322 = arith.index_cast %get3A_1321 : i32 to index
      %get3A_1323 = arith.constant 0 : index
      %get3A_1324 = tpu.vector_load %arg9[%get3A_1322, %get3A_1323] {strides = array<i32>} : memref<8x128xf32, #tpu.memory_space<vmem>>, vector<1x16xf32>,
      %get3A_1325 = vector.shape_cast %get3A_1324 : vector<1x16xf32> to vector<16xf32>
      %swap3A_1326 = arith.constant 48 : i32
      %swap3A_1327 = arith.index_cast %swap3A_1326 : i32 to index
      %swap3A_1328 = arith.constant 0 : index
      %swap3A_1329 = tpu.vector_load %arg11[%swap3A_1327, %swap3A_1328] {strides = array<i32>} : memref<64x128xf32, #tpu.memory_space<vmem>>, vector<1x16xf32>,
      %swap3A_1330 = vector.shape_cast %swap3A_1329 : vector<1x16xf32> to vector<16xf32>
      %swap3A_1331 = vector.shape_cast %get3A_1325 : vector<16xf32> to vector<1x16xf32>
      tpu.vector_store %arg11[%swap3A_1327, %swap3A_1328], %swap3A_1331 {strides = array<i32>} : memref<64x128xf32, #tpu.memory_space<vmem>>, vector<1x16xf32>,
      %get3A_1332 = arith.constant 6 : i32
      %get3A_1333 = arith.index_cast %get3A_1332 : i32 to index
      %get3A_1334 = arith.constant 16 : index
      %get3A_1335 = tpu.vector_load %arg9[%get3A_1333, %get3A_1334] {strides = array<i32>} : memref<8x128xf32, #tpu.memory_space<vmem>>, vector<1x16xf32>,
      %get3A_1336 = vector.shape_cast %get3A_1335 : vector<1x16xf32> to vector<16xf32>
      %swap3A_1337 = arith.constant 49 : i32
      %swap3A_1338 = arith.index_cast %swap3A_1337 : i32 to index
      %swap3A_1339 = arith.constant 0 : index
      %swap3A_1340 = tpu.vector_load %arg11[%swap3A_1338, %swap3A_1339] {strides = array<i32>} : memref<64x128xf32, #tpu.memory_space<vmem>>, vector<1x16xf32>,
      %swap3A_1341 = vector.shape_cast %swap3A_1340 : vector<1x16xf32> to vector<16xf32>
      %swap3A_1342 = vector.shape_cast %get3A_1336 : vector<16xf32> to vector<1x16xf32>
      tpu.vector_store %arg11[%swap3A_1338, %swap3A_1339], %swap3A_1342 {strides = array<i32>} : memref<64x128xf32, #tpu.memory_space<vmem>>, vector<1x16xf32>,
      %get3A_1343 = arith.constant 6 : i32
      %get3A_1344 = arith.index_cast %get3A_1343 : i32 to index
      %get3A_1345 = arith.constant 32 : index
      %get3A_1346 = tpu.vector_load %arg9[%get3A_1344, %get3A_1345] {strides = array<i32>} : memref<8x128xf32, #tpu.memory_space<vmem>>, vector<1x16xf32>,
      %get3A_1347 = vector.shape_cast %get3A_1346 : vector<1x16xf32> to vector<16xf32>
      %swap3A_1348 = arith.constant 50 : i32
      %swap3A_1349 = arith.index_cast %swap3A_1348 : i32 to index
      %swap3A_1350 = arith.constant 0 : index
      %swap3A_1351 = tpu.vector_load %arg11[%swap3A_1349, %swap3A_1350] {strides = array<i32>} : memref<64x128xf32, #tpu.memory_space<vmem>>, vector<1x16xf32>,
      %swap3A_1352 = vector.shape_cast %swap3A_1351 : vector<1x16xf32> to vector<16xf32>
      %swap3A_1353 = vector.shape_cast %get3A_1347 : vector<16xf32> to vector<1x16xf32>
      tpu.vector_store %arg11[%swap3A_1349, %swap3A_1350], %swap3A_1353 {strides = array<i32>} : memref<64x128xf32, #tpu.memory_space<vmem>>, vector<1x16xf32>,
      %get3A_1354 = arith.constant 6 : i32
      %get3A_1355 = arith.index_cast %get3A_1354 : i32 to index
      %get3A_1356 = arith.constant 48 : index
      %get3A_1357 = tpu.vector_load %arg9[%get3A_1355, %get3A_1356] {strides = array<i32>} : memref<8x128xf32, #tpu.memory_space<vmem>>, vector<1x16xf32>,
      %get3A_1358 = vector.shape_cast %get3A_1357 : vector<1x16xf32> to vector<16xf32>
      %swap3A_1359 = arith.constant 51 : i32
      %swap3A_1360 = arith.index_cast %swap3A_1359 : i32 to index
      %swap3A_1361 = arith.constant 0 : index
      %swap3A_1362 = tpu.vector_load %arg11[%swap3A_1360, %swap3A_1361] {strides = array<i32>} : memref<64x128xf32, #tpu.memory_space<vmem>>, vector<1x16xf32>,
      %swap3A_1363 = vector.shape_cast %swap3A_1362 : vector<1x16xf32> to vector<16xf32>
      %swap3A_1364 = vector.shape_cast %get3A_1358 : vector<16xf32> to vector<1x16xf32>
      tpu.vector_store %arg11[%swap3A_1360, %swap3A_1361], %swap3A_1364 {strides = array<i32>} : memref<64x128xf32, #tpu.memory_space<vmem>>, vector<1x16xf32>,
      %get3A_1365 = arith.constant 6 : i32
      %get3A_1366 = arith.index_cast %get3A_1365 : i32 to index
      %get3A_1367 = arith.constant 64 : index
      %get3A_1368 = tpu.vector_load %arg9[%get3A_1366, %get3A_1367] {strides = array<i32>} : memref<8x128xf32, #tpu.memory_space<vmem>>, vector<1x16xf32>,
      %get3A_1369 = vector.shape_cast %get3A_1368 : vector<1x16xf32> to vector<16xf32>
      %swap3A_1370 = arith.constant 52 : i32
      %swap3A_1371 = arith.index_cast %swap3A_1370 : i32 to index
      %swap3A_1372 = arith.constant 0 : index
      %swap3A_1373 = tpu.vector_load %arg11[%swap3A_1371, %swap3A_1372] {strides = array<i32>} : memref<64x128xf32, #tpu.memory_space<vmem>>, vector<1x16xf32>,
      %swap3A_1374 = vector.shape_cast %swap3A_1373 : vector<1x16xf32> to vector<16xf32>
      %swap3A_1375 = vector.shape_cast %get3A_1369 : vector<16xf32> to vector<1x16xf32>
      tpu.vector_store %arg11[%swap3A_1371, %swap3A_1372], %swap3A_1375 {strides = array<i32>} : memref<64x128xf32, #tpu.memory_space<vmem>>, vector<1x16xf32>,
      %get3A_1376 = arith.constant 6 : i32
      %get3A_1377 = arith.index_cast %get3A_1376 : i32 to index
      %get3A_1378 = arith.constant 80 : index
      %get3A_1379 = tpu.vector_load %arg9[%get3A_1377, %get3A_1378] {strides = array<i32>} : memref<8x128xf32, #tpu.memory_space<vmem>>, vector<1x16xf32>,
      %get3A_1380 = vector.shape_cast %get3A_1379 : vector<1x16xf32> to vector<16xf32>
      %swap3A_1381 = arith.constant 53 : i32
      %swap3A_1382 = arith.index_cast %swap3A_1381 : i32 to index
      %swap3A_1383 = arith.constant 0 : index
      %swap3A_1384 = tpu.vector_load %arg11[%swap3A_1382, %swap3A_1383] {strides = array<i32>} : memref<64x128xf32, #tpu.memory_space<vmem>>, vector<1x16xf32>,
      %swap3A_1385 = vector.shape_cast %swap3A_1384 : vector<1x16xf32> to vector<16xf32>
      %swap3A_1386 = vector.shape_cast %get3A_1380 : vector<16xf32> to vector<1x16xf32>
      tpu.vector_store %arg11[%swap3A_1382, %swap3A_1383], %swap3A_1386 {strides = array<i32>} : memref<64x128xf32, #tpu.memory_space<vmem>>, vector<1x16xf32>,
      %get3A_1387 = arith.constant 6 : i32
      %get3A_1388 = arith.index_cast %get3A_1387 : i32 to index
      %get3A_1389 = arith.constant 96 : index
      %get3A_1390 = tpu.vector_load %arg9[%get3A_1388, %get3A_1389] {strides = array<i32>} : memref<8x128xf32, #tpu.memory_space<vmem>>, vector<1x16xf32>,
      %get3A_1391 = vector.shape_cast %get3A_1390 : vector<1x16xf32> to vector<16xf32>
      %swap3A_1392 = arith.constant 54 : i32
      %swap3A_1393 = arith.index_cast %swap3A_1392 : i32 to index
      %swap3A_1394 = arith.constant 0 : index
      %swap3A_1395 = tpu.vector_load %arg11[%swap3A_1393, %swap3A_1394] {strides = array<i32>} : memref<64x128xf32, #tpu.memory_space<vmem>>, vector<1x16xf32>,
      %swap3A_1396 = vector.shape_cast %swap3A_1395 : vector<1x16xf32> to vector<16xf32>
      %swap3A_1397 = vector.shape_cast %get3A_1391 : vector<16xf32> to vector<1x16xf32>
      tpu.vector_store %arg11[%swap3A_1393, %swap3A_1394], %swap3A_1397 {strides = array<i32>} : memref<64x128xf32, #tpu.memory_space<vmem>>, vector<1x16xf32>,
      %get3A_1398 = arith.constant 6 : i32
      %get3A_1399 = arith.index_cast %get3A_1398 : i32 to index
      %get3A_1400 = arith.constant 112 : index
      %get3A_1401 = tpu.vector_load %arg9[%get3A_1399, %get3A_1400] {strides = array<i32>} : memref<8x128xf32, #tpu.memory_space<vmem>>, vector<1x16xf32>,
      %get3A_1402 = vector.shape_cast %get3A_1401 : vector<1x16xf32> to vector<16xf32>
      %swap3A_1403 = arith.constant 55 : i32
      %swap3A_1404 = arith.index_cast %swap3A_1403 : i32 to index
      %swap3A_1405 = arith.constant 0 : index
      %swap3A_1406 = tpu.vector_load %arg11[%swap3A_1404, %swap3A_1405] {strides = array<i32>} : memref<64x128xf32, #tpu.memory_space<vmem>>, vector<1x16xf32>,
      %swap3A_1407 = vector.shape_cast %swap3A_1406 : vector<1x16xf32> to vector<16xf32>
      %swap3A_1408 = vector.shape_cast %get3A_1402 : vector<16xf32> to vector<1x16xf32>
      tpu.vector_store %arg11[%swap3A_1404, %swap3A_1405], %swap3A_1408 {strides = array<i32>} : memref<64x128xf32, #tpu.memory_space<vmem>>, vector<1x16xf32>,
      %get3A_1409 = arith.constant 7 : i32
      %get3A_1410 = arith.index_cast %get3A_1409 : i32 to index
      %get3A_1411 = arith.constant 0 : index
      %get3A_1412 = tpu.vector_load %arg9[%get3A_1410, %get3A_1411] {strides = array<i32>} : memref<8x128xf32, #tpu.memory_space<vmem>>, vector<1x16xf32>,
      %get3A_1413 = vector.shape_cast %get3A_1412 : vector<1x16xf32> to vector<16xf32>
      %swap3A_1414 = arith.constant 56 : i32
      %swap3A_1415 = arith.index_cast %swap3A_1414 : i32 to index
      %swap3A_1416 = arith.constant 0 : index
      %swap3A_1417 = tpu.vector_load %arg11[%swap3A_1415, %swap3A_1416] {strides = array<i32>} : memref<64x128xf32, #tpu.memory_space<vmem>>, vector<1x16xf32>,
      %swap3A_1418 = vector.shape_cast %swap3A_1417 : vector<1x16xf32> to vector<16xf32>
      %swap3A_1419 = vector.shape_cast %get3A_1413 : vector<16xf32> to vector<1x16xf32>
      tpu.vector_store %arg11[%swap3A_1415, %swap3A_1416], %swap3A_1419 {strides = array<i32>} : memref<64x128xf32, #tpu.memory_space<vmem>>, vector<1x16xf32>,
      %get3A_1420 = arith.constant 7 : i32
      %get3A_1421 = arith.index_cast %get3A_1420 : i32 to index
      %get3A_1422 = arith.constant 16 : index
      %get3A_1423 = tpu.vector_load %arg9[%get3A_1421, %get3A_1422] {strides = array<i32>} : memref<8x128xf32, #tpu.memory_space<vmem>>, vector<1x16xf32>,
      %get3A_1424 = vector.shape_cast %get3A_1423 : vector<1x16xf32> to vector<16xf32>
      %swap3A_1425 = arith.constant 57 : i32
      %swap3A_1426 = arith.index_cast %swap3A_1425 : i32 to index
      %swap3A_1427 = arith.constant 0 : index
      %swap3A_1428 = tpu.vector_load %arg11[%swap3A_1426, %swap3A_1427] {strides = array<i32>} : memref<64x128xf32, #tpu.memory_space<vmem>>, vector<1x16xf32>,
      %swap3A_1429 = vector.shape_cast %swap3A_1428 : vector<1x16xf32> to vector<16xf32>
      %swap3A_1430 = vector.shape_cast %get3A_1424 : vector<16xf32> to vector<1x16xf32>
      tpu.vector_store %arg11[%swap3A_1426, %swap3A_1427], %swap3A_1430 {strides = array<i32>} : memref<64x128xf32, #tpu.memory_space<vmem>>, vector<1x16xf32>,
      %get3A_1431 = arith.constant 7 : i32
      %get3A_1432 = arith.index_cast %get3A_1431 : i32 to index
      %get3A_1433 = arith.constant 32 : index
      %get3A_1434 = tpu.vector_load %arg9[%get3A_1432, %get3A_1433] {strides = array<i32>} : memref<8x128xf32, #tpu.memory_space<vmem>>, vector<1x16xf32>,
      %get3A_1435 = vector.shape_cast %get3A_1434 : vector<1x16xf32> to vector<16xf32>
      %swap3A_1436 = arith.constant 58 : i32
      %swap3A_1437 = arith.index_cast %swap3A_1436 : i32 to index
      %swap3A_1438 = arith.constant 0 : index
      %swap3A_1439 = tpu.vector_load %arg11[%swap3A_1437, %swap3A_1438] {strides = array<i32>} : memref<64x128xf32, #tpu.memory_space<vmem>>, vector<1x16xf32>,
      %swap3A_1440 = vector.shape_cast %swap3A_1439 : vector<1x16xf32> to vector<16xf32>
      %swap3A_1441 = vector.shape_cast %get3A_1435 : vector<16xf32> to vector<1x16xf32>
      tpu.vector_store %arg11[%swap3A_1437, %swap3A_1438], %swap3A_1441 {strides = array<i32>} : memref<64x128xf32, #tpu.memory_space<vmem>>, vector<1x16xf32>,
      %get3A_1442 = arith.constant 7 : i32
      %get3A_1443 = arith.index_cast %get3A_1442 : i32 to index
      %get3A_1444 = arith.constant 48 : index
      %get3A_1445 = tpu.vector_load %arg9[%get3A_1443, %get3A_1444] {strides = array<i32>} : memref<8x128xf32, #tpu.memory_space<vmem>>, vector<1x16xf32>,
      %get3A_1446 = vector.shape_cast %get3A_1445 : vector<1x16xf32> to vector<16xf32>
      %swap3A_1447 = arith.constant 59 : i32
      %swap3A_1448 = arith.index_cast %swap3A_1447 : i32 to index
      %swap3A_1449 = arith.constant 0 : index
      %swap3A_1450 = tpu.vector_load %arg11[%swap3A_1448, %swap3A_1449] {strides = array<i32>} : memref<64x128xf32, #tpu.memory_space<vmem>>, vector<1x16xf32>,
      %swap3A_1451 = vector.shape_cast %swap3A_1450 : vector<1x16xf32> to vector<16xf32>
      %swap3A_1452 = vector.shape_cast %get3A_1446 : vector<16xf32> to vector<1x16xf32>
      tpu.vector_store %arg11[%swap3A_1448, %swap3A_1449], %swap3A_1452 {strides = array<i32>} : memref<64x128xf32, #tpu.memory_space<vmem>>, vector<1x16xf32>,
      %get3A_1453 = arith.constant 7 : i32
      %get3A_1454 = arith.index_cast %get3A_1453 : i32 to index
      %get3A_1455 = arith.constant 64 : index
      %get3A_1456 = tpu.vector_load %arg9[%get3A_1454, %get3A_1455] {strides = array<i32>} : memref<8x128xf32, #tpu.memory_space<vmem>>, vector<1x16xf32>,
      %get3A_1457 = vector.shape_cast %get3A_1456 : vector<1x16xf32> to vector<16xf32>
      %swap3A_1458 = arith.constant 60 : i32
      %swap3A_1459 = arith.index_cast %swap3A_1458 : i32 to index
      %swap3A_1460 = arith.constant 0 : index
      %swap3A_1461 = tpu.vector_load %arg11[%swap3A_1459, %swap3A_1460] {strides = array<i32>} : memref<64x128xf32, #tpu.memory_space<vmem>>, vector<1x16xf32>,
      %swap3A_1462 = vector.shape_cast %swap3A_1461 : vector<1x16xf32> to vector<16xf32>
      %swap3A_1463 = vector.shape_cast %get3A_1457 : vector<16xf32> to vector<1x16xf32>
      tpu.vector_store %arg11[%swap3A_1459, %swap3A_1460], %swap3A_1463 {strides = array<i32>} : memref<64x128xf32, #tpu.memory_space<vmem>>, vector<1x16xf32>,
      %get3A_1464 = arith.constant 7 : i32
      %get3A_1465 = arith.index_cast %get3A_1464 : i32 to index
      %get3A_1466 = arith.constant 80 : index
      %get3A_1467 = tpu.vector_load %arg9[%get3A_1465, %get3A_1466] {strides = array<i32>} : memref<8x128xf32, #tpu.memory_space<vmem>>, vector<1x16xf32>,
      %get3A_1468 = vector.shape_cast %get3A_1467 : vector<1x16xf32> to vector<16xf32>
      %swap3A_1469 = arith.constant 61 : i32
      %swap3A_1470 = arith.index_cast %swap3A_1469 : i32 to index
      %swap3A_1471 = arith.constant 0 : index
      %swap3A_1472 = tpu.vector_load %arg11[%swap3A_1470, %swap3A_1471] {strides = array<i32>} : memref<64x128xf32, #tpu.memory_space<vmem>>, vector<1x16xf32>,
      %swap3A_1473 = vector.shape_cast %swap3A_1472 : vector<1x16xf32> to vector<16xf32>
      %swap3A_1474 = vector.shape_cast %get3A_1468 : vector<16xf32> to vector<1x16xf32>
      tpu.vector_store %arg11[%swap3A_1470, %swap3A_1471], %swap3A_1474 {strides = array<i32>} : memref<64x128xf32, #tpu.memory_space<vmem>>, vector<1x16xf32>,
      %get3A_1475 = arith.constant 7 : i32
      %get3A_1476 = arith.index_cast %get3A_1475 : i32 to index
      %get3A_1477 = arith.constant 96 : index
      %get3A_1478 = tpu.vector_load %arg9[%get3A_1476, %get3A_1477] {strides = array<i32>} : memref<8x128xf32, #tpu.memory_space<vmem>>, vector<1x16xf32>,
      %get3A_1479 = vector.shape_cast %get3A_1478 : vector<1x16xf32> to vector<16xf32>
      %swap3A_1480 = arith.constant 62 : i32
      %swap3A_1481 = arith.index_cast %swap3A_1480 : i32 to index
      %swap3A_1482 = arith.constant 0 : index
      %swap3A_1483 = tpu.vector_load %arg11[%swap3A_1481, %swap3A_1482] {strides = array<i32>} : memref<64x128xf32, #tpu.memory_space<vmem>>, vector<1x16xf32>,
      %swap3A_1484 = vector.shape_cast %swap3A_1483 : vector<1x16xf32> to vector<16xf32>
      %swap3A_1485 = vector.shape_cast %get3A_1479 : vector<16xf32> to vector<1x16xf32>
      tpu.vector_store %arg11[%swap3A_1481, %swap3A_1482], %swap3A_1485 {strides = array<i32>} : memref<64x128xf32, #tpu.memory_space<vmem>>, vector<1x16xf32>,
      %get3A_1486 = arith.constant 7 : i32
      %get3A_1487 = arith.index_cast %get3A_1486 : i32 to index
      %get3A_1488 = arith.constant 112 : index
      %get3A_1489 = tpu.vector_load %arg9[%get3A_1487, %get3A_1488] {strides = array<i32>} : memref<8x128xf32, #tpu.memory_space<vmem>>, vector<1x16xf32>,
      %get3A_1490 = vector.shape_cast %get3A_1489 : vector<1x16xf32> to vector<16xf32>
      %swap3A_1491 = arith.constant 63 : i32
      %swap3A_1492 = arith.index_cast %swap3A_1491 : i32 to index
      %swap3A_1493 = arith.constant 0 : index
      %swap3A_1494 = tpu.vector_load %arg11[%swap3A_1492, %swap3A_1493] {strides = array<i32>} : memref<64x128xf32, #tpu.memory_space<vmem>>, vector<1x16xf32>,
      %swap3A_1495 = vector.shape_cast %swap3A_1494 : vector<1x16xf32> to vector<16xf32>
      %swap3A_1496 = vector.shape_cast %get3A_1490 : vector<16xf32> to vector<1x16xf32>
      tpu.vector_store %arg11[%swap3A_1492, %swap3A_1493], %swap3A_1496 {strides = array<i32>} : memref<64x128xf32, #tpu.memory_space<vmem>>, vector<1x16xf32>,
      %add3A_1497 = arith.constant 1 : i32
      %add3A_1498 = arith.addi %add3A_52, %add3A_1497 : i32
      %scan3A_1499 = arith.constant 0 : i32
      %scan3A_1500 = arith.constant 4 : i32
      %scan3A_1501 = arith.addi %scan3A_1499, %scan3A_1500 : i32
      %scan3A_1502 = arith.constant 1 : i32
      scf.for %scan3A_1513 = %scan3A_1499 to %scan3A_1501 step %scan3A_1502  : i32 {
        %mul3A_1514 = arith.constant 1 : i32
        %mul3A_1515 = arith.muli %scan3A_1513, %mul3A_1514 : i32
        %add3A_1516 = arith.constant 0 : i32
        %add3A_1517 = arith.addi %add3A_1516, %mul3A_1515 : i32
        %mul3A_1518 = arith.constant 64 : i32
        %mul3A_1519 = arith.muli %add3A_1498, %mul3A_1518 : i32
        %mul3A_1520 = arith.constant 16 : i32
        %mul3A_1521 = arith.muli %add3A_1517, %mul3A_1520 : i32
        %add3A_1522 = arith.addi %mul3A_1519, %mul3A_1521 : i32
        %get3A_1523 = arith.index_cast %add3A_1522 : i32 to index
        %get3A_1524 = tpu.vector_load %arg5[%get3A_1523] {strides = array<i32>} : memref<20096xi32, #tpu.memory_space<vmem>>, vector<16xi32>,
        %get3A_1525 = vector.shape_cast %get3A_1524 : vector<16xi32> to vector<16xi32>
        %sub3A = vector.broadcast %mul3A_0 : i32 to vector<16xi32>
        %sub3A_1526 = arith.subi %get3A_1525, %sub3A : vector<16xi32>
        %ge3A = arith.constant 0 : i32
        %ge3A_1527 = vector.broadcast %ge3A : i32 to vector<16xi32>
        %ge3A_1528 = arith.cmpi sge, %sub3A_1526, %ge3A_1527 : vector<16xi32>
        %lt3A_1529 = arith.constant 5056 : i32
        %lt3A_1530 = vector.broadcast %lt3A_1529 : i32 to vector<16xi32>
        %lt3A_1531 = arith.cmpi slt, %sub3A_1526, %lt3A_1530 : vector<16xi32>
        %and3A = arith.andi %ge3A_1528, %lt3A_1531 : vector<16xi1>
        %jit3A_1532 = arith.constant 5056 : i32
        %broadcast_in_dim3A_1533 = vector.broadcast %jit3A_1532 : i32 to vector<16xi32>
        %select_n3A_1534 = arith.select %and3A, %sub3A_1526, %broadcast_in_dim3A_1533 : vector<16xi1>, vector<16xi32>
        %mul3A_1535 = arith.constant 16 : i32
        %mul3A_1536 = arith.muli %add3A_1517, %mul3A_1535 : i32
        %swap3A_1537 = arith.index_cast %mul3A_1536 : i32 to index
        %swap3A_1538 = tpu.vector_load %arg7[%swap3A_1537] {strides = array<i32>} : memref<64xi32, #tpu.memory_space<vmem>>, vector<16xi32>,
        %swap3A_1539 = vector.shape_cast %swap3A_1538 : vector<16xi32> to vector<16xi32>
        %swap3A_1540 = vector.shape_cast %select_n3A_1534 : vector<16xi32> to vector<16xi32>
        tpu.vector_store %arg7[%swap3A_1537], %swap3A_1540 {strides = array<i32>} : memref<64xi32, #tpu.memory_space<vmem>>, vector<16xi32>,
      }
      %scan3A_1503 = arith.constant 4 : i32
      %dma_start3A_1504 = arith.constant 0 : i32
      %dma_start3A_1505 = arith.constant 0 : i32
      %dma_start3A_1506 = tpu.memref_slice %arg13[%dma_start3A_1504, %dma_start3A_1505] : memref<5120x128xf32, #tpu.memory_space<vmem_shared>> -> memref<5120x128xf32, #tpu.memory_space<vmem_shared>>
      tpu.enqueue_indirect_dma source(%arg11 : memref<64x128xf32, #tpu.memory_space<vmem>>) target(%dma_start3A_1506 : memref<5120x128xf32, #tpu.memory_space<vmem_shared>>) offsets(%arg7 : memref<64xi32, #tpu.memory_space<vmem>>) semaphore(%arg15 : memref<!tpu.dma_semaphore, #tpu.memory_space<semaphore_mem>>) {add = true}
      %dma_wait3A_1507 = arith.constant 0 : i32
      %dma_wait3A_1508 = arith.constant 0 : i32
      %dma_wait3A_1509 = tpu.memref_slice %arg13[%dma_wait3A_1507, %dma_wait3A_1508] : memref<5120x128xf32, #tpu.memory_space<vmem_shared>> -> memref<5120x128xf32, #tpu.memory_space<vmem_shared>>
      tpu.wait_indirect_dma semaphore(%arg15 : memref<!tpu.dma_semaphore, #tpu.memory_space<semaphore_mem>>) src(%arg10 : memref<64x128xf32, #tpu.memory_space<vmem>>) dst(%dma_wait3A_1509 : memref<5120x128xf32, #tpu.memory_space<vmem_shared>>)
      %dma_wait3A_1510 = arith.constant 0 : i32
      %dma_wait3A_1511 = arith.constant 0 : i32
      %dma_wait3A_1512 = tpu.memref_slice %arg13[%dma_wait3A_1510, %dma_wait3A_1511] : memref<5120x128xf32, #tpu.memory_space<vmem_shared>> -> memref<5120x128xf32, #tpu.memory_space<vmem_shared>>
      tpu.wait_indirect_dma semaphore(%arg15 : memref<!tpu.dma_semaphore, #tpu.memory_space<semaphore_mem>>) src(%arg11 : memref<64x128xf32, #tpu.memory_space<vmem>>) dst(%dma_wait3A_1512 : memref<5120x128xf32, #tpu.memory_space<vmem_shared>>)
    }
    %scan3A_40 = arith.constant 157 : i32
    %barrier3A_41 = arith.constant 0 : index
    tpu.barrier barrier_id(%barrier3A_41)
    %lt3A = arith.constant 15 : i32
    %lt3A_42 = arith.cmpi slt, %arg1, %lt3A : i32
    %convert_element_type3A = arith.extui %lt3A_42 : i1 to i32
    %cond3A = arith.constant 0 : i32
    %cond3A_43 = arith.cmpi ne, %convert_element_type3A, %cond3A : i32
    scf.if %cond3A_43 {
      %mul3A_49 = arith.constant 320 : i32
      %mul3A_50 = arith.muli %arg1, %mul3A_49 : i32
      %mul3A_51 = arith.constant 320 : i32
      %mul3A_52 = arith.muli %arg1, %mul3A_51 : i32
      %add3A = arith.addi %mul3A_0, %mul3A_52 : i32
      "tpu.region"() ({
        %run_scoped3A = tpu.sem_alloc : memref<!tpu.dma_semaphore, #tpu.memory_space<semaphore_mem>>
        %dma_start3A = arith.constant 0 : i32
        %dma_start3A_53 = tpu.memref_slice %arg4[%add3A, %dma_start3A] : memref<10112x128xf32, #tpu.memory_space<hbm>> -> memref<320x128xf32, #tpu.memory_space<hbm>>
        %dma_start3A_54 = arith.constant 0 : i32
        %dma_start3A_55 = tpu.memref_slice %arg13[%mul3A_50, %dma_start3A_54] : memref<5120x128xf32, #tpu.memory_space<vmem_shared>> -> memref<320x128xf32, #tpu.memory_space<vmem_shared>>
        tpu.enqueue_dma source(%dma_start3A_55 : memref<320x128xf32, #tpu.memory_space<vmem_shared>>) target(%dma_start3A_53 : memref<320x128xf32, #tpu.memory_space<hbm>>) target_semaphore(%run_scoped3A : memref<!tpu.dma_semaphore, #tpu.memory_space<semaphore_mem>>)
        %dma_wait3A = arith.constant 0 : i32
        %dma_wait3A_56 = tpu.memref_slice %arg4[%add3A, %dma_wait3A] : memref<10112x128xf32, #tpu.memory_space<hbm>> -> memref<320x128xf32, #tpu.memory_space<hbm>>
        %dma_wait3A_57 = arith.constant 0 : i32
        %dma_wait3A_58 = tpu.memref_slice %arg13[%mul3A_50, %dma_wait3A_57] : memref<5120x128xf32, #tpu.memory_space<vmem_shared>> -> memref<320x128xf32, #tpu.memory_space<vmem_shared>>
        tpu.wait_dma2 semaphore(%run_scoped3A : memref<!tpu.dma_semaphore, #tpu.memory_space<semaphore_mem>>) src(%dma_wait3A_58 : memref<320x128xf32, #tpu.memory_space<vmem_shared>>) dst(%dma_wait3A_56 : memref<320x128xf32, #tpu.memory_space<hbm>>)
        tpu.yield
      }) : () -> ()
    } else {
    }
    %eq3A_44 = arith.constant 15 : i32
    %eq3A_45 = arith.cmpi eq, %arg1, %eq3A_44 : i32
    %convert_element_type3A_46 = arith.extui %eq3A_45 : i1 to i32
    %cond3A_47 = arith.constant 0 : i32
    %cond3A_48 = arith.cmpi ne, %convert_element_type3A_46, %cond3A_47 : i32
    scf.if %cond3A_48 {
      %add3A = arith.constant 4800 : i32
      %add3A_49 = arith.addi %mul3A_0, %add3A : i32
      "tpu.region"() ({
        %run_scoped3A = tpu.sem_alloc : memref<!tpu.dma_semaphore, #tpu.memory_space<semaphore_mem>>
        %dma_start3A = arith.constant 0 : i32
        %dma_start3A_50 = tpu.memref_slice %arg4[%add3A_49, %dma_start3A] : memref<10112x128xf32, #tpu.memory_space<hbm>> -> memref<256x128xf32, #tpu.memory_space<hbm>>
        %dma_start3A_51 = arith.constant 4800 : i32
        %dma_start3A_52 = arith.constant 0 : i32
        %dma_start3A_53 = tpu.memref_slice %arg13[%dma_start3A_51, %dma_start3A_52] : memref<5120x128xf32, #tpu.memory_space<vmem_shared>> -> memref<256x128xf32, #tpu.memory_space<vmem_shared>>
        tpu.enqueue_dma source(%dma_start3A_53 : memref<256x128xf32, #tpu.memory_space<vmem_shared>>) target(%dma_start3A_50 : memref<256x128xf32, #tpu.memory_space<hbm>>) target_semaphore(%run_scoped3A : memref<!tpu.dma_semaphore, #tpu.memory_space<semaphore_mem>>)
        %dma_wait3A = arith.constant 0 : i32
        %dma_wait3A_54 = tpu.memref_slice %arg4[%add3A_49, %dma_wait3A] : memref<10112x128xf32, #tpu.memory_space<hbm>> -> memref<256x128xf32, #tpu.memory_space<hbm>>
        %dma_wait3A_55 = arith.constant 4800 : i32
        %dma_wait3A_56 = arith.constant 0 : i32
        %dma_wait3A_57 = tpu.memref_slice %arg13[%dma_wait3A_55, %dma_wait3A_56] : memref<5120x128xf32, #tpu.memory_space<vmem_shared>> -> memref<256x128xf32, #tpu.memory_space<vmem_shared>>
        tpu.wait_dma2 semaphore(%run_scoped3A : memref<!tpu.dma_semaphore, #tpu.memory_space<semaphore_mem>>) src(%dma_wait3A_57 : memref<256x128xf32, #tpu.memory_space<vmem_shared>>) dst(%dma_wait3A_54 : memref<256x128xf32, #tpu.memory_space<hbm>>)
        tpu.yield
      }) : () -> ()
    } else {
    }
    return
  }
}

#map = affine_map<(d0, d1) -> (0, 0)>
#map1 = affine_map<(d0, d1) -> (0)>
module attributes {stable_mosaic.version = 14 : i64} {
  func.func @k(%arg0: i32, %arg1: i32, %arg2: memref<10000x128xf32, #tpu.memory_space<hbm>>, %arg3: memref<320000xi32, #tpu.memory_space<hbm>>, %arg4: memref<320000xi32, #tpu.memory_space<hbm>>, %arg5: memref<10112x128xf32, #tpu.memory_space<hbm>>, %arg6: memref<20000xi32, #tpu.memory_space<vmem>>, %arg7: memref<20000xi32, #tpu.memory_space<vmem>>, %arg8: memref<80xi32, #tpu.memory_space<vmem>>, %arg9: memref<80xi32, #tpu.memory_space<vmem>>, %arg10: memref<80x128xf32, #tpu.memory_space<vmem>>, %arg11: memref<80x128xf32, #tpu.memory_space<vmem>>, %arg12: memref<80x128xf32, #tpu.memory_space<vmem>>, %arg13: memref<5120x128xf32, #tpu.memory_space<vmem_shared>>, %arg14: memref<!tpu.dma_semaphore, #tpu.memory_space<semaphore_mem>>, %arg15: memref<!tpu.dma_semaphore, #tpu.memory_space<semaphore_mem>>) attributes {dimension_semantics = [#tpu.dimension_semantics<core_parallel>, #tpu.dimension_semantics<subcore_parallel>], iteration_bounds = array<i64: 2, 16>, scalar_prefetch = 0 : i64, scratch_operands = 10 : i64, tpu.core_type = #tpu.core_type<sc_vector_subcore>, window_params = [{transform_indices = #map}, {transform_indices = #map1}, {transform_indices = #map1}, {transform_indices = #map}]} {
    %mul3A = arith.constant 5056 : i32
    %mul3A_0 = arith.muli %arg0, %mul3A : i32
    %scan3A = arith.constant 0 : i32
    %scan3A_1 = arith.constant 80 : i32
    %scan3A_2 = arith.addi %scan3A, %scan3A_1 : i32
    %scan3A_3 = arith.constant 1 : i32
    scf.for %scan3A_26 = %scan3A to %scan3A_2 step %scan3A_3  : i32 {
      %mul3A_27 = arith.constant 1 : i32
      %mul3A_28 = arith.muli %scan3A_26, %mul3A_27 : i32
      %add3A = arith.constant 0 : i32
      %add3A_29 = arith.addi %add3A, %mul3A_28 : i32
      %scan3A_30 = arith.constant 0 : i32
      %scan3A_31 = arith.constant 8 : i32
      %scan3A_32 = arith.addi %scan3A_30, %scan3A_31 : i32
      %scan3A_33 = arith.constant 1 : i32
      scf.for %scan3A_35 = %scan3A_30 to %scan3A_32 step %scan3A_33  : i32 {
        %mul3A_36 = arith.constant 1 : i32
        %mul3A_37 = arith.muli %scan3A_35, %mul3A_36 : i32
        %add3A_38 = arith.constant 0 : i32
        %add3A_39 = arith.addi %add3A_38, %mul3A_37 : i32
        %broadcast_in_dim3A = arith.constant 0.000000e+00 : f32
        %broadcast_in_dim3A_40 = vector.broadcast %broadcast_in_dim3A : f32 to vector<16xf32>
        %mul3A_41 = arith.constant 16 : i32
        %mul3A_42 = arith.muli %add3A_39, %mul3A_41 : i32
        %swap3A = arith.index_cast %add3A_29 : i32 to index
        %swap3A_43 = arith.index_cast %mul3A_42 : i32 to index
        %swap3A_44 = tpu.vector_load %arg12[%swap3A, %swap3A_43] {strides = array<i32>} : memref<80x128xf32, #tpu.memory_space<vmem>>, vector<1x16xf32>,
        %swap3A_45 = vector.shape_cast %swap3A_44 : vector<1x16xf32> to vector<16xf32>
        %swap3A_46 = vector.shape_cast %broadcast_in_dim3A_40 : vector<16xf32> to vector<1x16xf32>
        tpu.vector_store %arg12[%swap3A, %swap3A_43], %swap3A_46 {strides = array<i32>} : memref<80x128xf32, #tpu.memory_space<vmem>>, vector<1x16xf32>,
      }
      %scan3A_34 = arith.constant 8 : i32
    }
    %scan3A_4 = arith.constant 80 : i32
    %scan3A_5 = arith.constant 0 : i32
    %scan3A_6 = arith.constant 4 : i32
    %scan3A_7 = arith.addi %scan3A_5, %scan3A_6 : i32
    %scan3A_8 = arith.constant 1 : i32
    scf.for %scan3A_26 = %scan3A_5 to %scan3A_7 step %scan3A_8  : i32 {
      %mul3A_27 = arith.constant 1 : i32
      %mul3A_28 = arith.muli %scan3A_26, %mul3A_27 : i32
      %add3A = arith.constant 0 : i32
      %add3A_29 = arith.addi %add3A, %mul3A_28 : i32
      %mul3A_30 = arith.constant 320 : i32
      %mul3A_31 = arith.muli %arg1, %mul3A_30 : i32
      %mul3A_32 = arith.constant 80 : i32
      %mul3A_33 = arith.muli %add3A_29, %mul3A_32 : i32
      %add3A_34 = arith.addi %mul3A_31, %mul3A_33 : i32
      "tpu.region"() ({
        %run_scoped3A = tpu.sem_alloc : memref<!tpu.dma_semaphore, #tpu.memory_space<semaphore_mem>>
        %dma_start3A = arith.constant 0 : i32
        %dma_start3A_35 = tpu.memref_slice %arg13[%add3A_34, %dma_start3A] : memref<5120x128xf32, #tpu.memory_space<vmem_shared>> -> memref<80x128xf32, #tpu.memory_space<vmem_shared>>
        %dma_start3A_36 = arith.constant 0 : i32
        %dma_start3A_37 = tpu.memref_slice %arg13[%add3A_34, %dma_start3A_36] : memref<5120x128xf32, #tpu.memory_space<vmem_shared>> -> memref<80x128xf32, #tpu.memory_space<vmem_shared>>
        tpu.enqueue_dma source(%arg12 : memref<80x128xf32, #tpu.memory_space<vmem>>) target(%dma_start3A_37 : memref<80x128xf32, #tpu.memory_space<vmem_shared>>) target_semaphore(%run_scoped3A : memref<!tpu.dma_semaphore, #tpu.memory_space<semaphore_mem>>)
        %dma_wait3A = arith.constant 0 : i32
        %dma_wait3A_38 = tpu.memref_slice %arg13[%add3A_34, %dma_wait3A] : memref<5120x128xf32, #tpu.memory_space<vmem_shared>> -> memref<80x128xf32, #tpu.memory_space<vmem_shared>>
        %dma_wait3A_39 = arith.constant 0 : i32
        %dma_wait3A_40 = tpu.memref_slice %arg13[%add3A_34, %dma_wait3A_39] : memref<5120x128xf32, #tpu.memory_space<vmem_shared>> -> memref<80x128xf32, #tpu.memory_space<vmem_shared>>
        tpu.wait_dma2 semaphore(%run_scoped3A : memref<!tpu.dma_semaphore, #tpu.memory_space<semaphore_mem>>) src(%arg12 : memref<80x128xf32, #tpu.memory_space<vmem>>) dst(%dma_wait3A_40 : memref<80x128xf32, #tpu.memory_space<vmem_shared>>)
        tpu.yield
      }) : () -> ()
    }
    %scan3A_9 = arith.constant 4 : i32
    %mul3A_10 = arith.constant 20000 : i32
    %mul3A_11 = arith.muli %arg1, %mul3A_10 : i32
    "tpu.region"() ({
      %run_scoped3A = tpu.sem_alloc : memref<!tpu.dma_semaphore, #tpu.memory_space<semaphore_mem>>
      %dma_start3A = tpu.memref_slice %arg3[%mul3A_11] : memref<320000xi32, #tpu.memory_space<hbm>> -> memref<20000xi32, #tpu.memory_space<hbm>>
      %dma_start3A_26 = tpu.memref_slice %arg3[%mul3A_11] : memref<320000xi32, #tpu.memory_space<hbm>> -> memref<20000xi32, #tpu.memory_space<hbm>>
      tpu.enqueue_dma source(%dma_start3A_26 : memref<20000xi32, #tpu.memory_space<hbm>>) target(%arg6 : memref<20000xi32, #tpu.memory_space<vmem>>) target_semaphore(%run_scoped3A : memref<!tpu.dma_semaphore, #tpu.memory_space<semaphore_mem>>)
      %dma_wait3A = tpu.memref_slice %arg3[%mul3A_11] : memref<320000xi32, #tpu.memory_space<hbm>> -> memref<20000xi32, #tpu.memory_space<hbm>>
      %dma_wait3A_27 = tpu.memref_slice %arg3[%mul3A_11] : memref<320000xi32, #tpu.memory_space<hbm>> -> memref<20000xi32, #tpu.memory_space<hbm>>
      tpu.wait_dma2 semaphore(%run_scoped3A : memref<!tpu.dma_semaphore, #tpu.memory_space<semaphore_mem>>) src(%dma_wait3A_27 : memref<20000xi32, #tpu.memory_space<hbm>>) dst(%arg6 : memref<20000xi32, #tpu.memory_space<vmem>>)
      tpu.yield
    }) : () -> ()
    %mul3A_12 = arith.constant 20000 : i32
    %mul3A_13 = arith.muli %arg1, %mul3A_12 : i32
    "tpu.region"() ({
      %run_scoped3A = tpu.sem_alloc : memref<!tpu.dma_semaphore, #tpu.memory_space<semaphore_mem>>
      %dma_start3A = tpu.memref_slice %arg4[%mul3A_13] : memref<320000xi32, #tpu.memory_space<hbm>> -> memref<20000xi32, #tpu.memory_space<hbm>>
      %dma_start3A_26 = tpu.memref_slice %arg4[%mul3A_13] : memref<320000xi32, #tpu.memory_space<hbm>> -> memref<20000xi32, #tpu.memory_space<hbm>>
      tpu.enqueue_dma source(%dma_start3A_26 : memref<20000xi32, #tpu.memory_space<hbm>>) target(%arg7 : memref<20000xi32, #tpu.memory_space<vmem>>) target_semaphore(%run_scoped3A : memref<!tpu.dma_semaphore, #tpu.memory_space<semaphore_mem>>)
      %dma_wait3A = tpu.memref_slice %arg4[%mul3A_13] : memref<320000xi32, #tpu.memory_space<hbm>> -> memref<20000xi32, #tpu.memory_space<hbm>>
      %dma_wait3A_27 = tpu.memref_slice %arg4[%mul3A_13] : memref<320000xi32, #tpu.memory_space<hbm>> -> memref<20000xi32, #tpu.memory_space<hbm>>
      tpu.wait_dma2 semaphore(%run_scoped3A : memref<!tpu.dma_semaphore, #tpu.memory_space<semaphore_mem>>) src(%dma_wait3A_27 : memref<20000xi32, #tpu.memory_space<hbm>>) dst(%arg7 : memref<20000xi32, #tpu.memory_space<vmem>>)
      tpu.yield
    }) : () -> ()
    %barrier3A = arith.constant 0 : index
    tpu.barrier barrier_id(%barrier3A)
    %scan3A_14 = arith.constant 0 : i32
    %scan3A_15 = arith.constant 125 : i32
    %scan3A_16 = arith.addi %scan3A_14, %scan3A_15 : i32
    %scan3A_17 = arith.constant 1 : i32
    scf.for %scan3A_26 = %scan3A_14 to %scan3A_16 step %scan3A_17  : i32 {
      %mul3A_27 = arith.constant 2 : i32
      %mul3A_28 = arith.muli %scan3A_26, %mul3A_27 : i32
      %add3A = arith.constant 0 : i32
      %add3A_29 = arith.addi %add3A, %mul3A_28 : i32
      %add3A_30 = arith.constant 0 : i32
      %add3A_31 = arith.addi %add3A_29, %add3A_30 : i32
      %mul3A_32 = arith.constant 80 : i32
      %mul3A_33 = arith.muli %add3A_31, %mul3A_32 : i32
      %dma_start3A = tpu.memref_slice %arg6[%mul3A_33] : memref<20000xi32, #tpu.memory_space<vmem>> -> memref<80xi32, #tpu.memory_space<vmem>>
      %dma_start3A_34 = arith.constant 0 : i32
      %dma_start3A_35 = arith.constant 0 : i32
      %dma_start3A_36 = tpu.memref_slice %arg2[%dma_start3A_34, %dma_start3A_35] : memref<10000x128xf32, #tpu.memory_space<hbm>> -> memref<10000x128xf32, #tpu.memory_space<hbm>>
      tpu.enqueue_indirect_dma source(%dma_start3A_36 : memref<10000x128xf32, #tpu.memory_space<hbm>>) target(%arg10 : memref<80x128xf32, #tpu.memory_space<vmem>>) offsets(%dma_start3A : memref<80xi32, #tpu.memory_space<vmem>>) semaphore(%arg14 : memref<!tpu.dma_semaphore, #tpu.memory_space<semaphore_mem>>)
      %add3A_37 = arith.constant 1 : i32
      %add3A_38 = arith.addi %add3A_29, %add3A_37 : i32
      %mul3A_39 = arith.constant 80 : i32
      %mul3A_40 = arith.muli %add3A_38, %mul3A_39 : i32
      %dma_start3A_41 = tpu.memref_slice %arg6[%mul3A_40] : memref<20000xi32, #tpu.memory_space<vmem>> -> memref<80xi32, #tpu.memory_space<vmem>>
      %dma_start3A_42 = arith.constant 0 : i32
      %dma_start3A_43 = arith.constant 0 : i32
      %dma_start3A_44 = tpu.memref_slice %arg2[%dma_start3A_42, %dma_start3A_43] : memref<10000x128xf32, #tpu.memory_space<hbm>> -> memref<10000x128xf32, #tpu.memory_space<hbm>>
      tpu.enqueue_indirect_dma source(%dma_start3A_44 : memref<10000x128xf32, #tpu.memory_space<hbm>>) target(%arg11 : memref<80x128xf32, #tpu.memory_space<vmem>>) offsets(%dma_start3A_41 : memref<80xi32, #tpu.memory_space<vmem>>) semaphore(%arg14 : memref<!tpu.dma_semaphore, #tpu.memory_space<semaphore_mem>>)
      %add3A_45 = arith.constant 0 : i32
      %add3A_46 = arith.addi %add3A_29, %add3A_45 : i32
      %scan3A_47 = arith.constant 0 : i32
      %scan3A_48 = arith.constant 5 : i32
      %scan3A_49 = arith.addi %scan3A_47, %scan3A_48 : i32
      %scan3A_50 = arith.constant 1 : i32
      scf.for %scan3A_78 = %scan3A_47 to %scan3A_49 step %scan3A_50  : i32 {
        %mul3A_79 = arith.constant 1 : i32
        %mul3A_80 = arith.muli %scan3A_78, %mul3A_79 : i32
        %add3A_81 = arith.constant 0 : i32
        %add3A_82 = arith.addi %add3A_81, %mul3A_80 : i32
        %mul3A_83 = arith.constant 80 : i32
        %mul3A_84 = arith.muli %add3A_46, %mul3A_83 : i32
        %mul3A_85 = arith.constant 16 : i32
        %mul3A_86 = arith.muli %add3A_82, %mul3A_85 : i32
        %add3A_87 = arith.addi %mul3A_84, %mul3A_86 : i32
        %get3A = arith.index_cast %add3A_87 : i32 to index
        %get3A_88 = tpu.vector_load %arg7[%get3A] {strides = array<i32>} : memref<20000xi32, #tpu.memory_space<vmem>>, vector<16xi32>,
        %get3A_89 = vector.shape_cast %get3A_88 : vector<16xi32> to vector<16xi32>
        %sub3A = vector.broadcast %mul3A_0 : i32 to vector<16xi32>
        %sub3A_90 = arith.subi %get3A_89, %sub3A : vector<16xi32>
        %ge3A = arith.constant 0 : i32
        %ge3A_91 = vector.broadcast %ge3A : i32 to vector<16xi32>
        %ge3A_92 = arith.cmpi sge, %sub3A_90, %ge3A_91 : vector<16xi32>
        %lt3A_93 = arith.constant 5056 : i32
        %lt3A_94 = vector.broadcast %lt3A_93 : i32 to vector<16xi32>
        %lt3A_95 = arith.cmpi slt, %sub3A_90, %lt3A_94 : vector<16xi32>
        %and3A = arith.andi %ge3A_92, %lt3A_95 : vector<16xi1>
        %jit3A = arith.constant 5056 : i32
        %broadcast_in_dim3A = vector.broadcast %jit3A : i32 to vector<16xi32>
        %select_n3A = arith.select %and3A, %sub3A_90, %broadcast_in_dim3A : vector<16xi1>, vector<16xi32>
        %mul3A_96 = arith.constant 16 : i32
        %mul3A_97 = arith.muli %add3A_82, %mul3A_96 : i32
        %swap3A = arith.index_cast %mul3A_97 : i32 to index
        %swap3A_98 = tpu.vector_load %arg8[%swap3A] {strides = array<i32>} : memref<80xi32, #tpu.memory_space<vmem>>, vector<16xi32>,
        %swap3A_99 = vector.shape_cast %swap3A_98 : vector<16xi32> to vector<16xi32>
        %swap3A_100 = vector.shape_cast %select_n3A : vector<16xi32> to vector<16xi32>
        tpu.vector_store %arg8[%swap3A], %swap3A_100 {strides = array<i32>} : memref<80xi32, #tpu.memory_space<vmem>>, vector<16xi32>,
      }
      %scan3A_51 = arith.constant 5 : i32
      %dma_wait3A = tpu.memref_slice %arg6[%mul3A_33] : memref<20000xi32, #tpu.memory_space<vmem>> -> memref<80xi32, #tpu.memory_space<vmem>>
      %dma_wait3A_52 = arith.constant 0 : i32
      %dma_wait3A_53 = arith.constant 0 : i32
      %dma_wait3A_54 = tpu.memref_slice %arg2[%dma_wait3A_52, %dma_wait3A_53] : memref<10000x128xf32, #tpu.memory_space<hbm>> -> memref<10000x128xf32, #tpu.memory_space<hbm>>
      tpu.wait_indirect_dma semaphore(%arg14 : memref<!tpu.dma_semaphore, #tpu.memory_space<semaphore_mem>>) src(%dma_wait3A_54 : memref<10000x128xf32, #tpu.memory_space<hbm>>) dst(%arg10 : memref<80x128xf32, #tpu.memory_space<vmem>>)
      %dma_start3A_55 = arith.constant 0 : i32
      %dma_start3A_56 = arith.constant 0 : i32
      %dma_start3A_57 = tpu.memref_slice %arg13[%dma_start3A_55, %dma_start3A_56] : memref<5120x128xf32, #tpu.memory_space<vmem_shared>> -> memref<5120x128xf32, #tpu.memory_space<vmem_shared>>
      tpu.enqueue_indirect_dma source(%arg10 : memref<80x128xf32, #tpu.memory_space<vmem>>) target(%dma_start3A_57 : memref<5120x128xf32, #tpu.memory_space<vmem_shared>>) offsets(%arg8 : memref<80xi32, #tpu.memory_space<vmem>>) semaphore(%arg15 : memref<!tpu.dma_semaphore, #tpu.memory_space<semaphore_mem>>) {add = true}
      %add3A_58 = arith.constant 1 : i32
      %add3A_59 = arith.addi %add3A_29, %add3A_58 : i32
      %scan3A_60 = arith.constant 0 : i32
      %scan3A_61 = arith.constant 5 : i32
      %scan3A_62 = arith.addi %scan3A_60, %scan3A_61 : i32
      %scan3A_63 = arith.constant 1 : i32
      scf.for %scan3A_78 = %scan3A_60 to %scan3A_62 step %scan3A_63  : i32 {
        %mul3A_79 = arith.constant 1 : i32
        %mul3A_80 = arith.muli %scan3A_78, %mul3A_79 : i32
        %add3A_81 = arith.constant 0 : i32
        %add3A_82 = arith.addi %add3A_81, %mul3A_80 : i32
        %mul3A_83 = arith.constant 80 : i32
        %mul3A_84 = arith.muli %add3A_59, %mul3A_83 : i32
        %mul3A_85 = arith.constant 16 : i32
        %mul3A_86 = arith.muli %add3A_82, %mul3A_85 : i32
        %add3A_87 = arith.addi %mul3A_84, %mul3A_86 : i32
        %get3A = arith.index_cast %add3A_87 : i32 to index
        %get3A_88 = tpu.vector_load %arg7[%get3A] {strides = array<i32>} : memref<20000xi32, #tpu.memory_space<vmem>>, vector<16xi32>,
        %get3A_89 = vector.shape_cast %get3A_88 : vector<16xi32> to vector<16xi32>
        %sub3A = vector.broadcast %mul3A_0 : i32 to vector<16xi32>
        %sub3A_90 = arith.subi %get3A_89, %sub3A : vector<16xi32>
        %ge3A = arith.constant 0 : i32
        %ge3A_91 = vector.broadcast %ge3A : i32 to vector<16xi32>
        %ge3A_92 = arith.cmpi sge, %sub3A_90, %ge3A_91 : vector<16xi32>
        %lt3A_93 = arith.constant 5056 : i32
        %lt3A_94 = vector.broadcast %lt3A_93 : i32 to vector<16xi32>
        %lt3A_95 = arith.cmpi slt, %sub3A_90, %lt3A_94 : vector<16xi32>
        %and3A = arith.andi %ge3A_92, %lt3A_95 : vector<16xi1>
        %jit3A = arith.constant 5056 : i32
        %broadcast_in_dim3A = vector.broadcast %jit3A : i32 to vector<16xi32>
        %select_n3A = arith.select %and3A, %sub3A_90, %broadcast_in_dim3A : vector<16xi1>, vector<16xi32>
        %mul3A_96 = arith.constant 16 : i32
        %mul3A_97 = arith.muli %add3A_82, %mul3A_96 : i32
        %swap3A = arith.index_cast %mul3A_97 : i32 to index
        %swap3A_98 = tpu.vector_load %arg9[%swap3A] {strides = array<i32>} : memref<80xi32, #tpu.memory_space<vmem>>, vector<16xi32>,
        %swap3A_99 = vector.shape_cast %swap3A_98 : vector<16xi32> to vector<16xi32>
        %swap3A_100 = vector.shape_cast %select_n3A : vector<16xi32> to vector<16xi32>
        tpu.vector_store %arg9[%swap3A], %swap3A_100 {strides = array<i32>} : memref<80xi32, #tpu.memory_space<vmem>>, vector<16xi32>,
      }
      %scan3A_64 = arith.constant 5 : i32
      %dma_wait3A_65 = tpu.memref_slice %arg6[%mul3A_40] : memref<20000xi32, #tpu.memory_space<vmem>> -> memref<80xi32, #tpu.memory_space<vmem>>
      %dma_wait3A_66 = arith.constant 0 : i32
      %dma_wait3A_67 = arith.constant 0 : i32
      %dma_wait3A_68 = tpu.memref_slice %arg2[%dma_wait3A_66, %dma_wait3A_67] : memref<10000x128xf32, #tpu.memory_space<hbm>> -> memref<10000x128xf32, #tpu.memory_space<hbm>>
      tpu.wait_indirect_dma semaphore(%arg14 : memref<!tpu.dma_semaphore, #tpu.memory_space<semaphore_mem>>) src(%dma_wait3A_68 : memref<10000x128xf32, #tpu.memory_space<hbm>>) dst(%arg11 : memref<80x128xf32, #tpu.memory_space<vmem>>)
      %dma_start3A_69 = arith.constant 0 : i32
      %dma_start3A_70 = arith.constant 0 : i32
      %dma_start3A_71 = tpu.memref_slice %arg13[%dma_start3A_69, %dma_start3A_70] : memref<5120x128xf32, #tpu.memory_space<vmem_shared>> -> memref<5120x128xf32, #tpu.memory_space<vmem_shared>>
      tpu.enqueue_indirect_dma source(%arg11 : memref<80x128xf32, #tpu.memory_space<vmem>>) target(%dma_start3A_71 : memref<5120x128xf32, #tpu.memory_space<vmem_shared>>) offsets(%arg9 : memref<80xi32, #tpu.memory_space<vmem>>) semaphore(%arg15 : memref<!tpu.dma_semaphore, #tpu.memory_space<semaphore_mem>>) {add = true}
      %dma_wait3A_72 = arith.constant 0 : i32
      %dma_wait3A_73 = arith.constant 0 : i32
      %dma_wait3A_74 = tpu.memref_slice %arg13[%dma_wait3A_72, %dma_wait3A_73] : memref<5120x128xf32, #tpu.memory_space<vmem_shared>> -> memref<5120x128xf32, #tpu.memory_space<vmem_shared>>
      tpu.wait_indirect_dma semaphore(%arg15 : memref<!tpu.dma_semaphore, #tpu.memory_space<semaphore_mem>>) src(%arg10 : memref<80x128xf32, #tpu.memory_space<vmem>>) dst(%dma_wait3A_74 : memref<5120x128xf32, #tpu.memory_space<vmem_shared>>)
      %dma_wait3A_75 = arith.constant 0 : i32
      %dma_wait3A_76 = arith.constant 0 : i32
      %dma_wait3A_77 = tpu.memref_slice %arg13[%dma_wait3A_75, %dma_wait3A_76] : memref<5120x128xf32, #tpu.memory_space<vmem_shared>> -> memref<5120x128xf32, #tpu.memory_space<vmem_shared>>
      tpu.wait_indirect_dma semaphore(%arg15 : memref<!tpu.dma_semaphore, #tpu.memory_space<semaphore_mem>>) src(%arg11 : memref<80x128xf32, #tpu.memory_space<vmem>>) dst(%dma_wait3A_77 : memref<5120x128xf32, #tpu.memory_space<vmem_shared>>)
    }
    %scan3A_18 = arith.constant 125 : i32
    %barrier3A_19 = arith.constant 0 : index
    tpu.barrier barrier_id(%barrier3A_19)
    %lt3A = arith.constant 15 : i32
    %lt3A_20 = arith.cmpi slt, %arg1, %lt3A : i32
    %convert_element_type3A = arith.extui %lt3A_20 : i1 to i32
    %cond3A = arith.constant 0 : i32
    %cond3A_21 = arith.cmpi ne, %convert_element_type3A, %cond3A : i32
    scf.if %cond3A_21 {
      %mul3A_26 = arith.constant 320 : i32
      %mul3A_27 = arith.muli %arg1, %mul3A_26 : i32
      %mul3A_28 = arith.constant 320 : i32
      %mul3A_29 = arith.muli %arg1, %mul3A_28 : i32
      %add3A = arith.addi %mul3A_0, %mul3A_29 : i32
      "tpu.region"() ({
        %run_scoped3A = tpu.sem_alloc : memref<!tpu.dma_semaphore, #tpu.memory_space<semaphore_mem>>
        %dma_start3A = arith.constant 0 : i32
        %dma_start3A_30 = tpu.memref_slice %arg5[%add3A, %dma_start3A] : memref<10112x128xf32, #tpu.memory_space<hbm>> -> memref<320x128xf32, #tpu.memory_space<hbm>>
        %dma_start3A_31 = arith.constant 0 : i32
        %dma_start3A_32 = tpu.memref_slice %arg13[%mul3A_27, %dma_start3A_31] : memref<5120x128xf32, #tpu.memory_space<vmem_shared>> -> memref<320x128xf32, #tpu.memory_space<vmem_shared>>
        tpu.enqueue_dma source(%dma_start3A_32 : memref<320x128xf32, #tpu.memory_space<vmem_shared>>) target(%dma_start3A_30 : memref<320x128xf32, #tpu.memory_space<hbm>>) target_semaphore(%run_scoped3A : memref<!tpu.dma_semaphore, #tpu.memory_space<semaphore_mem>>)
        %dma_wait3A = arith.constant 0 : i32
        %dma_wait3A_33 = tpu.memref_slice %arg5[%add3A, %dma_wait3A] : memref<10112x128xf32, #tpu.memory_space<hbm>> -> memref<320x128xf32, #tpu.memory_space<hbm>>
        %dma_wait3A_34 = arith.constant 0 : i32
        %dma_wait3A_35 = tpu.memref_slice %arg13[%mul3A_27, %dma_wait3A_34] : memref<5120x128xf32, #tpu.memory_space<vmem_shared>> -> memref<320x128xf32, #tpu.memory_space<vmem_shared>>
        tpu.wait_dma2 semaphore(%run_scoped3A : memref<!tpu.dma_semaphore, #tpu.memory_space<semaphore_mem>>) src(%dma_wait3A_35 : memref<320x128xf32, #tpu.memory_space<vmem_shared>>) dst(%dma_wait3A_33 : memref<320x128xf32, #tpu.memory_space<hbm>>)
        tpu.yield
      }) : () -> ()
    } else {
    }
    %eq3A = arith.constant 15 : i32
    %eq3A_22 = arith.cmpi eq, %arg1, %eq3A : i32
    %convert_element_type3A_23 = arith.extui %eq3A_22 : i1 to i32
    %cond3A_24 = arith.constant 0 : i32
    %cond3A_25 = arith.cmpi ne, %convert_element_type3A_23, %cond3A_24 : i32
    scf.if %cond3A_25 {
      %add3A = arith.constant 4800 : i32
      %add3A_26 = arith.addi %mul3A_0, %add3A : i32
      "tpu.region"() ({
        %run_scoped3A = tpu.sem_alloc : memref<!tpu.dma_semaphore, #tpu.memory_space<semaphore_mem>>
        %dma_start3A = arith.constant 0 : i32
        %dma_start3A_27 = tpu.memref_slice %arg5[%add3A_26, %dma_start3A] : memref<10112x128xf32, #tpu.memory_space<hbm>> -> memref<256x128xf32, #tpu.memory_space<hbm>>
        %dma_start3A_28 = arith.constant 4800 : i32
        %dma_start3A_29 = arith.constant 0 : i32
        %dma_start3A_30 = tpu.memref_slice %arg13[%dma_start3A_28, %dma_start3A_29] : memref<5120x128xf32, #tpu.memory_space<vmem_shared>> -> memref<256x128xf32, #tpu.memory_space<vmem_shared>>
        tpu.enqueue_dma source(%dma_start3A_30 : memref<256x128xf32, #tpu.memory_space<vmem_shared>>) target(%dma_start3A_27 : memref<256x128xf32, #tpu.memory_space<hbm>>) target_semaphore(%run_scoped3A : memref<!tpu.dma_semaphore, #tpu.memory_space<semaphore_mem>>)
        %dma_wait3A = arith.constant 0 : i32
        %dma_wait3A_31 = tpu.memref_slice %arg5[%add3A_26, %dma_wait3A] : memref<10112x128xf32, #tpu.memory_space<hbm>> -> memref<256x128xf32, #tpu.memory_space<hbm>>
        %dma_wait3A_32 = arith.constant 4800 : i32
        %dma_wait3A_33 = arith.constant 0 : i32
        %dma_wait3A_34 = tpu.memref_slice %arg13[%dma_wait3A_32, %dma_wait3A_33] : memref<5120x128xf32, #tpu.memory_space<vmem_shared>> -> memref<256x128xf32, #tpu.memory_space<vmem_shared>>
        tpu.wait_dma2 semaphore(%run_scoped3A : memref<!tpu.dma_semaphore, #tpu.memory_space<semaphore_mem>>) src(%dma_wait3A_34 : memref<256x128xf32, #tpu.memory_space<vmem_shared>>) dst(%dma_wait3A_31 : memref<256x128xf32, #tpu.memory_space<hbm>>)
        tpu.yield
      }) : () -> ()
    } else {
    }
    return
  }
}

module attributes {stable_mosaic.version = 14 : i64} {
  func.func @_layer_body(%arg0: i32, %arg1: memref<1000x128xf32, #tpu.memory_space<vmem>>, %arg2: memref<1000x128xf32, #tpu.memory_space<vmem>>, %arg3: memref<1000x128xf32, #tpu.memory_space<vmem>>, %arg4: memref<128x128xf32, #tpu.memory_space<vmem>>, %arg5: memref<16x128xf32, #tpu.memory_space<vmem>>, %arg6: memref<1x128xf32, #tpu.memory_space<vmem>>, %arg7: memref<1x128xf32, #tpu.memory_space<vmem>>, %arg8: memref<1x128xf32, #tpu.memory_space<vmem>>, %arg9: memref<1x128xf32, #tpu.memory_space<vmem>>, %arg10: memref<1x128xf32, #tpu.memory_space<vmem>>, %arg11: memref<128x512xf32, #tpu.memory_space<vmem>>, %arg12: memref<1x512xf32, #tpu.memory_space<vmem>>, %arg13: memref<512x128xf32, #tpu.memory_space<vmem>>, %arg14: memref<1x128xf32, #tpu.memory_space<vmem>>, %arg15: memref<1000x128xf32, #tpu.memory_space<vmem>>) attributes {dimension_semantics = [#tpu.dimension_semantics<arbitrary>], iteration_bounds = array<i64: 10>, scalar_prefetch = 0 : i64, scratch_operands = 0 : i64, tpu.core_type = #tpu.core_type<tc>, window_params = [{transform_indices = @transform_0, window_bounds = array<i64: 1000, 128>}, {transform_indices = @transform_1, window_bounds = array<i64: 1000, 128>}, {transform_indices = @transform_2, window_bounds = array<i64: 1000, 128>}, {pipeline_mode = #tpu.pipeline_mode<synchronous>, transform_indices = @transform_3, window_bounds = array<i64: 128, 128>}, {pipeline_mode = #tpu.pipeline_mode<synchronous>, transform_indices = @transform_4, window_bounds = array<i64: 16, 128>}, {pipeline_mode = #tpu.pipeline_mode<synchronous>, transform_indices = @transform_5, window_bounds = array<i64: 1, 128>}, {pipeline_mode = #tpu.pipeline_mode<synchronous>, transform_indices = @transform_6, window_bounds = array<i64: 1, 128>}, {pipeline_mode = #tpu.pipeline_mode<synchronous>, transform_indices = @transform_7, window_bounds = array<i64: 1, 128>}, {pipeline_mode = #tpu.pipeline_mode<synchronous>, transform_indices = @transform_8, window_bounds = array<i64: 1, 128>}, {pipeline_mode = #tpu.pipeline_mode<synchronous>, transform_indices = @transform_9, window_bounds = array<i64: 1, 128>}, {pipeline_mode = #tpu.pipeline_mode<synchronous>, transform_indices = @transform_10, window_bounds = array<i64: 128, 512>}, {pipeline_mode = #tpu.pipeline_mode<synchronous>, transform_indices = @transform_11, window_bounds = array<i64: 1, 512>}, {pipeline_mode = #tpu.pipeline_mode<synchronous>, transform_indices = @transform_12, window_bounds = array<i64: 512, 128>}, {pipeline_mode = #tpu.pipeline_mode<synchronous>, transform_indices = @transform_13, window_bounds = array<i64: 1, 128>}, {transform_indices = @transform_14, window_bounds = array<i64: 1000, 128>}]} {
    %get3A = arith.constant 0 : index
    %get3A_0 = arith.constant 0 : index
    %get3A_1 = vector.load %arg2[%get3A, %get3A_0] : memref<1000x128xf32, #tpu.memory_space<vmem>>, vector<1000x128xf32>
    %get3A_2 = arith.constant 0 : index
    %get3A_3 = arith.constant 0 : index
    %get3A_4 = vector.load %arg3[%get3A_2, %get3A_3] : memref<1000x128xf32, #tpu.memory_space<vmem>>, vector<1000x16xf32>
    %get3A_5 = arith.constant 0 : index
    %get3A_6 = arith.constant 16 : index
    %get3A_7 = vector.load %arg3[%get3A_5, %get3A_6] : memref<1000x128xf32, #tpu.memory_space<vmem>>, vector<1000x1xf32>
    %get3A_8 = arith.constant 0 : index
    %get3A_9 = arith.constant 0 : index
    %get3A_10 = vector.load %arg5[%get3A_8, %get3A_9] : memref<16x128xf32, #tpu.memory_space<vmem>>, vector<16x128xf32>
    %dot_general3A = arith.constant dense<0.000000e+00> : vector<1000x128xf32>
    %dot_general3A_11 = tpu.matmul %get3A_4, %get3A_10, %dot_general3A {dimension_numbers = #tpu.dot_dimension_numbers<[1], [0], [0], [1], [0, 0, 1, 1], [], []>, transpose_lhs_hint = false} : vector<1000x16xf32>, vector<16x128xf32>, vector<1000x128xf32> -> vector<1000x128xf32>
    %get3A_12 = arith.constant 0 : index
    %get3A_13 = arith.constant 0 : index
    %get3A_14 = vector.load %arg6[%get3A_12, %get3A_13] : memref<1x128xf32, #tpu.memory_space<vmem>>, vector<1x128xf32>
    %mul3A = vector.broadcast %get3A_7 : vector<1000x1xf32> to vector<1000x128xf32>
    %mul3A_15 = vector.broadcast %get3A_14 : vector<1x128xf32> to vector<1000x128xf32>
    %mul3A_16 = arith.mulf %mul3A, %mul3A_15 : vector<1000x128xf32>
    %add3A = arith.addf %dot_general3A_11, %mul3A_16 : vector<1000x128xf32>
    %get3A_17 = arith.constant 0 : index
    %get3A_18 = arith.constant 0 : index
    %get3A_19 = vector.load %arg4[%get3A_17, %get3A_18] : memref<128x128xf32, #tpu.memory_space<vmem>>, vector<128x128xf32>
    %dot_general3A_20 = arith.constant dense<0.000000e+00> : vector<1000x128xf32>
    %dot_general3A_21 = tpu.matmul %get3A_1, %get3A_19, %dot_general3A_20 {dimension_numbers = #tpu.dot_dimension_numbers<[1], [0], [0], [1], [0, 0, 1, 1], [], []>, transpose_lhs_hint = false} : vector<1000x128xf32>, vector<128x128xf32>, vector<1000x128xf32> -> vector<1000x128xf32>
    %add3A_22 = arith.addf %dot_general3A_21, %add3A : vector<1000x128xf32>
    %max3A = arith.constant 2.000000e+00 : f32
    %max3A_23 = vector.broadcast %max3A : f32 to vector<1000x1xf32>
    %max3A_24 = arith.maximumf %get3A_7, %max3A_23 : vector<1000x1xf32>
    %div3A = vector.broadcast %max3A_24 : vector<1000x1xf32> to vector<1000x128xf32>
    %div3A_25 = arith.divf %add3A_22, %div3A : vector<1000x128xf32>
    %get3A_26 = arith.constant 0 : index
    %get3A_27 = arith.constant 0 : index
    %get3A_28 = vector.load %arg1[%get3A_26, %get3A_27] : memref<1000x128xf32, #tpu.memory_space<vmem>>, vector<1000x128xf32>
    %get3A_29 = arith.constant 0 : index
    %get3A_30 = arith.constant 0 : index
    %get3A_31 = vector.load %arg7[%get3A_29, %get3A_30] : memref<1x128xf32, #tpu.memory_space<vmem>>, vector<1x128xf32>
    %get3A_32 = arith.constant 0 : index
    %get3A_33 = arith.constant 0 : index
    %get3A_34 = vector.load %arg8[%get3A_32, %get3A_33] : memref<1x128xf32, #tpu.memory_space<vmem>>, vector<1x128xf32>
    %reduce_sum3A = arith.constant dense<0.000000e+00> : vector<1000xf32>
    %reduce_sum3A_35 = vector.multi_reduction <add>, %div3A_25, %reduce_sum3A [1] : vector<1000x128xf32> to vector<1000xf32>
    %broadcast_in_dim3A = vector.shape_cast %reduce_sum3A_35 : vector<1000xf32> to vector<1000x1xf32>
    %div3A_36 = arith.constant 1.280000e+02 : f32
    %div3A_37 = vector.broadcast %div3A_36 : f32 to vector<1000x1xf32>
    %div3A_38 = arith.divf %broadcast_in_dim3A, %div3A_37 : vector<1000x1xf32>
    %jit3A = arith.constant 0 : i32
    %reduce_sum3A_39 = arith.constant dense<0.000000e+00> : vector<1000xf32>
    %reduce_sum3A_40 = vector.multi_reduction <add>, %div3A_25, %reduce_sum3A_39 [1] : vector<1000x128xf32> to vector<1000xf32>
    %broadcast_in_dim3A_41 = vector.shape_cast %reduce_sum3A_40 : vector<1000xf32> to vector<1000x1xf32>
    %div3A_42 = arith.constant 1.280000e+02 : f32
    %div3A_43 = vector.broadcast %div3A_42 : f32 to vector<1000x1xf32>
    %div3A_44 = arith.divf %broadcast_in_dim3A_41, %div3A_43 : vector<1000x1xf32>
    %sub3A = vector.broadcast %div3A_44 : vector<1000x1xf32> to vector<1000x128xf32>
    %sub3A_45 = arith.subf %div3A_25, %sub3A : vector<1000x128xf32>
    %square3A = arith.mulf %sub3A_45, %sub3A_45 : vector<1000x128xf32>
    %convert_element_type3A = arith.sitofp %jit3A : i32 to f32
    %sub3A_46 = arith.constant 1.280000e+02 : f32
    %sub3A_47 = arith.subf %sub3A_46, %convert_element_type3A : f32
    %reduce_sum3A_48 = arith.constant dense<0.000000e+00> : vector<1000xf32>
    %reduce_sum3A_49 = vector.multi_reduction <add>, %square3A, %reduce_sum3A_48 [1] : vector<1000x128xf32> to vector<1000xf32>
    %broadcast_in_dim3A_50 = vector.shape_cast %reduce_sum3A_49 : vector<1000xf32> to vector<1000x1xf32>
    %div3A_51 = vector.broadcast %sub3A_47 : f32 to vector<1000x1xf32>
    %div3A_52 = arith.divf %broadcast_in_dim3A_50, %div3A_51 : vector<1000x1xf32>
    %gt3A = arith.constant 0.000000e+00 : f32
    %gt3A_53 = arith.cmpf ogt, %sub3A_47, %gt3A : f32
    %jit3A_54 = arith.constant 0x7FC00000 : f32
    %broadcast_in_dim3A_55 = vector.broadcast %jit3A_54 : f32 to vector<1000x1xf32>
    %select_n3A = arith.select %gt3A_53, %div3A_52, %broadcast_in_dim3A_55 : vector<1000x1xf32>
    %sub3A_56 = vector.broadcast %div3A_38 : vector<1000x1xf32> to vector<1000x128xf32>
    %sub3A_57 = arith.subf %div3A_25, %sub3A_56 : vector<1000x128xf32>
    %add3A_58 = arith.constant 9.99999974E-6 : f32
    %add3A_59 = vector.broadcast %add3A_58 : f32 to vector<1000x1xf32>
    %add3A_60 = arith.addf %select_n3A, %add3A_59 : vector<1000x1xf32>
    %sqrt3A = math.sqrt %add3A_60 : vector<1000x1xf32>
    %div3A_61 = vector.broadcast %sqrt3A : vector<1000x1xf32> to vector<1000x128xf32>
    %div3A_62 = arith.divf %sub3A_57, %div3A_61 : vector<1000x128xf32>
    %mul3A_63 = vector.broadcast %get3A_31 : vector<1x128xf32> to vector<1000x128xf32>
    %mul3A_64 = arith.mulf %div3A_62, %mul3A_63 : vector<1000x128xf32>
    %add3A_65 = vector.broadcast %get3A_34 : vector<1x128xf32> to vector<1000x128xf32>
    %add3A_66 = arith.addf %mul3A_64, %add3A_65 : vector<1000x128xf32>
    %add3A_67 = arith.addf %get3A_28, %add3A_66 : vector<1000x128xf32>
    %get3A_68 = arith.constant 0 : index
    %get3A_69 = arith.constant 0 : index
    %get3A_70 = vector.load %arg9[%get3A_68, %get3A_69] : memref<1x128xf32, #tpu.memory_space<vmem>>, vector<1x128xf32>
    %get3A_71 = arith.constant 0 : index
    %get3A_72 = arith.constant 0 : index
    %get3A_73 = vector.load %arg10[%get3A_71, %get3A_72] : memref<1x128xf32, #tpu.memory_space<vmem>>, vector<1x128xf32>
    %reduce_sum3A_74 = arith.constant dense<0.000000e+00> : vector<1000xf32>
    %reduce_sum3A_75 = vector.multi_reduction <add>, %add3A_67, %reduce_sum3A_74 [1] : vector<1000x128xf32> to vector<1000xf32>
    %broadcast_in_dim3A_76 = vector.shape_cast %reduce_sum3A_75 : vector<1000xf32> to vector<1000x1xf32>
    %div3A_77 = arith.constant 1.280000e+02 : f32
    %div3A_78 = vector.broadcast %div3A_77 : f32 to vector<1000x1xf32>
    %div3A_79 = arith.divf %broadcast_in_dim3A_76, %div3A_78 : vector<1000x1xf32>
    %jit3A_80 = arith.constant 0 : i32
    %reduce_sum3A_81 = arith.constant dense<0.000000e+00> : vector<1000xf32>
    %reduce_sum3A_82 = vector.multi_reduction <add>, %add3A_67, %reduce_sum3A_81 [1] : vector<1000x128xf32> to vector<1000xf32>
    %broadcast_in_dim3A_83 = vector.shape_cast %reduce_sum3A_82 : vector<1000xf32> to vector<1000x1xf32>
    %div3A_84 = arith.constant 1.280000e+02 : f32
    %div3A_85 = vector.broadcast %div3A_84 : f32 to vector<1000x1xf32>
    %div3A_86 = arith.divf %broadcast_in_dim3A_83, %div3A_85 : vector<1000x1xf32>
    %sub3A_87 = vector.broadcast %div3A_86 : vector<1000x1xf32> to vector<1000x128xf32>
    %sub3A_88 = arith.subf %add3A_67, %sub3A_87 : vector<1000x128xf32>
    %square3A_89 = arith.mulf %sub3A_88, %sub3A_88 : vector<1000x128xf32>
    %convert_element_type3A_90 = arith.sitofp %jit3A_80 : i32 to f32
    %sub3A_91 = arith.constant 1.280000e+02 : f32
    %sub3A_92 = arith.subf %sub3A_91, %convert_element_type3A_90 : f32
    %reduce_sum3A_93 = arith.constant dense<0.000000e+00> : vector<1000xf32>
    %reduce_sum3A_94 = vector.multi_reduction <add>, %square3A_89, %reduce_sum3A_93 [1] : vector<1000x128xf32> to vector<1000xf32>
    %broadcast_in_dim3A_95 = vector.shape_cast %reduce_sum3A_94 : vector<1000xf32> to vector<1000x1xf32>
    %div3A_96 = vector.broadcast %sub3A_92 : f32 to vector<1000x1xf32>
    %div3A_97 = arith.divf %broadcast_in_dim3A_95, %div3A_96 : vector<1000x1xf32>
    %gt3A_98 = arith.constant 0.000000e+00 : f32
    %gt3A_99 = arith.cmpf ogt, %sub3A_92, %gt3A_98 : f32
    %jit3A_100 = arith.constant 0x7FC00000 : f32
    %broadcast_in_dim3A_101 = vector.broadcast %jit3A_100 : f32 to vector<1000x1xf32>
    %select_n3A_102 = arith.select %gt3A_99, %div3A_97, %broadcast_in_dim3A_101 : vector<1000x1xf32>
    %sub3A_103 = vector.broadcast %div3A_79 : vector<1000x1xf32> to vector<1000x128xf32>
    %sub3A_104 = arith.subf %add3A_67, %sub3A_103 : vector<1000x128xf32>
    %add3A_105 = arith.constant 9.99999974E-6 : f32
    %add3A_106 = vector.broadcast %add3A_105 : f32 to vector<1000x1xf32>
    %add3A_107 = arith.addf %select_n3A_102, %add3A_106 : vector<1000x1xf32>
    %sqrt3A_108 = math.sqrt %add3A_107 : vector<1000x1xf32>
    %div3A_109 = vector.broadcast %sqrt3A_108 : vector<1000x1xf32> to vector<1000x128xf32>
    %div3A_110 = arith.divf %sub3A_104, %div3A_109 : vector<1000x128xf32>
    %mul3A_111 = vector.broadcast %get3A_70 : vector<1x128xf32> to vector<1000x128xf32>
    %mul3A_112 = arith.mulf %div3A_110, %mul3A_111 : vector<1000x128xf32>
    %add3A_113 = vector.broadcast %get3A_73 : vector<1x128xf32> to vector<1000x128xf32>
    %add3A_114 = arith.addf %mul3A_112, %add3A_113 : vector<1000x128xf32>
    %get3A_115 = arith.constant 0 : index
    %get3A_116 = arith.constant 0 : index
    %get3A_117 = vector.load %arg11[%get3A_115, %get3A_116] : memref<128x512xf32, #tpu.memory_space<vmem>>, vector<128x512xf32>
    %dot_general3A_118 = arith.constant dense<0.000000e+00> : vector<1000x512xf32>
    %dot_general3A_119 = tpu.matmul %add3A_114, %get3A_117, %dot_general3A_118 {dimension_numbers = #tpu.dot_dimension_numbers<[1], [0], [0], [1], [0, 0, 1, 1], [], []>, transpose_lhs_hint = false} : vector<1000x128xf32>, vector<128x512xf32>, vector<1000x512xf32> -> vector<1000x512xf32>
    %get3A_120 = arith.constant 0 : index
    %get3A_121 = arith.constant 0 : index
    %get3A_122 = vector.load %arg12[%get3A_120, %get3A_121] : memref<1x512xf32, #tpu.memory_space<vmem>>, vector<1x512xf32>
    %add3A_123 = vector.broadcast %get3A_122 : vector<1x512xf32> to vector<1000x512xf32>
    %add3A_124 = arith.addf %dot_general3A_119, %add3A_123 : vector<1000x512xf32>
    %integer_pow3A = arith.mulf %add3A_124, %add3A_124 : vector<1000x512xf32>
    %integer_pow3A_125 = arith.mulf %add3A_124, %integer_pow3A : vector<1000x512xf32>
    %mul3A_126 = arith.constant 4.471500e-02 : f32
    %mul3A_127 = vector.broadcast %mul3A_126 : f32 to vector<1000x512xf32>
    %mul3A_128 = arith.mulf %mul3A_127, %integer_pow3A_125 : vector<1000x512xf32>
    %add3A_129 = arith.addf %add3A_124, %mul3A_128 : vector<1000x512xf32>
    %mul3A_130 = arith.constant 0.797884583 : f32
    %mul3A_131 = vector.broadcast %mul3A_130 : f32 to vector<1000x512xf32>
    %mul3A_132 = arith.mulf %mul3A_131, %add3A_129 : vector<1000x512xf32>
    %tanh3A = math.tanh %mul3A_132 : vector<1000x512xf32>
    %add3A_133 = arith.constant 1.000000e+00 : f32
    %add3A_134 = vector.broadcast %add3A_133 : f32 to vector<1000x512xf32>
    %add3A_135 = arith.addf %add3A_134, %tanh3A : vector<1000x512xf32>
    %mul3A_136 = arith.constant 5.000000e-01 : f32
    %mul3A_137 = vector.broadcast %mul3A_136 : f32 to vector<1000x512xf32>
    %mul3A_138 = arith.mulf %mul3A_137, %add3A_135 : vector<1000x512xf32>
    %mul3A_139 = arith.mulf %add3A_124, %mul3A_138 : vector<1000x512xf32>
    %get3A_140 = arith.constant 0 : index
    %get3A_141 = arith.constant 0 : index
    %get3A_142 = vector.load %arg13[%get3A_140, %get3A_141] : memref<512x128xf32, #tpu.memory_space<vmem>>, vector<512x128xf32>
    %dot_general3A_143 = arith.constant dense<0.000000e+00> : vector<1000x128xf32>
    %dot_general3A_144 = tpu.matmul %mul3A_139, %get3A_142, %dot_general3A_143 {dimension_numbers = #tpu.dot_dimension_numbers<[1], [0], [0], [1], [0, 0, 1, 1], [], []>, transpose_lhs_hint = false} : vector<1000x512xf32>, vector<512x128xf32>, vector<1000x128xf32> -> vector<1000x128xf32>
    %add3A_145 = arith.addf %add3A_67, %dot_general3A_144 : vector<1000x128xf32>
    %get3A_146 = arith.constant 0 : index
    %get3A_147 = arith.constant 0 : index
    %get3A_148 = vector.load %arg14[%get3A_146, %get3A_147] : memref<1x128xf32, #tpu.memory_space<vmem>>, vector<1x128xf32>
    %add3A_149 = vector.broadcast %get3A_148 : vector<1x128xf32> to vector<1000x128xf32>
    %add3A_150 = arith.addf %add3A_145, %add3A_149 : vector<1000x128xf32>
    %swap3A = arith.constant 0 : index
    %swap3A_151 = arith.constant 0 : index
    %swap3A_152 = vector.load %arg15[%swap3A, %swap3A_151] : memref<1000x128xf32, #tpu.memory_space<vmem>>, vector<1000x128xf32>
    tpu.vector_store %arg15[%swap3A, %swap3A_151], %add3A_150 {strides = array<i32>} : memref<1000x128xf32, #tpu.memory_space<vmem>>, vector<1000x128xf32>,
    return
  }
  func.func @transform_0(%arg0: i32) -> (i32, i32) {
    %c0_i32 = arith.constant 0 : i32
    %c0_i32_0 = arith.constant 0 : i32
    return %arg0, %c0_i32 : i32, i32
  }
  func.func @transform_1(%arg0: i32) -> (i32, i32) {
    %c0_i32 = arith.constant 0 : i32
    %c0_i32_0 = arith.constant 0 : i32
    return %arg0, %c0_i32 : i32, i32
  }
  func.func @transform_2(%arg0: i32) -> (i32, i32) {
    %c0_i32 = arith.constant 0 : i32
    %c0_i32_0 = arith.constant 0 : i32
    return %arg0, %c0_i32 : i32, i32
  }
  func.func @transform_3(%arg0: i32) -> (i32, i32) {
    %c0_i32 = arith.constant 0 : i32
    %c0_i32_0 = arith.constant 0 : i32
    %c0_i32_1 = arith.constant 0 : i32
    return %c0_i32, %c0_i32_0 : i32, i32
  }
  func.func @transform_4(%arg0: i32) -> (i32, i32) {
    %c0_i32 = arith.constant 0 : i32
    %c0_i32_0 = arith.constant 0 : i32
    %c0_i32_1 = arith.constant 0 : i32
    return %c0_i32, %c0_i32_0 : i32, i32
  }
  func.func @transform_5(%arg0: i32) -> (i32, i32) {
    %c0_i32 = arith.constant 0 : i32
    %c0_i32_0 = arith.constant 0 : i32
    %c0_i32_1 = arith.constant 0 : i32
    return %c0_i32, %c0_i32_0 : i32, i32
  }
  func.func @transform_6(%arg0: i32) -> (i32, i32) {
    %c0_i32 = arith.constant 0 : i32
    %c0_i32_0 = arith.constant 0 : i32
    %c0_i32_1 = arith.constant 0 : i32
    return %c0_i32, %c0_i32_0 : i32, i32
  }
  func.func @transform_7(%arg0: i32) -> (i32, i32) {
    %c0_i32 = arith.constant 0 : i32
    %c0_i32_0 = arith.constant 0 : i32
    %c0_i32_1 = arith.constant 0 : i32
    return %c0_i32, %c0_i32_0 : i32, i32
  }
  func.func @transform_8(%arg0: i32) -> (i32, i32) {
    %c0_i32 = arith.constant 0 : i32
    %c0_i32_0 = arith.constant 0 : i32
    %c0_i32_1 = arith.constant 0 : i32
    return %c0_i32, %c0_i32_0 : i32, i32
  }
  func.func @transform_9(%arg0: i32) -> (i32, i32) {
    %c0_i32 = arith.constant 0 : i32
    %c0_i32_0 = arith.constant 0 : i32
    %c0_i32_1 = arith.constant 0 : i32
    return %c0_i32, %c0_i32_0 : i32, i32
  }
  func.func @transform_10(%arg0: i32) -> (i32, i32) {
    %c0_i32 = arith.constant 0 : i32
    %c0_i32_0 = arith.constant 0 : i32
    %c0_i32_1 = arith.constant 0 : i32
    return %c0_i32, %c0_i32_0 : i32, i32
  }
  func.func @transform_11(%arg0: i32) -> (i32, i32) {
    %c0_i32 = arith.constant 0 : i32
    %c0_i32_0 = arith.constant 0 : i32
    %c0_i32_1 = arith.constant 0 : i32
    return %c0_i32, %c0_i32_0 : i32, i32
  }
  func.func @transform_12(%arg0: i32) -> (i32, i32) {
    %c0_i32 = arith.constant 0 : i32
    %c0_i32_0 = arith.constant 0 : i32
    %c0_i32_1 = arith.constant 0 : i32
    return %c0_i32, %c0_i32_0 : i32, i32
  }
  func.func @transform_13(%arg0: i32) -> (i32, i32) {
    %c0_i32 = arith.constant 0 : i32
    %c0_i32_0 = arith.constant 0 : i32
    %c0_i32_1 = arith.constant 0 : i32
    return %c0_i32, %c0_i32_0 : i32, i32
  }
  func.func @transform_14(%arg0: i32) -> (i32, i32) {
    %c0_i32 = arith.constant 0 : i32
    %c0_i32_0 = arith.constant 0 : i32
    return %arg0, %c0_i32 : i32, i32
  }
}

module attributes {stable_mosaic.version = 14 : i64} {
  func.func @_head_body(%arg0: i32, %arg1: memref<1000x128xf32, #tpu.memory_space<vmem>>, %arg2: memref<1x128xf32, #tpu.memory_space<vmem>>, %arg3: memref<1x128xf32, #tpu.memory_space<vmem>>, %arg4: memref<128x128xf32, #tpu.memory_space<vmem>>, %arg5: memref<1x128xf32, #tpu.memory_space<vmem>>, %arg6: memref<1x128xf32, #tpu.memory_space<vmem>>, %arg7: memref<1x128xf32, #tpu.memory_space<vmem>>, %arg8: memref<1000x128xf32, #tpu.memory_space<vmem>>, %arg9: memref<1x128xf32, #tpu.memory_space<vmem>>, %arg10: memref<1x128xf32, #tpu.memory_space<vmem>>) attributes {dimension_semantics = [#tpu.dimension_semantics<arbitrary>], iteration_bounds = array<i64: 10>, scalar_prefetch = 0 : i64, scratch_operands = 1 : i64, tpu.core_type = #tpu.core_type<tc>, window_params = [{transform_indices = @transform_0, window_bounds = array<i64: 1000, 128>}, {pipeline_mode = #tpu.pipeline_mode<synchronous>, transform_indices = @transform_1, window_bounds = array<i64: 1, 128>}, {pipeline_mode = #tpu.pipeline_mode<synchronous>, transform_indices = @transform_2, window_bounds = array<i64: 1, 128>}, {pipeline_mode = #tpu.pipeline_mode<synchronous>, transform_indices = @transform_3, window_bounds = array<i64: 128, 128>}, {pipeline_mode = #tpu.pipeline_mode<synchronous>, transform_indices = @transform_4, window_bounds = array<i64: 1, 128>}, {pipeline_mode = #tpu.pipeline_mode<synchronous>, transform_indices = @transform_5, window_bounds = array<i64: 1, 128>}, {pipeline_mode = #tpu.pipeline_mode<synchronous>, transform_indices = @transform_6, window_bounds = array<i64: 1, 128>}, {transform_indices = @transform_7, window_bounds = array<i64: 1000, 128>}, {pipeline_mode = #tpu.pipeline_mode<synchronous>, transform_indices = @transform_8, window_bounds = array<i64: 1, 128>}]} {
    %get3A = arith.constant 0 : index
    %get3A_0 = arith.constant 0 : index
    %get3A_1 = vector.load %arg1[%get3A, %get3A_0] : memref<1000x128xf32, #tpu.memory_space<vmem>>, vector<1000x128xf32>
    %get3A_2 = arith.constant 0 : index
    %get3A_3 = arith.constant 0 : index
    %get3A_4 = vector.load %arg2[%get3A_2, %get3A_3] : memref<1x128xf32, #tpu.memory_space<vmem>>, vector<1x128xf32>
    %get3A_5 = arith.constant 0 : index
    %get3A_6 = arith.constant 0 : index
    %get3A_7 = vector.load %arg3[%get3A_5, %get3A_6] : memref<1x128xf32, #tpu.memory_space<vmem>>, vector<1x128xf32>
    %reduce_sum3A = arith.constant dense<0.000000e+00> : vector<1000xf32>
    %reduce_sum3A_8 = vector.multi_reduction <add>, %get3A_1, %reduce_sum3A [1] : vector<1000x128xf32> to vector<1000xf32>
    %broadcast_in_dim3A = vector.shape_cast %reduce_sum3A_8 : vector<1000xf32> to vector<1000x1xf32>
    %div3A = arith.constant 1.280000e+02 : f32
    %div3A_9 = vector.broadcast %div3A : f32 to vector<1000x1xf32>
    %div3A_10 = arith.divf %broadcast_in_dim3A, %div3A_9 : vector<1000x1xf32>
    %jit3A = arith.constant 0 : i32
    %reduce_sum3A_11 = arith.constant dense<0.000000e+00> : vector<1000xf32>
    %reduce_sum3A_12 = vector.multi_reduction <add>, %get3A_1, %reduce_sum3A_11 [1] : vector<1000x128xf32> to vector<1000xf32>
    %broadcast_in_dim3A_13 = vector.shape_cast %reduce_sum3A_12 : vector<1000xf32> to vector<1000x1xf32>
    %div3A_14 = arith.constant 1.280000e+02 : f32
    %div3A_15 = vector.broadcast %div3A_14 : f32 to vector<1000x1xf32>
    %div3A_16 = arith.divf %broadcast_in_dim3A_13, %div3A_15 : vector<1000x1xf32>
    %sub3A = vector.broadcast %div3A_16 : vector<1000x1xf32> to vector<1000x128xf32>
    %sub3A_17 = arith.subf %get3A_1, %sub3A : vector<1000x128xf32>
    %square3A = arith.mulf %sub3A_17, %sub3A_17 : vector<1000x128xf32>
    %convert_element_type3A = arith.sitofp %jit3A : i32 to f32
    %sub3A_18 = arith.constant 1.280000e+02 : f32
    %sub3A_19 = arith.subf %sub3A_18, %convert_element_type3A : f32
    %reduce_sum3A_20 = arith.constant dense<0.000000e+00> : vector<1000xf32>
    %reduce_sum3A_21 = vector.multi_reduction <add>, %square3A, %reduce_sum3A_20 [1] : vector<1000x128xf32> to vector<1000xf32>
    %broadcast_in_dim3A_22 = vector.shape_cast %reduce_sum3A_21 : vector<1000xf32> to vector<1000x1xf32>
    %div3A_23 = vector.broadcast %sub3A_19 : f32 to vector<1000x1xf32>
    %div3A_24 = arith.divf %broadcast_in_dim3A_22, %div3A_23 : vector<1000x1xf32>
    %gt3A = arith.constant 0.000000e+00 : f32
    %gt3A_25 = arith.cmpf ogt, %sub3A_19, %gt3A : f32
    %jit3A_26 = arith.constant 0x7FC00000 : f32
    %broadcast_in_dim3A_27 = vector.broadcast %jit3A_26 : f32 to vector<1000x1xf32>
    %select_n3A = arith.select %gt3A_25, %div3A_24, %broadcast_in_dim3A_27 : vector<1000x1xf32>
    %sub3A_28 = vector.broadcast %div3A_10 : vector<1000x1xf32> to vector<1000x128xf32>
    %sub3A_29 = arith.subf %get3A_1, %sub3A_28 : vector<1000x128xf32>
    %add3A = arith.constant 9.99999974E-6 : f32
    %add3A_30 = vector.broadcast %add3A : f32 to vector<1000x1xf32>
    %add3A_31 = arith.addf %select_n3A, %add3A_30 : vector<1000x1xf32>
    %sqrt3A = math.sqrt %add3A_31 : vector<1000x1xf32>
    %div3A_32 = vector.broadcast %sqrt3A : vector<1000x1xf32> to vector<1000x128xf32>
    %div3A_33 = arith.divf %sub3A_29, %div3A_32 : vector<1000x128xf32>
    %mul3A = vector.broadcast %get3A_4 : vector<1x128xf32> to vector<1000x128xf32>
    %mul3A_34 = arith.mulf %div3A_33, %mul3A : vector<1000x128xf32>
    %add3A_35 = vector.broadcast %get3A_7 : vector<1x128xf32> to vector<1000x128xf32>
    %add3A_36 = arith.addf %mul3A_34, %add3A_35 : vector<1000x128xf32>
    %swap3A = arith.constant 0 : index
    %swap3A_37 = arith.constant 0 : index
    %swap3A_38 = vector.load %arg8[%swap3A, %swap3A_37] : memref<1000x128xf32, #tpu.memory_space<vmem>>, vector<1000x128xf32>
    tpu.vector_store %arg8[%swap3A, %swap3A_37], %add3A_36 {strides = array<i32>} : memref<1000x128xf32, #tpu.memory_space<vmem>>, vector<1000x128xf32>,
    %eq3A = arith.constant 0 : i32
    %eq3A_39 = arith.cmpi eq, %arg0, %eq3A : i32
    %convert_element_type3A_40 = arith.extui %eq3A_39 : i1 to i32
    %cond3A = arith.constant 0 : i32
    %cond3A_41 = arith.cmpi ne, %convert_element_type3A_40, %cond3A : i32
    scf.if %cond3A_41 {
      %broadcast_in_dim3A_57 = arith.constant 0.000000e+00 : f32
      %broadcast_in_dim3A_58 = vector.broadcast %broadcast_in_dim3A_57 : f32 to vector<1x128xf32>
      %swap3A_59 = arith.constant 0 : index
      %swap3A_60 = arith.constant 0 : index
      %swap3A_61 = vector.load %arg10[%swap3A_59, %swap3A_60] : memref<1x128xf32, #tpu.memory_space<vmem>>, vector<1x128xf32>
      tpu.vector_store %arg10[%swap3A_59, %swap3A_60], %broadcast_in_dim3A_58 {strides = array<i32>} : memref<1x128xf32, #tpu.memory_space<vmem>>, vector<1x128xf32>,
    } else {
    }
    %get3A_42 = arith.constant 0 : index
    %get3A_43 = arith.constant 0 : index
    %get3A_44 = vector.load %arg10[%get3A_42, %get3A_43] : memref<1x128xf32, #tpu.memory_space<vmem>>, vector<1x128xf32>
    %reduce_sum3A_45 = arith.constant dense<0.000000e+00> : vector<128xf32>
    %reduce_sum3A_46 = vector.multi_reduction <add>, %add3A_36, %reduce_sum3A_45 [0] : vector<1000x128xf32> to vector<128xf32>
    %broadcast_in_dim3A_47 = vector.shape_cast %reduce_sum3A_46 : vector<128xf32> to vector<1x128xf32>
    %add3A_48 = arith.addf %get3A_44, %broadcast_in_dim3A_47 : vector<1x128xf32>
    %swap3A_49 = arith.constant 0 : index
    %swap3A_50 = arith.constant 0 : index
    %swap3A_51 = vector.load %arg10[%swap3A_49, %swap3A_50] : memref<1x128xf32, #tpu.memory_space<vmem>>, vector<1x128xf32>
    tpu.vector_store %arg10[%swap3A_49, %swap3A_50], %add3A_48 {strides = array<i32>} : memref<1x128xf32, #tpu.memory_space<vmem>>, vector<1x128xf32>,
    %eq3A_52 = arith.constant 9 : i32
    %eq3A_53 = arith.cmpi eq, %arg0, %eq3A_52 : i32
    %convert_element_type3A_54 = arith.extui %eq3A_53 : i1 to i32
    %cond3A_55 = arith.constant 0 : i32
    %cond3A_56 = arith.cmpi ne, %convert_element_type3A_54, %cond3A_55 : i32
    scf.if %cond3A_56 {
      %get3A_57 = arith.constant 0 : index
      %get3A_58 = arith.constant 0 : index
      %get3A_59 = vector.load %arg10[%get3A_57, %get3A_58] : memref<1x128xf32, #tpu.memory_space<vmem>>, vector<1x128xf32>
      %mul3A_60 = arith.constant 9.99999974E-5 : f32
      %mul3A_61 = vector.broadcast %mul3A_60 : f32 to vector<1x128xf32>
      %mul3A_62 = arith.mulf %get3A_59, %mul3A_61 : vector<1x128xf32>
      %get3A_63 = arith.constant 0 : index
      %get3A_64 = arith.constant 0 : index
      %get3A_65 = vector.load %arg4[%get3A_63, %get3A_64] : memref<128x128xf32, #tpu.memory_space<vmem>>, vector<128x128xf32>
      %dot_general3A = arith.constant dense<0.000000e+00> : vector<1x128xf32>
      %dot_general3A_66 = tpu.matmul %mul3A_62, %get3A_65, %dot_general3A {dimension_numbers = #tpu.dot_dimension_numbers<[1], [0], [0], [1], [0, 0, 1, 1], [], []>, transpose_lhs_hint = false} : vector<1x128xf32>, vector<128x128xf32>, vector<1x128xf32> -> vector<1x128xf32>
      %get3A_67 = arith.constant 0 : index
      %get3A_68 = arith.constant 0 : index
      %get3A_69 = vector.load %arg5[%get3A_67, %get3A_68] : memref<1x128xf32, #tpu.memory_space<vmem>>, vector<1x128xf32>
      %add3A_70 = arith.addf %dot_general3A_66, %get3A_69 : vector<1x128xf32>
      %get3A_71 = arith.constant 0 : index
      %get3A_72 = arith.constant 0 : index
      %get3A_73 = vector.load %arg6[%get3A_71, %get3A_72] : memref<1x128xf32, #tpu.memory_space<vmem>>, vector<1x128xf32>
      %get3A_74 = arith.constant 0 : index
      %get3A_75 = arith.constant 0 : index
      %get3A_76 = vector.load %arg7[%get3A_74, %get3A_75] : memref<1x128xf32, #tpu.memory_space<vmem>>, vector<1x128xf32>
      %reduce_sum3A_77 = arith.constant dense<0.000000e+00> : vector<1xf32>
      %reduce_sum3A_78 = vector.multi_reduction <add>, %add3A_70, %reduce_sum3A_77 [1] : vector<1x128xf32> to vector<1xf32>
      %broadcast_in_dim3A_79 = vector.shape_cast %reduce_sum3A_78 : vector<1xf32> to vector<1x1xf32>
      %div3A_80 = arith.constant 1.280000e+02 : f32
      %div3A_81 = vector.broadcast %div3A_80 : f32 to vector<1x1xf32>
      %div3A_82 = arith.divf %broadcast_in_dim3A_79, %div3A_81 : vector<1x1xf32>
      %jit3A_83 = arith.constant 0 : i32
      %reduce_sum3A_84 = arith.constant dense<0.000000e+00> : vector<1xf32>
      %reduce_sum3A_85 = vector.multi_reduction <add>, %add3A_70, %reduce_sum3A_84 [1] : vector<1x128xf32> to vector<1xf32>
      %broadcast_in_dim3A_86 = vector.shape_cast %reduce_sum3A_85 : vector<1xf32> to vector<1x1xf32>
      %div3A_87 = arith.constant 1.280000e+02 : f32
      %div3A_88 = vector.broadcast %div3A_87 : f32 to vector<1x1xf32>
      %div3A_89 = arith.divf %broadcast_in_dim3A_86, %div3A_88 : vector<1x1xf32>
      %sub3A_90 = vector.broadcast %div3A_89 : vector<1x1xf32> to vector<1x128xf32>
      %sub3A_91 = arith.subf %add3A_70, %sub3A_90 : vector<1x128xf32>
      %square3A_92 = arith.mulf %sub3A_91, %sub3A_91 : vector<1x128xf32>
      %convert_element_type3A_93 = arith.sitofp %jit3A_83 : i32 to f32
      %sub3A_94 = arith.constant 1.280000e+02 : f32
      %sub3A_95 = arith.subf %sub3A_94, %convert_element_type3A_93 : f32
      %reduce_sum3A_96 = arith.constant dense<0.000000e+00> : vector<1xf32>
      %reduce_sum3A_97 = vector.multi_reduction <add>, %square3A_92, %reduce_sum3A_96 [1] : vector<1x128xf32> to vector<1xf32>
      %broadcast_in_dim3A_98 = vector.shape_cast %reduce_sum3A_97 : vector<1xf32> to vector<1x1xf32>
      %div3A_99 = vector.broadcast %sub3A_95 : f32 to vector<1x1xf32>
      %div3A_100 = arith.divf %broadcast_in_dim3A_98, %div3A_99 : vector<1x1xf32>
      %gt3A_101 = arith.constant 0.000000e+00 : f32
      %gt3A_102 = arith.cmpf ogt, %sub3A_95, %gt3A_101 : f32
      %jit3A_103 = arith.constant 0x7FC00000 : f32
      %broadcast_in_dim3A_104 = vector.broadcast %jit3A_103 : f32 to vector<1x1xf32>
      %select_n3A_105 = arith.select %gt3A_102, %div3A_100, %broadcast_in_dim3A_104 : vector<1x1xf32>
      %sub3A_106 = vector.broadcast %div3A_82 : vector<1x1xf32> to vector<1x128xf32>
      %sub3A_107 = arith.subf %add3A_70, %sub3A_106 : vector<1x128xf32>
      %add3A_108 = arith.constant 9.99999974E-6 : f32
      %add3A_109 = vector.broadcast %add3A_108 : f32 to vector<1x1xf32>
      %add3A_110 = arith.addf %select_n3A_105, %add3A_109 : vector<1x1xf32>
      %sqrt3A_111 = math.sqrt %add3A_110 : vector<1x1xf32>
      %div3A_112 = vector.broadcast %sqrt3A_111 : vector<1x1xf32> to vector<1x128xf32>
      %div3A_113 = arith.divf %sub3A_107, %div3A_112 : vector<1x128xf32>
      %mul3A_114 = arith.mulf %div3A_113, %get3A_73 : vector<1x128xf32>
      %add3A_115 = arith.addf %mul3A_114, %get3A_76 : vector<1x128xf32>
      %swap3A_116 = arith.constant 0 : index
      %swap3A_117 = arith.constant 0 : index
      %swap3A_118 = vector.load %arg9[%swap3A_116, %swap3A_117] : memref<1x128xf32, #tpu.memory_space<vmem>>, vector<1x128xf32>
      tpu.vector_store %arg9[%swap3A_116, %swap3A_117], %add3A_115 {strides = array<i32>} : memref<1x128xf32, #tpu.memory_space<vmem>>, vector<1x128xf32>,
    } else {
    }
    return
  }
  func.func @transform_0(%arg0: i32) -> (i32, i32) {
    %c0_i32 = arith.constant 0 : i32
    %c0_i32_0 = arith.constant 0 : i32
    return %arg0, %c0_i32 : i32, i32
  }
  func.func @transform_1(%arg0: i32) -> (i32, i32) {
    %c0_i32 = arith.constant 0 : i32
    %c0_i32_0 = arith.constant 0 : i32
    %c0_i32_1 = arith.constant 0 : i32
    return %c0_i32, %c0_i32_0 : i32, i32
  }
  func.func @transform_2(%arg0: i32) -> (i32, i32) {
    %c0_i32 = arith.constant 0 : i32
    %c0_i32_0 = arith.constant 0 : i32
    %c0_i32_1 = arith.constant 0 : i32
    return %c0_i32, %c0_i32_0 : i32, i32
  }
  func.func @transform_3(%arg0: i32) -> (i32, i32) {
    %c0_i32 = arith.constant 0 : i32
    %c0_i32_0 = arith.constant 0 : i32
    %c0_i32_1 = arith.constant 0 : i32
    return %c0_i32, %c0_i32_0 : i32, i32
  }
  func.func @transform_4(%arg0: i32) -> (i32, i32) {
    %c0_i32 = arith.constant 0 : i32
    %c0_i32_0 = arith.constant 0 : i32
    %c0_i32_1 = arith.constant 0 : i32
    return %c0_i32, %c0_i32_0 : i32, i32
  }
  func.func @transform_5(%arg0: i32) -> (i32, i32) {
    %c0_i32 = arith.constant 0 : i32
    %c0_i32_0 = arith.constant 0 : i32
    %c0_i32_1 = arith.constant 0 : i32
    return %c0_i32, %c0_i32_0 : i32, i32
  }
  func.func @transform_6(%arg0: i32) -> (i32, i32) {
    %c0_i32 = arith.constant 0 : i32
    %c0_i32_0 = arith.constant 0 : i32
    %c0_i32_1 = arith.constant 0 : i32
    return %c0_i32, %c0_i32_0 : i32, i32
  }
  func.func @transform_7(%arg0: i32) -> (i32, i32) {
    %c0_i32 = arith.constant 0 : i32
    %c0_i32_0 = arith.constant 0 : i32
    return %arg0, %c0_i32 : i32, i32
  }
  func.func @transform_8(%arg0: i32) -> (i32, i32) {
    %c0_i32 = arith.constant 0 : i32
    %c0_i32_0 = arith.constant 0 : i32
    %c0_i32_1 = arith.constant 0 : i32
    return %c0_i32, %c0_i32_0 : i32, i32
  }
}

</mosaic_0001>

<sc_bundles>
// kernel: kernel.12.cloned.1.call-start
scs
__scs_entry_jumppad:
0x0: {  	(pc) =	sbr.rel $0x88, $3  }
0x1: {  	(tag) =	ssettag $0x0;
	lr =	simm.s32 $0x1  }
0x2: {  	[smem:$0x3F82] =	sst lr;
	_ =	strace $0xD0000000  }
0x3: {  	_ = 	snop  }
0x4: {  	_ = 	snop  }
0x5: {  	_ = 	snop  }
0x6: {  	_ = 	snop  }
0x7: {  	_ = 	snop  }
__scs_overlays_trampoline_lowered:
0x8: {  	[smem:$0x3F91] =	sst s0  }
0x9: {  	[smem:$0x3F92] =	sst s1  }
0xa: {  	[smem:$0x3F93] =	sst s2  }
0xb: {  	[smem:$0x3F94] =	sst s3  }
0xc: {  	[smem:$0x3F95] =	sst s4  }
0xd: {  	[smem:$0x3F96] =	sst s5  }
0xe: {  	[smem:$0x3F97] =	sst s6  }
0xf: {  	[smem:$0x3F98] =	sst s7  }
0x10: {  	[smem:$0x3F99] =	sst s8  }
0x11: {  	[smem:$0x3F9A] =	sst s9;
	s0 =	simm.s32 @!p0 $0x0  }
0x12: {  	s1 =	sld [smem:$0x3F80];
	s0 =	simm.s32 @p0 $0x1  }
0x13: {  	[smem:$0x3F9B] =	sst s0;
	s0 =	simm.s32 @!p1 $0x0  }
0x14: {  	s2 =	sld [smem:$0x3F7F];
	s0 =	simm.s32 @p1 $0x1  }
0x15: {  	[smem:$0x3F9C] =	sst s0;
	s0 =	simm.s32 @!p2 $0x0  }
0x16: {  	s3 =	sld [smem:$0x3FDB];
	s0 =	simm.s32 @p2 $0x1  }
0x17: {  	s4 =	simm.s32 $0x1BF5;
	[smem:$0x3F9E] =	sst s0  }
0x18: {  	s0 =	sld [smem:$0x3F81];
	_ =	swait.ge [sflag:s4], $0x0  }
0x19: {  	s7 =	sld [smem:$0x3F82]  }
0x1a: {  	s8 =	sadd.s32 $0xFFFFE003, lr  }
0x1b: {  	s9 =	sadd.s32 $0xFFFFFEF7, lr;
	s5 =	simm.s32 $0xFFFFFFFF;
	p2 =	slt.u32 s8, $0xFFFFF086  }
0x1c: {  	p1 =	slt.u32 s9, $0xF7A;
	s5 =	simm.s32 @!p2 $0x0  }
0x1d: {  	s5 =	simm.s32 @p1 $0x1;
	p0 =	seq.s32 s7, s2  }
0x1e: {  	s7 =	smul.u32 @!p0 $0xF7A, s2;
	p2 =	seq.s32 @!p0 s5, $0x0  }
0x1f: {  	s9 =	smul.u32 $0xF7A, s1;
	s8 =	simm.s32 @!p0 $0x1BF5;
	p2 =	por !p2, p0  }
0x20: {  	[sflag:s8] =	ssyncset.s32 @!p0 $0xFFFFF086;
	s6 =	sadd.s32 @!p0 s3, s7;
	s7 =	simm.s32 @!p0 $0x108  }
0x21: {  	s3 =	sadd.s32 s3, s9;
	s6 =	sadd.s32 @!p0 $0x88, s6;
	s7 =	simm.s32 @p2 $0x1082  }
0x22: {  	[simem:s7], [sflag:s8] =	dma.local @!p0 [hbm:s6], $0xF7A  }
0x23: {  	s9 =	sor.u32 $0xD0000000, s2;
	s6 =	simm.s32 $0x108;
	_ =	swait.ge @!p0 [sflag:s8], $0x0  }
0x24: {  	s3 =	sadd.s32 $0x88, s3;
	s6 =	simm.s32 @!p1 $0x1082;
	[sflag:s4] =	ssyncset.s32 $0xFFFFF086  }
0x25: {  	[simem:s6], [sflag:s4] =	dma.local [hbm:s3], $0xF7A  }
0x26: {  	[smem:$0x3F82] =	sst s1;
	(tag) =	ssettag s2;
	_ =	strace s9  }
0x27: {  	s1 =	sld [smem:$0x3F92]  }
0x28: {  	s2 =	sld [smem:$0x3F93]  }
0x29: {  	s4 =	sld [smem:$0x3F95]  }
0x2a: {  	p0 =	seq.s32 s5, $0x0;
	s5 =	sld [smem:$0x3F96]  }
0x2b: {  	s6 =	sld [smem:$0x3F97]  }
0x2c: {  	s7 =	sld [smem:$0x3F98]  }
0x2d: {  	s3 =	simm.s32 $0x108;
	s8 =	sld [smem:$0x3F99]  }
0x2e: {  	s3 =	simm.s32 @!p0 $0x1082;
	s9 =	sld [smem:$0x3F9A]  }
0x2f: {  	lr =	sadd.s32 s0, s3;
	s0 =	sld [smem:$0x3F91]  }
0x30: {  	s3 =	sld [smem:$0x3F94]  }
0x31: {  	[smem:$0x3F9D] =	sst s10  }
0x32: {  	s10 =	sld [smem:$0x3F9B];
	_ =	sdelay $0x3  }
0x33: {  	p0 =	seq.s32 s10, $0x1;
	s10 =	sld [smem:$0x3F9D];
	_ =	sdelay $0x3  }
0x34: {  	[smem:$0x3F9D] =	sst s10  }
0x35: {  	s10 =	sld [smem:$0x3F9C];
	_ =	sdelay $0x3  }
0x36: {  	p1 =	seq.s32 s10, $0x1;
	s10 =	sld [smem:$0x3F9D];
	_ =	sdelay $0x3  }
0x37: {  	[smem:$0x3F9D] =	sst s10  }
0x38: {  	s10 =	sld [smem:$0x3F9E]  }
0x39: {  	_ = 	snop;
	(pc) =	sbr.ind lr, $3  }
0x3a: {  	_ = 	snop  }
0x3b: {  	_ = 	snop  }
0x3c: {  	p2 =	seq.s32 s10, $0x1;
	s10 =	sld [smem:$0x3F9D]  }
0x3d: {  	_ =	shalt  }
0x3e: {  	_ =	shalt  }
0x3f: {  	_ =	shalt  }
0x40: {  	_ =	shalt  }
0x41: {  	_ =	shalt  }
0x42: {  	_ =	shalt  }
0x43: {  	_ =	shalt  }
0x44: {  	_ =	shalt  }
0x45: {  	_ =	shalt  }
0x46: {  	_ =	shalt  }
0x47: {  	_ =	shalt  }
0x48: {  	_ =	shalt  }
0x49: {  	_ =	shalt  }
0x4a: {  	_ =	shalt  }
0x4b: {  	_ =	shalt  }
0x4c: {  	_ =	shalt  }
0x4d: {  	_ =	shalt  }
0x4e: {  	_ =	shalt  }
0x4f: {  	_ =	shalt  }
0x50: {  	_ =	shalt  }
0x51: {  	_ =	shalt  }
0x52: {  	_ =	shalt  }
0x53: {  	_ =	shalt  }
0x54: {  	_ =	shalt  }
0x55: {  	_ =	shalt  }
0x56: {  	_ =	shalt  }
0x57: {  	_ =	shalt  }
0x58: {  	_ =	shalt  }
0x59: {  	_ =	shalt  }
0x5a: {  	_ =	shalt  }
0x5b: {  	_ =	shalt  }
0x5c: {  	_ =	shalt  }
0x5d: {  	_ =	shalt  }
0x5e: {  	_ =	shalt  }
0x5f: {  	_ =	shalt  }
0x60: {  	_ =	shalt  }
0x61: {  	_ =	shalt  }
0x62: {  	_ =	shalt  }
0x63: {  	_ =	shalt  }
0x64: {  	_ =	shalt  }
0x65: {  	_ =	shalt  }
0x66: {  	_ =	shalt  }
0x67: {  	_ =	shalt  }
0x68: {  	_ =	shalt  }
0x69: {  	_ =	shalt  }
0x6a: {  	_ =	shalt  }
0x6b: {  	_ =	shalt  }
0x6c: {  	_ =	shalt  }
0x6d: {  	_ =	shalt  }
0x6e: {  	_ =	shalt  }
0x6f: {  	_ =	shalt  }
0x70: {  	_ =	shalt  }
0x71: {  	_ =	shalt  }
0x72: {  	_ =	shalt  }
0x73: {  	_ =	shalt  }
0x74: {  	_ =	shalt  }
0x75: {  	_ =	shalt  }
0x76: {  	_ =	shalt  }
0x77: {  	_ =	shalt  }
0x78: {  	_ =	shalt  }
0x79: {  	_ =	shalt  }
0x7a: {  	_ =	shalt  }
0x7b: {  	_ =	shalt  }
0x7c: {  	_ =	shalt  }
0x7d: {  	_ =	shalt  }
0x7e: {  	_ =	shalt  }
0x7f: {  	_ =	shalt  }
0x80: {  	_ =	shalt  }
0x81: {  	_ =	shalt  }
0x82: {  	_ =	shalt  }
0x83: {  	_ =	shalt  }
0x84: {  	_ =	shalt  }
0x85: {  	_ =	shalt  }
0x86: {  	_ =	shalt  }
0x87: {  	_ =	shalt  }
.Lfunc_end0:
.L_simem_size_0:
called_computation_lowered:
.L_overlay_start_0:
0x88: {  	s2 =	sld [smem:$0x3FD9]  }
0x89: {  	s3 =	sld [smem:$0x3FFE];
	_ =	sdelay $0x1  }
0x8a: {  	s1 =	srdreg.scid  }
0x8b: {  	s0 =	sand.u32 $0x1, s1  }
0x8c: {  	s15 =	sshll.u32 s0, $0xA;
	s2 =	sadd.s32 s3, s2  }
0x8d: {  	s2 =	sadd.s32 s2, s15  }
0x8e: {  	[smem:$0x3FA9] =	sst s2  }
0x8f: {  	_ = 	snop  }
0x90: {  	s2 =	sld [smem:$0x3FD0];
	_ =	sdelay $0x2  }
0x91: {  	s16 =	simm.s32 $0xB;
	s4 =	simm.s32 $0x10  }
0x92: {  	[smem:s4], [sflag:s16] =	dma.local [hbm:s2], $0x1  }
0x93: {  	_ =	swait.eq [sflag:s16], $0x1  }
0x94: {  	[sflag:s16] =	ssyncset.done $0x0  }
0x95: {  	[sflag:s16] =	ssyncadd.s32 $0xFFFFFFFF  }
0x96: {  	s17 =	sld [smem:$0x10];
	(tm) =	ssettm $0x1  }
0x97: {  	s18 =	sld [smem:$0x3FFB];
	_ =	sdelay $0x3  }
0x98: {  	_ =	strace s18  }
0x99: {  	s2 =	sld [smem:$0x3FFC];
	_ =	sdelay $0x3  }
0x9a: {  	_ =	strace s2  }
0x9b: {  	s2 =	sld [smem:$0x3FFD];
	_ =	sdelay $0x3  }
0x9c: {  	_ =	strace s2  }
0x9d: {  	_ =	strace $0x8FFFFFFF  }
0x9e: {  	s19 =	sld [smem:$0x3FDB];
	_ =	sdelay $0x1  }
0x9f: {  	s20 =	simm.s32 $_scs_section_size  }
0xa0: {  	s5 =	simm.s32 $_size__tile_overlayer_lowered;
	s6 =	simm.s32 $_tile_overlayer_lowered  }
0xa1: {  	s7 =	simm.s32 $0x1BFF;
	s21 =	sshll.u32 s6, $0x1;
	s4 =	sadd.s32 s20, s19  }
0xa2: {  	s22 =	simm.s32 $0x0;
	s5 =	sshll.u32 s5, $0x1;
	s6 =	sadd.s32 s21, s4  }
0xa3: {  	[timem:s22], [sflag:s7] =	dma.local [hbm:s6], s5  }
0xa4: {  	_ =	swait.ge [sflag:s7], s5  }
0xa5: {  	s5 =	ssub.s32 $0x0, s5;
	[sflag:s7] =	ssyncset.done $0x0  }
0xa6: {  	[sflag:s7] =	ssyncadd.s32 s5;
	_ =	sdelay $0x1  }
0xa7: {  	s23 =	simm.s32 $0x1B8B  }
0xa8: {  	_ =	swait.ge [sflag:s23], $0x1  }
0xa9: {  	[sflag:s23] =	ssyncset.done $0x0  }
0xaa: {  	[sflag:s23] =	ssyncadd.s32 $0xFFFFFFFF  }
0xab: {  	s5 =	sld [smem:$0x0]  }
0xac: {  	s6 =	sand.u32 $0xFFFFFFFE, s1  }
0xad: {  	p0 =	sne.s32 s1, s6  }
0xae: {  	s6 =	sshll.u32 @p0 s6, $0xE  }
0xaf: {  	s6 =	sadd.s32 @p0 $0x11B8D, s6;
	s7 =	sshll.u32 @p0 s5, $0x11  }
0xb0: {  	s6 =	sor.u32 @p0 s7, s6  }
0xb1: {  	[sflag:s6] =	ssyncadd.remote.s32 @p0 $0x1;
	_ =	sdelay $0x1  }
0xb2: {  	s6 =	simm.s32 @p0 $0x1B8D  }
0xb3: {  	_ =	swait.eq @p0 [sflag:s6], $0x1  }
0xb4: {  	[sflag:s6] =	ssyncadd.s32 @p0 $0xFFFFFFFF  }
0xb5: {  	s7 =	sshll.u32 @!p0 s1, $0xE  }
0xb6: {  	s7 =	sor.u32 @!p0 $0x4000, s7;
	s6 =	simm.s32 @!p0 $0x1B8D  }
0xb7: {  	s5 =	sshll.u32 @!p0 s5, $0x11;
	s7 =	sadd.s32 @!p0 $0x11B8D, s7;
	_ =	swait.eq @!p0 [sflag:s6], $0x1  }
0xb8: {  	s5 =	sor.u32 @!p0 s5, s7;
	[sflag:s6] =	ssyncadd.s32 @!p0 $0xFFFFFFFF  }
0xb9: {  	s25 =	simm.s32 $0x1B8E;
	s24 =	sld [smem:$0x3FFE];
	[sflag:s5] =	ssyncadd.remote.s32 @!p0 $0x1  }
0xba: {  	s26 =	simm.s32 $execute0_lowered;
	[smem:$0x3FD2] =	sst s25  }
0xbb: {  	s6 =	sshll.u32 s26, $0x1;
	_ =	strace $0x80000049;
	[dreg:$0x1] =	wrdreg $0xFFFFFFFF  }
0xbc: {  	s28 =	simm.s32 $_size_execute0_lowered;
	s4 =	sadd.s32 s4, s6;
	[dreg:$0x0] =	wrdreg $0x0  }
0xbd: {  	s6 =	sshll.u32 s28, $0x1;
	[dreg:$0x2] =	wrdreg s4  }
0xbe: {  	[dreg:$0x3] =	wrdreg s6  }
0xbf: {  	[dreg:$0x4] =	wrdreg $0xC0  }
0xc0: {  	_ =	task [dreg:s22], $0x5FFFF  }
0xc1: {  	[dreg:$0x1] =	wrdreg $0xFFFFFFFF  }
0xc2: {  	[dreg:$0x0] =	wrdreg $0x60  }
0xc3: {  	[dreg:$0x2] =	wrdreg s24  }
0xc4: {  	[dreg:$0x3] =	wrdreg s17  }
0xc5: {  	[dreg:$0x4] =	wrdreg $0xBF800  }
0xc6: {  	[dreg:$0x5] =	wrdreg $0x9  }
0xc7: {  	_ =	task.clear_ibuf [dreg:s22], $0x6FFFF;
	_ =	strace $0x90000049  }
0xc8: {  	s29 =	simm.s32 $0x9;
	_ =	strace $0x8000004B  }
0xc9: {  	_ =	swait.ge [sflag:s29], $0x1  }
0xca: {  	[sflag:s29] =	ssyncadd.s32 $0xFFFFFFFF  }
0xcb: {  	_ =	strace $0x9000004B  }
0xcc: {  	_ =	sfence  }
0xcd: {  	s30 =	sld [smem:$0x0];
	_ =	sdelay $0x2  }
0xce: {  	s31 =	sshll.u32 s1, $0xD;
	s1 =	sshrl.u32 s1, $0x2  }
0xcf: {  	s4 =	sand.u32 $0x4000, s31;
	s1 =	sadd.s32 s1, s30  }
0xd0: {  	s0 =	sor.u32 s4, s0;
	s1 =	sshll.u32 s1, $0x11  }
0xd1: {  	s0 =	sor.u32 s1, s0  }
0xd2: {  	s0 =	sadd.s32 $0x8F2B, s0  }
0xd3: {  	[sflag:s0] =	ssyncadd.remote.s32 $0x1  }
0xd4: {  	_ =	sfence.sel $0xFFFF  }
0xd5: {  	[dreg:$0x0] =	wrdreg $0xFFFFFFFF;
	(pc) =	sbr.abs _section_cstart, $3  }
0xd6: {  	[dreg:$0x1] =	wrdreg $0xFFFFFFFF  }
0xd7: {  	_ =	task.clear_ibuf [dreg:s22], $0x2FFFF;
	_ =	strace $0x9FFFFFFF  }
0xd8: {  	(tm) =	ssettm $0x7FFFFFFF  }
0xd9: {  	_ =	shalt  }
tec
execute0_lowered:
.L_overlay_start_1:
0x0: {  	(tag) =	ssettag $0x1  }
0x1: {  	s4 =	rddreg [dreg:$0x0]  }
0x2: {  	s5 =	rddreg [dreg:$0x1];
	s0 =	stileid.u32  }
0x3: {  	s1 =	srdreg.scid;
	s2 =	rddreg [dreg:$0x2]  }
0x4: {  	s3 =	simm.s32 $0x0;
	s14 =	simm.s32 $0x3;
	s15 =	simm.s32 $0x4F80  }
0x5: {  	s16 =	simm.s32 $0x5380;
	s17 =	simm.s32 $0x1;
	s18 =	simm.s32 $0x40  }
0x6: {  	s19 =	simm.s32 $0x4E80;
	s20 =	simm.s32 $0x5780;
	s6 =	smul.u32 $0x9D00, s0  }
0x7: {  	s21 =	simm.s32 $0x4F00;
	s22 =	simm.s32 $0x7780;
	s8 =	smul.u32 $0x140, s0  }
0x8: {  	s7 =	sand.u32 $0x1, s1;
	s1 =	rddreg [dreg:$0x3];
	s9 =	smul.u32 $0x9D0, s0  }
0x9: {  	s25 =	simm.s32 $0x0;
	[smem:$0x7FF] =	sst s3;
	s10 =	smul.u32 $0x28000, s0  }
0xa: {  	s11 =	sadd.s32 $0xDF600, s4;
	s24 =	sadd.s32 $0x96000, s2;
	p0 =	seq.s32 s0, $0xF  }
0xb: {  	s23 =	smul.u32 $0x13C0, s7;
	_ =	strace $0x8000004A;
	s28 =	ssub.s32 $0x2, s7  }
0xc: {  	s7 =	smul.u32 $0x9E000, s7;
	s24 =	sshrl.u32 @p0 s24, $0x3;
	s12 =	sadd.s32 s6, s4  }
0xd: {  	s29 =	sshrl.u32 s28, $0x1;
	s4 =	sadd.s32 s5, s9;
	s31 =	sshrl.u32 s10, $0x2  }
0xe: {  	s13 =	ssub.s32 s28, s29;
	s30 =	sadd.s32 s8, s23;
	s7 =	sshrl.u32 s7, $0x3  }
0xf: {  	s5 =	sadd.s32 s31, s2;
	s12 =	sadd.s32 $0x42600, s12;
	v1 =	vmov s23;
	s23 =	simm.s32 $0x2  }
0x10: {  	s8 =	sshll.u32 s30, $0x4;
	s7 =	sadd.s32 s11, s7;
	s9 =	sadd.s32 $0x2800, s5  }
0x11: {  	v0 =	vimm.f32 $0.0e+00;
	vm0 =	vcmask $0x300;
	s10 =	sadd.s32 $0x5000, s5;
	s6 =	sadd.s32 s11, s8;
	s7 =	sadd.s32 $0x12C00, s7  }
0x12: {  	v2 =	vsel vm0, $0x3F800000, v0;
	s8 =	smax.u32 s13, $0x1;
	s11 =	sadd.s32 $0x7800, s5;
	s13 =	simm.s32 $0x9780  }
.LBB2_1:
0x13: {  	s26 =	simm.s32 $0x70;
	s28 =	simm.s32 $0x3C0  }
.LBB2_2:
0x14: {  	p1 =	sne.s32 s28, $0x9FC0;
	[tilespmem:s26+$0x9780] =	vst v0  }
0x15: {  	[tilespmem:s26+$0x9710] =	vst v0  }
0x16: {  	[tilespmem:s26+$0x9720] =	vst v0  }
.Ltmp0:
0x17: {  	[tilespmem:s26+$0x9730] =	vst v0;
	(pc) =	sbr.rel @p1 .LBB2_2-.Ltmp0, $4  }
0x18: {  	[tilespmem:s26+$0x9740] =	vst v0  }
0x19: {  	[tilespmem:s26+$0x9750] =	vst v0  }
0x1a: {  	[tilespmem:s26+$0x9760] =	vst v0  }
0x1b: {  	[tilespmem:s26+$0x9770] =	vst v0;
	s26 =	sshra.s32 s28, $0x2;
	s28 =	sadd.s32 $0x200, s28  }
0x1c: {  	[tilespmem:s26+$0x9780] =	vst v0  }
0x1d: {  	[tilespmem:s26+$0x9710] =	vst v0  }
0x1e: {  	[tilespmem:s26+$0x9720] =	vst v0  }
0x1f: {  	[tilespmem:s26+$0x9730] =	vst v0  }
0x20: {  	[tilespmem:s26+$0x9740] =	vst v0  }
0x21: {  	[tilespmem:s26+$0x9750] =	vst v0  }
0x22: {  	[tilespmem:s26+$0x9760] =	vst v0  }
0x23: {  	[tilespmem:s26+$0x9770] =	vst v0  }
0x24: {  	[spmem:s5] =	stream.linear.scatter [tilespmem:s13], [sflag:$0x3], $0x2800, $0x38;
	[tilespmem:$0x15F80] =	vst v63  }
0x25: {  	_ =	swait.ge [sflag:s14], $0x2800  }
0x26: {  	[sflag:s14] =	ssyncset.done $0x0  }
0x27: {  	[sflag:s14] =	ssyncadd.s32 $0xFFFFD800  }
0x28: {  	[spmem:s9] =	stream.linear.scatter [tilespmem:s13], [sflag:$0x3], $0x2800, $0x38;
	[tilespmem:$0x15F80] =	vst v63  }
0x29: {  	_ =	swait.ge [sflag:s14], $0x2800  }
0x2a: {  	[sflag:s14] =	ssyncset.done $0x0  }
0x2b: {  	[sflag:s14] =	ssyncadd.s32 $0xFFFFD800  }
0x2c: {  	[spmem:s10] =	stream.linear.scatter [tilespmem:s13], [sflag:$0x3], $0x2800, $0x38;
	[tilespmem:$0x15F80] =	vst v63  }
0x2d: {  	_ =	swait.ge [sflag:s14], $0x2800  }
0x2e: {  	[sflag:s14] =	ssyncset.done $0x0  }
0x2f: {  	[sflag:s14] =	ssyncadd.s32 $0xFFFFD800  }
0x30: {  	[spmem:s11] =	stream.linear.scatter [tilespmem:s13], [sflag:$0x3], $0x2800, $0x38;
	[tilespmem:$0x15F80] =	vst v63  }
0x31: {  	_ =	swait.ge [sflag:s14], $0x2800  }
0x32: {  	[sflag:s14] =	ssyncset.done $0x0  }
0x33: {  	s26 =	simm.s32 $0x0;
	s28 =	simm.s32 $0x200;
	[sflag:s14] =	ssyncadd.s32 $0xFFFFD800  }
.LBB2_4:
0x34: {  	p1 =	sne.s32 s28, $0x7E00;
	[tilespmem:s26+$0x57F0] =	vst v0  }
0x35: {  	[tilespmem:s26+$0x5780] =	vst v0  }
0x36: {  	[tilespmem:s26+$0x5790] =	vst v0  }
.Ltmp1:
0x37: {  	[tilespmem:s26+$0x57A0] =	vst v0;
	(pc) =	sbr.rel @p1 .LBB2_4-.Ltmp1, $4  }
0x38: {  	[tilespmem:s26+$0x57B0] =	vst v0  }
0x39: {  	[tilespmem:s26+$0x57C0] =	vst v0  }
0x3a: {  	[tilespmem:s26+$0x57D0] =	vst v0  }
0x3b: {  	[tilespmem:s26+$0x57E0] =	vst v0;
	s26 =	sshra.s32 s28, $0x2;
	s28 =	sadd.s32 $0x200, s28  }
0x3c: {  	[tilespmem:s26+$0x57F0] =	vst v0  }
0x3d: {  	[tilespmem:s26+$0x5780] =	vst v0  }
0x3e: {  	[tilespmem:s26+$0x5790] =	vst v0  }
0x3f: {  	[tilespmem:s26+$0x57A0] =	vst v0  }
0x40: {  	[tilespmem:s26+$0x57B0] =	vst v0  }
0x41: {  	[tilespmem:s26+$0x57C0] =	vst v0  }
0x42: {  	[tilespmem:s26+$0x57D0] =	vst v0  }
0x43: {  	[tilespmem:s26+$0x57E0] =	vst v0;
	s26 =	simm.s32 $0x200;
	s28 =	simm.s32 $0x0  }
.LBB2_6:
0x44: {  	p1 =	sne.s32 s26, $0x7E00;
	[tilespmem:s28+$0x5790] =	vst v2;
	s28 =	smov.u32 s26;
	s26 =	sadd.s32 $0x200, s26  }
.Ltmp2:
0x45: {  	(pc) =	sbr.rel @p1 .LBB2_6-.Ltmp2, $2  }
0x46: {  	_ =	sdelay $0x2  }
0x47: {  	s28 =	sshra.s32 s28, $0x2  }
0x48: {  	[tilespmem:s28+$0x5790] =	vst v2;
	s26 =	simm.s32 $0x0;
	s28 =	simm.s32 $0x200  }
.LBB2_8:
0x49: {  	p1 =	sne.s32 s28, $0x7E00;
	[tilespmem:s26+$0x77F0] =	vst v0  }
0x4a: {  	[tilespmem:s26+$0x7780] =	vst v0  }
0x4b: {  	[tilespmem:s26+$0x7790] =	vst v0  }
.Ltmp3:
0x4c: {  	[tilespmem:s26+$0x77A0] =	vst v0;
	(pc) =	sbr.rel @p1 .LBB2_8-.Ltmp3, $4  }
0x4d: {  	[tilespmem:s26+$0x77B0] =	vst v0  }
0x4e: {  	[tilespmem:s26+$0x77C0] =	vst v0  }
0x4f: {  	[tilespmem:s26+$0x77D0] =	vst v0  }
0x50: {  	[tilespmem:s26+$0x77E0] =	vst v0;
	s26 =	sshra.s32 s28, $0x2;
	s28 =	sadd.s32 $0x200, s28  }
0x51: {  	[tilespmem:s26+$0x77F0] =	vst v0  }
0x52: {  	[tilespmem:s26+$0x7780] =	vst v0  }
0x53: {  	[tilespmem:s26+$0x7790] =	vst v0  }
0x54: {  	[tilespmem:s26+$0x77A0] =	vst v0  }
0x55: {  	[tilespmem:s26+$0x77B0] =	vst v0  }
0x56: {  	[tilespmem:s26+$0x77C0] =	vst v0  }
0x57: {  	[tilespmem:s26+$0x77D0] =	vst v0  }
0x58: {  	[tilespmem:s26+$0x77E0] =	vst v0;
	s26 =	simm.s32 $0x200;
	s28 =	simm.s32 $0x0  }
.LBB2_10:
0x59: {  	p1 =	sne.s32 s26, $0x7E00;
	[tilespmem:s28+$0x7790] =	vst v2;
	s28 =	smov.u32 s26;
	s26 =	sadd.s32 $0x200, s26  }
.Ltmp4:
0x5a: {  	(pc) =	sbr.rel @p1 .LBB2_10-.Ltmp4, $2  }
0x5b: {  	_ =	sdelay $0x2  }
0x5c: {  	s28 =	sshra.s32 s28, $0x2  }
0x5d: {  	[tilespmem:s28+$0x7790] =	vst v2;
	s26 =	simm.s32 $0x0  }
0x5e: {  	[tilespmem:s26], [sflag:$0x3] =	stream.linear.gather [hbm4b:s4+s26], $0x4E80, $0x38;
	[tilespmem:$0x15F80] =	vst v63  }
0x5f: {  	_ =	swait.ge [sflag:s14], $0x4E80  }
0x60: {  	[sflag:s14] =	ssyncset.done $0x0  }
0x61: {  	[sflag:s14] =	ssyncadd.s32 $0xFFFFB180  }
0x62: {  	s28 =	simm.s32 $0x40;
	[bflag:$0x0] =	sbarrier.arrive $0xFFFF  }
.LBB2_12:
0x63: {  	s29 =	sadd.s32 s26, s12  }
0x64: {  	[tilespmem:s15], [sflag:$0x1] =	stream.linear.gather [hbm4b:s29+s3], $0x400, $0x38;
	[tilespmem:$0x15F80] =	vst v63  }
0x65: {  	s29 =	sadd.s32 $0x80, s29  }
0x66: {  	[tilespmem:s16], [sflag:$0x1] =	stream.linear.gather [hbm4b:s29+s3], $0x400, $0x38;
	[tilespmem:$0x15F80] =	vst v63  }
0x67: {  	_ =	swait.ge [sflag:s17], $0x400  }
0x68: {  	[sflag:s17] =	ssyncset.done $0x0  }
0x69: {  	[sflag:s17] =	ssyncadd.s32 $0xFFFFFC00  }
0x6a: {  	v3 =	vld [tilespmem:$0x4F80]  }
0x6b: {  	v4 =	vld [tilespmem:$0x4F90]  }
0x6c: {  	v5 =	vld [tilespmem:$0x4FA0]  }
0x6d: {  	v6 =	vld [tilespmem:$0x4FB0]  }
0x6e: {  	v7 =	vld [tilespmem:$0x4FC0]  }
0x6f: {  	v21 =	vld [tilespmem:$0x4FE0];
	[tilespmem:$0x5780] =	vst v3  }
0x70: {  	v22 =	vld [tilespmem:$0x4FF0];
	[tilespmem:$0x5800] =	vst v4  }
0x71: {  	v23 =	vld [tilespmem:$0x5000];
	[tilespmem:$0x5880] =	vst v5  }
0x72: {  	v3 =	vld [tilespmem:$0x4FD0];
	[tilespmem:$0x5900] =	vst v6  }
0x73: {  	v24 =	vld [tilespmem:$0x5010];
	[tilespmem:$0x5980] =	vst v7  }
0x74: {  	v25 =	vld [tilespmem:$0x5030];
	[tilespmem:$0x5A80] =	vst v21  }
0x75: {  	v26 =	vld [tilespmem:$0x5040];
	[tilespmem:$0x5B00] =	vst v22  }
0x76: {  	v27 =	vld [tilespmem:$0x5050];
	[tilespmem:$0x5B80] =	vst v23  }
0x77: {  	[tilespmem:$0x5A00] =	vst v3;
	v3 =	vld [tilespmem:$0x5020]  }
0x78: {  	v28 =	vld [tilespmem:$0x5060];
	[tilespmem:$0x5C00] =	vst v24  }
0x79: {  	v29 =	vld [tilespmem:$0x5080];
	[tilespmem:$0x5D00] =	vst v25  }
0x7a: {  	v30 =	vld [tilespmem:$0x5090];
	[tilespmem:$0x5D80] =	vst v26  }
0x7b: {  	v31 =	vld [tilespmem:$0x50A0];
	[tilespmem:$0x5E00] =	vst v27  }
0x7c: {  	[tilespmem:$0x5C80] =	vst v3;
	v3 =	vld [tilespmem:$0x5070]  }
0x7d: {  	v32 =	vld [tilespmem:$0x50B0];
	[tilespmem:$0x5E80] =	vst v28  }
0x7e: {  	v33 =	vld [tilespmem:$0x50D0];
	[tilespmem:$0x5F80] =	vst v29  }
0x7f: {  	v34 =	vld [tilespmem:$0x50E0];
	[tilespmem:$0x6000] =	vst v30  }
0x80: {  	v35 =	vld [tilespmem:$0x50F0];
	[tilespmem:$0x6080] =	vst v31  }
0x81: {  	[tilespmem:$0x5F00] =	vst v3;
	v3 =	vld [tilespmem:$0x50C0]  }
0x82: {  	v36 =	vld [tilespmem:$0x5100];
	[tilespmem:$0x6100] =	vst v32  }
0x83: {  	v37 =	vld [tilespmem:$0x5120];
	[tilespmem:$0x6200] =	vst v33  }
0x84: {  	v38 =	vld [tilespmem:$0x5130];
	[tilespmem:$0x6280] =	vst v34  }
0x85: {  	v39 =	vld [tilespmem:$0x5140];
	[tilespmem:$0x6300] =	vst v35  }
0x86: {  	[tilespmem:$0x6180] =	vst v3;
	v3 =	vld [tilespmem:$0x5110]  }
0x87: {  	v40 =	vld [tilespmem:$0x5150];
	[tilespmem:$0x6380] =	vst v36  }
0x88: {  	v41 =	vld [tilespmem:$0x5170];
	[tilespmem:$0x6480] =	vst v37  }
0x89: {  	v42 =	vld [tilespmem:$0x5180];
	[tilespmem:$0x6500] =	vst v38  }
0x8a: {  	v43 =	vld [tilespmem:$0x5190];
	[tilespmem:$0x6580] =	vst v39  }
0x8b: {  	[tilespmem:$0x6400] =	vst v3;
	v3 =	vld [tilespmem:$0x5160]  }
0x8c: {  	v44 =	vld [tilespmem:$0x51A0];
	[tilespmem:$0x6600] =	vst v40  }
0x8d: {  	v45 =	vld [tilespmem:$0x51C0];
	[tilespmem:$0x6700] =	vst v41  }
0x8e: {  	v46 =	vld [tilespmem:$0x51D0];
	[tilespmem:$0x6780] =	vst v42  }
0x8f: {  	v47 =	vld [tilespmem:$0x51E0];
	[tilespmem:$0x6800] =	vst v43  }
0x90: {  	[tilespmem:$0x6680] =	vst v3;
	v3 =	vld [tilespmem:$0x51B0]  }
0x91: {  	v48 =	vld [tilespmem:$0x51F0];
	[tilespmem:$0x6880] =	vst v44  }
0x92: {  	v49 =	vld [tilespmem:$0x5210];
	[tilespmem:$0x6980] =	vst v45  }
0x93: {  	v50 =	vld [tilespmem:$0x5220];
	[tilespmem:$0x6A00] =	vst v46  }
0x94: {  	v51 =	vld [tilespmem:$0x5230];
	[tilespmem:$0x6A80] =	vst v47  }
0x95: {  	[tilespmem:$0x6900] =	vst v3;
	v3 =	vld [tilespmem:$0x5200]  }
0x96: {  	v52 =	vld [tilespmem:$0x5240];
	[tilespmem:$0x6B00] =	vst v48  }
0x97: {  	v53 =	vld [tilespmem:$0x5260];
	[tilespmem:$0x6C00] =	vst v49  }
0x98: {  	v54 =	vld [tilespmem:$0x5270];
	[tilespmem:$0x6C80] =	vst v50  }
0x99: {  	v55 =	vld [tilespmem:$0x5280];
	[tilespmem:$0x6D00] =	vst v51  }
0x9a: {  	[tilespmem:$0x6B80] =	vst v3;
	v3 =	vld [tilespmem:$0x5250]  }
0x9b: {  	v56 =	vld [tilespmem:$0x5290];
	[tilespmem:$0x6D80] =	vst v52  }
0x9c: {  	v57 =	vld [tilespmem:$0x52B0];
	[tilespmem:$0x6E80] =	vst v53  }
0x9d: {  	v58 =	vld [tilespmem:$0x52C0];
	[tilespmem:$0x6F00] =	vst v54  }
0x9e: {  	v59 =	vld [tilespmem:$0x52D0];
	[tilespmem:$0x6F80] =	vst v55  }
0x9f: {  	[tilespmem:$0x6E00] =	vst v3;
	v3 =	vld [tilespmem:$0x52A0]  }
0xa0: {  	v60 =	vld [tilespmem:$0x52E0];
	[tilespmem:$0x7000] =	vst v56  }
0xa1: {  	v61 =	vld [tilespmem:$0x5300];
	[tilespmem:$0x7100] =	vst v57  }
0xa2: {  	v62 =	vld [tilespmem:$0x5310];
	[tilespmem:$0x7180] =	vst v58  }
0xa3: {  	v63 =	vld [tilespmem:$0x5320];
	[tilespmem:$0x7200] =	vst v59  }
0xa4: {  	[tilespmem:$0x7080] =	vst v3;
	v3 =	vld [tilespmem:$0x52F0]  }
0xa5: {  	v9 =	vld [tilespmem:$0x5330];
	[tilespmem:$0x7280] =	vst v60  }
0xa6: {  	v10 =	vld [tilespmem:$0x5350];
	[tilespmem:$0x7380] =	vst v61  }
0xa7: {  	v11 =	vld [tilespmem:$0x5360];
	[tilespmem:$0x7400] =	vst v62  }
0xa8: {  	v12 =	vld [tilespmem:$0x5370];
	[tilespmem:$0x7480] =	vst v63  }
0xa9: {  	[tilespmem:$0x7300] =	vst v3;
	v3 =	vld [tilespmem:$0x5340]  }
0xaa: {  	[tilespmem:$0x7500] =	vst v9  }
0xab: {  	[tilespmem:$0x7600] =	vst v10  }
0xac: {  	[tilespmem:$0x7680] =	vst v11  }
0xad: {  	[tilespmem:$0x7700] =	vst v12  }
0xae: {  	[tilespmem:$0x7580] =	vst v3  }
0xaf: {  	v3 =	vld [tilespmem:s28+$0xFFFFFFC0];
	_ =	sdelay $0x4  }
0xb0: {  	v3 =	vsub.s32 v3, v1  }
0xb1: {  	v3 =	vmin.u32 v3, $0x13C0  }
0xb2: {  	[tilespmem:$0x4E80] =	vst v3  }
0xb3: {  	v3 =	vld [tilespmem:s28+$0xFFFFFFD0];
	_ =	sdelay $0x4  }
0xb4: {  	v3 =	vsub.s32 v3, v1  }
0xb5: {  	v3 =	vmin.u32 v3, $0x13C0  }
0xb6: {  	[tilespmem:$0x4E90] =	vst v3  }
0xb7: {  	v3 =	vld [tilespmem:s28+$0xFFFFFFE0];
	_ =	sdelay $0x4  }
0xb8: {  	v3 =	vsub.s32 v3, v1  }
0xb9: {  	v3 =	vmin.u32 v3, $0x13C0  }
0xba: {  	[tilespmem:$0x4EA0] =	vst v3  }
0xbb: {  	v3 =	vld [tilespmem:s28+$0xFFFFFFF0];
	_ =	sdelay $0x4  }
0xbc: {  	v3 =	vsub.s32 v3, v1  }
0xbd: {  	v3 =	vmin.u32 v3, $0x13C0  }
0xbe: {  	[tilespmem:$0x4EB0] =	vst v3  }
0xbf: {  	[spmem:s2] =	stream.indirect.scatter.add.f32 [tilespmem:s20], [sflag:$0x2], $0x80, s19, s18, $0xb8;
	[tilespmem:$0x15F80] =	vst v63  }
0xc0: {  	_ =	swait.ge [sflag:s17], $0x400  }
0xc1: {  	[sflag:s17] =	ssyncset.done $0x0  }
0xc2: {  	[sflag:s17] =	ssyncadd.s32 $0xFFFFFC00  }
0xc3: {  	v3 =	vld [tilespmem:$0x5380]  }
0xc4: {  	v13 =	vld [tilespmem:$0x5390]  }
0xc5: {  	v14 =	vld [tilespmem:$0x53A0]  }
0xc6: {  	v15 =	vld [tilespmem:$0x53B0]  }
0xc7: {  	v16 =	vld [tilespmem:$0x53C0]  }
0xc8: {  	v17 =	vld [tilespmem:$0x53E0];
	[tilespmem:$0x7780] =	vst v3  }
0xc9: {  	v18 =	vld [tilespmem:$0x53F0];
	[tilespmem:$0x7800] =	vst v13  }
0xca: {  	v19 =	vld [tilespmem:$0x5400];
	[tilespmem:$0x7880] =	vst v14  }
0xcb: {  	v3 =	vld [tilespmem:$0x53D0];
	[tilespmem:$0x7900] =	vst v15  }
0xcc: {  	v20 =	vld [tilespmem:$0x5410];
	[tilespmem:$0x7980] =	vst v16  }
0xcd: {  	v21 =	vld [tilespmem:$0x5430];
	[tilespmem:$0x7A80] =	vst v17  }
0xce: {  	v22 =	vld [tilespmem:$0x5440];
	[tilespmem:$0x7B00] =	vst v18  }
0xcf: {  	v23 =	vld [tilespmem:$0x5450];
	[tilespmem:$0x7B80] =	vst v19  }
0xd0: {  	[tilespmem:$0x7A00] =	vst v3;
	v3 =	vld [tilespmem:$0x5420]  }
0xd1: {  	v24 =	vld [tilespmem:$0x5460];
	[tilespmem:$0x7C00] =	vst v20  }
0xd2: {  	v25 =	vld [tilespmem:$0x5480];
	[tilespmem:$0x7D00] =	vst v21  }
0xd3: {  	v26 =	vld [tilespmem:$0x5490];
	[tilespmem:$0x7D80] =	vst v22  }
0xd4: {  	v27 =	vld [tilespmem:$0x54A0];
	[tilespmem:$0x7E00] =	vst v23  }
0xd5: {  	[tilespmem:$0x7C80] =	vst v3;
	v3 =	vld [tilespmem:$0x5470]  }
0xd6: {  	v28 =	vld [tilespmem:$0x54B0];
	[tilespmem:$0x7E80] =	vst v24  }
0xd7: {  	v29 =	vld [tilespmem:$0x54D0];
	[tilespmem:$0x7F80] =	vst v25  }
0xd8: {  	v30 =	vld [tilespmem:$0x54E0];
	[tilespmem:$0x8000] =	vst v26  }
0xd9: {  	v31 =	vld [tilespmem:$0x54F0];
	[tilespmem:$0x8080] =	vst v27  }
0xda: {  	[tilespmem:$0x7F00] =	vst v3;
	v3 =	vld [tilespmem:$0x54C0]  }
0xdb: {  	v32 =	vld [tilespmem:$0x5500];
	[tilespmem:$0x8100] =	vst v28  }
0xdc: {  	v33 =	vld [tilespmem:$0x5520];
	[tilespmem:$0x8200] =	vst v29  }
0xdd: {  	v34 =	vld [tilespmem:$0x5530];
	[tilespmem:$0x8280] =	vst v30  }
0xde: {  	v35 =	vld [tilespmem:$0x5540];
	[tilespmem:$0x8300] =	vst v31  }
0xdf: {  	[tilespmem:$0x8180] =	vst v3;
	v3 =	vld [tilespmem:$0x5510]  }
0xe0: {  	v36 =	vld [tilespmem:$0x5550];
	[tilespmem:$0x8380] =	vst v32  }
0xe1: {  	v37 =	vld [tilespmem:$0x5570];
	[tilespmem:$0x8480] =	vst v33  }
0xe2: {  	v38 =	vld [tilespmem:$0x5580];
	[tilespmem:$0x8500] =	vst v34  }
0xe3: {  	v39 =	vld [tilespmem:$0x5590];
	[tilespmem:$0x8580] =	vst v35  }
0xe4: {  	[tilespmem:$0x8400] =	vst v3;
	v3 =	vld [tilespmem:$0x5560]  }
0xe5: {  	v40 =	vld [tilespmem:$0x55A0];
	[tilespmem:$0x8600] =	vst v36  }
0xe6: {  	v41 =	vld [tilespmem:$0x55C0];
	[tilespmem:$0x8700] =	vst v37  }
0xe7: {  	v42 =	vld [tilespmem:$0x55D0];
	[tilespmem:$0x8780] =	vst v38  }
0xe8: {  	v43 =	vld [tilespmem:$0x55E0];
	[tilespmem:$0x8800] =	vst v39  }
0xe9: {  	[tilespmem:$0x8680] =	vst v3;
	v3 =	vld [tilespmem:$0x55B0]  }
0xea: {  	v44 =	vld [tilespmem:$0x55F0];
	[tilespmem:$0x8880] =	vst v40  }
0xeb: {  	v45 =	vld [tilespmem:$0x5610];
	[tilespmem:$0x8980] =	vst v41  }
0xec: {  	v46 =	vld [tilespmem:$0x5620];
	[tilespmem:$0x8A00] =	vst v42  }
0xed: {  	v47 =	vld [tilespmem:$0x5630];
	[tilespmem:$0x8A80] =	vst v43  }
0xee: {  	[tilespmem:$0x8900] =	vst v3;
	v3 =	vld [tilespmem:$0x5600]  }
0xef: {  	v48 =	vld [tilespmem:$0x5640];
	[tilespmem:$0x8B00] =	vst v44  }
0xf0: {  	v49 =	vld [tilespmem:$0x5660];
	[tilespmem:$0x8C00] =	vst v45  }
0xf1: {  	v50 =	vld [tilespmem:$0x5670];
	[tilespmem:$0x8C80] =	vst v46  }
0xf2: {  	v51 =	vld [tilespmem:$0x5680];
	[tilespmem:$0x8D00] =	vst v47  }
0xf3: {  	[tilespmem:$0x8B80] =	vst v3;
	v3 =	vld [tilespmem:$0x5650]  }
0xf4: {  	v52 =	vld [tilespmem:$0x5690];
	[tilespmem:$0x8D80] =	vst v48  }
0xf5: {  	v53 =	vld [tilespmem:$0x56B0];
	[tilespmem:$0x8E80] =	vst v49  }
0xf6: {  	v54 =	vld [tilespmem:$0x56C0];
	[tilespmem:$0x8F00] =	vst v50  }
0xf7: {  	v55 =	vld [tilespmem:$0x56D0];
	[tilespmem:$0x8F80] =	vst v51  }
0xf8: {  	[tilespmem:$0x8E00] =	vst v3;
	v3 =	vld [tilespmem:$0x56A0]  }
0xf9: {  	v56 =	vld [tilespmem:$0x56E0];
	[tilespmem:$0x9000] =	vst v52  }
0xfa: {  	v57 =	vld [tilespmem:$0x5700];
	[tilespmem:$0x9100] =	vst v53  }
0xfb: {  	v58 =	vld [tilespmem:$0x5710];
	[tilespmem:$0x9180] =	vst v54  }
0xfc: {  	v59 =	vld [tilespmem:$0x5720];
	[tilespmem:$0x9200] =	vst v55  }
0xfd: {  	[tilespmem:$0x9080] =	vst v3;
	v3 =	vld [tilespmem:$0x56F0]  }
0xfe: {  	v60 =	vld [tilespmem:$0x5730];
	[tilespmem:$0x9280] =	vst v56  }
0xff: {  	v61 =	vld [tilespmem:$0x5750];
	[tilespmem:$0x9380] =	vst v57  }
0x100: {  	v62 =	vld [tilespmem:$0x5760];
	[tilespmem:$0x9400] =	vst v58  }
0x101: {  	v63 =	vld [tilespmem:$0x5770];
	[tilespmem:$0x9480] =	vst v59  }
0x102: {  	[tilespmem:$0x9300] =	vst v3;
	v3 =	vld [tilespmem:$0x5740]  }
0x103: {  	[tilespmem:$0x9500] =	vst v60  }
0x104: {  	[tilespmem:$0x9600] =	vst v61  }
0x105: {  	[tilespmem:$0x9680] =	vst v62  }
0x106: {  	[tilespmem:$0x9700] =	vst v63  }
0x107: {  	[tilespmem:$0x9580] =	vst v3  }
0x108: {  	v3 =	vld [tilespmem:s28+$0x0];
	_ =	sdelay $0x4  }
0x109: {  	v3 =	vsub.s32 v3, v1  }
0x10a: {  	v3 =	vmin.u32 v3, $0x13C0  }
0x10b: {  	[tilespmem:$0x4F00] =	vst v3  }
0x10c: {  	v3 =	vld [tilespmem:s28+$0x10];
	_ =	sdelay $0x4  }
0x10d: {  	v3 =	vsub.s32 v3, v1  }
0x10e: {  	v3 =	vmin.u32 v3, $0x13C0  }
0x10f: {  	[tilespmem:$0x4F10] =	vst v3  }
0x110: {  	v3 =	vld [tilespmem:s28+$0x20];
	_ =	sdelay $0x4  }
0x111: {  	v3 =	vsub.s32 v3, v1  }
0x112: {  	v3 =	vmin.u32 v3, $0x13C0  }
0x113: {  	[tilespmem:$0x4F20] =	vst v3  }
0x114: {  	v3 =	vld [tilespmem:s28+$0x30];
	_ =	sdelay $0x4  }
0x115: {  	v3 =	vsub.s32 v3, v1  }
0x116: {  	v3 =	vmin.u32 v3, $0x13C0  }
0x117: {  	[tilespmem:$0x4F30] =	vst v3  }
0x118: {  	[spmem:s2] =	stream.indirect.scatter.add.f32 [tilespmem:s22], [sflag:$0x2], $0x80, s21, s18, $0xb8;
	[tilespmem:$0x15F80] =	vst v63  }
0x119: {  	p1 =	sne.s32 s26, $0x9C00;
	_ =	swait.ge [sflag:s23], $0x2000  }
.Ltmp5:
0x11a: {  	[sflag:s23] =	ssyncset.done $0x0;
	(pc) =	sbr.rel @p1 .LBB2_12-.Ltmp5, $4  }
0x11b: {  	[sflag:s23] =	ssyncadd.s32 $0xFFFFE000  }
0x11c: {  	_ =	swait.ge [sflag:s23], $0x2000  }
0x11d: {  	[sflag:s23] =	ssyncset.done $0x0  }
0x11e: {  	s26 =	sadd.s32 $0x100, s26;
	s28 =	sadd.s32 $0x80, s28;
	[sflag:s23] =	ssyncadd.s32 $0xFFFFE000  }
0x11f: {  	[bflag:$0x0] =	sbarrier.arrive $0xFFFF;
	s26 =	simm.s32 @p0 $0x1FC3  }
0x120: {  	[hbm:s7], [sflag:s26] =	dma.local @p0 [spmem:s24], $0x1000  }
0x121: {  	s26 =	simm.s32 @p0 $0x3  }
0x122: {  	s25 =	sadd.s32 $0x1, s25;
	_ =	swait.ge @p0 [sflag:s26], $0x1000  }
0x123: {  	s28 =	sshll.u32 @!p0 s0, $0x6;
	p1 =	sne.s32 s25, s8;
	[sflag:s26] =	ssyncset.done @p0 $0x0  }
0x124: {  	[sflag:s26] =	ssyncadd.s32 @p0 $0xFFFFF000;
	s26 =	sor.u32 @!p0 $0x1C03, s28;
	s28 =	sshrl.u32 @!p0 s5, $0x3  }
0x125: {  	[hbm:s6], [sflag:s26] =	dma.local @!p0 [spmem:s28], $0x1400  }
.Ltmp6:
0x126: {  	_ = 	snop;
	(pc) =	sbr.rel @p1 .LBB2_1-.Ltmp6, $4  }
0x127: {  	s26 =	simm.s32 @!p0 $0x3  }
0x128: {  	_ =	swait.ge @!p0 [sflag:s26], $0x1400  }
0x129: {  	[sflag:s26] =	ssyncset.done @!p0 $0x0  }
0x12a: {  	[sflag:s26] =	ssyncadd.s32 @!p0 $0xFFFFEC00  }
0x12b: {  	_ =	sfence.sel $0x180000  }
0x12c: {  	[bflag:$0x0] =	sbarrier.arrive $0xFFFF  }
0x12d: {  	p0 =	sne.s32 s0, $0x0;
	_ =	strace $0x9000004A  }
0x12e: {  	s0 =	sadd.s32 @!p0 $0x100000, s1;
	[bflag:$0x2] =	sbarrier.arrive $0xFFFF  }
0x12f: {  	[sflag:s0] =	ssyncadd.tile.s32 @!p0 $0x1;
	_ =	shalt  }
.Lfunc_end2:
_tile_overlayer_lowered:
.L_overlay_start_2:
0x130: {  	(tag) =	ssettag $0x2  }
0x131: {  	s0 =	rddreg [dreg:$0x0];
	s2 =	stileid.u32  }
0x132: {  	s1 =	rddreg [dreg:$0x1];
	p0 =	sne.s32 s2, $0x0  }
0x133: {  	s3 =	rddreg [dreg:$0x2];
	[bflag:$0x3] =	sbarrier.arrive $0xFFFF;
	s2 =	simm.s32 @!p0 $0x1C03  }
0x134: {  	[timem:s3], [sflag:s2] =	dma.local @!p0 [hbm:s0], s1  }
0x135: {  	s0 =	simm.s32 @!p0 $0x3  }
0x136: {  	_ =	swait.ge @!p0 [sflag:s0], s1  }
0x137: {  	s1 =	ssub.s32 @!p0 $0x0, s1;
	[sflag:s0] =	ssyncset.done @!p0 $0x0  }
0x138: {  	[sflag:s0] =	ssyncadd.s32 @!p0 s1  }
0x139: {  	[bflag:$0x3] =	sbarrier.arrive $0xFFFF  }
0x13a: {  	_ =	shalt  }

// kernel: kernel.15.cloned.1.call-start
scs
__scs_entry_jumppad:
0x0: {  	(pc) =	sbr.rel $0x88, $3  }
0x1: {  	(tag) =	ssettag $0x0;
	lr =	simm.s32 $0x1  }
0x2: {  	[smem:$0x3F82] =	sst lr;
	_ =	strace $0xD0000000  }
0x3: {  	_ = 	snop  }
0x4: {  	_ = 	snop  }
0x5: {  	_ = 	snop  }
0x6: {  	_ = 	snop  }
0x7: {  	_ = 	snop  }
__scs_overlays_trampoline_lowered:
0x8: {  	[smem:$0x3F91] =	sst s0  }
0x9: {  	[smem:$0x3F92] =	sst s1  }
0xa: {  	[smem:$0x3F93] =	sst s2  }
0xb: {  	[smem:$0x3F94] =	sst s3  }
0xc: {  	[smem:$0x3F95] =	sst s4  }
0xd: {  	[smem:$0x3F96] =	sst s5  }
0xe: {  	[smem:$0x3F97] =	sst s6  }
0xf: {  	[smem:$0x3F98] =	sst s7  }
0x10: {  	[smem:$0x3F99] =	sst s8  }
0x11: {  	[smem:$0x3F9A] =	sst s9;
	s0 =	simm.s32 @!p0 $0x0  }
0x12: {  	s1 =	sld [smem:$0x3F80];
	s0 =	simm.s32 @p0 $0x1  }
0x13: {  	[smem:$0x3F9B] =	sst s0;
	s0 =	simm.s32 @!p1 $0x0  }
0x14: {  	s2 =	sld [smem:$0x3F7F];
	s0 =	simm.s32 @p1 $0x1  }
0x15: {  	[smem:$0x3F9C] =	sst s0;
	s0 =	simm.s32 @!p2 $0x0  }
0x16: {  	s3 =	sld [smem:$0x3FDB];
	s0 =	simm.s32 @p2 $0x1  }
0x17: {  	s4 =	simm.s32 $0x1BF5;
	[smem:$0x3F9E] =	sst s0  }
0x18: {  	s0 =	sld [smem:$0x3F81];
	_ =	swait.ge [sflag:s4], $0x0  }
0x19: {  	s7 =	sld [smem:$0x3F82]  }
0x1a: {  	s8 =	sadd.s32 $0xFFFFE003, lr  }
0x1b: {  	s9 =	sadd.s32 $0xFFFFFEF7, lr;
	s5 =	simm.s32 $0xFFFFFFFF;
	p2 =	slt.u32 s8, $0xFFFFF086  }
0x1c: {  	p1 =	slt.u32 s9, $0xF7A;
	s5 =	simm.s32 @!p2 $0x0  }
0x1d: {  	s5 =	simm.s32 @p1 $0x1;
	p0 =	seq.s32 s7, s2  }
0x1e: {  	s7 =	smul.u32 @!p0 $0xF7A, s2;
	p2 =	seq.s32 @!p0 s5, $0x0  }
0x1f: {  	s9 =	smul.u32 $0xF7A, s1;
	s8 =	simm.s32 @!p0 $0x1BF5;
	p2 =	por !p2, p0  }
0x20: {  	[sflag:s8] =	ssyncset.s32 @!p0 $0xFFFFF086;
	s6 =	sadd.s32 @!p0 s3, s7;
	s7 =	simm.s32 @!p0 $0x108  }
0x21: {  	s3 =	sadd.s32 s3, s9;
	s6 =	sadd.s32 @!p0 $0x88, s6;
	s7 =	simm.s32 @p2 $0x1082  }
0x22: {  	[simem:s7], [sflag:s8] =	dma.local @!p0 [hbm:s6], $0xF7A  }
0x23: {  	s9 =	sor.u32 $0xD0000000, s2;
	s6 =	simm.s32 $0x108;
	_ =	swait.ge @!p0 [sflag:s8], $0x0  }
0x24: {  	s3 =	sadd.s32 $0x88, s3;
	s6 =	simm.s32 @!p1 $0x1082;
	[sflag:s4] =	ssyncset.s32 $0xFFFFF086  }
0x25: {  	[simem:s6], [sflag:s4] =	dma.local [hbm:s3], $0xF7A  }
0x26: {  	[smem:$0x3F82] =	sst s1;
	(tag) =	ssettag s2;
	_ =	strace s9  }
0x27: {  	s1 =	sld [smem:$0x3F92]  }
0x28: {  	s2 =	sld [smem:$0x3F93]  }
0x29: {  	s4 =	sld [smem:$0x3F95]  }
0x2a: {  	p0 =	seq.s32 s5, $0x0;
	s5 =	sld [smem:$0x3F96]  }
0x2b: {  	s6 =	sld [smem:$0x3F97]  }
0x2c: {  	s7 =	sld [smem:$0x3F98]  }
0x2d: {  	s3 =	simm.s32 $0x108;
	s8 =	sld [smem:$0x3F99]  }
0x2e: {  	s3 =	simm.s32 @!p0 $0x1082;
	s9 =	sld [smem:$0x3F9A]  }
0x2f: {  	lr =	sadd.s32 s0, s3;
	s0 =	sld [smem:$0x3F91]  }
0x30: {  	s3 =	sld [smem:$0x3F94]  }
0x31: {  	[smem:$0x3F9D] =	sst s10  }
0x32: {  	s10 =	sld [smem:$0x3F9B];
	_ =	sdelay $0x3  }
0x33: {  	p0 =	seq.s32 s10, $0x1;
	s10 =	sld [smem:$0x3F9D];
	_ =	sdelay $0x3  }
0x34: {  	[smem:$0x3F9D] =	sst s10  }
0x35: {  	s10 =	sld [smem:$0x3F9C];
	_ =	sdelay $0x3  }
0x36: {  	p1 =	seq.s32 s10, $0x1;
	s10 =	sld [smem:$0x3F9D];
	_ =	sdelay $0x3  }
0x37: {  	[smem:$0x3F9D] =	sst s10  }
0x38: {  	s10 =	sld [smem:$0x3F9E]  }
0x39: {  	_ = 	snop;
	(pc) =	sbr.ind lr, $3  }
0x3a: {  	_ = 	snop  }
0x3b: {  	_ = 	snop  }
0x3c: {  	p2 =	seq.s32 s10, $0x1;
	s10 =	sld [smem:$0x3F9D]  }
0x3d: {  	_ =	shalt  }
0x3e: {  	_ =	shalt  }
0x3f: {  	_ =	shalt  }
0x40: {  	_ =	shalt  }
0x41: {  	_ =	shalt  }
0x42: {  	_ =	shalt  }
0x43: {  	_ =	shalt  }
0x44: {  	_ =	shalt  }
0x45: {  	_ =	shalt  }
0x46: {  	_ =	shalt  }
0x47: {  	_ =	shalt  }
0x48: {  	_ =	shalt  }
0x49: {  	_ =	shalt  }
0x4a: {  	_ =	shalt  }
0x4b: {  	_ =	shalt  }
0x4c: {  	_ =	shalt  }
0x4d: {  	_ =	shalt  }
0x4e: {  	_ =	shalt  }
0x4f: {  	_ =	shalt  }
0x50: {  	_ =	shalt  }
0x51: {  	_ =	shalt  }
0x52: {  	_ =	shalt  }
0x53: {  	_ =	shalt  }
0x54: {  	_ =	shalt  }
0x55: {  	_ =	shalt  }
0x56: {  	_ =	shalt  }
0x57: {  	_ =	shalt  }
0x58: {  	_ =	shalt  }
0x59: {  	_ =	shalt  }
0x5a: {  	_ =	shalt  }
0x5b: {  	_ =	shalt  }
0x5c: {  	_ =	shalt  }
0x5d: {  	_ =	shalt  }
0x5e: {  	_ =	shalt  }
0x5f: {  	_ =	shalt  }
0x60: {  	_ =	shalt  }
0x61: {  	_ =	shalt  }
0x62: {  	_ =	shalt  }
0x63: {  	_ =	shalt  }
0x64: {  	_ =	shalt  }
0x65: {  	_ =	shalt  }
0x66: {  	_ =	shalt  }
0x67: {  	_ =	shalt  }
0x68: {  	_ =	shalt  }
0x69: {  	_ =	shalt  }
0x6a: {  	_ =	shalt  }
0x6b: {  	_ =	shalt  }
0x6c: {  	_ =	shalt  }
0x6d: {  	_ =	shalt  }
0x6e: {  	_ =	shalt  }
0x6f: {  	_ =	shalt  }
0x70: {  	_ =	shalt  }
0x71: {  	_ =	shalt  }
0x72: {  	_ =	shalt  }
0x73: {  	_ =	shalt  }
0x74: {  	_ =	shalt  }
0x75: {  	_ =	shalt  }
0x76: {  	_ =	shalt  }
0x77: {  	_ =	shalt  }
0x78: {  	_ =	shalt  }
0x79: {  	_ =	shalt  }
0x7a: {  	_ =	shalt  }
0x7b: {  	_ =	shalt  }
0x7c: {  	_ =	shalt  }
0x7d: {  	_ =	shalt  }
0x7e: {  	_ =	shalt  }
0x7f: {  	_ =	shalt  }
0x80: {  	_ =	shalt  }
0x81: {  	_ =	shalt  }
0x82: {  	_ =	shalt  }
0x83: {  	_ =	shalt  }
0x84: {  	_ =	shalt  }
0x85: {  	_ =	shalt  }
0x86: {  	_ =	shalt  }
0x87: {  	_ =	shalt  }
.Lfunc_end0:
.L_simem_size_0:
called_computation.1_lowered:
.L_overlay_start_0:
0x88: {  	s2 =	sld [smem:$0x3FD9]  }
0x89: {  	s3 =	sld [smem:$0x3FFE];
	_ =	sdelay $0x1  }
0x8a: {  	s1 =	srdreg.scid  }
0x8b: {  	s0 =	sand.u32 $0x1, s1  }
0x8c: {  	s17 =	sshll.u32 s0, $0xA;
	s2 =	sadd.s32 s3, s2  }
0x8d: {  	s2 =	sadd.s32 s2, s17  }
0x8e: {  	[smem:$0x3FA9] =	sst s2  }
0x8f: {  	_ = 	snop  }
0x90: {  	s2 =	sld [smem:$0x3FC9];
	(tm) =	ssettm $0x1  }
0x91: {  	s18 =	sld [smem:$0x3FFB];
	_ =	sdelay $0x3  }
0x92: {  	_ =	strace s18  }
0x93: {  	s3 =	sld [smem:$0x3FFC];
	_ =	sdelay $0x3  }
0x94: {  	_ =	strace s3  }
0x95: {  	s3 =	sld [smem:$0x3FFD];
	_ =	sdelay $0x3  }
0x96: {  	_ =	strace s3  }
0x97: {  	_ =	strace $0x8FFFFFFF  }
0x98: {  	s19 =	sld [smem:$0x3FDB];
	_ =	sdelay $0x1  }
0x99: {  	s4 =	simm.s32 $_scs_section_size  }
0x9a: {  	s5 =	simm.s32 $_size__tile_overlayer_lowered;
	s6 =	simm.s32 $_tile_overlayer_lowered  }
0x9b: {  	s22 =	simm.s32 $0x1BFF;
	s21 =	sshll.u32 s6, $0x1;
	s3 =	sadd.s32 s4, s19  }
0x9c: {  	s7 =	simm.s32 $0x0;
	s20 =	sshll.u32 s5, $0x1;
	s5 =	sadd.s32 s21, s3  }
0x9d: {  	[timem:s7], [sflag:s22] =	dma.local [hbm:s5], s20  }
0x9e: {  	_ =	swait.ge [sflag:s22], s20  }
0x9f: {  	s4 =	ssub.s32 $0x0, s20;
	[sflag:s22] =	ssyncset.done $0x0  }
0xa0: {  	[sflag:s22] =	ssyncadd.s32 s4;
	_ =	sdelay $0x1  }
0xa1: {  	s23 =	simm.s32 $0x1B8B  }
0xa2: {  	_ =	swait.ge [sflag:s23], $0x1  }
0xa3: {  	[sflag:s23] =	ssyncset.done $0x0  }
0xa4: {  	s25 =	simm.s32 $0x1B8E;
	s24 =	sld [smem:$0x3FFE];
	[sflag:s23] =	ssyncadd.s32 $0xFFFFFFFF  }
0xa5: {  	s26 =	simm.s32 $execute0_lowered;
	[smem:$0x3FD2] =	sst s25  }
0xa6: {  	s5 =	sshll.u32 s26, $0x1;
	_ =	strace $0x80000046;
	[dreg:$0x1] =	wrdreg $0xFFFFFFFF  }
0xa7: {  	s28 =	simm.s32 $_size_execute0_lowered;
	s3 =	sadd.s32 s3, s5;
	[dreg:$0x0] =	wrdreg $0x0  }
0xa8: {  	s5 =	sshll.u32 s28, $0x1;
	[dreg:$0x2] =	wrdreg s3  }
0xa9: {  	[dreg:$0x3] =	wrdreg s5  }
0xaa: {  	[dreg:$0x4] =	wrdreg $0xC0  }
0xab: {  	_ =	task [dreg:s7], $0x5FFFF  }
0xac: {  	[dreg:$0x1] =	wrdreg $0xFFFFFFFF  }
0xad: {  	[dreg:$0x0] =	wrdreg $0x60  }
0xae: {  	[dreg:$0x2] =	wrdreg s2  }
0xaf: {  	[dreg:$0x3] =	wrdreg s24  }
0xb0: {  	[dreg:$0x4] =	wrdreg $0x116000  }
0xb1: {  	[dreg:$0x5] =	wrdreg $0xA  }
0xb2: {  	_ =	task.clear_ibuf [dreg:s7], $0x6FFFF;
	_ =	strace $0x90000046  }
0xb3: {  	s29 =	simm.s32 $0xA;
	_ =	strace $0x80000048  }
0xb4: {  	_ =	swait.ge [sflag:s29], $0x1  }
0xb5: {  	[sflag:s29] =	ssyncadd.s32 $0xFFFFFFFF  }
0xb6: {  	_ =	strace $0x90000048  }
0xb7: {  	_ =	sfence  }
0xb8: {  	s30 =	sld [smem:$0x0];
	_ =	sdelay $0x2  }
0xb9: {  	s31 =	sshll.u32 s1, $0xD;
	s1 =	sshrl.u32 s1, $0x2  }
0xba: {  	s3 =	sand.u32 $0x4000, s31;
	s1 =	sadd.s32 s1, s30  }
0xbb: {  	s0 =	sor.u32 s3, s0;
	s1 =	sshll.u32 s1, $0x11  }
0xbc: {  	s0 =	sor.u32 s1, s0  }
0xbd: {  	s0 =	sadd.s32 $0x8F2B, s0  }
0xbe: {  	[sflag:s0] =	ssyncadd.remote.s32 $0x1  }
0xbf: {  	_ =	sfence.sel $0xFFFF  }
0xc0: {  	[dreg:$0x0] =	wrdreg $0xFFFFFFFF;
	(pc) =	sbr.abs _section_cstart, $3  }
0xc1: {  	[dreg:$0x1] =	wrdreg $0xFFFFFFFF  }
0xc2: {  	_ =	task.clear_ibuf [dreg:s7], $0x2FFFF;
	_ =	strace $0x9FFFFFFF  }
0xc3: {  	(tm) =	ssettm $0x7FFFFFFF  }
tec
execute0_lowered:
.L_overlay_start_1:
0x0: {  	(tag) =	ssettag $0x1  }
0x1: {  	s2 =	rddreg [dreg:$0x0]  }
0x2: {  	s5 =	rddreg [dreg:$0x1]  }
0x3: {  	s3 =	rddreg [dreg:$0x2]  }
0x4: {  	s0 =	rddreg [dreg:$0x3];
	s1 =	stileid.u32  }
0x5: {  	s6 =	srdreg.scid;
	s4 =	simm.s32 $0x0;
	s14 =	simm.s32 $0xEE00  }
0x6: {  	s15 =	simm.s32 $0x3;
	s16 =	simm.s32 $0x4E80;
	s17 =	simm.s32 $0x50  }
0x7: {  	s18 =	simm.s32 $0x9E00;
	s19 =	simm.s32 $0xC600;
	s20 =	simm.s32 $0x1  }
0x8: {  	s21 =	simm.s32 $0x9D00;
	s23 =	simm.s32 $0x2;
	s7 =	smul.u32 $0x9C4, s1  }
0x9: {  	s6 =	sand.u32 $0x1, s6;
	[smem:$0x7FF] =	sst s4;
	s9 =	smul.u32 $0x140, s1  }
0xa: {  	s11 =	smul.u32 $0x28000, s1;
	s12 =	sadd.s32 $0x1AE00, s5;
	s24 =	sadd.s32 $0x96000, s3  }
0xb: {  	p0 =	seq.s32 s1, $0xF;
	s22 =	smul.u32 $0x13C0, s6;
	_ =	strace $0x80000047  }
0xc: {  	s8 =	ssub.s32 $0x2, s6;
	s26 =	smul.u32 $0x9E000, s6;
	s24 =	sshrl.u32 @p0 s24, $0x3  }
0xd: {  	s7 =	sadd.s32 s7, s5;
	s10 =	sshrl.u32 s8, $0x1;
	s29 =	sshrl.u32 s11, $0x2  }
0xe: {  	s10 =	ssub.s32 s8, s10;
	s5 =	sadd.s32 $0x11000, s7;
	s6 =	sadd.s32 $0x7200, s7  }
0xf: {  	s28 =	sadd.s32 s9, s22;
	s13 =	sshrl.u32 s26, $0x3;
	s7 =	sadd.s32 s29, s3  }
0x10: {  	v0 =	vmov s22;
	s22 =	simm.s32 $0x9D80;
	s30 =	sshll.u32 s28, $0x4;
	s31 =	sadd.s32 s12, s13  }
0x11: {  	s10 =	smax.u32 s10, $0x1;
	s11 =	sadd.s32 $0x2800, s7;
	s13 =	sadd.s32 $0x7800, s7  }
0x12: {  	v1 =	vimm.f32 $0.0e+00;
	s8 =	sadd.s32 s12, s30;
	s9 =	sadd.s32 $0x12C00, s31;
	s12 =	sadd.s32 $0x5000, s7  }
.LBB2_1:
0x13: {  	s25 =	simm.s32 $0x70;
	s26 =	simm.s32 $0x3C0  }
.LBB2_2:
0x14: {  	p1 =	sne.s32 s26, $0x9FC0;
	[tilespmem:s25+$0xEE00] =	vst v1  }
0x15: {  	[tilespmem:s25+$0xED90] =	vst v1  }
0x16: {  	[tilespmem:s25+$0xEDA0] =	vst v1  }
.Ltmp0:
0x17: {  	[tilespmem:s25+$0xEDB0] =	vst v1;
	(pc) =	sbr.rel @p1 .LBB2_2-.Ltmp0, $4  }
0x18: {  	[tilespmem:s25+$0xEDC0] =	vst v1  }
0x19: {  	[tilespmem:s25+$0xEDD0] =	vst v1  }
0x1a: {  	[tilespmem:s25+$0xEDE0] =	vst v1  }
0x1b: {  	[tilespmem:s25+$0xEDF0] =	vst v1;
	s25 =	sshra.s32 s26, $0x2;
	s26 =	sadd.s32 $0x200, s26  }
0x1c: {  	[tilespmem:s25+$0xEE00] =	vst v1  }
0x1d: {  	[tilespmem:s25+$0xED90] =	vst v1  }
0x1e: {  	[tilespmem:s25+$0xEDA0] =	vst v1  }
0x1f: {  	[tilespmem:s25+$0xEDB0] =	vst v1  }
0x20: {  	[tilespmem:s25+$0xEDC0] =	vst v1  }
0x21: {  	[tilespmem:s25+$0xEDD0] =	vst v1  }
0x22: {  	[tilespmem:s25+$0xEDE0] =	vst v1  }
0x23: {  	[tilespmem:s25+$0xEDF0] =	vst v1  }
0x24: {  	[spmem:s7] =	stream.linear.scatter [tilespmem:s14], [sflag:$0x3], $0x2800, $0x38;
	[tilespmem:$0x1B600] =	vst v63  }
0x25: {  	_ =	swait.ge [sflag:s15], $0x2800  }
0x26: {  	[sflag:s15] =	ssyncset.done $0x0  }
0x27: {  	[sflag:s15] =	ssyncadd.s32 $0xFFFFD800  }
0x28: {  	[spmem:s11] =	stream.linear.scatter [tilespmem:s14], [sflag:$0x3], $0x2800, $0x38;
	[tilespmem:$0x1B600] =	vst v63  }
0x29: {  	_ =	swait.ge [sflag:s15], $0x2800  }
0x2a: {  	[sflag:s15] =	ssyncset.done $0x0  }
0x2b: {  	[sflag:s15] =	ssyncadd.s32 $0xFFFFD800  }
0x2c: {  	[spmem:s12] =	stream.linear.scatter [tilespmem:s14], [sflag:$0x3], $0x2800, $0x38;
	[tilespmem:$0x1B600] =	vst v63  }
0x2d: {  	_ =	swait.ge [sflag:s15], $0x2800  }
0x2e: {  	[sflag:s15] =	ssyncset.done $0x0  }
0x2f: {  	[sflag:s15] =	ssyncadd.s32 $0xFFFFD800  }
0x30: {  	[spmem:s13] =	stream.linear.scatter [tilespmem:s14], [sflag:$0x3], $0x2800, $0x38;
	[tilespmem:$0x1B600] =	vst v63  }
0x31: {  	_ =	swait.ge [sflag:s15], $0x2800  }
0x32: {  	[sflag:s15] =	ssyncset.done $0x0  }
0x33: {  	s30 =	simm.s32 $0x0;
	[sflag:s15] =	ssyncadd.s32 $0xFFFFD800  }
0x34: {  	[tilespmem:s30], [sflag:$0x3] =	stream.linear.gather [hbm4b:s5+s30], $0x4E20, $0x38;
	[tilespmem:$0x1B600] =	vst v63  }
0x35: {  	_ =	swait.ge [sflag:s15], $0x4E20  }
0x36: {  	[sflag:s15] =	ssyncset.done $0x0  }
0x37: {  	[sflag:s15] =	ssyncadd.s32 $0xFFFFB1E0  }
0x38: {  	[tilespmem:s16], [sflag:$0x3] =	stream.linear.gather [hbm4b:s6+s30], $0x4E20, $0x38;
	[tilespmem:$0x1B600] =	vst v63  }
0x39: {  	_ =	swait.ge [sflag:s15], $0x4E20  }
0x3a: {  	[sflag:s15] =	ssyncset.done $0x0  }
0x3b: {  	[sflag:s15] =	ssyncadd.s32 $0xFFFFB1E0  }
0x3c: {  	s31 =	simm.s32 $0x0;
	[bflag:$0x0] =	sbarrier.arrive $0xFFFF  }
0x3d: {  	[tilespmem:s18], [sflag:$0x1] =	stream.indirect.gather [hbm4b:s2+s17], $0x80, s31, s17, $0xb8;
	[tilespmem:$0x1B600] =	vst v63  }
0x3e: {  	s26 =	simm.s32 $0x50  }
0x3f: {  	[tilespmem:s19], [sflag:$0x1] =	stream.indirect.gather [hbm4b:s2+s17], $0x80, s26, s17, $0xb8;
	[tilespmem:$0x1B600] =	vst v63  }
0x40: {  	v2 =	vld [tilespmem:s31+$0x4E80];
	_ =	sdelay $0x4  }
0x41: {  	v2 =	vsub.s32 v2, v0  }
0x42: {  	v2 =	vmin.u32 v2, $0x13C0  }
0x43: {  	[tilespmem:$0x9D00] =	vst v2  }
0x44: {  	v2 =	vld [tilespmem:s31+$0x4E90];
	_ =	sdelay $0x4  }
0x45: {  	v2 =	vsub.s32 v2, v0  }
0x46: {  	v2 =	vmin.u32 v2, $0x13C0  }
0x47: {  	[tilespmem:$0x9D10] =	vst v2  }
0x48: {  	v2 =	vld [tilespmem:s31+$0x4EA0];
	_ =	sdelay $0x4  }
0x49: {  	v2 =	vsub.s32 v2, v0  }
0x4a: {  	v2 =	vmin.u32 v2, $0x13C0  }
0x4b: {  	[tilespmem:$0x9D20] =	vst v2  }
0x4c: {  	v2 =	vld [tilespmem:s31+$0x4EB0];
	_ =	sdelay $0x4  }
0x4d: {  	v2 =	vsub.s32 v2, v0  }
0x4e: {  	v2 =	vmin.u32 v2, $0x13C0  }
0x4f: {  	[tilespmem:$0x9D30] =	vst v2  }
0x50: {  	v2 =	vld [tilespmem:s31+$0x4EC0];
	_ =	sdelay $0x4  }
0x51: {  	v2 =	vsub.s32 v2, v0  }
0x52: {  	v2 =	vmin.u32 v2, $0x13C0  }
0x53: {  	[tilespmem:$0x9D40] =	vst v2  }
0x54: {  	_ =	swait.ge [sflag:s20], $0x2800  }
0x55: {  	[sflag:s20] =	ssyncset.done $0x0  }
0x56: {  	[sflag:s20] =	ssyncadd.s32 $0xFFFFD800  }
0x57: {  	[spmem:s3] =	stream.indirect.scatter.add.f32 [tilespmem:s18], [sflag:$0x2], $0x80, s21, s17, $0xb8;
	[tilespmem:$0x1B600] =	vst v63  }
0x58: {  	v2 =	vld [tilespmem:s31+$0x4ED0];
	_ =	sdelay $0x4  }
0x59: {  	v2 =	vsub.s32 v2, v0  }
0x5a: {  	v2 =	vmin.u32 v2, $0x13C0  }
0x5b: {  	[tilespmem:$0x9D80] =	vst v2  }
0x5c: {  	v2 =	vld [tilespmem:s31+$0x4EE0];
	_ =	sdelay $0x4  }
0x5d: {  	v2 =	vsub.s32 v2, v0  }
0x5e: {  	v2 =	vmin.u32 v2, $0x13C0  }
0x5f: {  	[tilespmem:$0x9D90] =	vst v2  }
0x60: {  	v2 =	vld [tilespmem:s31+$0x4EF0];
	_ =	sdelay $0x4  }
0x61: {  	v2 =	vsub.s32 v2, v0  }
0x62: {  	v2 =	vmin.u32 v2, $0x13C0  }
0x63: {  	[tilespmem:$0x9DA0] =	vst v2  }
0x64: {  	v2 =	vld [tilespmem:s31+$0x4F00];
	_ =	sdelay $0x4  }
0x65: {  	v2 =	vsub.s32 v2, v0  }
0x66: {  	v2 =	vmin.u32 v2, $0x13C0  }
0x67: {  	[tilespmem:$0x9DB0] =	vst v2  }
0x68: {  	v2 =	vld [tilespmem:s31+$0x4F10];
	_ =	sdelay $0x4  }
0x69: {  	v2 =	vsub.s32 v2, v0  }
0x6a: {  	v2 =	vmin.u32 v2, $0x13C0  }
0x6b: {  	[tilespmem:$0x9DC0] =	vst v2  }
0x6c: {  	_ =	swait.ge [sflag:s20], $0x2800  }
0x6d: {  	[sflag:s20] =	ssyncset.done $0x0  }
0x6e: {  	[sflag:s20] =	ssyncadd.s32 $0xFFFFD800  }
0x6f: {  	[spmem:s3] =	stream.indirect.scatter.add.f32 [tilespmem:s19], [sflag:$0x2], $0x80, s22, s17, $0xb8;
	[tilespmem:$0x1B600] =	vst v63  }
0x70: {  	_ =	swait.ge [sflag:s23], $0x2800  }
0x71: {  	[sflag:s23] =	ssyncset.done $0x0  }
0x72: {  	[sflag:s23] =	ssyncadd.s32 $0xFFFFD800  }
0x73: {  	_ =	swait.ge [sflag:s23], $0x2800  }
0x74: {  	s25 =	simm.s32 $0x280;
	s29 =	simm.s32 $0x500;
	[sflag:s23] =	ssyncset.done $0x0  }
.LBB2_4:
0x75: {  	s28 =	sshra.s32 s25, $0x2  }
0x76: {  	[sflag:s23] =	ssyncadd.s32 $0xFFFFD800;
	s25 =	smov.u32 s29;
	s26 =	sadd.s32 $0x280, s29  }
0x77: {  	[tilespmem:s18], [sflag:$0x1] =	stream.indirect.gather [hbm4b:s2+s17], $0x80, s28, s17, $0xb8;
	[tilespmem:$0x1B600] =	vst v63  }
0x78: {  	p1 =	sne.s32 s29, $0x13600;
	s29 =	sadd.s32 $0x50, s28  }
0x79: {  	[tilespmem:s19], [sflag:$0x1] =	stream.indirect.gather [hbm4b:s2+s17], $0x80, s29, s17, $0xb8;
	[tilespmem:$0x1B600] =	vst v63  }
0x7a: {  	v2 =	vld [tilespmem:s28+$0x4E80];
	_ =	sdelay $0x4  }
0x7b: {  	v2 =	vsub.s32 v2, v0  }
0x7c: {  	v2 =	vmin.u32 v2, $0x13C0  }
0x7d: {  	[tilespmem:$0x9D00] =	vst v2  }
0x7e: {  	v2 =	vld [tilespmem:s28+$0x4E90];
	_ =	sdelay $0x4  }
0x7f: {  	v2 =	vsub.s32 v2, v0  }
0x80: {  	v2 =	vmin.u32 v2, $0x13C0  }
0x81: {  	[tilespmem:$0x9D10] =	vst v2  }
0x82: {  	v2 =	vld [tilespmem:s28+$0x4EA0];
	_ =	sdelay $0x4  }
0x83: {  	v2 =	vsub.s32 v2, v0  }
0x84: {  	v2 =	vmin.u32 v2, $0x13C0  }
0x85: {  	[tilespmem:$0x9D20] =	vst v2  }
0x86: {  	v2 =	vld [tilespmem:s28+$0x4EB0];
	_ =	sdelay $0x4  }
0x87: {  	v2 =	vsub.s32 v2, v0  }
0x88: {  	v2 =	vmin.u32 v2, $0x13C0  }
0x89: {  	[tilespmem:$0x9D30] =	vst v2  }
0x8a: {  	v2 =	vld [tilespmem:s28+$0x4EC0];
	_ =	sdelay $0x4  }
0x8b: {  	v2 =	vsub.s32 v2, v0  }
0x8c: {  	v2 =	vmin.u32 v2, $0x13C0  }
0x8d: {  	[tilespmem:$0x9D40] =	vst v2  }
0x8e: {  	_ =	swait.ge [sflag:s20], $0x2800  }
0x8f: {  	[sflag:s20] =	ssyncset.done $0x0  }
0x90: {  	[sflag:s20] =	ssyncadd.s32 $0xFFFFD800  }
0x91: {  	[spmem:s3] =	stream.indirect.scatter.add.f32 [tilespmem:s18], [sflag:$0x2], $0x80, s21, s17, $0xb8;
	[tilespmem:$0x1B600] =	vst v63  }
0x92: {  	v2 =	vld [tilespmem:s28+$0x4ED0];
	_ =	sdelay $0x4  }
0x93: {  	v2 =	vsub.s32 v2, v0  }
0x94: {  	v2 =	vmin.u32 v2, $0x13C0  }
0x95: {  	[tilespmem:$0x9D80] =	vst v2  }
0x96: {  	v2 =	vld [tilespmem:s28+$0x4EE0];
	_ =	sdelay $0x4  }
0x97: {  	v2 =	vsub.s32 v2, v0  }
0x98: {  	v2 =	vmin.u32 v2, $0x13C0  }
0x99: {  	[tilespmem:$0x9D90] =	vst v2  }
0x9a: {  	v2 =	vld [tilespmem:s28+$0x4EF0];
	_ =	sdelay $0x4  }
0x9b: {  	v2 =	vsub.s32 v2, v0  }
0x9c: {  	v2 =	vmin.u32 v2, $0x13C0  }
0x9d: {  	[tilespmem:$0x9DA0] =	vst v2  }
0x9e: {  	v2 =	vld [tilespmem:s28+$0x4F00];
	_ =	sdelay $0x4  }
0x9f: {  	v2 =	vsub.s32 v2, v0  }
0xa0: {  	v2 =	vmin.u32 v2, $0x13C0  }
0xa1: {  	[tilespmem:$0x9DB0] =	vst v2  }
0xa2: {  	v2 =	vld [tilespmem:s28+$0x4F10];
	_ =	sdelay $0x4  }
0xa3: {  	v2 =	vsub.s32 v2, v0  }
0xa4: {  	v2 =	vmin.u32 v2, $0x13C0  }
0xa5: {  	[tilespmem:$0x9DC0] =	vst v2  }
0xa6: {  	_ =	swait.ge [sflag:s20], $0x2800  }
0xa7: {  	[sflag:s20] =	ssyncset.done $0x0  }
0xa8: {  	[sflag:s20] =	ssyncadd.s32 $0xFFFFD800  }
0xa9: {  	[spmem:s3] =	stream.indirect.scatter.add.f32 [tilespmem:s19], [sflag:$0x2], $0x80, s22, s17, $0xb8;
	[tilespmem:$0x1B600] =	vst v63  }
.Ltmp1:
0xaa: {  	_ =	swait.ge [sflag:s23], $0x2800;
	(pc) =	sbr.rel @p1 .LBB2_4-.Ltmp1, $4  }
0xab: {  	[sflag:s23] =	ssyncset.done $0x0  }
0xac: {  	[sflag:s23] =	ssyncadd.s32 $0xFFFFD800  }
0xad: {  	_ =	swait.ge [sflag:s23], $0x2800  }
0xae: {  	s29 =	smov.u32 s26;
	[sflag:s23] =	ssyncset.done $0x0  }
0xaf: {  	s25 =	sshra.s32 s25, $0x2;
	[sflag:s23] =	ssyncadd.s32 $0xFFFFD800  }
0xb0: {  	[tilespmem:s18], [sflag:$0x1] =	stream.indirect.gather [hbm4b:s2+s17], $0x80, s25, s17, $0xb8;
	[tilespmem:$0x1B600] =	vst v63  }
0xb1: {  	s26 =	sadd.s32 $0x50, s25  }
0xb2: {  	[tilespmem:s19], [sflag:$0x1] =	stream.indirect.gather [hbm4b:s2+s17], $0x80, s26, s17, $0xb8;
	[tilespmem:$0x1B600] =	vst v63  }
0xb3: {  	v2 =	vld [tilespmem:s25+$0x4E80];
	_ =	sdelay $0x4  }
0xb4: {  	v2 =	vsub.s32 v2, v0  }
0xb5: {  	v2 =	vmin.u32 v2, $0x13C0  }
0xb6: {  	[tilespmem:$0x9D00] =	vst v2  }
0xb7: {  	v2 =	vld [tilespmem:s25+$0x4E90];
	_ =	sdelay $0x4  }
0xb8: {  	v2 =	vsub.s32 v2, v0  }
0xb9: {  	v2 =	vmin.u32 v2, $0x13C0  }
0xba: {  	[tilespmem:$0x9D10] =	vst v2  }
0xbb: {  	v2 =	vld [tilespmem:s25+$0x4EA0];
	_ =	sdelay $0x4  }
0xbc: {  	v2 =	vsub.s32 v2, v0  }
0xbd: {  	v2 =	vmin.u32 v2, $0x13C0  }
0xbe: {  	[tilespmem:$0x9D20] =	vst v2  }
0xbf: {  	v2 =	vld [tilespmem:s25+$0x4EB0];
	_ =	sdelay $0x4  }
0xc0: {  	v2 =	vsub.s32 v2, v0  }
0xc1: {  	v2 =	vmin.u32 v2, $0x13C0  }
0xc2: {  	[tilespmem:$0x9D30] =	vst v2  }
0xc3: {  	v2 =	vld [tilespmem:s25+$0x4EC0];
	_ =	sdelay $0x4  }
0xc4: {  	v2 =	vsub.s32 v2, v0  }
0xc5: {  	v2 =	vmin.u32 v2, $0x13C0  }
0xc6: {  	[tilespmem:$0x9D40] =	vst v2  }
0xc7: {  	_ =	swait.ge [sflag:s20], $0x2800  }
0xc8: {  	[sflag:s20] =	ssyncset.done $0x0  }
0xc9: {  	[sflag:s20] =	ssyncadd.s32 $0xFFFFD800  }
0xca: {  	[spmem:s3] =	stream.indirect.scatter.add.f32 [tilespmem:s18], [sflag:$0x2], $0x80, s21, s17, $0xb8;
	[tilespmem:$0x1B600] =	vst v63  }
0xcb: {  	v2 =	vld [tilespmem:s25+$0x4ED0];
	_ =	sdelay $0x4  }
0xcc: {  	v2 =	vsub.s32 v2, v0  }
0xcd: {  	v2 =	vmin.u32 v2, $0x13C0  }
0xce: {  	[tilespmem:$0x9D80] =	vst v2  }
0xcf: {  	v2 =	vld [tilespmem:s25+$0x4EE0];
	_ =	sdelay $0x4  }
0xd0: {  	v2 =	vsub.s32 v2, v0  }
0xd1: {  	v2 =	vmin.u32 v2, $0x13C0  }
0xd2: {  	[tilespmem:$0x9D90] =	vst v2  }
0xd3: {  	v2 =	vld [tilespmem:s25+$0x4EF0];
	_ =	sdelay $0x4  }
0xd4: {  	v2 =	vsub.s32 v2, v0  }
0xd5: {  	v2 =	vmin.u32 v2, $0x13C0  }
0xd6: {  	[tilespmem:$0x9DA0] =	vst v2  }
0xd7: {  	v2 =	vld [tilespmem:s25+$0x4F00];
	_ =	sdelay $0x4  }
0xd8: {  	v2 =	vsub.s32 v2, v0  }
0xd9: {  	v2 =	vmin.u32 v2, $0x13C0  }
0xda: {  	[tilespmem:$0x9DB0] =	vst v2  }
0xdb: {  	v2 =	vld [tilespmem:s25+$0x4F10];
	_ =	sdelay $0x4  }
0xdc: {  	v2 =	vsub.s32 v2, v0  }
0xdd: {  	v2 =	vmin.u32 v2, $0x13C0  }
0xde: {  	[tilespmem:$0x9DC0] =	vst v2  }
0xdf: {  	_ =	swait.ge [sflag:s20], $0x2800  }
0xe0: {  	[sflag:s20] =	ssyncset.done $0x0  }
0xe1: {  	[sflag:s20] =	ssyncadd.s32 $0xFFFFD800  }
0xe2: {  	[spmem:s3] =	stream.indirect.scatter.add.f32 [tilespmem:s19], [sflag:$0x2], $0x80, s22, s17, $0xb8;
	[tilespmem:$0x1B600] =	vst v63  }
0xe3: {  	_ =	swait.ge [sflag:s23], $0x2800  }
0xe4: {  	[sflag:s23] =	ssyncset.done $0x0  }
0xe5: {  	[sflag:s23] =	ssyncadd.s32 $0xFFFFD800  }
0xe6: {  	_ =	swait.ge [sflag:s23], $0x2800  }
0xe7: {  	[sflag:s23] =	ssyncset.done $0x0  }
0xe8: {  	[sflag:s23] =	ssyncadd.s32 $0xFFFFD800  }
0xe9: {  	s25 =	simm.s32 @p0 $0x1FC3;
	[bflag:$0x0] =	sbarrier.arrive $0xFFFF  }
0xea: {  	[hbm:s9], [sflag:s25] =	dma.local @p0 [spmem:s24], $0x1000  }
0xeb: {  	s25 =	simm.s32 @p0 $0x3  }
0xec: {  	s4 =	sadd.s32 $0x1, s4;
	_ =	swait.ge @p0 [sflag:s25], $0x1000  }
0xed: {  	p1 =	sne.s32 s4, s10;
	s26 =	sshll.u32 @!p0 s1, $0x6;
	[sflag:s25] =	ssyncset.done @p0 $0x0  }
0xee: {  	[sflag:s25] =	ssyncadd.s32 @p0 $0xFFFFF000;
	s25 =	sor.u32 @!p0 $0x1C03, s26;
	s26 =	sshrl.u32 @!p0 s7, $0x3  }
0xef: {  	[hbm:s8], [sflag:s25] =	dma.local @!p0 [spmem:s26], $0x1400  }
.Ltmp2:
0xf0: {  	_ = 	snop;
	(pc) =	sbr.rel @p1 .LBB2_1-.Ltmp2, $4  }
0xf1: {  	s25 =	simm.s32 @!p0 $0x3  }
0xf2: {  	_ =	swait.ge @!p0 [sflag:s25], $0x1400  }
0xf3: {  	[sflag:s25] =	ssyncset.done @!p0 $0x0  }
0xf4: {  	[sflag:s25] =	ssyncadd.s32 @!p0 $0xFFFFEC00  }
0xf5: {  	_ =	sfence.sel $0x180000  }
0xf6: {  	[bflag:$0x0] =	sbarrier.arrive $0xFFFF  }
0xf7: {  	p0 =	sne.s32 s1, $0x0;
	_ =	strace $0x90000047  }
0xf8: {  	s0 =	sadd.s32 @!p0 $0x100000, s0;
	[bflag:$0x2] =	sbarrier.arrive $0xFFFF  }
0xf9: {  	[sflag:s0] =	ssyncadd.tile.s32 @!p0 $0x1;
	_ =	shalt  }
.Lfunc_end2:
_tile_overlayer_lowered:
.L_overlay_start_2:
0xfa: {  	(tag) =	ssettag $0x2  }
0xfb: {  	s0 =	rddreg [dreg:$0x0];
	s2 =	stileid.u32  }
0xfc: {  	s1 =	rddreg [dreg:$0x1];
	p0 =	sne.s32 s2, $0x0  }
0xfd: {  	s3 =	rddreg [dreg:$0x2];
	[bflag:$0x3] =	sbarrier.arrive $0xFFFF;
	s2 =	simm.s32 @!p0 $0x1C03  }
0xfe: {  	[timem:s3], [sflag:s2] =	dma.local @!p0 [hbm:s0], s1  }
0xff: {  	s0 =	simm.s32 @!p0 $0x3  }
0x100: {  	_ =	swait.ge @!p0 [sflag:s0], s1  }
0x101: {  	s1 =	ssub.s32 @!p0 $0x0, s1;
	[sflag:s0] =	ssyncset.done @!p0 $0x0  }
0x102: {  	[sflag:s0] =	ssyncadd.s32 @!p0 s1  }
0x103: {  	[bflag:$0x3] =	sbarrier.arrive $0xFFFF  }
0x104: {  	_ =	shalt  }

// kernel: kernel.18.cloned.1.call-start
scs
__scs_entry_jumppad:
0x0: {  	(pc) =	sbr.rel $0x88, $3  }
0x1: {  	(tag) =	ssettag $0x0;
	lr =	simm.s32 $0x1  }
0x2: {  	[smem:$0x3F82] =	sst lr;
	_ =	strace $0xD0000000  }
0x3: {  	_ = 	snop  }
0x4: {  	_ = 	snop  }
0x5: {  	_ = 	snop  }
0x6: {  	_ = 	snop  }
0x7: {  	_ = 	snop  }
__scs_overlays_trampoline_lowered:
0x8: {  	[smem:$0x3F91] =	sst s0  }
0x9: {  	[smem:$0x3F92] =	sst s1  }
0xa: {  	[smem:$0x3F93] =	sst s2  }
0xb: {  	[smem:$0x3F94] =	sst s3  }
0xc: {  	[smem:$0x3F95] =	sst s4  }
0xd: {  	[smem:$0x3F96] =	sst s5  }
0xe: {  	[smem:$0x3F97] =	sst s6  }
0xf: {  	[smem:$0x3F98] =	sst s7  }
0x10: {  	[smem:$0x3F99] =	sst s8  }
0x11: {  	[smem:$0x3F9A] =	sst s9;
	s0 =	simm.s32 @!p0 $0x0  }
0x12: {  	s1 =	sld [smem:$0x3F80];
	s0 =	simm.s32 @p0 $0x1  }
0x13: {  	[smem:$0x3F9B] =	sst s0;
	s0 =	simm.s32 @!p1 $0x0  }
0x14: {  	s2 =	sld [smem:$0x3F7F];
	s0 =	simm.s32 @p1 $0x1  }
0x15: {  	[smem:$0x3F9C] =	sst s0;
	s0 =	simm.s32 @!p2 $0x0  }
0x16: {  	s3 =	sld [smem:$0x3FDB];
	s0 =	simm.s32 @p2 $0x1  }
0x17: {  	s4 =	simm.s32 $0x1BF5;
	[smem:$0x3F9E] =	sst s0  }
0x18: {  	s0 =	sld [smem:$0x3F81];
	_ =	swait.ge [sflag:s4], $0x0  }
0x19: {  	s7 =	sld [smem:$0x3F82]  }
0x1a: {  	s8 =	sadd.s32 $0xFFFFE003, lr  }
0x1b: {  	s9 =	sadd.s32 $0xFFFFFEF7, lr;
	s5 =	simm.s32 $0xFFFFFFFF;
	p2 =	slt.u32 s8, $0xFFFFF086  }
0x1c: {  	p1 =	slt.u32 s9, $0xF7A;
	s5 =	simm.s32 @!p2 $0x0  }
0x1d: {  	s5 =	simm.s32 @p1 $0x1;
	p0 =	seq.s32 s7, s2  }
0x1e: {  	s7 =	smul.u32 @!p0 $0xF7A, s2;
	p2 =	seq.s32 @!p0 s5, $0x0  }
0x1f: {  	s9 =	smul.u32 $0xF7A, s1;
	s8 =	simm.s32 @!p0 $0x1BF5;
	p2 =	por !p2, p0  }
0x20: {  	[sflag:s8] =	ssyncset.s32 @!p0 $0xFFFFF086;
	s6 =	sadd.s32 @!p0 s3, s7;
	s7 =	simm.s32 @!p0 $0x108  }
0x21: {  	s3 =	sadd.s32 s3, s9;
	s6 =	sadd.s32 @!p0 $0x88, s6;
	s7 =	simm.s32 @p2 $0x1082  }
0x22: {  	[simem:s7], [sflag:s8] =	dma.local @!p0 [hbm:s6], $0xF7A  }
0x23: {  	s9 =	sor.u32 $0xD0000000, s2;
	s6 =	simm.s32 $0x108;
	_ =	swait.ge @!p0 [sflag:s8], $0x0  }
0x24: {  	s3 =	sadd.s32 $0x88, s3;
	s6 =	simm.s32 @!p1 $0x1082;
	[sflag:s4] =	ssyncset.s32 $0xFFFFF086  }
0x25: {  	[simem:s6], [sflag:s4] =	dma.local [hbm:s3], $0xF7A  }
0x26: {  	[smem:$0x3F82] =	sst s1;
	(tag) =	ssettag s2;
	_ =	strace s9  }
0x27: {  	s1 =	sld [smem:$0x3F92]  }
0x28: {  	s2 =	sld [smem:$0x3F93]  }
0x29: {  	s4 =	sld [smem:$0x3F95]  }
0x2a: {  	p0 =	seq.s32 s5, $0x0;
	s5 =	sld [smem:$0x3F96]  }
0x2b: {  	s6 =	sld [smem:$0x3F97]  }
0x2c: {  	s7 =	sld [smem:$0x3F98]  }
0x2d: {  	s3 =	simm.s32 $0x108;
	s8 =	sld [smem:$0x3F99]  }
0x2e: {  	s3 =	simm.s32 @!p0 $0x1082;
	s9 =	sld [smem:$0x3F9A]  }
0x2f: {  	lr =	sadd.s32 s0, s3;
	s0 =	sld [smem:$0x3F91]  }
0x30: {  	s3 =	sld [smem:$0x3F94]  }
0x31: {  	[smem:$0x3F9D] =	sst s10  }
0x32: {  	s10 =	sld [smem:$0x3F9B];
	_ =	sdelay $0x3  }
0x33: {  	p0 =	seq.s32 s10, $0x1;
	s10 =	sld [smem:$0x3F9D];
	_ =	sdelay $0x3  }
0x34: {  	[smem:$0x3F9D] =	sst s10  }
0x35: {  	s10 =	sld [smem:$0x3F9C];
	_ =	sdelay $0x3  }
0x36: {  	p1 =	seq.s32 s10, $0x1;
	s10 =	sld [smem:$0x3F9D];
	_ =	sdelay $0x3  }
0x37: {  	[smem:$0x3F9D] =	sst s10  }
0x38: {  	s10 =	sld [smem:$0x3F9E]  }
0x39: {  	_ = 	snop;
	(pc) =	sbr.ind lr, $3  }
0x3a: {  	_ = 	snop  }
0x3b: {  	_ = 	snop  }
0x3c: {  	p2 =	seq.s32 s10, $0x1;
	s10 =	sld [smem:$0x3F9D]  }
0x3d: {  	_ =	shalt  }
0x3e: {  	_ =	shalt  }
0x3f: {  	_ =	shalt  }
0x40: {  	_ =	shalt  }
0x41: {  	_ =	shalt  }
0x42: {  	_ =	shalt  }
0x43: {  	_ =	shalt  }
0x44: {  	_ =	shalt  }
0x45: {  	_ =	shalt  }
0x46: {  	_ =	shalt  }
0x47: {  	_ =	shalt  }
0x48: {  	_ =	shalt  }
0x49: {  	_ =	shalt  }
0x4a: {  	_ =	shalt  }
0x4b: {  	_ =	shalt  }
0x4c: {  	_ =	shalt  }
0x4d: {  	_ =	shalt  }
0x4e: {  	_ =	shalt  }
0x4f: {  	_ =	shalt  }
0x50: {  	_ =	shalt  }
0x51: {  	_ =	shalt  }
0x52: {  	_ =	shalt  }
0x53: {  	_ =	shalt  }
0x54: {  	_ =	shalt  }
0x55: {  	_ =	shalt  }
0x56: {  	_ =	shalt  }
0x57: {  	_ =	shalt  }
0x58: {  	_ =	shalt  }
0x59: {  	_ =	shalt  }
0x5a: {  	_ =	shalt  }
0x5b: {  	_ =	shalt  }
0x5c: {  	_ =	shalt  }
0x5d: {  	_ =	shalt  }
0x5e: {  	_ =	shalt  }
0x5f: {  	_ =	shalt  }
0x60: {  	_ =	shalt  }
0x61: {  	_ =	shalt  }
0x62: {  	_ =	shalt  }
0x63: {  	_ =	shalt  }
0x64: {  	_ =	shalt  }
0x65: {  	_ =	shalt  }
0x66: {  	_ =	shalt  }
0x67: {  	_ =	shalt  }
0x68: {  	_ =	shalt  }
0x69: {  	_ =	shalt  }
0x6a: {  	_ =	shalt  }
0x6b: {  	_ =	shalt  }
0x6c: {  	_ =	shalt  }
0x6d: {  	_ =	shalt  }
0x6e: {  	_ =	shalt  }
0x6f: {  	_ =	shalt  }
0x70: {  	_ =	shalt  }
0x71: {  	_ =	shalt  }
0x72: {  	_ =	shalt  }
0x73: {  	_ =	shalt  }
0x74: {  	_ =	shalt  }
0x75: {  	_ =	shalt  }
0x76: {  	_ =	shalt  }
0x77: {  	_ =	shalt  }
0x78: {  	_ =	shalt  }
0x79: {  	_ =	shalt  }
0x7a: {  	_ =	shalt  }
0x7b: {  	_ =	shalt  }
0x7c: {  	_ =	shalt  }
0x7d: {  	_ =	shalt  }
0x7e: {  	_ =	shalt  }
0x7f: {  	_ =	shalt  }
0x80: {  	_ =	shalt  }
0x81: {  	_ =	shalt  }
0x82: {  	_ =	shalt  }
0x83: {  	_ =	shalt  }
0x84: {  	_ =	shalt  }
0x85: {  	_ =	shalt  }
0x86: {  	_ =	shalt  }
0x87: {  	_ =	shalt  }
.Lfunc_end0:
.L_simem_size_0:
called_computation.2_lowered:
.L_overlay_start_0:
0x88: {  	s2 =	sld [smem:$0x3FD9]  }
0x89: {  	s3 =	sld [smem:$0x3FFE];
	_ =	sdelay $0x1  }
0x8a: {  	s1 =	srdreg.scid  }
0x8b: {  	s0 =	sand.u32 $0x1, s1  }
0x8c: {  	s14 =	sshll.u32 s0, $0xA;
	s2 =	sadd.s32 s3, s2  }
0x8d: {  	s2 =	sadd.s32 s2, s14  }
0x8e: {  	[smem:$0x3FA9] =	sst s2  }
0x8f: {  	_ = 	snop  }
0x90: {  	s2 =	sld [smem:$0x3FD0];
	_ =	sdelay $0x2  }
0x91: {  	s15 =	simm.s32 $0xB;
	s4 =	simm.s32 $0x10  }
0x92: {  	[smem:s4], [sflag:s15] =	dma.local [hbm:s2], $0x1  }
0x93: {  	_ =	swait.eq [sflag:s15], $0x1  }
0x94: {  	[sflag:s15] =	ssyncset.done $0x0  }
0x95: {  	[sflag:s15] =	ssyncadd.s32 $0xFFFFFFFF  }
0x96: {  	s16 =	sld [smem:$0x10];
	(tm) =	ssettm $0x1  }
0x97: {  	s17 =	sld [smem:$0x3FFB];
	_ =	sdelay $0x3  }
0x98: {  	_ =	strace s17  }
0x99: {  	s3 =	sld [smem:$0x3FFC];
	_ =	sdelay $0x3  }
0x9a: {  	_ =	strace s3  }
0x9b: {  	s3 =	sld [smem:$0x3FFD];
	_ =	sdelay $0x3  }
0x9c: {  	_ =	strace s3  }
0x9d: {  	_ =	strace $0x8FFFFFFF  }
0x9e: {  	s18 =	sld [smem:$0x3FDB];
	_ =	sdelay $0x1  }
0x9f: {  	s19 =	simm.s32 $_scs_section_size  }
0xa0: {  	s5 =	simm.s32 $_size__tile_overlayer_lowered;
	s6 =	simm.s32 $_tile_overlayer_lowered  }
0xa1: {  	s22 =	simm.s32 $0x1BFF;
	s21 =	sshll.u32 s6, $0x1;
	s3 =	sadd.s32 s19, s18  }
0xa2: {  	s7 =	simm.s32 $0x0;
	s20 =	sshll.u32 s5, $0x1;
	s5 =	sadd.s32 s21, s3  }
0xa3: {  	[timem:s7], [sflag:s22] =	dma.local [hbm:s5], s20  }
0xa4: {  	_ =	swait.ge [sflag:s22], s20  }
0xa5: {  	s4 =	ssub.s32 $0x0, s20;
	[sflag:s22] =	ssyncset.done $0x0  }
0xa6: {  	[sflag:s22] =	ssyncadd.s32 s4;
	_ =	sdelay $0x1  }
0xa7: {  	s23 =	simm.s32 $0x1B8B  }
0xa8: {  	_ =	swait.ge [sflag:s23], $0x1  }
0xa9: {  	[sflag:s23] =	ssyncset.done $0x0  }
0xaa: {  	s25 =	simm.s32 $0x1B8E;
	s24 =	sld [smem:$0x3FFE];
	[sflag:s23] =	ssyncadd.s32 $0xFFFFFFFF  }
0xab: {  	s26 =	simm.s32 $execute0_lowered;
	[smem:$0x3FD2] =	sst s25  }
0xac: {  	s5 =	sshll.u32 s26, $0x1;
	_ =	strace $0x8000004C;
	[dreg:$0x1] =	wrdreg $0xFFFFFFFF  }
0xad: {  	s28 =	simm.s32 $_size_execute0_lowered;
	s3 =	sadd.s32 s3, s5;
	[dreg:$0x0] =	wrdreg $0x0  }
0xae: {  	s5 =	sshll.u32 s28, $0x1;
	[dreg:$0x2] =	wrdreg s3  }
0xaf: {  	[dreg:$0x3] =	wrdreg s5  }
0xb0: {  	[dreg:$0x4] =	wrdreg $0xC0  }
0xb1: {  	_ =	task [dreg:s7], $0x5FFFF  }
0xb2: {  	[dreg:$0x1] =	wrdreg $0xFFFFFFFF  }
0xb3: {  	[dreg:$0x0] =	wrdreg $0x60  }
0xb4: {  	[dreg:$0x2] =	wrdreg s16  }
0xb5: {  	[dreg:$0x3] =	wrdreg s24  }
0xb6: {  	[dreg:$0x4] =	wrdreg $0x116000  }
0xb7: {  	[dreg:$0x5] =	wrdreg $0x9  }
0xb8: {  	_ =	task.clear_ibuf [dreg:s7], $0x6FFFF;
	_ =	strace $0x9000004C  }
0xb9: {  	s29 =	simm.s32 $0x9;
	_ =	strace $0x8000004E  }
0xba: {  	_ =	swait.ge [sflag:s29], $0x1  }
0xbb: {  	[sflag:s29] =	ssyncadd.s32 $0xFFFFFFFF  }
0xbc: {  	_ =	strace $0x9000004E  }
0xbd: {  	_ =	sfence  }
0xbe: {  	s30 =	sld [smem:$0x0];
	_ =	sdelay $0x2  }
0xbf: {  	s31 =	sshll.u32 s1, $0xD;
	s1 =	sshrl.u32 s1, $0x2  }
0xc0: {  	s3 =	sand.u32 $0x4000, s31;
	s1 =	sadd.s32 s1, s30  }
0xc1: {  	s0 =	sor.u32 s3, s0;
	s1 =	sshll.u32 s1, $0x11  }
0xc2: {  	s0 =	sor.u32 s1, s0  }
0xc3: {  	s0 =	sadd.s32 $0x8F2B, s0  }
0xc4: {  	[sflag:s0] =	ssyncadd.remote.s32 $0x1  }
0xc5: {  	_ =	sfence.sel $0xFFFF  }
0xc6: {  	[dreg:$0x0] =	wrdreg $0xFFFFFFFF;
	(pc) =	sbr.abs _section_cstart, $3  }
0xc7: {  	[dreg:$0x1] =	wrdreg $0xFFFFFFFF  }
0xc8: {  	_ =	task.clear_ibuf [dreg:s7], $0x2FFFF;
	_ =	strace $0x9FFFFFFF  }
0xc9: {  	(tm) =	ssettm $0x7FFFFFFF  }
tec
execute0_lowered:
.L_overlay_start_1:
0x0: {  	(tag) =	ssettag $0x1  }
0x1: {  	s2 =	rddreg [dreg:$0x0]  }
0x2: {  	s5 =	rddreg [dreg:$0x1]  }
0x3: {  	s3 =	rddreg [dreg:$0x2]  }
0x4: {  	s0 =	rddreg [dreg:$0x3];
	s1 =	stileid.u32  }
0x5: {  	s6 =	srdreg.scid;
	s4 =	simm.s32 $0x0;
	s14 =	simm.s32 $0xEE00  }
0x6: {  	s15 =	simm.s32 $0x3;
	s16 =	simm.s32 $0x4E80;
	s17 =	simm.s32 $0x50  }
0x7: {  	s18 =	simm.s32 $0x9E00;
	s19 =	simm.s32 $0xC600;
	s20 =	simm.s32 $0x1  }
0x8: {  	s21 =	simm.s32 $0x9D00;
	s23 =	simm.s32 $0x2;
	s7 =	smul.u32 $0x9C4, s1  }
0x9: {  	s6 =	sand.u32 $0x1, s6;
	[smem:$0x7FF] =	sst s4;
	s9 =	smul.u32 $0x140, s1  }
0xa: {  	s11 =	smul.u32 $0x28000, s1;
	s12 =	sadd.s32 $0x1AE00, s5;
	s24 =	sadd.s32 $0x96000, s3  }
0xb: {  	p0 =	seq.s32 s1, $0xF;
	s22 =	smul.u32 $0x13C0, s6;
	_ =	strace $0x8000004D  }
0xc: {  	s8 =	ssub.s32 $0x2, s6;
	s26 =	smul.u32 $0x9E000, s6;
	s24 =	sshrl.u32 @p0 s24, $0x3  }
0xd: {  	s7 =	sadd.s32 s7, s5;
	s10 =	sshrl.u32 s8, $0x1;
	s29 =	sshrl.u32 s11, $0x2  }
0xe: {  	s10 =	ssub.s32 s8, s10;
	s5 =	sadd.s32 $0x11000, s7;
	s6 =	sadd.s32 $0x7200, s7  }
0xf: {  	s28 =	sadd.s32 s9, s22;
	s13 =	sshrl.u32 s26, $0x3;
	s7 =	sadd.s32 s29, s3  }
0x10: {  	v0 =	vmov s22;
	s22 =	simm.s32 $0x9D80;
	s30 =	sshll.u32 s28, $0x4;
	s31 =	sadd.s32 s12, s13  }
0x11: {  	s10 =	smax.u32 s10, $0x1;
	s11 =	sadd.s32 $0x2800, s7;
	s13 =	sadd.s32 $0x7800, s7  }
0x12: {  	v1 =	vimm.f32 $0.0e+00;
	s8 =	sadd.s32 s12, s30;
	s9 =	sadd.s32 $0x12C00, s31;
	s12 =	sadd.s32 $0x5000, s7  }
.LBB2_1:
0x13: {  	s25 =	simm.s32 $0x70;
	s26 =	simm.s32 $0x3C0  }
.LBB2_2:
0x14: {  	p1 =	sne.s32 s26, $0x9FC0;
	[tilespmem:s25+$0xEE00] =	vst v1  }
0x15: {  	[tilespmem:s25+$0xED90] =	vst v1  }
0x16: {  	[tilespmem:s25+$0xEDA0] =	vst v1  }
.Ltmp0:
0x17: {  	[tilespmem:s25+$0xEDB0] =	vst v1;
	(pc) =	sbr.rel @p1 .LBB2_2-.Ltmp0, $4  }
0x18: {  	[tilespmem:s25+$0xEDC0] =	vst v1  }
0x19: {  	[tilespmem:s25+$0xEDD0] =	vst v1  }
0x1a: {  	[tilespmem:s25+$0xEDE0] =	vst v1  }
0x1b: {  	[tilespmem:s25+$0xEDF0] =	vst v1;
	s25 =	sshra.s32 s26, $0x2;
	s26 =	sadd.s32 $0x200, s26  }
0x1c: {  	[tilespmem:s25+$0xEE00] =	vst v1  }
0x1d: {  	[tilespmem:s25+$0xED90] =	vst v1  }
0x1e: {  	[tilespmem:s25+$0xEDA0] =	vst v1  }
0x1f: {  	[tilespmem:s25+$0xEDB0] =	vst v1  }
0x20: {  	[tilespmem:s25+$0xEDC0] =	vst v1  }
0x21: {  	[tilespmem:s25+$0xEDD0] =	vst v1  }
0x22: {  	[tilespmem:s25+$0xEDE0] =	vst v1  }
0x23: {  	[tilespmem:s25+$0xEDF0] =	vst v1  }
0x24: {  	[spmem:s7] =	stream.linear.scatter [tilespmem:s14], [sflag:$0x3], $0x2800, $0x38;
	[tilespmem:$0x1B600] =	vst v63  }
0x25: {  	_ =	swait.ge [sflag:s15], $0x2800  }
0x26: {  	[sflag:s15] =	ssyncset.done $0x0  }
0x27: {  	[sflag:s15] =	ssyncadd.s32 $0xFFFFD800  }
0x28: {  	[spmem:s11] =	stream.linear.scatter [tilespmem:s14], [sflag:$0x3], $0x2800, $0x38;
	[tilespmem:$0x1B600] =	vst v63  }
0x29: {  	_ =	swait.ge [sflag:s15], $0x2800  }
0x2a: {  	[sflag:s15] =	ssyncset.done $0x0  }
0x2b: {  	[sflag:s15] =	ssyncadd.s32 $0xFFFFD800  }
0x2c: {  	[spmem:s12] =	stream.linear.scatter [tilespmem:s14], [sflag:$0x3], $0x2800, $0x38;
	[tilespmem:$0x1B600] =	vst v63  }
0x2d: {  	_ =	swait.ge [sflag:s15], $0x2800  }
0x2e: {  	[sflag:s15] =	ssyncset.done $0x0  }
0x2f: {  	[sflag:s15] =	ssyncadd.s32 $0xFFFFD800  }
0x30: {  	[spmem:s13] =	stream.linear.scatter [tilespmem:s14], [sflag:$0x3], $0x2800, $0x38;
	[tilespmem:$0x1B600] =	vst v63  }
0x31: {  	_ =	swait.ge [sflag:s15], $0x2800  }
0x32: {  	[sflag:s15] =	ssyncset.done $0x0  }
0x33: {  	s30 =	simm.s32 $0x0;
	[sflag:s15] =	ssyncadd.s32 $0xFFFFD800  }
0x34: {  	[tilespmem:s30], [sflag:$0x3] =	stream.linear.gather [hbm4b:s5+s30], $0x4E20, $0x38;
	[tilespmem:$0x1B600] =	vst v63  }
0x35: {  	_ =	swait.ge [sflag:s15], $0x4E20  }
0x36: {  	[sflag:s15] =	ssyncset.done $0x0  }
0x37: {  	[sflag:s15] =	ssyncadd.s32 $0xFFFFB1E0  }
0x38: {  	[tilespmem:s16], [sflag:$0x3] =	stream.linear.gather [hbm4b:s6+s30], $0x4E20, $0x38;
	[tilespmem:$0x1B600] =	vst v63  }
0x39: {  	_ =	swait.ge [sflag:s15], $0x4E20  }
0x3a: {  	[sflag:s15] =	ssyncset.done $0x0  }
0x3b: {  	[sflag:s15] =	ssyncadd.s32 $0xFFFFB1E0  }
0x3c: {  	s31 =	simm.s32 $0x0;
	[bflag:$0x0] =	sbarrier.arrive $0xFFFF  }
0x3d: {  	[tilespmem:s18], [sflag:$0x1] =	stream.indirect.gather [hbm4b:s2+s17], $0x80, s31, s17, $0xb8;
	[tilespmem:$0x1B600] =	vst v63  }
0x3e: {  	s26 =	simm.s32 $0x50  }
0x3f: {  	[tilespmem:s19], [sflag:$0x1] =	stream.indirect.gather [hbm4b:s2+s17], $0x80, s26, s17, $0xb8;
	[tilespmem:$0x1B600] =	vst v63  }
0x40: {  	v2 =	vld [tilespmem:s31+$0x4E80];
	_ =	sdelay $0x4  }
0x41: {  	v2 =	vsub.s32 v2, v0  }
0x42: {  	v2 =	vmin.u32 v2, $0x13C0  }
0x43: {  	[tilespmem:$0x9D00] =	vst v2  }
0x44: {  	v2 =	vld [tilespmem:s31+$0x4E90];
	_ =	sdelay $0x4  }
0x45: {  	v2 =	vsub.s32 v2, v0  }
0x46: {  	v2 =	vmin.u32 v2, $0x13C0  }
0x47: {  	[tilespmem:$0x9D10] =	vst v2  }
0x48: {  	v2 =	vld [tilespmem:s31+$0x4EA0];
	_ =	sdelay $0x4  }
0x49: {  	v2 =	vsub.s32 v2, v0  }
0x4a: {  	v2 =	vmin.u32 v2, $0x13C0  }
0x4b: {  	[tilespmem:$0x9D20] =	vst v2  }
0x4c: {  	v2 =	vld [tilespmem:s31+$0x4EB0];
	_ =	sdelay $0x4  }
0x4d: {  	v2 =	vsub.s32 v2, v0  }
0x4e: {  	v2 =	vmin.u32 v2, $0x13C0  }
0x4f: {  	[tilespmem:$0x9D30] =	vst v2  }
0x50: {  	v2 =	vld [tilespmem:s31+$0x4EC0];
	_ =	sdelay $0x4  }
0x51: {  	v2 =	vsub.s32 v2, v0  }
0x52: {  	v2 =	vmin.u32 v2, $0x13C0  }
0x53: {  	[tilespmem:$0x9D40] =	vst v2  }
0x54: {  	_ =	swait.ge [sflag:s20], $0x2800  }
0x55: {  	[sflag:s20] =	ssyncset.done $0x0  }
0x56: {  	[sflag:s20] =	ssyncadd.s32 $0xFFFFD800  }
0x57: {  	[spmem:s3] =	stream.indirect.scatter.add.f32 [tilespmem:s18], [sflag:$0x2], $0x80, s21, s17, $0xb8;
	[tilespmem:$0x1B600] =	vst v63  }
0x58: {  	v2 =	vld [tilespmem:s31+$0x4ED0];
	_ =	sdelay $0x4  }
0x59: {  	v2 =	vsub.s32 v2, v0  }
0x5a: {  	v2 =	vmin.u32 v2, $0x13C0  }
0x5b: {  	[tilespmem:$0x9D80] =	vst v2  }
0x5c: {  	v2 =	vld [tilespmem:s31+$0x4EE0];
	_ =	sdelay $0x4  }
0x5d: {  	v2 =	vsub.s32 v2, v0  }
0x5e: {  	v2 =	vmin.u32 v2, $0x13C0  }
0x5f: {  	[tilespmem:$0x9D90] =	vst v2  }
0x60: {  	v2 =	vld [tilespmem:s31+$0x4EF0];
	_ =	sdelay $0x4  }
0x61: {  	v2 =	vsub.s32 v2, v0  }
0x62: {  	v2 =	vmin.u32 v2, $0x13C0  }
0x63: {  	[tilespmem:$0x9DA0] =	vst v2  }
0x64: {  	v2 =	vld [tilespmem:s31+$0x4F00];
	_ =	sdelay $0x4  }
0x65: {  	v2 =	vsub.s32 v2, v0  }
0x66: {  	v2 =	vmin.u32 v2, $0x13C0  }
0x67: {  	[tilespmem:$0x9DB0] =	vst v2  }
0x68: {  	v2 =	vld [tilespmem:s31+$0x4F10];
	_ =	sdelay $0x4  }
0x69: {  	v2 =	vsub.s32 v2, v0  }
0x6a: {  	v2 =	vmin.u32 v2, $0x13C0  }
0x6b: {  	[tilespmem:$0x9DC0] =	vst v2  }
0x6c: {  	_ =	swait.ge [sflag:s20], $0x2800  }
0x6d: {  	[sflag:s20] =	ssyncset.done $0x0  }
0x6e: {  	[sflag:s20] =	ssyncadd.s32 $0xFFFFD800  }
0x6f: {  	[spmem:s3] =	stream.indirect.scatter.add.f32 [tilespmem:s19], [sflag:$0x2], $0x80, s22, s17, $0xb8;
	[tilespmem:$0x1B600] =	vst v63  }
0x70: {  	_ =	swait.ge [sflag:s23], $0x2800  }
0x71: {  	[sflag:s23] =	ssyncset.done $0x0  }
0x72: {  	[sflag:s23] =	ssyncadd.s32 $0xFFFFD800  }
0x73: {  	_ =	swait.ge [sflag:s23], $0x2800  }
0x74: {  	s25 =	simm.s32 $0x280;
	s29 =	simm.s32 $0x500;
	[sflag:s23] =	ssyncset.done $0x0  }
.LBB2_4:
0x75: {  	s28 =	sshra.s32 s25, $0x2  }
0x76: {  	[sflag:s23] =	ssyncadd.s32 $0xFFFFD800;
	s25 =	smov.u32 s29;
	s26 =	sadd.s32 $0x280, s29  }
0x77: {  	[tilespmem:s18], [sflag:$0x1] =	stream.indirect.gather [hbm4b:s2+s17], $0x80, s28, s17, $0xb8;
	[tilespmem:$0x1B600] =	vst v63  }
0x78: {  	p1 =	sne.s32 s29, $0x13600;
	s29 =	sadd.s32 $0x50, s28  }
0x79: {  	[tilespmem:s19], [sflag:$0x1] =	stream.indirect.gather [hbm4b:s2+s17], $0x80, s29, s17, $0xb8;
	[tilespmem:$0x1B600] =	vst v63  }
0x7a: {  	v2 =	vld [tilespmem:s28+$0x4E80];
	_ =	sdelay $0x4  }
0x7b: {  	v2 =	vsub.s32 v2, v0  }
0x7c: {  	v2 =	vmin.u32 v2, $0x13C0  }
0x7d: {  	[tilespmem:$0x9D00] =	vst v2  }
0x7e: {  	v2 =	vld [tilespmem:s28+$0x4E90];
	_ =	sdelay $0x4  }
0x7f: {  	v2 =	vsub.s32 v2, v0  }
0x80: {  	v2 =	vmin.u32 v2, $0x13C0  }
0x81: {  	[tilespmem:$0x9D10] =	vst v2  }
0x82: {  	v2 =	vld [tilespmem:s28+$0x4EA0];
	_ =	sdelay $0x4  }
0x83: {  	v2 =	vsub.s32 v2, v0  }
0x84: {  	v2 =	vmin.u32 v2, $0x13C0  }
0x85: {  	[tilespmem:$0x9D20] =	vst v2  }
0x86: {  	v2 =	vld [tilespmem:s28+$0x4EB0];
	_ =	sdelay $0x4  }
0x87: {  	v2 =	vsub.s32 v2, v0  }
0x88: {  	v2 =	vmin.u32 v2, $0x13C0  }
0x89: {  	[tilespmem:$0x9D30] =	vst v2  }
0x8a: {  	v2 =	vld [tilespmem:s28+$0x4EC0];
	_ =	sdelay $0x4  }
0x8b: {  	v2 =	vsub.s32 v2, v0  }
0x8c: {  	v2 =	vmin.u32 v2, $0x13C0  }
0x8d: {  	[tilespmem:$0x9D40] =	vst v2  }
0x8e: {  	_ =	swait.ge [sflag:s20], $0x2800  }
0x8f: {  	[sflag:s20] =	ssyncset.done $0x0  }
0x90: {  	[sflag:s20] =	ssyncadd.s32 $0xFFFFD800  }
0x91: {  	[spmem:s3] =	stream.indirect.scatter.add.f32 [tilespmem:s18], [sflag:$0x2], $0x80, s21, s17, $0xb8;
	[tilespmem:$0x1B600] =	vst v63  }
0x92: {  	v2 =	vld [tilespmem:s28+$0x4ED0];
	_ =	sdelay $0x4  }
0x93: {  	v2 =	vsub.s32 v2, v0  }
0x94: {  	v2 =	vmin.u32 v2, $0x13C0  }
0x95: {  	[tilespmem:$0x9D80] =	vst v2  }
0x96: {  	v2 =	vld [tilespmem:s28+$0x4EE0];
	_ =	sdelay $0x4  }
0x97: {  	v2 =	vsub.s32 v2, v0  }
0x98: {  	v2 =	vmin.u32 v2, $0x13C0  }
0x99: {  	[tilespmem:$0x9D90] =	vst v2  }
0x9a: {  	v2 =	vld [tilespmem:s28+$0x4EF0];
	_ =	sdelay $0x4  }
0x9b: {  	v2 =	vsub.s32 v2, v0  }
0x9c: {  	v2 =	vmin.u32 v2, $0x13C0  }
0x9d: {  	[tilespmem:$0x9DA0] =	vst v2  }
0x9e: {  	v2 =	vld [tilespmem:s28+$0x4F00];
	_ =	sdelay $0x4  }
0x9f: {  	v2 =	vsub.s32 v2, v0  }
0xa0: {  	v2 =	vmin.u32 v2, $0x13C0  }
0xa1: {  	[tilespmem:$0x9DB0] =	vst v2  }
0xa2: {  	v2 =	vld [tilespmem:s28+$0x4F10];
	_ =	sdelay $0x4  }
0xa3: {  	v2 =	vsub.s32 v2, v0  }
0xa4: {  	v2 =	vmin.u32 v2, $0x13C0  }
0xa5: {  	[tilespmem:$0x9DC0] =	vst v2  }
0xa6: {  	_ =	swait.ge [sflag:s20], $0x2800  }
0xa7: {  	[sflag:s20] =	ssyncset.done $0x0  }
0xa8: {  	[sflag:s20] =	ssyncadd.s32 $0xFFFFD800  }
0xa9: {  	[spmem:s3] =	stream.indirect.scatter.add.f32 [tilespmem:s19], [sflag:$0x2], $0x80, s22, s17, $0xb8;
	[tilespmem:$0x1B600] =	vst v63  }
.Ltmp1:
0xaa: {  	_ =	swait.ge [sflag:s23], $0x2800;
	(pc) =	sbr.rel @p1 .LBB2_4-.Ltmp1, $4  }
0xab: {  	[sflag:s23] =	ssyncset.done $0x0  }
0xac: {  	[sflag:s23] =	ssyncadd.s32 $0xFFFFD800  }
0xad: {  	_ =	swait.ge [sflag:s23], $0x2800  }
0xae: {  	s29 =	smov.u32 s26;
	[sflag:s23] =	ssyncset.done $0x0  }
0xaf: {  	s25 =	sshra.s32 s25, $0x2;
	[sflag:s23] =	ssyncadd.s32 $0xFFFFD800  }
0xb0: {  	[tilespmem:s18], [sflag:$0x1] =	stream.indirect.gather [hbm4b:s2+s17], $0x80, s25, s17, $0xb8;
	[tilespmem:$0x1B600] =	vst v63  }
0xb1: {  	s26 =	sadd.s32 $0x50, s25  }
0xb2: {  	[tilespmem:s19], [sflag:$0x1] =	stream.indirect.gather [hbm4b:s2+s17], $0x80, s26, s17, $0xb8;
	[tilespmem:$0x1B600] =	vst v63  }
0xb3: {  	v2 =	vld [tilespmem:s25+$0x4E80];
	_ =	sdelay $0x4  }
0xb4: {  	v2 =	vsub.s32 v2, v0  }
0xb5: {  	v2 =	vmin.u32 v2, $0x13C0  }
0xb6: {  	[tilespmem:$0x9D00] =	vst v2  }
0xb7: {  	v2 =	vld [tilespmem:s25+$0x4E90];
	_ =	sdelay $0x4  }
0xb8: {  	v2 =	vsub.s32 v2, v0  }
0xb9: {  	v2 =	vmin.u32 v2, $0x13C0  }
0xba: {  	[tilespmem:$0x9D10] =	vst v2  }
0xbb: {  	v2 =	vld [tilespmem:s25+$0x4EA0];
	_ =	sdelay $0x4  }
0xbc: {  	v2 =	vsub.s32 v2, v0  }
0xbd: {  	v2 =	vmin.u32 v2, $0x13C0  }
0xbe: {  	[tilespmem:$0x9D20] =	vst v2  }
0xbf: {  	v2 =	vld [tilespmem:s25+$0x4EB0];
	_ =	sdelay $0x4  }
0xc0: {  	v2 =	vsub.s32 v2, v0  }
0xc1: {  	v2 =	vmin.u32 v2, $0x13C0  }
0xc2: {  	[tilespmem:$0x9D30] =	vst v2  }
0xc3: {  	v2 =	vld [tilespmem:s25+$0x4EC0];
	_ =	sdelay $0x4  }
0xc4: {  	v2 =	vsub.s32 v2, v0  }
0xc5: {  	v2 =	vmin.u32 v2, $0x13C0  }
0xc6: {  	[tilespmem:$0x9D40] =	vst v2  }
0xc7: {  	_ =	swait.ge [sflag:s20], $0x2800  }
0xc8: {  	[sflag:s20] =	ssyncset.done $0x0  }
0xc9: {  	[sflag:s20] =	ssyncadd.s32 $0xFFFFD800  }
0xca: {  	[spmem:s3] =	stream.indirect.scatter.add.f32 [tilespmem:s18], [sflag:$0x2], $0x80, s21, s17, $0xb8;
	[tilespmem:$0x1B600] =	vst v63  }
0xcb: {  	v2 =	vld [tilespmem:s25+$0x4ED0];
	_ =	sdelay $0x4  }
0xcc: {  	v2 =	vsub.s32 v2, v0  }
0xcd: {  	v2 =	vmin.u32 v2, $0x13C0  }
0xce: {  	[tilespmem:$0x9D80] =	vst v2  }
0xcf: {  	v2 =	vld [tilespmem:s25+$0x4EE0];
	_ =	sdelay $0x4  }
0xd0: {  	v2 =	vsub.s32 v2, v0  }
0xd1: {  	v2 =	vmin.u32 v2, $0x13C0  }
0xd2: {  	[tilespmem:$0x9D90] =	vst v2  }
0xd3: {  	v2 =	vld [tilespmem:s25+$0x4EF0];
	_ =	sdelay $0x4  }
0xd4: {  	v2 =	vsub.s32 v2, v0  }
0xd5: {  	v2 =	vmin.u32 v2, $0x13C0  }
0xd6: {  	[tilespmem:$0x9DA0] =	vst v2  }
0xd7: {  	v2 =	vld [tilespmem:s25+$0x4F00];
	_ =	sdelay $0x4  }
0xd8: {  	v2 =	vsub.s32 v2, v0  }
0xd9: {  	v2 =	vmin.u32 v2, $0x13C0  }
0xda: {  	[tilespmem:$0x9DB0] =	vst v2  }
0xdb: {  	v2 =	vld [tilespmem:s25+$0x4F10];
	_ =	sdelay $0x4  }
0xdc: {  	v2 =	vsub.s32 v2, v0  }
0xdd: {  	v2 =	vmin.u32 v2, $0x13C0  }
0xde: {  	[tilespmem:$0x9DC0] =	vst v2  }
0xdf: {  	_ =	swait.ge [sflag:s20], $0x2800  }
0xe0: {  	[sflag:s20] =	ssyncset.done $0x0  }
0xe1: {  	[sflag:s20] =	ssyncadd.s32 $0xFFFFD800  }
0xe2: {  	[spmem:s3] =	stream.indirect.scatter.add.f32 [tilespmem:s19], [sflag:$0x2], $0x80, s22, s17, $0xb8;
	[tilespmem:$0x1B600] =	vst v63  }
0xe3: {  	_ =	swait.ge [sflag:s23], $0x2800  }
0xe4: {  	[sflag:s23] =	ssyncset.done $0x0  }
0xe5: {  	[sflag:s23] =	ssyncadd.s32 $0xFFFFD800  }
0xe6: {  	_ =	swait.ge [sflag:s23], $0x2800  }
0xe7: {  	[sflag:s23] =	ssyncset.done $0x0  }
0xe8: {  	[sflag:s23] =	ssyncadd.s32 $0xFFFFD800  }
0xe9: {  	s25 =	simm.s32 @p0 $0x1FC3;
	[bflag:$0x0] =	sbarrier.arrive $0xFFFF  }
0xea: {  	[hbm:s9], [sflag:s25] =	dma.local @p0 [spmem:s24], $0x1000  }
0xeb: {  	s25 =	simm.s32 @p0 $0x3  }
0xec: {  	s4 =	sadd.s32 $0x1, s4;
	_ =	swait.ge @p0 [sflag:s25], $0x1000  }
0xed: {  	p1 =	sne.s32 s4, s10;
	s26 =	sshll.u32 @!p0 s1, $0x6;
	[sflag:s25] =	ssyncset.done @p0 $0x0  }
0xee: {  	[sflag:s25] =	ssyncadd.s32 @p0 $0xFFFFF000;
	s25 =	sor.u32 @!p0 $0x1C03, s26;
	s26 =	sshrl.u32 @!p0 s7, $0x3  }
0xef: {  	[hbm:s8], [sflag:s25] =	dma.local @!p0 [spmem:s26], $0x1400  }
.Ltmp2:
0xf0: {  	_ = 	snop;
	(pc) =	sbr.rel @p1 .LBB2_1-.Ltmp2, $4  }
0xf1: {  	s25 =	simm.s32 @!p0 $0x3  }
0xf2: {  	_ =	swait.ge @!p0 [sflag:s25], $0x1400  }
0xf3: {  	[sflag:s25] =	ssyncset.done @!p0 $0x0  }
0xf4: {  	[sflag:s25] =	ssyncadd.s32 @!p0 $0xFFFFEC00  }
0xf5: {  	_ =	sfence.sel $0x180000  }
0xf6: {  	[bflag:$0x0] =	sbarrier.arrive $0xFFFF  }
0xf7: {  	p0 =	sne.s32 s1, $0x0;
	_ =	strace $0x9000004D  }
0xf8: {  	s0 =	sadd.s32 @!p0 $0x100000, s0;
	[bflag:$0x2] =	sbarrier.arrive $0xFFFF  }
0xf9: {  	[sflag:s0] =	ssyncadd.tile.s32 @!p0 $0x1;
	_ =	shalt  }
.Lfunc_end2:
_tile_overlayer_lowered:
.L_overlay_start_2:
0xfa: {  	(tag) =	ssettag $0x2  }
0xfb: {  	s0 =	rddreg [dreg:$0x0];
	s2 =	stileid.u32  }
0xfc: {  	s1 =	rddreg [dreg:$0x1];
	p0 =	sne.s32 s2, $0x0  }
0xfd: {  	s3 =	rddreg [dreg:$0x2];
	[bflag:$0x3] =	sbarrier.arrive $0xFFFF;
	s2 =	simm.s32 @!p0 $0x1C03  }
0xfe: {  	[timem:s3], [sflag:s2] =	dma.local @!p0 [hbm:s0], s1  }
0xff: {  	s0 =	simm.s32 @!p0 $0x3  }
0x100: {  	_ =	swait.ge @!p0 [sflag:s0], s1  }
0x101: {  	s1 =	ssub.s32 @!p0 $0x0, s1;
	[sflag:s0] =	ssyncset.done @!p0 $0x0  }
0x102: {  	[sflag:s0] =	ssyncadd.s32 @!p0 s1  }
0x103: {  	[bflag:$0x3] =	sbarrier.arrive $0xFFFF  }
0x104: {  	_ =	shalt  }

// kernel: kernel.21.cloned.1.call-start
scs
__scs_entry_jumppad:
0x0: {  	(pc) =	sbr.rel $0x88, $3  }
0x1: {  	(tag) =	ssettag $0x0;
	lr =	simm.s32 $0x1  }
0x2: {  	[smem:$0x3F82] =	sst lr;
	_ =	strace $0xD0000000  }
0x3: {  	_ = 	snop  }
0x4: {  	_ = 	snop  }
0x5: {  	_ = 	snop  }
0x6: {  	_ = 	snop  }
0x7: {  	_ = 	snop  }
__scs_overlays_trampoline_lowered:
0x8: {  	[smem:$0x3F91] =	sst s0  }
0x9: {  	[smem:$0x3F92] =	sst s1  }
0xa: {  	[smem:$0x3F93] =	sst s2  }
0xb: {  	[smem:$0x3F94] =	sst s3  }
0xc: {  	[smem:$0x3F95] =	sst s4  }
0xd: {  	[smem:$0x3F96] =	sst s5  }
0xe: {  	[smem:$0x3F97] =	sst s6  }
0xf: {  	[smem:$0x3F98] =	sst s7  }
0x10: {  	[smem:$0x3F99] =	sst s8  }
0x11: {  	[smem:$0x3F9A] =	sst s9;
	s0 =	simm.s32 @!p0 $0x0  }
0x12: {  	s1 =	sld [smem:$0x3F80];
	s0 =	simm.s32 @p0 $0x1  }
0x13: {  	[smem:$0x3F9B] =	sst s0;
	s0 =	simm.s32 @!p1 $0x0  }
0x14: {  	s2 =	sld [smem:$0x3F7F];
	s0 =	simm.s32 @p1 $0x1  }
0x15: {  	[smem:$0x3F9C] =	sst s0;
	s0 =	simm.s32 @!p2 $0x0  }
0x16: {  	s3 =	sld [smem:$0x3FDB];
	s0 =	simm.s32 @p2 $0x1  }
0x17: {  	s4 =	simm.s32 $0x1BF5;
	[smem:$0x3F9E] =	sst s0  }
0x18: {  	s0 =	sld [smem:$0x3F81];
	_ =	swait.ge [sflag:s4], $0x0  }
0x19: {  	s7 =	sld [smem:$0x3F82]  }
0x1a: {  	s8 =	sadd.s32 $0xFFFFE003, lr  }
0x1b: {  	s9 =	sadd.s32 $0xFFFFFEF7, lr;
	s5 =	simm.s32 $0xFFFFFFFF;
	p2 =	slt.u32 s8, $0xFFFFF086  }
0x1c: {  	p1 =	slt.u32 s9, $0xF7A;
	s5 =	simm.s32 @!p2 $0x0  }
0x1d: {  	s5 =	simm.s32 @p1 $0x1;
	p0 =	seq.s32 s7, s2  }
0x1e: {  	s7 =	smul.u32 @!p0 $0xF7A, s2;
	p2 =	seq.s32 @!p0 s5, $0x0  }
0x1f: {  	s9 =	smul.u32 $0xF7A, s1;
	s8 =	simm.s32 @!p0 $0x1BF5;
	p2 =	por !p2, p0  }
0x20: {  	[sflag:s8] =	ssyncset.s32 @!p0 $0xFFFFF086;
	s6 =	sadd.s32 @!p0 s3, s7;
	s7 =	simm.s32 @!p0 $0x108  }
0x21: {  	s3 =	sadd.s32 s3, s9;
	s6 =	sadd.s32 @!p0 $0x88, s6;
	s7 =	simm.s32 @p2 $0x1082  }
0x22: {  	[simem:s7], [sflag:s8] =	dma.local @!p0 [hbm:s6], $0xF7A  }
0x23: {  	s9 =	sor.u32 $0xD0000000, s2;
	s6 =	simm.s32 $0x108;
	_ =	swait.ge @!p0 [sflag:s8], $0x0  }
0x24: {  	s3 =	sadd.s32 $0x88, s3;
	s6 =	simm.s32 @!p1 $0x1082;
	[sflag:s4] =	ssyncset.s32 $0xFFFFF086  }
0x25: {  	[simem:s6], [sflag:s4] =	dma.local [hbm:s3], $0xF7A  }
0x26: {  	[smem:$0x3F82] =	sst s1;
	(tag) =	ssettag s2;
	_ =	strace s9  }
0x27: {  	s1 =	sld [smem:$0x3F92]  }
0x28: {  	s2 =	sld [smem:$0x3F93]  }
0x29: {  	s4 =	sld [smem:$0x3F95]  }
0x2a: {  	p0 =	seq.s32 s5, $0x0;
	s5 =	sld [smem:$0x3F96]  }
0x2b: {  	s6 =	sld [smem:$0x3F97]  }
0x2c: {  	s7 =	sld [smem:$0x3F98]  }
0x2d: {  	s3 =	simm.s32 $0x108;
	s8 =	sld [smem:$0x3F99]  }
0x2e: {  	s3 =	simm.s32 @!p0 $0x1082;
	s9 =	sld [smem:$0x3F9A]  }
0x2f: {  	lr =	sadd.s32 s0, s3;
	s0 =	sld [smem:$0x3F91]  }
0x30: {  	s3 =	sld [smem:$0x3F94]  }
0x31: {  	[smem:$0x3F9D] =	sst s10  }
0x32: {  	s10 =	sld [smem:$0x3F9B];
	_ =	sdelay $0x3  }
0x33: {  	p0 =	seq.s32 s10, $0x1;
	s10 =	sld [smem:$0x3F9D];
	_ =	sdelay $0x3  }
0x34: {  	[smem:$0x3F9D] =	sst s10  }
0x35: {  	s10 =	sld [smem:$0x3F9C];
	_ =	sdelay $0x3  }
0x36: {  	p1 =	seq.s32 s10, $0x1;
	s10 =	sld [smem:$0x3F9D];
	_ =	sdelay $0x3  }
0x37: {  	[smem:$0x3F9D] =	sst s10  }
0x38: {  	s10 =	sld [smem:$0x3F9E]  }
0x39: {  	_ = 	snop;
	(pc) =	sbr.ind lr, $3  }
0x3a: {  	_ = 	snop  }
0x3b: {  	_ = 	snop  }
0x3c: {  	p2 =	seq.s32 s10, $0x1;
	s10 =	sld [smem:$0x3F9D]  }
0x3d: {  	_ =	shalt  }
0x3e: {  	_ =	shalt  }
0x3f: {  	_ =	shalt  }
0x40: {  	_ =	shalt  }
0x41: {  	_ =	shalt  }
0x42: {  	_ =	shalt  }
0x43: {  	_ =	shalt  }
0x44: {  	_ =	shalt  }
0x45: {  	_ =	shalt  }
0x46: {  	_ =	shalt  }
0x47: {  	_ =	shalt  }
0x48: {  	_ =	shalt  }
0x49: {  	_ =	shalt  }
0x4a: {  	_ =	shalt  }
0x4b: {  	_ =	shalt  }
0x4c: {  	_ =	shalt  }
0x4d: {  	_ =	shalt  }
0x4e: {  	_ =	shalt  }
0x4f: {  	_ =	shalt  }
0x50: {  	_ =	shalt  }
0x51: {  	_ =	shalt  }
0x52: {  	_ =	shalt  }
0x53: {  	_ =	shalt  }
0x54: {  	_ =	shalt  }
0x55: {  	_ =	shalt  }
0x56: {  	_ =	shalt  }
0x57: {  	_ =	shalt  }
0x58: {  	_ =	shalt  }
0x59: {  	_ =	shalt  }
0x5a: {  	_ =	shalt  }
0x5b: {  	_ =	shalt  }
0x5c: {  	_ =	shalt  }
0x5d: {  	_ =	shalt  }
0x5e: {  	_ =	shalt  }
0x5f: {  	_ =	shalt  }
0x60: {  	_ =	shalt  }
0x61: {  	_ =	shalt  }
0x62: {  	_ =	shalt  }
0x63: {  	_ =	shalt  }
0x64: {  	_ =	shalt  }
0x65: {  	_ =	shalt  }
0x66: {  	_ =	shalt  }
0x67: {  	_ =	shalt  }
0x68: {  	_ =	shalt  }
0x69: {  	_ =	shalt  }
0x6a: {  	_ =	shalt  }
0x6b: {  	_ =	shalt  }
0x6c: {  	_ =	shalt  }
0x6d: {  	_ =	shalt  }
0x6e: {  	_ =	shalt  }
0x6f: {  	_ =	shalt  }
0x70: {  	_ =	shalt  }
0x71: {  	_ =	shalt  }
0x72: {  	_ =	shalt  }
0x73: {  	_ =	shalt  }
0x74: {  	_ =	shalt  }
0x75: {  	_ =	shalt  }
0x76: {  	_ =	shalt  }
0x77: {  	_ =	shalt  }
0x78: {  	_ =	shalt  }
0x79: {  	_ =	shalt  }
0x7a: {  	_ =	shalt  }
0x7b: {  	_ =	shalt  }
0x7c: {  	_ =	shalt  }
0x7d: {  	_ =	shalt  }
0x7e: {  	_ =	shalt  }
0x7f: {  	_ =	shalt  }
0x80: {  	_ =	shalt  }
0x81: {  	_ =	shalt  }
0x82: {  	_ =	shalt  }
0x83: {  	_ =	shalt  }
0x84: {  	_ =	shalt  }
0x85: {  	_ =	shalt  }
0x86: {  	_ =	shalt  }
0x87: {  	_ =	shalt  }
.Lfunc_end0:
.L_simem_size_0:
called_computation.3_lowered:
.L_overlay_start_0:
0x88: {  	s2 =	sld [smem:$0x3FD9]  }
0x89: {  	s3 =	sld [smem:$0x3FFE];
	_ =	sdelay $0x1  }
0x8a: {  	s1 =	srdreg.scid  }
0x8b: {  	s0 =	sand.u32 $0x1, s1  }
0x8c: {  	s14 =	sshll.u32 s0, $0xA;
	s2 =	sadd.s32 s3, s2  }
0x8d: {  	s2 =	sadd.s32 s2, s14  }
0x8e: {  	[smem:$0x3FA9] =	sst s2  }
0x8f: {  	_ = 	snop  }
0x90: {  	s2 =	sld [smem:$0x3FD0];
	_ =	sdelay $0x2  }
0x91: {  	s15 =	simm.s32 $0xB;
	s4 =	simm.s32 $0x10  }
0x92: {  	[smem:s4], [sflag:s15] =	dma.local [hbm:s2], $0x1  }
0x93: {  	_ =	swait.eq [sflag:s15], $0x1  }
0x94: {  	[sflag:s15] =	ssyncset.done $0x0  }
0x95: {  	[sflag:s15] =	ssyncadd.s32 $0xFFFFFFFF  }
0x96: {  	s16 =	sld [smem:$0x10];
	(tm) =	ssettm $0x1  }
0x97: {  	s17 =	sld [smem:$0x3FFB];
	_ =	sdelay $0x3  }
0x98: {  	_ =	strace s17  }
0x99: {  	s3 =	sld [smem:$0x3FFC];
	_ =	sdelay $0x3  }
0x9a: {  	_ =	strace s3  }
0x9b: {  	s3 =	sld [smem:$0x3FFD];
	_ =	sdelay $0x3  }
0x9c: {  	_ =	strace s3  }
0x9d: {  	_ =	strace $0x8FFFFFFF  }
0x9e: {  	s18 =	sld [smem:$0x3FDB];
	_ =	sdelay $0x1  }
0x9f: {  	s19 =	simm.s32 $_scs_section_size  }
0xa0: {  	s5 =	simm.s32 $_size__tile_overlayer_lowered;
	s6 =	simm.s32 $_tile_overlayer_lowered  }
0xa1: {  	s22 =	simm.s32 $0x1BFF;
	s21 =	sshll.u32 s6, $0x1;
	s3 =	sadd.s32 s19, s18  }
0xa2: {  	s7 =	simm.s32 $0x0;
	s20 =	sshll.u32 s5, $0x1;
	s5 =	sadd.s32 s21, s3  }
0xa3: {  	[timem:s7], [sflag:s22] =	dma.local [hbm:s5], s20  }
0xa4: {  	_ =	swait.ge [sflag:s22], s20  }
0xa5: {  	s4 =	ssub.s32 $0x0, s20;
	[sflag:s22] =	ssyncset.done $0x0  }
0xa6: {  	[sflag:s22] =	ssyncadd.s32 s4;
	_ =	sdelay $0x1  }
0xa7: {  	s23 =	simm.s32 $0x1B8B  }
0xa8: {  	_ =	swait.ge [sflag:s23], $0x1  }
0xa9: {  	[sflag:s23] =	ssyncset.done $0x0  }
0xaa: {  	s25 =	simm.s32 $0x1B8E;
	s24 =	sld [smem:$0x3FFE];
	[sflag:s23] =	ssyncadd.s32 $0xFFFFFFFF  }
0xab: {  	s26 =	simm.s32 $execute0_lowered;
	[smem:$0x3FD2] =	sst s25  }
0xac: {  	s5 =	sshll.u32 s26, $0x1;
	_ =	strace $0x8000004F;
	[dreg:$0x1] =	wrdreg $0xFFFFFFFF  }
0xad: {  	s28 =	simm.s32 $_size_execute0_lowered;
	s3 =	sadd.s32 s3, s5;
	[dreg:$0x0] =	wrdreg $0x0  }
0xae: {  	s5 =	sshll.u32 s28, $0x1;
	[dreg:$0x2] =	wrdreg s3  }
0xaf: {  	[dreg:$0x3] =	wrdreg s5  }
0xb0: {  	[dreg:$0x4] =	wrdreg $0xC0  }
0xb1: {  	_ =	task [dreg:s7], $0x5FFFF  }
0xb2: {  	[dreg:$0x1] =	wrdreg $0xFFFFFFFF  }
0xb3: {  	[dreg:$0x0] =	wrdreg $0x60  }
0xb4: {  	[dreg:$0x2] =	wrdreg s16  }
0xb5: {  	[dreg:$0x3] =	wrdreg s24  }
0xb6: {  	[dreg:$0x4] =	wrdreg $0x116000  }
0xb7: {  	[dreg:$0x5] =	wrdreg $0x9  }
0xb8: {  	_ =	task.clear_ibuf [dreg:s7], $0x6FFFF;
	_ =	strace $0x9000004F  }
0xb9: {  	s29 =	simm.s32 $0x9;
	_ =	strace $0x80000051  }
0xba: {  	_ =	swait.ge [sflag:s29], $0x1  }
0xbb: {  	[sflag:s29] =	ssyncadd.s32 $0xFFFFFFFF  }
0xbc: {  	_ =	strace $0x90000051  }
0xbd: {  	_ =	sfence  }
0xbe: {  	s30 =	sld [smem:$0x0];
	_ =	sdelay $0x2  }
0xbf: {  	s31 =	sshll.u32 s1, $0xD;
	s1 =	sshrl.u32 s1, $0x2  }
0xc0: {  	s3 =	sand.u32 $0x4000, s31;
	s1 =	sadd.s32 s1, s30  }
0xc1: {  	s0 =	sor.u32 s3, s0;
	s1 =	sshll.u32 s1, $0x11  }
0xc2: {  	s0 =	sor.u32 s1, s0  }
0xc3: {  	s0 =	sadd.s32 $0x8F2B, s0  }
0xc4: {  	[sflag:s0] =	ssyncadd.remote.s32 $0x1  }
0xc5: {  	_ =	sfence.sel $0xFFFF  }
0xc6: {  	[dreg:$0x0] =	wrdreg $0xFFFFFFFF;
	(pc) =	sbr.abs _section_cstart, $3  }
0xc7: {  	[dreg:$0x1] =	wrdreg $0xFFFFFFFF  }
0xc8: {  	_ =	task.clear_ibuf [dreg:s7], $0x2FFFF;
	_ =	strace $0x9FFFFFFF  }
0xc9: {  	(tm) =	ssettm $0x7FFFFFFF  }
tec
execute0_lowered:
.L_overlay_start_1:
0x0: {  	(tag) =	ssettag $0x1  }
0x1: {  	s2 =	rddreg [dreg:$0x0]  }
0x2: {  	s5 =	rddreg [dreg:$0x1]  }
0x3: {  	s3 =	rddreg [dreg:$0x2]  }
0x4: {  	s0 =	rddreg [dreg:$0x3];
	s1 =	stileid.u32  }
0x5: {  	s6 =	srdreg.scid;
	s4 =	simm.s32 $0x0;
	s14 =	simm.s32 $0xEE00  }
0x6: {  	s15 =	simm.s32 $0x3;
	s16 =	simm.s32 $0x4E80;
	s17 =	simm.s32 $0x50  }
0x7: {  	s18 =	simm.s32 $0x9E00;
	s19 =	simm.s32 $0xC600;
	s20 =	simm.s32 $0x1  }
0x8: {  	s21 =	simm.s32 $0x9D00;
	s23 =	simm.s32 $0x2;
	s7 =	smul.u32 $0x9C4, s1  }
0x9: {  	s6 =	sand.u32 $0x1, s6;
	[smem:$0x7FF] =	sst s4;
	s9 =	smul.u32 $0x140, s1  }
0xa: {  	s11 =	smul.u32 $0x28000, s1;
	s12 =	sadd.s32 $0x1AE00, s5;
	s24 =	sadd.s32 $0x96000, s3  }
0xb: {  	p0 =	seq.s32 s1, $0xF;
	s22 =	smul.u32 $0x13C0, s6;
	_ =	strace $0x80000050  }
0xc: {  	s8 =	ssub.s32 $0x2, s6;
	s26 =	smul.u32 $0x9E000, s6;
	s24 =	sshrl.u32 @p0 s24, $0x3  }
0xd: {  	s7 =	sadd.s32 s7, s5;
	s10 =	sshrl.u32 s8, $0x1;
	s29 =	sshrl.u32 s11, $0x2  }
0xe: {  	s10 =	ssub.s32 s8, s10;
	s5 =	sadd.s32 $0x11000, s7;
	s6 =	sadd.s32 $0x7200, s7  }
0xf: {  	s28 =	sadd.s32 s9, s22;
	s13 =	sshrl.u32 s26, $0x3;
	s7 =	sadd.s32 s29, s3  }
0x10: {  	v0 =	vmov s22;
	s22 =	simm.s32 $0x9D80;
	s30 =	sshll.u32 s28, $0x4;
	s31 =	sadd.s32 s12, s13  }
0x11: {  	s10 =	smax.u32 s10, $0x1;
	s11 =	sadd.s32 $0x2800, s7;
	s13 =	sadd.s32 $0x7800, s7  }
0x12: {  	v1 =	vimm.f32 $0.0e+00;
	s8 =	sadd.s32 s12, s30;
	s9 =	sadd.s32 $0x12C00, s31;
	s12 =	sadd.s32 $0x5000, s7  }
.LBB2_1:
0x13: {  	s25 =	simm.s32 $0x70;
	s26 =	simm.s32 $0x3C0  }
.LBB2_2:
0x14: {  	p1 =	sne.s32 s26, $0x9FC0;
	[tilespmem:s25+$0xEE00] =	vst v1  }
0x15: {  	[tilespmem:s25+$0xED90] =	vst v1  }
0x16: {  	[tilespmem:s25+$0xEDA0] =	vst v1  }
.Ltmp0:
0x17: {  	[tilespmem:s25+$0xEDB0] =	vst v1;
	(pc) =	sbr.rel @p1 .LBB2_2-.Ltmp0, $4  }
0x18: {  	[tilespmem:s25+$0xEDC0] =	vst v1  }
0x19: {  	[tilespmem:s25+$0xEDD0] =	vst v1  }
0x1a: {  	[tilespmem:s25+$0xEDE0] =	vst v1  }
0x1b: {  	[tilespmem:s25+$0xEDF0] =	vst v1;
	s25 =	sshra.s32 s26, $0x2;
	s26 =	sadd.s32 $0x200, s26  }
0x1c: {  	[tilespmem:s25+$0xEE00] =	vst v1  }
0x1d: {  	[tilespmem:s25+$0xED90] =	vst v1  }
0x1e: {  	[tilespmem:s25+$0xEDA0] =	vst v1  }
0x1f: {  	[tilespmem:s25+$0xEDB0] =	vst v1  }
0x20: {  	[tilespmem:s25+$0xEDC0] =	vst v1  }
0x21: {  	[tilespmem:s25+$0xEDD0] =	vst v1  }
0x22: {  	[tilespmem:s25+$0xEDE0] =	vst v1  }
0x23: {  	[tilespmem:s25+$0xEDF0] =	vst v1  }
0x24: {  	[spmem:s7] =	stream.linear.scatter [tilespmem:s14], [sflag:$0x3], $0x2800, $0x38;
	[tilespmem:$0x1B600] =	vst v63  }
0x25: {  	_ =	swait.ge [sflag:s15], $0x2800  }
0x26: {  	[sflag:s15] =	ssyncset.done $0x0  }
0x27: {  	[sflag:s15] =	ssyncadd.s32 $0xFFFFD800  }
0x28: {  	[spmem:s11] =	stream.linear.scatter [tilespmem:s14], [sflag:$0x3], $0x2800, $0x38;
	[tilespmem:$0x1B600] =	vst v63  }
0x29: {  	_ =	swait.ge [sflag:s15], $0x2800  }
0x2a: {  	[sflag:s15] =	ssyncset.done $0x0  }
0x2b: {  	[sflag:s15] =	ssyncadd.s32 $0xFFFFD800  }
0x2c: {  	[spmem:s12] =	stream.linear.scatter [tilespmem:s14], [sflag:$0x3], $0x2800, $0x38;
	[tilespmem:$0x1B600] =	vst v63  }
0x2d: {  	_ =	swait.ge [sflag:s15], $0x2800  }
0x2e: {  	[sflag:s15] =	ssyncset.done $0x0  }
0x2f: {  	[sflag:s15] =	ssyncadd.s32 $0xFFFFD800  }
0x30: {  	[spmem:s13] =	stream.linear.scatter [tilespmem:s14], [sflag:$0x3], $0x2800, $0x38;
	[tilespmem:$0x1B600] =	vst v63  }
0x31: {  	_ =	swait.ge [sflag:s15], $0x2800  }
0x32: {  	[sflag:s15] =	ssyncset.done $0x0  }
0x33: {  	s30 =	simm.s32 $0x0;
	[sflag:s15] =	ssyncadd.s32 $0xFFFFD800  }
0x34: {  	[tilespmem:s30], [sflag:$0x3] =	stream.linear.gather [hbm4b:s5+s30], $0x4E20, $0x38;
	[tilespmem:$0x1B600] =	vst v63  }
0x35: {  	_ =	swait.ge [sflag:s15], $0x4E20  }
0x36: {  	[sflag:s15] =	ssyncset.done $0x0  }
0x37: {  	[sflag:s15] =	ssyncadd.s32 $0xFFFFB1E0  }
0x38: {  	[tilespmem:s16], [sflag:$0x3] =	stream.linear.gather [hbm4b:s6+s30], $0x4E20, $0x38;
	[tilespmem:$0x1B600] =	vst v63  }
0x39: {  	_ =	swait.ge [sflag:s15], $0x4E20  }
0x3a: {  	[sflag:s15] =	ssyncset.done $0x0  }
0x3b: {  	[sflag:s15] =	ssyncadd.s32 $0xFFFFB1E0  }
0x3c: {  	s31 =	simm.s32 $0x0;
	[bflag:$0x0] =	sbarrier.arrive $0xFFFF  }
0x3d: {  	[tilespmem:s18], [sflag:$0x1] =	stream.indirect.gather [hbm4b:s2+s17], $0x80, s31, s17, $0xb8;
	[tilespmem:$0x1B600] =	vst v63  }
0x3e: {  	s26 =	simm.s32 $0x50  }
0x3f: {  	[tilespmem:s19], [sflag:$0x1] =	stream.indirect.gather [hbm4b:s2+s17], $0x80, s26, s17, $0xb8;
	[tilespmem:$0x1B600] =	vst v63  }
0x40: {  	v2 =	vld [tilespmem:s31+$0x4E80];
	_ =	sdelay $0x4  }
0x41: {  	v2 =	vsub.s32 v2, v0  }
0x42: {  	v2 =	vmin.u32 v2, $0x13C0  }
0x43: {  	[tilespmem:$0x9D00] =	vst v2  }
0x44: {  	v2 =	vld [tilespmem:s31+$0x4E90];
	_ =	sdelay $0x4  }
0x45: {  	v2 =	vsub.s32 v2, v0  }
0x46: {  	v2 =	vmin.u32 v2, $0x13C0  }
0x47: {  	[tilespmem:$0x9D10] =	vst v2  }
0x48: {  	v2 =	vld [tilespmem:s31+$0x4EA0];
	_ =	sdelay $0x4  }
0x49: {  	v2 =	vsub.s32 v2, v0  }
0x4a: {  	v2 =	vmin.u32 v2, $0x13C0  }
0x4b: {  	[tilespmem:$0x9D20] =	vst v2  }
0x4c: {  	v2 =	vld [tilespmem:s31+$0x4EB0];
	_ =	sdelay $0x4  }
0x4d: {  	v2 =	vsub.s32 v2, v0  }
0x4e: {  	v2 =	vmin.u32 v2, $0x13C0  }
0x4f: {  	[tilespmem:$0x9D30] =	vst v2  }
0x50: {  	v2 =	vld [tilespmem:s31+$0x4EC0];
	_ =	sdelay $0x4  }
0x51: {  	v2 =	vsub.s32 v2, v0  }
0x52: {  	v2 =	vmin.u32 v2, $0x13C0  }
0x53: {  	[tilespmem:$0x9D40] =	vst v2  }
0x54: {  	_ =	swait.ge [sflag:s20], $0x2800  }
0x55: {  	[sflag:s20] =	ssyncset.done $0x0  }
0x56: {  	[sflag:s20] =	ssyncadd.s32 $0xFFFFD800  }
0x57: {  	[spmem:s3] =	stream.indirect.scatter.add.f32 [tilespmem:s18], [sflag:$0x2], $0x80, s21, s17, $0xb8;
	[tilespmem:$0x1B600] =	vst v63  }
0x58: {  	v2 =	vld [tilespmem:s31+$0x4ED0];
	_ =	sdelay $0x4  }
0x59: {  	v2 =	vsub.s32 v2, v0  }
0x5a: {  	v2 =	vmin.u32 v2, $0x13C0  }
0x5b: {  	[tilespmem:$0x9D80] =	vst v2  }
0x5c: {  	v2 =	vld [tilespmem:s31+$0x4EE0];
	_ =	sdelay $0x4  }
0x5d: {  	v2 =	vsub.s32 v2, v0  }
0x5e: {  	v2 =	vmin.u32 v2, $0x13C0  }
0x5f: {  	[tilespmem:$0x9D90] =	vst v2  }
0x60: {  	v2 =	vld [tilespmem:s31+$0x4EF0];
	_ =	sdelay $0x4  }
0x61: {  	v2 =	vsub.s32 v2, v0  }
0x62: {  	v2 =	vmin.u32 v2, $0x13C0  }
0x63: {  	[tilespmem:$0x9DA0] =	vst v2  }
0x64: {  	v2 =	vld [tilespmem:s31+$0x4F00];
	_ =	sdelay $0x4  }
0x65: {  	v2 =	vsub.s32 v2, v0  }
0x66: {  	v2 =	vmin.u32 v2, $0x13C0  }
0x67: {  	[tilespmem:$0x9DB0] =	vst v2  }
0x68: {  	v2 =	vld [tilespmem:s31+$0x4F10];
	_ =	sdelay $0x4  }
0x69: {  	v2 =	vsub.s32 v2, v0  }
0x6a: {  	v2 =	vmin.u32 v2, $0x13C0  }
0x6b: {  	[tilespmem:$0x9DC0] =	vst v2  }
0x6c: {  	_ =	swait.ge [sflag:s20], $0x2800  }
0x6d: {  	[sflag:s20] =	ssyncset.done $0x0  }
0x6e: {  	[sflag:s20] =	ssyncadd.s32 $0xFFFFD800  }
0x6f: {  	[spmem:s3] =	stream.indirect.scatter.add.f32 [tilespmem:s19], [sflag:$0x2], $0x80, s22, s17, $0xb8;
	[tilespmem:$0x1B600] =	vst v63  }
0x70: {  	_ =	swait.ge [sflag:s23], $0x2800  }
0x71: {  	[sflag:s23] =	ssyncset.done $0x0  }
0x72: {  	[sflag:s23] =	ssyncadd.s32 $0xFFFFD800  }
0x73: {  	_ =	swait.ge [sflag:s23], $0x2800  }
0x74: {  	s25 =	simm.s32 $0x280;
	s29 =	simm.s32 $0x500;
	[sflag:s23] =	ssyncset.done $0x0  }
.LBB2_4:
0x75: {  	s28 =	sshra.s32 s25, $0x2  }
0x76: {  	[sflag:s23] =	ssyncadd.s32 $0xFFFFD800;
	s25 =	smov.u32 s29;
	s26 =	sadd.s32 $0x280, s29  }
0x77: {  	[tilespmem:s18], [sflag:$0x1] =	stream.indirect.gather [hbm4b:s2+s17], $0x80, s28, s17, $0xb8;
	[tilespmem:$0x1B600] =	vst v63  }
0x78: {  	p1 =	sne.s32 s29, $0x13600;
	s29 =	sadd.s32 $0x50, s28  }
0x79: {  	[tilespmem:s19], [sflag:$0x1] =	stream.indirect.gather [hbm4b:s2+s17], $0x80, s29, s17, $0xb8;
	[tilespmem:$0x1B600] =	vst v63  }
0x7a: {  	v2 =	vld [tilespmem:s28+$0x4E80];
	_ =	sdelay $0x4  }
0x7b: {  	v2 =	vsub.s32 v2, v0  }
0x7c: {  	v2 =	vmin.u32 v2, $0x13C0  }
0x7d: {  	[tilespmem:$0x9D00] =	vst v2  }
0x7e: {  	v2 =	vld [tilespmem:s28+$0x4E90];
	_ =	sdelay $0x4  }
0x7f: {  	v2 =	vsub.s32 v2, v0  }
0x80: {  	v2 =	vmin.u32 v2, $0x13C0  }
0x81: {  	[tilespmem:$0x9D10] =	vst v2  }
0x82: {  	v2 =	vld [tilespmem:s28+$0x4EA0];
	_ =	sdelay $0x4  }
0x83: {  	v2 =	vsub.s32 v2, v0  }
0x84: {  	v2 =	vmin.u32 v2, $0x13C0  }
0x85: {  	[tilespmem:$0x9D20] =	vst v2  }
0x86: {  	v2 =	vld [tilespmem:s28+$0x4EB0];
	_ =	sdelay $0x4  }
0x87: {  	v2 =	vsub.s32 v2, v0  }
0x88: {  	v2 =	vmin.u32 v2, $0x13C0  }
0x89: {  	[tilespmem:$0x9D30] =	vst v2  }
0x8a: {  	v2 =	vld [tilespmem:s28+$0x4EC0];
	_ =	sdelay $0x4  }
0x8b: {  	v2 =	vsub.s32 v2, v0  }
0x8c: {  	v2 =	vmin.u32 v2, $0x13C0  }
0x8d: {  	[tilespmem:$0x9D40] =	vst v2  }
0x8e: {  	_ =	swait.ge [sflag:s20], $0x2800  }
0x8f: {  	[sflag:s20] =	ssyncset.done $0x0  }
0x90: {  	[sflag:s20] =	ssyncadd.s32 $0xFFFFD800  }
0x91: {  	[spmem:s3] =	stream.indirect.scatter.add.f32 [tilespmem:s18], [sflag:$0x2], $0x80, s21, s17, $0xb8;
	[tilespmem:$0x1B600] =	vst v63  }
0x92: {  	v2 =	vld [tilespmem:s28+$0x4ED0];
	_ =	sdelay $0x4  }
0x93: {  	v2 =	vsub.s32 v2, v0  }
0x94: {  	v2 =	vmin.u32 v2, $0x13C0  }
0x95: {  	[tilespmem:$0x9D80] =	vst v2  }
0x96: {  	v2 =	vld [tilespmem:s28+$0x4EE0];
	_ =	sdelay $0x4  }
0x97: {  	v2 =	vsub.s32 v2, v0  }
0x98: {  	v2 =	vmin.u32 v2, $0x13C0  }
0x99: {  	[tilespmem:$0x9D90] =	vst v2  }
0x9a: {  	v2 =	vld [tilespmem:s28+$0x4EF0];
	_ =	sdelay $0x4  }
0x9b: {  	v2 =	vsub.s32 v2, v0  }
0x9c: {  	v2 =	vmin.u32 v2, $0x13C0  }
0x9d: {  	[tilespmem:$0x9DA0] =	vst v2  }
0x9e: {  	v2 =	vld [tilespmem:s28+$0x4F00];
	_ =	sdelay $0x4  }
0x9f: {  	v2 =	vsub.s32 v2, v0  }
0xa0: {  	v2 =	vmin.u32 v2, $0x13C0  }
0xa1: {  	[tilespmem:$0x9DB0] =	vst v2  }
0xa2: {  	v2 =	vld [tilespmem:s28+$0x4F10];
	_ =	sdelay $0x4  }
0xa3: {  	v2 =	vsub.s32 v2, v0  }
0xa4: {  	v2 =	vmin.u32 v2, $0x13C0  }
0xa5: {  	[tilespmem:$0x9DC0] =	vst v2  }
0xa6: {  	_ =	swait.ge [sflag:s20], $0x2800  }
0xa7: {  	[sflag:s20] =	ssyncset.done $0x0  }
0xa8: {  	[sflag:s20] =	ssyncadd.s32 $0xFFFFD800  }
0xa9: {  	[spmem:s3] =	stream.indirect.scatter.add.f32 [tilespmem:s19], [sflag:$0x2], $0x80, s22, s17, $0xb8;
	[tilespmem:$0x1B600] =	vst v63  }
.Ltmp1:
0xaa: {  	_ =	swait.ge [sflag:s23], $0x2800;
	(pc) =	sbr.rel @p1 .LBB2_4-.Ltmp1, $4  }
0xab: {  	[sflag:s23] =	ssyncset.done $0x0  }
0xac: {  	[sflag:s23] =	ssyncadd.s32 $0xFFFFD800  }
0xad: {  	_ =	swait.ge [sflag:s23], $0x2800  }
0xae: {  	s29 =	smov.u32 s26;
	[sflag:s23] =	ssyncset.done $0x0  }
0xaf: {  	s25 =	sshra.s32 s25, $0x2;
	[sflag:s23] =	ssyncadd.s32 $0xFFFFD800  }
0xb0: {  	[tilespmem:s18], [sflag:$0x1] =	stream.indirect.gather [hbm4b:s2+s17], $0x80, s25, s17, $0xb8;
	[tilespmem:$0x1B600] =	vst v63  }
0xb1: {  	s26 =	sadd.s32 $0x50, s25  }
0xb2: {  	[tilespmem:s19], [sflag:$0x1] =	stream.indirect.gather [hbm4b:s2+s17], $0x80, s26, s17, $0xb8;
	[tilespmem:$0x1B600] =	vst v63  }
0xb3: {  	v2 =	vld [tilespmem:s25+$0x4E80];
	_ =	sdelay $0x4  }
0xb4: {  	v2 =	vsub.s32 v2, v0  }
0xb5: {  	v2 =	vmin.u32 v2, $0x13C0  }
0xb6: {  	[tilespmem:$0x9D00] =	vst v2  }
0xb7: {  	v2 =	vld [tilespmem:s25+$0x4E90];
	_ =	sdelay $0x4  }
0xb8: {  	v2 =	vsub.s32 v2, v0  }
0xb9: {  	v2 =	vmin.u32 v2, $0x13C0  }
0xba: {  	[tilespmem:$0x9D10] =	vst v2  }
0xbb: {  	v2 =	vld [tilespmem:s25+$0x4EA0];
	_ =	sdelay $0x4  }
0xbc: {  	v2 =	vsub.s32 v2, v0  }
0xbd: {  	v2 =	vmin.u32 v2, $0x13C0  }
0xbe: {  	[tilespmem:$0x9D20] =	vst v2  }
0xbf: {  	v2 =	vld [tilespmem:s25+$0x4EB0];
	_ =	sdelay $0x4  }
0xc0: {  	v2 =	vsub.s32 v2, v0  }
0xc1: {  	v2 =	vmin.u32 v2, $0x13C0  }
0xc2: {  	[tilespmem:$0x9D30] =	vst v2  }
0xc3: {  	v2 =	vld [tilespmem:s25+$0x4EC0];
	_ =	sdelay $0x4  }
0xc4: {  	v2 =	vsub.s32 v2, v0  }
0xc5: {  	v2 =	vmin.u32 v2, $0x13C0  }
0xc6: {  	[tilespmem:$0x9D40] =	vst v2  }
0xc7: {  	_ =	swait.ge [sflag:s20], $0x2800  }
0xc8: {  	[sflag:s20] =	ssyncset.done $0x0  }
0xc9: {  	[sflag:s20] =	ssyncadd.s32 $0xFFFFD800  }
0xca: {  	[spmem:s3] =	stream.indirect.scatter.add.f32 [tilespmem:s18], [sflag:$0x2], $0x80, s21, s17, $0xb8;
	[tilespmem:$0x1B600] =	vst v63  }
0xcb: {  	v2 =	vld [tilespmem:s25+$0x4ED0];
	_ =	sdelay $0x4  }
0xcc: {  	v2 =	vsub.s32 v2, v0  }
0xcd: {  	v2 =	vmin.u32 v2, $0x13C0  }
0xce: {  	[tilespmem:$0x9D80] =	vst v2  }
0xcf: {  	v2 =	vld [tilespmem:s25+$0x4EE0];
	_ =	sdelay $0x4  }
0xd0: {  	v2 =	vsub.s32 v2, v0  }
0xd1: {  	v2 =	vmin.u32 v2, $0x13C0  }
0xd2: {  	[tilespmem:$0x9D90] =	vst v2  }
0xd3: {  	v2 =	vld [tilespmem:s25+$0x4EF0];
	_ =	sdelay $0x4  }
0xd4: {  	v2 =	vsub.s32 v2, v0  }
0xd5: {  	v2 =	vmin.u32 v2, $0x13C0  }
0xd6: {  	[tilespmem:$0x9DA0] =	vst v2  }
0xd7: {  	v2 =	vld [tilespmem:s25+$0x4F00];
	_ =	sdelay $0x4  }
0xd8: {  	v2 =	vsub.s32 v2, v0  }
0xd9: {  	v2 =	vmin.u32 v2, $0x13C0  }
0xda: {  	[tilespmem:$0x9DB0] =	vst v2  }
0xdb: {  	v2 =	vld [tilespmem:s25+$0x4F10];
	_ =	sdelay $0x4  }
0xdc: {  	v2 =	vsub.s32 v2, v0  }
0xdd: {  	v2 =	vmin.u32 v2, $0x13C0  }
0xde: {  	[tilespmem:$0x9DC0] =	vst v2  }
0xdf: {  	_ =	swait.ge [sflag:s20], $0x2800  }
0xe0: {  	[sflag:s20] =	ssyncset.done $0x0  }
0xe1: {  	[sflag:s20] =	ssyncadd.s32 $0xFFFFD800  }
0xe2: {  	[spmem:s3] =	stream.indirect.scatter.add.f32 [tilespmem:s19], [sflag:$0x2], $0x80, s22, s17, $0xb8;
	[tilespmem:$0x1B600] =	vst v63  }
0xe3: {  	_ =	swait.ge [sflag:s23], $0x2800  }
0xe4: {  	[sflag:s23] =	ssyncset.done $0x0  }
0xe5: {  	[sflag:s23] =	ssyncadd.s32 $0xFFFFD800  }
0xe6: {  	_ =	swait.ge [sflag:s23], $0x2800  }
0xe7: {  	[sflag:s23] =	ssyncset.done $0x0  }
0xe8: {  	[sflag:s23] =	ssyncadd.s32 $0xFFFFD800  }
0xe9: {  	s25 =	simm.s32 @p0 $0x1FC3;
	[bflag:$0x0] =	sbarrier.arrive $0xFFFF  }
0xea: {  	[hbm:s9], [sflag:s25] =	dma.local @p0 [spmem:s24], $0x1000  }
0xeb: {  	s25 =	simm.s32 @p0 $0x3  }
0xec: {  	s4 =	sadd.s32 $0x1, s4;
	_ =	swait.ge @p0 [sflag:s25], $0x1000  }
0xed: {  	p1 =	sne.s32 s4, s10;
	s26 =	sshll.u32 @!p0 s1, $0x6;
	[sflag:s25] =	ssyncset.done @p0 $0x0  }
0xee: {  	[sflag:s25] =	ssyncadd.s32 @p0 $0xFFFFF000;
	s25 =	sor.u32 @!p0 $0x1C03, s26;
	s26 =	sshrl.u32 @!p0 s7, $0x3  }
0xef: {  	[hbm:s8], [sflag:s25] =	dma.local @!p0 [spmem:s26], $0x1400  }
.Ltmp2:
0xf0: {  	_ = 	snop;
	(pc) =	sbr.rel @p1 .LBB2_1-.Ltmp2, $4  }
0xf1: {  	s25 =	simm.s32 @!p0 $0x3  }
0xf2: {  	_ =	swait.ge @!p0 [sflag:s25], $0x1400  }
0xf3: {  	[sflag:s25] =	ssyncset.done @!p0 $0x0  }
0xf4: {  	[sflag:s25] =	ssyncadd.s32 @!p0 $0xFFFFEC00  }
0xf5: {  	_ =	sfence.sel $0x180000  }
0xf6: {  	[bflag:$0x0] =	sbarrier.arrive $0xFFFF  }
0xf7: {  	p0 =	sne.s32 s1, $0x0;
	_ =	strace $0x90000050  }
0xf8: {  	s0 =	sadd.s32 @!p0 $0x100000, s0;
	[bflag:$0x2] =	sbarrier.arrive $0xFFFF  }
0xf9: {  	[sflag:s0] =	ssyncadd.tile.s32 @!p0 $0x1;
	_ =	shalt  }
.Lfunc_end2:
_tile_overlayer_lowered:
.L_overlay_start_2:
0xfa: {  	(tag) =	ssettag $0x2  }
0xfb: {  	s0 =	rddreg [dreg:$0x0];
	s2 =	stileid.u32  }
0xfc: {  	s1 =	rddreg [dreg:$0x1];
	p0 =	sne.s32 s2, $0x0  }
0xfd: {  	s3 =	rddreg [dreg:$0x2];
	[bflag:$0x3] =	sbarrier.arrive $0xFFFF;
	s2 =	simm.s32 @!p0 $0x1C03  }
0xfe: {  	[timem:s3], [sflag:s2] =	dma.local @!p0 [hbm:s0], s1  }
0xff: {  	s0 =	simm.s32 @!p0 $0x3  }
0x100: {  	_ =	swait.ge @!p0 [sflag:s0], s1  }
0x101: {  	s1 =	ssub.s32 @!p0 $0x0, s1;
	[sflag:s0] =	ssyncset.done @!p0 $0x0  }
0x102: {  	[sflag:s0] =	ssyncadd.s32 @!p0 s1  }
0x103: {  	[bflag:$0x3] =	sbarrier.arrive $0xFFFF  }
0x104: {  	_ =	shalt  }

// kernel: kernel.24.cloned.1.call-start
scs
__scs_entry_jumppad:
0x0: {  	(pc) =	sbr.rel $0x88, $3  }
0x1: {  	(tag) =	ssettag $0x0;
	lr =	simm.s32 $0x1  }
0x2: {  	[smem:$0x3F82] =	sst lr;
	_ =	strace $0xD0000000  }
0x3: {  	_ = 	snop  }
0x4: {  	_ = 	snop  }
0x5: {  	_ = 	snop  }
0x6: {  	_ = 	snop  }
0x7: {  	_ = 	snop  }
__scs_overlays_trampoline_lowered:
0x8: {  	[smem:$0x3F91] =	sst s0  }
0x9: {  	[smem:$0x3F92] =	sst s1  }
0xa: {  	[smem:$0x3F93] =	sst s2  }
0xb: {  	[smem:$0x3F94] =	sst s3  }
0xc: {  	[smem:$0x3F95] =	sst s4  }
0xd: {  	[smem:$0x3F96] =	sst s5  }
0xe: {  	[smem:$0x3F97] =	sst s6  }
0xf: {  	[smem:$0x3F98] =	sst s7  }
0x10: {  	[smem:$0x3F99] =	sst s8  }
0x11: {  	[smem:$0x3F9A] =	sst s9;
	s0 =	simm.s32 @!p0 $0x0  }
0x12: {  	s1 =	sld [smem:$0x3F80];
	s0 =	simm.s32 @p0 $0x1  }
0x13: {  	[smem:$0x3F9B] =	sst s0;
	s0 =	simm.s32 @!p1 $0x0  }
0x14: {  	s2 =	sld [smem:$0x3F7F];
	s0 =	simm.s32 @p1 $0x1  }
0x15: {  	[smem:$0x3F9C] =	sst s0;
	s0 =	simm.s32 @!p2 $0x0  }
0x16: {  	s3 =	sld [smem:$0x3FDB];
	s0 =	simm.s32 @p2 $0x1  }
0x17: {  	s4 =	simm.s32 $0x1BF5;
	[smem:$0x3F9E] =	sst s0  }
0x18: {  	s0 =	sld [smem:$0x3F81];
	_ =	swait.ge [sflag:s4], $0x0  }
0x19: {  	s7 =	sld [smem:$0x3F82]  }
0x1a: {  	s8 =	sadd.s32 $0xFFFFE003, lr  }
0x1b: {  	s9 =	sadd.s32 $0xFFFFFEF7, lr;
	s5 =	simm.s32 $0xFFFFFFFF;
	p2 =	slt.u32 s8, $0xFFFFF086  }
0x1c: {  	p1 =	slt.u32 s9, $0xF7A;
	s5 =	simm.s32 @!p2 $0x0  }
0x1d: {  	s5 =	simm.s32 @p1 $0x1;
	p0 =	seq.s32 s7, s2  }
0x1e: {  	s7 =	smul.u32 @!p0 $0xF7A, s2;
	p2 =	seq.s32 @!p0 s5, $0x0  }
0x1f: {  	s9 =	smul.u32 $0xF7A, s1;
	s8 =	simm.s32 @!p0 $0x1BF5;
	p2 =	por !p2, p0  }
0x20: {  	[sflag:s8] =	ssyncset.s32 @!p0 $0xFFFFF086;
	s6 =	sadd.s32 @!p0 s3, s7;
	s7 =	simm.s32 @!p0 $0x108  }
0x21: {  	s3 =	sadd.s32 s3, s9;
	s6 =	sadd.s32 @!p0 $0x88, s6;
	s7 =	simm.s32 @p2 $0x1082  }
0x22: {  	[simem:s7], [sflag:s8] =	dma.local @!p0 [hbm:s6], $0xF7A  }
0x23: {  	s9 =	sor.u32 $0xD0000000, s2;
	s6 =	simm.s32 $0x108;
	_ =	swait.ge @!p0 [sflag:s8], $0x0  }
0x24: {  	s3 =	sadd.s32 $0x88, s3;
	s6 =	simm.s32 @!p1 $0x1082;
	[sflag:s4] =	ssyncset.s32 $0xFFFFF086  }
0x25: {  	[simem:s6], [sflag:s4] =	dma.local [hbm:s3], $0xF7A  }
0x26: {  	[smem:$0x3F82] =	sst s1;
	(tag) =	ssettag s2;
	_ =	strace s9  }
0x27: {  	s1 =	sld [smem:$0x3F92]  }
0x28: {  	s2 =	sld [smem:$0x3F93]  }
0x29: {  	s4 =	sld [smem:$0x3F95]  }
0x2a: {  	p0 =	seq.s32 s5, $0x0;
	s5 =	sld [smem:$0x3F96]  }
0x2b: {  	s6 =	sld [smem:$0x3F97]  }
0x2c: {  	s7 =	sld [smem:$0x3F98]  }
0x2d: {  	s3 =	simm.s32 $0x108;
	s8 =	sld [smem:$0x3F99]  }
0x2e: {  	s3 =	simm.s32 @!p0 $0x1082;
	s9 =	sld [smem:$0x3F9A]  }
0x2f: {  	lr =	sadd.s32 s0, s3;
	s0 =	sld [smem:$0x3F91]  }
0x30: {  	s3 =	sld [smem:$0x3F94]  }
0x31: {  	[smem:$0x3F9D] =	sst s10  }
0x32: {  	s10 =	sld [smem:$0x3F9B];
	_ =	sdelay $0x3  }
0x33: {  	p0 =	seq.s32 s10, $0x1;
	s10 =	sld [smem:$0x3F9D];
	_ =	sdelay $0x3  }
0x34: {  	[smem:$0x3F9D] =	sst s10  }
0x35: {  	s10 =	sld [smem:$0x3F9C];
	_ =	sdelay $0x3  }
0x36: {  	p1 =	seq.s32 s10, $0x1;
	s10 =	sld [smem:$0x3F9D];
	_ =	sdelay $0x3  }
0x37: {  	[smem:$0x3F9D] =	sst s10  }
0x38: {  	s10 =	sld [smem:$0x3F9E]  }
0x39: {  	_ = 	snop;
	(pc) =	sbr.ind lr, $3  }
0x3a: {  	_ = 	snop  }
0x3b: {  	_ = 	snop  }
0x3c: {  	p2 =	seq.s32 s10, $0x1;
	s10 =	sld [smem:$0x3F9D]  }
0x3d: {  	_ =	shalt  }
0x3e: {  	_ =	shalt  }
0x3f: {  	_ =	shalt  }
0x40: {  	_ =	shalt  }
0x41: {  	_ =	shalt  }
0x42: {  	_ =	shalt  }
0x43: {  	_ =	shalt  }
0x44: {  	_ =	shalt  }
0x45: {  	_ =	shalt  }
0x46: {  	_ =	shalt  }
0x47: {  	_ =	shalt  }
0x48: {  	_ =	shalt  }
0x49: {  	_ =	shalt  }
0x4a: {  	_ =	shalt  }
0x4b: {  	_ =	shalt  }
0x4c: {  	_ =	shalt  }
0x4d: {  	_ =	shalt  }
0x4e: {  	_ =	shalt  }
0x4f: {  	_ =	shalt  }
0x50: {  	_ =	shalt  }
0x51: {  	_ =	shalt  }
0x52: {  	_ =	shalt  }
0x53: {  	_ =	shalt  }
0x54: {  	_ =	shalt  }
0x55: {  	_ =	shalt  }
0x56: {  	_ =	shalt  }
0x57: {  	_ =	shalt  }
0x58: {  	_ =	shalt  }
0x59: {  	_ =	shalt  }
0x5a: {  	_ =	shalt  }
0x5b: {  	_ =	shalt  }
0x5c: {  	_ =	shalt  }
0x5d: {  	_ =	shalt  }
0x5e: {  	_ =	shalt  }
0x5f: {  	_ =	shalt  }
0x60: {  	_ =	shalt  }
0x61: {  	_ =	shalt  }
0x62: {  	_ =	shalt  }
0x63: {  	_ =	shalt  }
0x64: {  	_ =	shalt  }
0x65: {  	_ =	shalt  }
0x66: {  	_ =	shalt  }
0x67: {  	_ =	shalt  }
0x68: {  	_ =	shalt  }
0x69: {  	_ =	shalt  }
0x6a: {  	_ =	shalt  }
0x6b: {  	_ =	shalt  }
0x6c: {  	_ =	shalt  }
0x6d: {  	_ =	shalt  }
0x6e: {  	_ =	shalt  }
0x6f: {  	_ =	shalt  }
0x70: {  	_ =	shalt  }
0x71: {  	_ =	shalt  }
0x72: {  	_ =	shalt  }
0x73: {  	_ =	shalt  }
0x74: {  	_ =	shalt  }
0x75: {  	_ =	shalt  }
0x76: {  	_ =	shalt  }
0x77: {  	_ =	shalt  }
0x78: {  	_ =	shalt  }
0x79: {  	_ =	shalt  }
0x7a: {  	_ =	shalt  }
0x7b: {  	_ =	shalt  }
0x7c: {  	_ =	shalt  }
0x7d: {  	_ =	shalt  }
0x7e: {  	_ =	shalt  }
0x7f: {  	_ =	shalt  }
0x80: {  	_ =	shalt  }
0x81: {  	_ =	shalt  }
0x82: {  	_ =	shalt  }
0x83: {  	_ =	shalt  }
0x84: {  	_ =	shalt  }
0x85: {  	_ =	shalt  }
0x86: {  	_ =	shalt  }
0x87: {  	_ =	shalt  }
.Lfunc_end0:
.L_simem_size_0:
called_computation.4_lowered:
.L_overlay_start_0:
0x88: {  	s2 =	sld [smem:$0x3FD9]  }
0x89: {  	s3 =	sld [smem:$0x3FFE];
	_ =	sdelay $0x1  }
0x8a: {  	s1 =	srdreg.scid  }
0x8b: {  	s0 =	sand.u32 $0x1, s1  }
0x8c: {  	s14 =	sshll.u32 s0, $0xA;
	s2 =	sadd.s32 s3, s2  }
0x8d: {  	s2 =	sadd.s32 s2, s14  }
0x8e: {  	[smem:$0x3FA9] =	sst s2  }
0x8f: {  	_ = 	snop  }
0x90: {  	s2 =	sld [smem:$0x3FD0];
	_ =	sdelay $0x2  }
0x91: {  	s15 =	simm.s32 $0xB;
	s4 =	simm.s32 $0x10  }
0x92: {  	[smem:s4], [sflag:s15] =	dma.local [hbm:s2], $0x1  }
0x93: {  	_ =	swait.eq [sflag:s15], $0x1  }
0x94: {  	[sflag:s15] =	ssyncset.done $0x0  }
0x95: {  	[sflag:s15] =	ssyncadd.s32 $0xFFFFFFFF  }
0x96: {  	s16 =	sld [smem:$0x10];
	(tm) =	ssettm $0x1  }
0x97: {  	s17 =	sld [smem:$0x3FFB];
	_ =	sdelay $0x3  }
0x98: {  	_ =	strace s17  }
0x99: {  	s3 =	sld [smem:$0x3FFC];
	_ =	sdelay $0x3  }
0x9a: {  	_ =	strace s3  }
0x9b: {  	s3 =	sld [smem:$0x3FFD];
	_ =	sdelay $0x3  }
0x9c: {  	_ =	strace s3  }
0x9d: {  	_ =	strace $0x8FFFFFFF  }
0x9e: {  	s18 =	sld [smem:$0x3FDB];
	_ =	sdelay $0x1  }
0x9f: {  	s19 =	simm.s32 $_scs_section_size  }
0xa0: {  	s5 =	simm.s32 $_size__tile_overlayer_lowered;
	s6 =	simm.s32 $_tile_overlayer_lowered  }
0xa1: {  	s22 =	simm.s32 $0x1BFF;
	s21 =	sshll.u32 s6, $0x1;
	s3 =	sadd.s32 s19, s18  }
0xa2: {  	s7 =	simm.s32 $0x0;
	s20 =	sshll.u32 s5, $0x1;
	s5 =	sadd.s32 s21, s3  }
0xa3: {  	[timem:s7], [sflag:s22] =	dma.local [hbm:s5], s20  }
0xa4: {  	_ =	swait.ge [sflag:s22], s20  }
0xa5: {  	s4 =	ssub.s32 $0x0, s20;
	[sflag:s22] =	ssyncset.done $0x0  }
0xa6: {  	[sflag:s22] =	ssyncadd.s32 s4;
	_ =	sdelay $0x1  }
0xa7: {  	s23 =	simm.s32 $0x1B8B  }
0xa8: {  	_ =	swait.ge [sflag:s23], $0x1  }
0xa9: {  	[sflag:s23] =	ssyncset.done $0x0  }
0xaa: {  	s25 =	simm.s32 $0x1B8E;
	s24 =	sld [smem:$0x3FFE];
	[sflag:s23] =	ssyncadd.s32 $0xFFFFFFFF  }
0xab: {  	s26 =	simm.s32 $execute0_lowered;
	[smem:$0x3FD2] =	sst s25  }
0xac: {  	s5 =	sshll.u32 s26, $0x1;
	_ =	strace $0x80000052;
	[dreg:$0x1] =	wrdreg $0xFFFFFFFF  }
0xad: {  	s28 =	simm.s32 $_size_execute0_lowered;
	s3 =	sadd.s32 s3, s5;
	[dreg:$0x0] =	wrdreg $0x0  }
0xae: {  	s5 =	sshll.u32 s28, $0x1;
	[dreg:$0x2] =	wrdreg s3  }
0xaf: {  	[dreg:$0x3] =	wrdreg s5  }
0xb0: {  	[dreg:$0x4] =	wrdreg $0xC0  }
0xb1: {  	_ =	task [dreg:s7], $0x5FFFF  }
0xb2: {  	[dreg:$0x1] =	wrdreg $0xFFFFFFFF  }
0xb3: {  	[dreg:$0x0] =	wrdreg $0x60  }
0xb4: {  	[dreg:$0x2] =	wrdreg s16  }
0xb5: {  	[dreg:$0x3] =	wrdreg s24  }
0xb6: {  	[dreg:$0x4] =	wrdreg $0x116000  }
0xb7: {  	[dreg:$0x5] =	wrdreg $0x9  }
0xb8: {  	_ =	task.clear_ibuf [dreg:s7], $0x6FFFF;
	_ =	strace $0x90000052  }
0xb9: {  	s29 =	simm.s32 $0x9;
	_ =	strace $0x80000054  }
0xba: {  	_ =	swait.ge [sflag:s29], $0x1  }
0xbb: {  	[sflag:s29] =	ssyncadd.s32 $0xFFFFFFFF  }
0xbc: {  	_ =	strace $0x90000054  }
0xbd: {  	_ =	sfence  }
0xbe: {  	s30 =	sld [smem:$0x0];
	_ =	sdelay $0x2  }
0xbf: {  	s31 =	sshll.u32 s1, $0xD;
	s1 =	sshrl.u32 s1, $0x2  }
0xc0: {  	s3 =	sand.u32 $0x4000, s31;
	s1 =	sadd.s32 s1, s30  }
0xc1: {  	s0 =	sor.u32 s3, s0;
	s1 =	sshll.u32 s1, $0x11  }
0xc2: {  	s0 =	sor.u32 s1, s0  }
0xc3: {  	s0 =	sadd.s32 $0x8F2B, s0  }
0xc4: {  	[sflag:s0] =	ssyncadd.remote.s32 $0x1  }
0xc5: {  	_ =	sfence.sel $0xFFFF  }
0xc6: {  	[dreg:$0x0] =	wrdreg $0xFFFFFFFF;
	(pc) =	sbr.abs _section_cstart, $3  }
0xc7: {  	[dreg:$0x1] =	wrdreg $0xFFFFFFFF  }
0xc8: {  	_ =	task.clear_ibuf [dreg:s7], $0x2FFFF;
	_ =	strace $0x9FFFFFFF  }
0xc9: {  	(tm) =	ssettm $0x7FFFFFFF  }
tec
execute0_lowered:
.L_overlay_start_1:
0x0: {  	(tag) =	ssettag $0x1  }
0x1: {  	s2 =	rddreg [dreg:$0x0]  }
0x2: {  	s5 =	rddreg [dreg:$0x1]  }
0x3: {  	s3 =	rddreg [dreg:$0x2]  }
0x4: {  	s0 =	rddreg [dreg:$0x3];
	s1 =	stileid.u32  }
0x5: {  	s6 =	srdreg.scid;
	s4 =	simm.s32 $0x0;
	s14 =	simm.s32 $0xEE00  }
0x6: {  	s15 =	simm.s32 $0x3;
	s16 =	simm.s32 $0x4E80;
	s17 =	simm.s32 $0x50  }
0x7: {  	s18 =	simm.s32 $0x9E00;
	s19 =	simm.s32 $0xC600;
	s20 =	simm.s32 $0x1  }
0x8: {  	s21 =	simm.s32 $0x9D00;
	s23 =	simm.s32 $0x2;
	s7 =	smul.u32 $0x9C4, s1  }
0x9: {  	s6 =	sand.u32 $0x1, s6;
	[smem:$0x7FF] =	sst s4;
	s9 =	smul.u32 $0x140, s1  }
0xa: {  	s11 =	smul.u32 $0x28000, s1;
	s12 =	sadd.s32 $0x1AE00, s5;
	s24 =	sadd.s32 $0x96000, s3  }
0xb: {  	p0 =	seq.s32 s1, $0xF;
	s22 =	smul.u32 $0x13C0, s6;
	_ =	strace $0x80000053  }
0xc: {  	s8 =	ssub.s32 $0x2, s6;
	s26 =	smul.u32 $0x9E000, s6;
	s24 =	sshrl.u32 @p0 s24, $0x3  }
0xd: {  	s7 =	sadd.s32 s7, s5;
	s10 =	sshrl.u32 s8, $0x1;
	s29 =	sshrl.u32 s11, $0x2  }
0xe: {  	s10 =	ssub.s32 s8, s10;
	s5 =	sadd.s32 $0x11000, s7;
	s6 =	sadd.s32 $0x7200, s7  }
0xf: {  	s28 =	sadd.s32 s9, s22;
	s13 =	sshrl.u32 s26, $0x3;
	s7 =	sadd.s32 s29, s3  }
0x10: {  	v0 =	vmov s22;
	s22 =	simm.s32 $0x9D80;
	s30 =	sshll.u32 s28, $0x4;
	s31 =	sadd.s32 s12, s13  }
0x11: {  	s10 =	smax.u32 s10, $0x1;
	s11 =	sadd.s32 $0x2800, s7;
	s13 =	sadd.s32 $0x7800, s7  }
0x12: {  	v1 =	vimm.f32 $0.0e+00;
	s8 =	sadd.s32 s12, s30;
	s9 =	sadd.s32 $0x12C00, s31;
	s12 =	sadd.s32 $0x5000, s7  }
.LBB2_1:
0x13: {  	s25 =	simm.s32 $0x70;
	s26 =	simm.s32 $0x3C0  }
.LBB2_2:
0x14: {  	p1 =	sne.s32 s26, $0x9FC0;
	[tilespmem:s25+$0xEE00] =	vst v1  }
0x15: {  	[tilespmem:s25+$0xED90] =	vst v1  }
0x16: {  	[tilespmem:s25+$0xEDA0] =	vst v1  }
.Ltmp0:
0x17: {  	[tilespmem:s25+$0xEDB0] =	vst v1;
	(pc) =	sbr.rel @p1 .LBB2_2-.Ltmp0, $4  }
0x18: {  	[tilespmem:s25+$0xEDC0] =	vst v1  }
0x19: {  	[tilespmem:s25+$0xEDD0] =	vst v1  }
0x1a: {  	[tilespmem:s25+$0xEDE0] =	vst v1  }
0x1b: {  	[tilespmem:s25+$0xEDF0] =	vst v1;
	s25 =	sshra.s32 s26, $0x2;
	s26 =	sadd.s32 $0x200, s26  }
0x1c: {  	[tilespmem:s25+$0xEE00] =	vst v1  }
0x1d: {  	[tilespmem:s25+$0xED90] =	vst v1  }
0x1e: {  	[tilespmem:s25+$0xEDA0] =	vst v1  }
0x1f: {  	[tilespmem:s25+$0xEDB0] =	vst v1  }
0x20: {  	[tilespmem:s25+$0xEDC0] =	vst v1  }
0x21: {  	[tilespmem:s25+$0xEDD0] =	vst v1  }
0x22: {  	[tilespmem:s25+$0xEDE0] =	vst v1  }
0x23: {  	[tilespmem:s25+$0xEDF0] =	vst v1  }
0x24: {  	[spmem:s7] =	stream.linear.scatter [tilespmem:s14], [sflag:$0x3], $0x2800, $0x38;
	[tilespmem:$0x1B600] =	vst v63  }
0x25: {  	_ =	swait.ge [sflag:s15], $0x2800  }
0x26: {  	[sflag:s15] =	ssyncset.done $0x0  }
0x27: {  	[sflag:s15] =	ssyncadd.s32 $0xFFFFD800  }
0x28: {  	[spmem:s11] =	stream.linear.scatter [tilespmem:s14], [sflag:$0x3], $0x2800, $0x38;
	[tilespmem:$0x1B600] =	vst v63  }
0x29: {  	_ =	swait.ge [sflag:s15], $0x2800  }
0x2a: {  	[sflag:s15] =	ssyncset.done $0x0  }
0x2b: {  	[sflag:s15] =	ssyncadd.s32 $0xFFFFD800  }
0x2c: {  	[spmem:s12] =	stream.linear.scatter [tilespmem:s14], [sflag:$0x3], $0x2800, $0x38;
	[tilespmem:$0x1B600] =	vst v63  }
0x2d: {  	_ =	swait.ge [sflag:s15], $0x2800  }
0x2e: {  	[sflag:s15] =	ssyncset.done $0x0  }
0x2f: {  	[sflag:s15] =	ssyncadd.s32 $0xFFFFD800  }
0x30: {  	[spmem:s13] =	stream.linear.scatter [tilespmem:s14], [sflag:$0x3], $0x2800, $0x38;
	[tilespmem:$0x1B600] =	vst v63  }
0x31: {  	_ =	swait.ge [sflag:s15], $0x2800  }
0x32: {  	[sflag:s15] =	ssyncset.done $0x0  }
0x33: {  	s30 =	simm.s32 $0x0;
	[sflag:s15] =	ssyncadd.s32 $0xFFFFD800  }
0x34: {  	[tilespmem:s30], [sflag:$0x3] =	stream.linear.gather [hbm4b:s5+s30], $0x4E20, $0x38;
	[tilespmem:$0x1B600] =	vst v63  }
0x35: {  	_ =	swait.ge [sflag:s15], $0x4E20  }
0x36: {  	[sflag:s15] =	ssyncset.done $0x0  }
0x37: {  	[sflag:s15] =	ssyncadd.s32 $0xFFFFB1E0  }
0x38: {  	[tilespmem:s16], [sflag:$0x3] =	stream.linear.gather [hbm4b:s6+s30], $0x4E20, $0x38;
	[tilespmem:$0x1B600] =	vst v63  }
0x39: {  	_ =	swait.ge [sflag:s15], $0x4E20  }
0x3a: {  	[sflag:s15] =	ssyncset.done $0x0  }
0x3b: {  	[sflag:s15] =	ssyncadd.s32 $0xFFFFB1E0  }
0x3c: {  	s31 =	simm.s32 $0x0;
	[bflag:$0x0] =	sbarrier.arrive $0xFFFF  }
0x3d: {  	[tilespmem:s18], [sflag:$0x1] =	stream.indirect.gather [hbm4b:s2+s17], $0x80, s31, s17, $0xb8;
	[tilespmem:$0x1B600] =	vst v63  }
0x3e: {  	s26 =	simm.s32 $0x50  }
0x3f: {  	[tilespmem:s19], [sflag:$0x1] =	stream.indirect.gather [hbm4b:s2+s17], $0x80, s26, s17, $0xb8;
	[tilespmem:$0x1B600] =	vst v63  }
0x40: {  	v2 =	vld [tilespmem:s31+$0x4E80];
	_ =	sdelay $0x4  }
0x41: {  	v2 =	vsub.s32 v2, v0  }
0x42: {  	v2 =	vmin.u32 v2, $0x13C0  }
0x43: {  	[tilespmem:$0x9D00] =	vst v2  }
0x44: {  	v2 =	vld [tilespmem:s31+$0x4E90];
	_ =	sdelay $0x4  }
0x45: {  	v2 =	vsub.s32 v2, v0  }
0x46: {  	v2 =	vmin.u32 v2, $0x13C0  }
0x47: {  	[tilespmem:$0x9D10] =	vst v2  }
0x48: {  	v2 =	vld [tilespmem:s31+$0x4EA0];
	_ =	sdelay $0x4  }
0x49: {  	v2 =	vsub.s32 v2, v0  }
0x4a: {  	v2 =	vmin.u32 v2, $0x13C0  }
0x4b: {  	[tilespmem:$0x9D20] =	vst v2  }
0x4c: {  	v2 =	vld [tilespmem:s31+$0x4EB0];
	_ =	sdelay $0x4  }
0x4d: {  	v2 =	vsub.s32 v2, v0  }
0x4e: {  	v2 =	vmin.u32 v2, $0x13C0  }
0x4f: {  	[tilespmem:$0x9D30] =	vst v2  }
0x50: {  	v2 =	vld [tilespmem:s31+$0x4EC0];
	_ =	sdelay $0x4  }
0x51: {  	v2 =	vsub.s32 v2, v0  }
0x52: {  	v2 =	vmin.u32 v2, $0x13C0  }
0x53: {  	[tilespmem:$0x9D40] =	vst v2  }
0x54: {  	_ =	swait.ge [sflag:s20], $0x2800  }
0x55: {  	[sflag:s20] =	ssyncset.done $0x0  }
0x56: {  	[sflag:s20] =	ssyncadd.s32 $0xFFFFD800  }
0x57: {  	[spmem:s3] =	stream.indirect.scatter.add.f32 [tilespmem:s18], [sflag:$0x2], $0x80, s21, s17, $0xb8;
	[tilespmem:$0x1B600] =	vst v63  }
0x58: {  	v2 =	vld [tilespmem:s31+$0x4ED0];
	_ =	sdelay $0x4  }
0x59: {  	v2 =	vsub.s32 v2, v0  }
0x5a: {  	v2 =	vmin.u32 v2, $0x13C0  }
0x5b: {  	[tilespmem:$0x9D80] =	vst v2  }
0x5c: {  	v2 =	vld [tilespmem:s31+$0x4EE0];
	_ =	sdelay $0x4  }
0x5d: {  	v2 =	vsub.s32 v2, v0  }
0x5e: {  	v2 =	vmin.u32 v2, $0x13C0  }
0x5f: {  	[tilespmem:$0x9D90] =	vst v2  }
0x60: {  	v2 =	vld [tilespmem:s31+$0x4EF0];
	_ =	sdelay $0x4  }
0x61: {  	v2 =	vsub.s32 v2, v0  }
0x62: {  	v2 =	vmin.u32 v2, $0x13C0  }
0x63: {  	[tilespmem:$0x9DA0] =	vst v2  }
0x64: {  	v2 =	vld [tilespmem:s31+$0x4F00];
	_ =	sdelay $0x4  }
0x65: {  	v2 =	vsub.s32 v2, v0  }
0x66: {  	v2 =	vmin.u32 v2, $0x13C0  }
0x67: {  	[tilespmem:$0x9DB0] =	vst v2  }
0x68: {  	v2 =	vld [tilespmem:s31+$0x4F10];
	_ =	sdelay $0x4  }
0x69: {  	v2 =	vsub.s32 v2, v0  }
0x6a: {  	v2 =	vmin.u32 v2, $0x13C0  }
0x6b: {  	[tilespmem:$0x9DC0] =	vst v2  }
0x6c: {  	_ =	swait.ge [sflag:s20], $0x2800  }
0x6d: {  	[sflag:s20] =	ssyncset.done $0x0  }
0x6e: {  	[sflag:s20] =	ssyncadd.s32 $0xFFFFD800  }
0x6f: {  	[spmem:s3] =	stream.indirect.scatter.add.f32 [tilespmem:s19], [sflag:$0x2], $0x80, s22, s17, $0xb8;
	[tilespmem:$0x1B600] =	vst v63  }
0x70: {  	_ =	swait.ge [sflag:s23], $0x2800  }
0x71: {  	[sflag:s23] =	ssyncset.done $0x0  }
0x72: {  	[sflag:s23] =	ssyncadd.s32 $0xFFFFD800  }
0x73: {  	_ =	swait.ge [sflag:s23], $0x2800  }
0x74: {  	s25 =	simm.s32 $0x280;
	s29 =	simm.s32 $0x500;
	[sflag:s23] =	ssyncset.done $0x0  }
.LBB2_4:
0x75: {  	s28 =	sshra.s32 s25, $0x2  }
0x76: {  	[sflag:s23] =	ssyncadd.s32 $0xFFFFD800;
	s25 =	smov.u32 s29;
	s26 =	sadd.s32 $0x280, s29  }
0x77: {  	[tilespmem:s18], [sflag:$0x1] =	stream.indirect.gather [hbm4b:s2+s17], $0x80, s28, s17, $0xb8;
	[tilespmem:$0x1B600] =	vst v63  }
0x78: {  	p1 =	sne.s32 s29, $0x13600;
	s29 =	sadd.s32 $0x50, s28  }
0x79: {  	[tilespmem:s19], [sflag:$0x1] =	stream.indirect.gather [hbm4b:s2+s17], $0x80, s29, s17, $0xb8;
	[tilespmem:$0x1B600] =	vst v63  }
0x7a: {  	v2 =	vld [tilespmem:s28+$0x4E80];
	_ =	sdelay $0x4  }
0x7b: {  	v2 =	vsub.s32 v2, v0  }
0x7c: {  	v2 =	vmin.u32 v2, $0x13C0  }
0x7d: {  	[tilespmem:$0x9D00] =	vst v2  }
0x7e: {  	v2 =	vld [tilespmem:s28+$0x4E90];
	_ =	sdelay $0x4  }
0x7f: {  	v2 =	vsub.s32 v2, v0  }
0x80: {  	v2 =	vmin.u32 v2, $0x13C0  }
0x81: {  	[tilespmem:$0x9D10] =	vst v2  }
0x82: {  	v2 =	vld [tilespmem:s28+$0x4EA0];
	_ =	sdelay $0x4  }
0x83: {  	v2 =	vsub.s32 v2, v0  }
0x84: {  	v2 =	vmin.u32 v2, $0x13C0  }
0x85: {  	[tilespmem:$0x9D20] =	vst v2  }
0x86: {  	v2 =	vld [tilespmem:s28+$0x4EB0];
	_ =	sdelay $0x4  }
0x87: {  	v2 =	vsub.s32 v2, v0  }
0x88: {  	v2 =	vmin.u32 v2, $0x13C0  }
0x89: {  	[tilespmem:$0x9D30] =	vst v2  }
0x8a: {  	v2 =	vld [tilespmem:s28+$0x4EC0];
	_ =	sdelay $0x4  }
0x8b: {  	v2 =	vsub.s32 v2, v0  }
0x8c: {  	v2 =	vmin.u32 v2, $0x13C0  }
0x8d: {  	[tilespmem:$0x9D40] =	vst v2  }
0x8e: {  	_ =	swait.ge [sflag:s20], $0x2800  }
0x8f: {  	[sflag:s20] =	ssyncset.done $0x0  }
0x90: {  	[sflag:s20] =	ssyncadd.s32 $0xFFFFD800  }
0x91: {  	[spmem:s3] =	stream.indirect.scatter.add.f32 [tilespmem:s18], [sflag:$0x2], $0x80, s21, s17, $0xb8;
	[tilespmem:$0x1B600] =	vst v63  }
0x92: {  	v2 =	vld [tilespmem:s28+$0x4ED0];
	_ =	sdelay $0x4  }
0x93: {  	v2 =	vsub.s32 v2, v0  }
0x94: {  	v2 =	vmin.u32 v2, $0x13C0  }
0x95: {  	[tilespmem:$0x9D80] =	vst v2  }
0x96: {  	v2 =	vld [tilespmem:s28+$0x4EE0];
	_ =	sdelay $0x4  }
0x97: {  	v2 =	vsub.s32 v2, v0  }
0x98: {  	v2 =	vmin.u32 v2, $0x13C0  }
0x99: {  	[tilespmem:$0x9D90] =	vst v2  }
0x9a: {  	v2 =	vld [tilespmem:s28+$0x4EF0];
	_ =	sdelay $0x4  }
0x9b: {  	v2 =	vsub.s32 v2, v0  }
0x9c: {  	v2 =	vmin.u32 v2, $0x13C0  }
0x9d: {  	[tilespmem:$0x9DA0] =	vst v2  }
0x9e: {  	v2 =	vld [tilespmem:s28+$0x4F00];
	_ =	sdelay $0x4  }
0x9f: {  	v2 =	vsub.s32 v2, v0  }
0xa0: {  	v2 =	vmin.u32 v2, $0x13C0  }
0xa1: {  	[tilespmem:$0x9DB0] =	vst v2  }
0xa2: {  	v2 =	vld [tilespmem:s28+$0x4F10];
	_ =	sdelay $0x4  }
0xa3: {  	v2 =	vsub.s32 v2, v0  }
0xa4: {  	v2 =	vmin.u32 v2, $0x13C0  }
0xa5: {  	[tilespmem:$0x9DC0] =	vst v2  }
0xa6: {  	_ =	swait.ge [sflag:s20], $0x2800  }
0xa7: {  	[sflag:s20] =	ssyncset.done $0x0  }
0xa8: {  	[sflag:s20] =	ssyncadd.s32 $0xFFFFD800  }
0xa9: {  	[spmem:s3] =	stream.indirect.scatter.add.f32 [tilespmem:s19], [sflag:$0x2], $0x80, s22, s17, $0xb8;
	[tilespmem:$0x1B600] =	vst v63  }
.Ltmp1:
0xaa: {  	_ =	swait.ge [sflag:s23], $0x2800;
	(pc) =	sbr.rel @p1 .LBB2_4-.Ltmp1, $4  }
0xab: {  	[sflag:s23] =	ssyncset.done $0x0  }
0xac: {  	[sflag:s23] =	ssyncadd.s32 $0xFFFFD800  }
0xad: {  	_ =	swait.ge [sflag:s23], $0x2800  }
0xae: {  	s29 =	smov.u32 s26;
	[sflag:s23] =	ssyncset.done $0x0  }
0xaf: {  	s25 =	sshra.s32 s25, $0x2;
	[sflag:s23] =	ssyncadd.s32 $0xFFFFD800  }
0xb0: {  	[tilespmem:s18], [sflag:$0x1] =	stream.indirect.gather [hbm4b:s2+s17], $0x80, s25, s17, $0xb8;
	[tilespmem:$0x1B600] =	vst v63  }
0xb1: {  	s26 =	sadd.s32 $0x50, s25  }
0xb2: {  	[tilespmem:s19], [sflag:$0x1] =	stream.indirect.gather [hbm4b:s2+s17], $0x80, s26, s17, $0xb8;
	[tilespmem:$0x1B600] =	vst v63  }
0xb3: {  	v2 =	vld [tilespmem:s25+$0x4E80];
	_ =	sdelay $0x4  }
0xb4: {  	v2 =	vsub.s32 v2, v0  }
0xb5: {  	v2 =	vmin.u32 v2, $0x13C0  }
0xb6: {  	[tilespmem:$0x9D00] =	vst v2  }
0xb7: {  	v2 =	vld [tilespmem:s25+$0x4E90];
	_ =	sdelay $0x4  }
0xb8: {  	v2 =	vsub.s32 v2, v0  }
0xb9: {  	v2 =	vmin.u32 v2, $0x13C0  }
0xba: {  	[tilespmem:$0x9D10] =	vst v2  }
0xbb: {  	v2 =	vld [tilespmem:s25+$0x4EA0];
	_ =	sdelay $0x4  }
0xbc: {  	v2 =	vsub.s32 v2, v0  }
0xbd: {  	v2 =	vmin.u32 v2, $0x13C0  }
0xbe: {  	[tilespmem:$0x9D20] =	vst v2  }
0xbf: {  	v2 =	vld [tilespmem:s25+$0x4EB0];
	_ =	sdelay $0x4  }
0xc0: {  	v2 =	vsub.s32 v2, v0  }
0xc1: {  	v2 =	vmin.u32 v2, $0x13C0  }
0xc2: {  	[tilespmem:$0x9D30] =	vst v2  }
0xc3: {  	v2 =	vld [tilespmem:s25+$0x4EC0];
	_ =	sdelay $0x4  }
0xc4: {  	v2 =	vsub.s32 v2, v0  }
0xc5: {  	v2 =	vmin.u32 v2, $0x13C0  }
0xc6: {  	[tilespmem:$0x9D40] =	vst v2  }
0xc7: {  	_ =	swait.ge [sflag:s20], $0x2800  }
0xc8: {  	[sflag:s20] =	ssyncset.done $0x0  }
0xc9: {  	[sflag:s20] =	ssyncadd.s32 $0xFFFFD800  }
0xca: {  	[spmem:s3] =	stream.indirect.scatter.add.f32 [tilespmem:s18], [sflag:$0x2], $0x80, s21, s17, $0xb8;
	[tilespmem:$0x1B600] =	vst v63  }
0xcb: {  	v2 =	vld [tilespmem:s25+$0x4ED0];
	_ =	sdelay $0x4  }
0xcc: {  	v2 =	vsub.s32 v2, v0  }
0xcd: {  	v2 =	vmin.u32 v2, $0x13C0  }
0xce: {  	[tilespmem:$0x9D80] =	vst v2  }
0xcf: {  	v2 =	vld [tilespmem:s25+$0x4EE0];
	_ =	sdelay $0x4  }
0xd0: {  	v2 =	vsub.s32 v2, v0  }
0xd1: {  	v2 =	vmin.u32 v2, $0x13C0  }
0xd2: {  	[tilespmem:$0x9D90] =	vst v2  }
0xd3: {  	v2 =	vld [tilespmem:s25+$0x4EF0];
	_ =	sdelay $0x4  }
0xd4: {  	v2 =	vsub.s32 v2, v0  }
0xd5: {  	v2 =	vmin.u32 v2, $0x13C0  }
0xd6: {  	[tilespmem:$0x9DA0] =	vst v2  }
0xd7: {  	v2 =	vld [tilespmem:s25+$0x4F00];
	_ =	sdelay $0x4  }
0xd8: {  	v2 =	vsub.s32 v2, v0  }
0xd9: {  	v2 =	vmin.u32 v2, $0x13C0  }
0xda: {  	[tilespmem:$0x9DB0] =	vst v2  }
0xdb: {  	v2 =	vld [tilespmem:s25+$0x4F10];
	_ =	sdelay $0x4  }
0xdc: {  	v2 =	vsub.s32 v2, v0  }
0xdd: {  	v2 =	vmin.u32 v2, $0x13C0  }
0xde: {  	[tilespmem:$0x9DC0] =	vst v2  }
0xdf: {  	_ =	swait.ge [sflag:s20], $0x2800  }
0xe0: {  	[sflag:s20] =	ssyncset.done $0x0  }
0xe1: {  	[sflag:s20] =	ssyncadd.s32 $0xFFFFD800  }
0xe2: {  	[spmem:s3] =	stream.indirect.scatter.add.f32 [tilespmem:s19], [sflag:$0x2], $0x80, s22, s17, $0xb8;
	[tilespmem:$0x1B600] =	vst v63  }
0xe3: {  	_ =	swait.ge [sflag:s23], $0x2800  }
0xe4: {  	[sflag:s23] =	ssyncset.done $0x0  }
0xe5: {  	[sflag:s23] =	ssyncadd.s32 $0xFFFFD800  }
0xe6: {  	_ =	swait.ge [sflag:s23], $0x2800  }
0xe7: {  	[sflag:s23] =	ssyncset.done $0x0  }
0xe8: {  	[sflag:s23] =	ssyncadd.s32 $0xFFFFD800  }
0xe9: {  	s25 =	simm.s32 @p0 $0x1FC3;
	[bflag:$0x0] =	sbarrier.arrive $0xFFFF  }
0xea: {  	[hbm:s9], [sflag:s25] =	dma.local @p0 [spmem:s24], $0x1000  }
0xeb: {  	s25 =	simm.s32 @p0 $0x3  }
0xec: {  	s4 =	sadd.s32 $0x1, s4;
	_ =	swait.ge @p0 [sflag:s25], $0x1000  }
0xed: {  	p1 =	sne.s32 s4, s10;
	s26 =	sshll.u32 @!p0 s1, $0x6;
	[sflag:s25] =	ssyncset.done @p0 $0x0  }
0xee: {  	[sflag:s25] =	ssyncadd.s32 @p0 $0xFFFFF000;
	s25 =	sor.u32 @!p0 $0x1C03, s26;
	s26 =	sshrl.u32 @!p0 s7, $0x3  }
0xef: {  	[hbm:s8], [sflag:s25] =	dma.local @!p0 [spmem:s26], $0x1400  }
.Ltmp2:
0xf0: {  	_ = 	snop;
	(pc) =	sbr.rel @p1 .LBB2_1-.Ltmp2, $4  }
0xf1: {  	s25 =	simm.s32 @!p0 $0x3  }
0xf2: {  	_ =	swait.ge @!p0 [sflag:s25], $0x1400  }
0xf3: {  	[sflag:s25] =	ssyncset.done @!p0 $0x0  }
0xf4: {  	[sflag:s25] =	ssyncadd.s32 @!p0 $0xFFFFEC00  }
0xf5: {  	_ =	sfence.sel $0x180000  }
0xf6: {  	[bflag:$0x0] =	sbarrier.arrive $0xFFFF  }
0xf7: {  	p0 =	sne.s32 s1, $0x0;
	_ =	strace $0x90000053  }
0xf8: {  	s0 =	sadd.s32 @!p0 $0x100000, s0;
	[bflag:$0x2] =	sbarrier.arrive $0xFFFF  }
0xf9: {  	[sflag:s0] =	ssyncadd.tile.s32 @!p0 $0x1;
	_ =	shalt  }
.Lfunc_end2:
_tile_overlayer_lowered:
.L_overlay_start_2:
0xfa: {  	(tag) =	ssettag $0x2  }
0xfb: {  	s0 =	rddreg [dreg:$0x0];
	s2 =	stileid.u32  }
0xfc: {  	s1 =	rddreg [dreg:$0x1];
	p0 =	sne.s32 s2, $0x0  }
0xfd: {  	s3 =	rddreg [dreg:$0x2];
	[bflag:$0x3] =	sbarrier.arrive $0xFFFF;
	s2 =	simm.s32 @!p0 $0x1C03  }
0xfe: {  	[timem:s3], [sflag:s2] =	dma.local @!p0 [hbm:s0], s1  }
0xff: {  	s0 =	simm.s32 @!p0 $0x3  }
0x100: {  	_ =	swait.ge @!p0 [sflag:s0], s1  }
0x101: {  	s1 =	ssub.s32 @!p0 $0x0, s1;
	[sflag:s0] =	ssyncset.done @!p0 $0x0  }
0x102: {  	[sflag:s0] =	ssyncadd.s32 @!p0 s1  }
0x103: {  	[bflag:$0x3] =	sbarrier.arrive $0xFFFF  }
0x104: {  	_ =	shalt  }

</sc_bundles>
